<compile_context>
chip_gen: v7x
topology: tpu7x:2x2x1
jax: 0.10.2.dev20260603
libtpu: 0.0.44.dev20260713+nightly
codegen_flags: <defaults>
</compile_context>

<pallas_src>
import functools

import jax
import jax.numpy as jnp
from jax import lax
from jax.experimental import pallas as pl
from jax.experimental.pallas import tpu as pltpu
from jax.experimental.pallas import tpu_sc as plsc

N_NODES = 10000
N_EDGES = 320000
D = 128

NC = 2
NS = 16
NW = NC * NS

K = 96
CHUNKS = 106
HC = CHUNKS // 2
NBUF = 3
E_PAD = NW * CHUNKS * K
N_PAD = 10112
JUNK = N_PAD - N_NODES
ROWS_PER_TILE = N_PAD // NS
DEG_BINS = 16384
DEG_PER_TILE = DEG_BINS // NS

LAST_ROWS = N_NODES - (NS - 1) * ROWS_PER_TILE

BG = 5000
GRID = N_NODES // BG

_sc_mesh = plsc.VectorSubcoreMesh(
    core_axis_name="c", subcore_axis_name="s", num_cores=NC, num_subcores=NS)


@functools.partial(
    pl.kernel,
    out_type=jax.ShapeDtypeStruct((NC, DEG_BINS), jnp.float32),
    mesh=_sc_mesh,
    scratch_types=[
        pltpu.VMEM((HC, K), jnp.int32),
        pltpu.VMEM((K,), jnp.float32),
        pltpu.VMEM((DEG_PER_TILE,), jnp.float32),
        pltpu.VMEM_SHARED((DEG_BINS,), jnp.float32),
    ],
)
def _deg_kernel(dst_hbm, out_hbm, dst_v, ones_v, z_v, hist_sh):
    c = lax.axis_index("c")
    s = lax.axis_index("s")
    wid = s * NC + c
    for i in range(K // 16):
        ones_v[pl.ds(i * 16, 16)] = jnp.ones((16,), jnp.float32)
    for i in range(DEG_PER_TILE // 16):
        z_v[pl.ds(i * 16, 16)] = jnp.zeros((16,), jnp.float32)
    pltpu.sync_copy(z_v, hist_sh.at[pl.ds(s * DEG_PER_TILE, DEG_PER_TILE)])
    plsc.subcore_barrier()

    for h in range(2):
        pltpu.sync_copy(dst_hbm.at[wid * 2 + h], dst_v)

        @pl.loop(0, HC)
        def _(j):
            pltpu.sync_copy(ones_v, hist_sh.at[dst_v.at[j]], add=True)

    plsc.subcore_barrier()
    pltpu.sync_copy(hist_sh.at[pl.ds(s * DEG_PER_TILE, DEG_PER_TILE)],
                    out_hbm.at[c, pl.ds(s * DEG_PER_TILE, DEG_PER_TILE)])


@functools.partial(
    pl.kernel,
    out_type=jax.ShapeDtypeStruct((NC, N_PAD, D), jnp.float32),
    mesh=_sc_mesh,
    scratch_types=[
        pltpu.VMEM((HC * K,), jnp.int32),
        pltpu.VMEM((HC, K), jnp.int32),
        pltpu.VMEM((NBUF, K, D), jnp.float32),
        pltpu.VMEM_SHARED((N_PAD, D), jnp.float32),
        pltpu.SemaphoreType.DMA,
        pltpu.SemaphoreType.DMA,
        pltpu.SemaphoreType.DMA,
    ],
)
def _agg_kernel(g_hbm, z_hbm, src_hbm, dst_hbm, out_hbm,
                src_v, dst_v, rows_v, acc_sh, gsem0, gsem1, gsem2):
    c = lax.axis_index("c")
    s = lax.axis_index("s")
    wid = s * NC + c
    base = s * ROWS_PER_TILE

    @pl.when((c == 0) & (s < NS - 1))
    def _():
        pltpu.sync_copy(g_hbm.at[pl.ds(base, ROWS_PER_TILE)],
                        acc_sh.at[pl.ds(base, ROWS_PER_TILE)])

    @pl.when((c == 0) & (s == NS - 1))
    def _():
        pltpu.sync_copy(g_hbm.at[pl.ds(base, LAST_ROWS)],
                        acc_sh.at[pl.ds(base, LAST_ROWS)])

    @pl.when((c != 0) & (s < NS - 1))
    def _():
        pltpu.sync_copy(z_hbm.at[pl.ds(base, ROWS_PER_TILE)],
                        acc_sh.at[pl.ds(base, ROWS_PER_TILE)])

    @pl.when((c != 0) & (s == NS - 1))
    def _():
        pltpu.sync_copy(z_hbm.at[pl.ds(base, LAST_ROWS)],
                        acc_sh.at[pl.ds(base, LAST_ROWS)])

    plsc.subcore_barrier()

    gsems = (gsem0, gsem1, gsem2)
    for h in range(2):
        pltpu.sync_copy(src_hbm.at[wid * 2 + h], src_v)
        pltpu.sync_copy(dst_hbm.at[wid * 2 + h], dst_v)
        for b in range(NBUF):
            pltpu.async_copy(
                g_hbm.at[src_v.at[pl.ds(b * K, K)]], rows_v.at[b], gsems[b])

        @pl.loop(0, HC - (HC % NBUF), step=NBUF)
        def _(j):
            for b in range(NBUF):
                jj = j + b
                pltpu.make_async_copy(
                    g_hbm.at[src_v.at[pl.ds(jj * K, K)]],
                    rows_v.at[b], gsems[b]).wait()
                pltpu.sync_copy(rows_v.at[b], acc_sh.at[dst_v.at[jj]], add=True)

                @pl.when(jj + NBUF < HC)
                def _():
                    pltpu.async_copy(
                        g_hbm.at[src_v.at[pl.ds((jj + NBUF) * K, K)]],
                        rows_v.at[b], gsems[b])

        for b in range(HC % NBUF):
            jj = HC - (HC % NBUF) + b
            pltpu.make_async_copy(
                g_hbm.at[src_v.at[pl.ds(jj * K, K)]],
                rows_v.at[b], gsems[b]).wait()
            pltpu.sync_copy(rows_v.at[b], acc_sh.at[dst_v.at[jj]], add=True)

    plsc.subcore_barrier()
    pltpu.sync_copy(acc_sh.at[pl.ds(base, ROWS_PER_TILE)],
                    out_hbm.at[c, pl.ds(base, ROWS_PER_TILE)])


def _mm_first_body(x_ref, c0_ref, c1_ref, w_ref, g_ref, dis_ref):
    deg = c0_ref[0] + c1_ref[0] + 1.0
    dis = lax.rsqrt(deg)
    dis_ref[...] = dis
    g_ref[...] = dis * jnp.dot(x_ref[...], w_ref[...],
                               preferred_element_type=jnp.float32)


_mm_first = pl.pallas_call(
    _mm_first_body,
    grid=(GRID,),
    in_specs=[
        pl.BlockSpec((BG, D), lambda i: (i, 0)),
        pl.BlockSpec((1, BG, 1), lambda i: (0, i, 0)),
        pl.BlockSpec((1, BG, 1), lambda i: (1, i, 0)),
        pl.BlockSpec((D, D), lambda i: (0, 0)),
    ],
    out_specs=[
        pl.BlockSpec((BG, D), lambda i: (i, 0)),
        pl.BlockSpec((BG, 1), lambda i: (i, 0)),
    ],
    out_shape=[
        jax.ShapeDtypeStruct((N_NODES, D), jnp.float32),
        jax.ShapeDtypeStruct((N_NODES, 1), jnp.float32),
    ],
)


def _mm_mid_body(z0_ref, z1_ref, dis_ref, b_ref, w_ref, g_ref, *, relu):
    dis = dis_ref[...]
    u = dis * (z0_ref[0] + z1_ref[0]) + b_ref[...]
    h = jnp.maximum(u, 0.0) if relu else u
    g_ref[...] = dis * jnp.dot(h, w_ref[...],
                               preferred_element_type=jnp.float32)


def _make_mm_mid(relu):
    return pl.pallas_call(
        functools.partial(_mm_mid_body, relu=relu),
        grid=(GRID,),
        in_specs=[
            pl.BlockSpec((1, BG, D), lambda i: (0, i, 0)),
            pl.BlockSpec((1, BG, D), lambda i: (1, i, 0)),
            pl.BlockSpec((BG, 1), lambda i: (i, 0)),
            pl.BlockSpec((1, D), lambda i: (0, 0)),
            pl.BlockSpec((D, D), lambda i: (0, 0)),
        ],
        out_specs=pl.BlockSpec((BG, D), lambda i: (i, 0)),
        out_shape=jax.ShapeDtypeStruct((N_NODES, D), jnp.float32),
    )


_mm_mid_relu = _make_mm_mid(True)
_mm_mid_lin = _make_mm_mid(False)


def _mm_last_body(z0_ref, z1_ref, dis_ref, b_ref, o_ref):
    o_ref[...] = dis_ref[...] * (z0_ref[0] + z1_ref[0]) + b_ref[...]


_mm_last = pl.pallas_call(
    _mm_last_body,
    grid=(GRID,),
    in_specs=[
        pl.BlockSpec((1, BG, D), lambda i: (0, i, 0)),
        pl.BlockSpec((1, BG, D), lambda i: (1, i, 0)),
        pl.BlockSpec((BG, 1), lambda i: (i, 0)),
        pl.BlockSpec((1, D), lambda i: (0, 0)),
    ],
    out_specs=pl.BlockSpec((BG, D), lambda i: (i, 0)),
    out_shape=jax.ShapeDtypeStruct((N_NODES, D), jnp.float32),
)


def kernel(x, edge_index, W1, b1, W2, b2):
    src = edge_index[0].astype(jnp.int32)
    dst = edge_index[1].astype(jnp.int32)
    npad = E_PAD - N_EDGES
    pidx = jnp.arange(npad, dtype=jnp.int32)
    src_full = jnp.concatenate([src, pidx % N_NODES])
    dst_full = jnp.concatenate([dst, N_NODES + pidx % JUNK])
    src3 = src_full.reshape(NW * 2, HC * K)
    dst3 = dst_full.reshape(NW * 2, HC, K)

    cnt = _deg_kernel(dst3)
    cnt3 = cnt[:, :, None]
    zeros = jnp.zeros((N_NODES, D), jnp.float32)
    b1r = b1.reshape(1, D)
    b2r = b2.reshape(1, D)

    g1, dis = _mm_first(x, cnt3, cnt3, W1)
    z1 = _agg_kernel(g1, zeros, src3, dst3)
    g2 = _mm_mid_relu(z1, z1, dis, b1r, W2)
    z2 = _agg_kernel(g2, zeros, src3, dst3)
    g3 = _mm_mid_lin(z2, z2, dis, b2r, W1)
    z3 = _agg_kernel(g3, zeros, src3, dst3)
    return _mm_last(z3, z3, dis, b1r)

# --- scband reference (transcript-rebuilt; emitter-appended) ---
"""Pipeline reference for scband-gnnmodule-32126355374294 (READ-ONLY COPY).

The authoritative reference and input builder live on the scoring server;
editing this copy changes nothing except your own understanding.
"""

import jax, jax.numpy as jnp
import numpy as np

N_NODES = 10000
N_EDGES = 320000
IN_DIM = 128
HID_DIM = 128


def gcn_conv(x, edge_index, W, b):
    # Faithful PyG GCNConv: add self-loops, symmetric normalization, scatter-add, bias.
    N = x.shape[0]
    loop = jnp.arange(N, dtype=edge_index.dtype)
    src = jnp.concatenate([edge_index[0], loop])
    dst = jnp.concatenate([edge_index[1], loop])
    deg = jnp.zeros((N,), dtype=x.dtype).at[dst].add(1.0)
    deg_inv_sqrt = jnp.where(deg > 0, jax.lax.rsqrt(jnp.maximum(deg, 1e-12)), 0.0)
    norm = deg_inv_sqrt[src] * deg_inv_sqrt[dst]
    h = x @ W
    msg = h[src] * norm[:, None]
    out = jnp.zeros((N, W.shape[1]), dtype=x.dtype).at[dst].add(msg)
    return out + b


def setup_inputs(seed: int = 0) -> dict:
    key = jax.random.key(seed)
    k_x, k_e, k_w1, k_b1, k_w2, k_b2 = jax.random.split(key, 6)
    x = jax.random.normal(k_x, (N_NODES, IN_DIM), dtype=jnp.float32)
    edge_index = jax.random.randint(k_e, (2, N_EDGES), 0, N_NODES, dtype=jnp.int64)
    s1 = 1.0 / np.sqrt(IN_DIM)
    s2 = 1.0 / np.sqrt(HID_DIM)
    W1 = jax.random.uniform(k_w1, (IN_DIM, HID_DIM), minval=-s1, maxval=s1, dtype=jnp.float32)
    b1 = jax.random.uniform(k_b1, (HID_DIM,), minval=-s1, maxval=s1, dtype=jnp.float32)
    W2 = jax.random.uniform(k_w2, (HID_DIM, IN_DIM), minval=-s2, maxval=s2, dtype=jnp.float32)
    b2 = jax.random.uniform(k_b2, (IN_DIM,), minval=-s2, maxval=s2, dtype=jnp.float32)
    return {"x": x, "edge_index": edge_index, "W1": W1, "b1": b1, "W2": W2, "b2": b2}


def reference(x, edge_index, W1, b1, W2, b2):
    # forward of GNNModule (eval mode: dropout is identity)
    h = jax.nn.relu(gcn_conv(x, edge_index, W1, b1))
    h = gcn_conv(h, edge_index, W2, b2)
    out = gcn_conv(h, edge_index, W1, b1)  # conv1 reused on output
    return out

if __name__ == "__main__":
    import jax
    _d = setup_inputs()
    print(jax.jit(kernel)(*tuple(_d.values())))

</pallas_src>

<mosaic_0001>
#map = affine_map<(d0, d1) -> (0, 0)>
#map1 = affine_map<(d0, d1) -> (0, 0, 0)>
module attributes {stable_mosaic.version = 14 : i64} {
  func.func @_agg_kernel(%arg0: i32, %arg1: i32, %arg2: memref<10000x128xf32, #tpu.memory_space<hbm>>, %arg3: memref<10000x128xf32, #tpu.memory_space<hbm>>, %arg4: memref<64x5088xi32, #tpu.memory_space<hbm>>, %arg5: memref<64x53x96xi32, #tpu.memory_space<hbm>>, %arg6: memref<2x10112x128xf32, #tpu.memory_space<hbm>>, %arg7: memref<5088xi32, #tpu.memory_space<vmem>>, %arg8: memref<53x96xi32, #tpu.memory_space<vmem>>, %arg9: memref<3x96x128xf32, #tpu.memory_space<vmem>>, %arg10: memref<10112x128xf32, #tpu.memory_space<vmem_shared>>, %arg11: memref<!tpu.dma_semaphore, #tpu.memory_space<semaphore_mem>>, %arg12: memref<!tpu.dma_semaphore, #tpu.memory_space<semaphore_mem>>, %arg13: memref<!tpu.dma_semaphore, #tpu.memory_space<semaphore_mem>>) attributes {dimension_semantics = [#tpu.dimension_semantics<core_parallel>, #tpu.dimension_semantics<subcore_parallel>], iteration_bounds = array<i64: 2, 16>, scalar_prefetch = 0 : i64, scratch_operands = 7 : i64, tpu.core_type = #tpu.core_type<sc_vector_subcore>, window_params = [{transform_indices = #map}, {transform_indices = #map}, {transform_indices = #map}, {transform_indices = #map1}, {transform_indices = #map1}]} {
    %mul3A = arith.constant 2 : i32
    %mul3A_0 = arith.muli %arg1, %mul3A : i32
    %add3A = arith.addi %mul3A_0, %arg0 : i32
    %mul3A_1 = arith.constant 632 : i32
    %mul3A_2 = arith.muli %arg1, %mul3A_1 : i32
    %eq3A = arith.constant 0 : i32
    %eq3A_3 = arith.cmpi eq, %arg0, %eq3A : i32
    %lt3A = arith.constant 15 : i32
    %lt3A_4 = arith.cmpi slt, %arg1, %lt3A : i32
    %and3A = arith.andi %eq3A_3, %lt3A_4 : i1
    %convert_element_type3A = arith.extui %and3A : i1 to i32
    %cond3A = arith.constant 0 : i32
    %cond3A_5 = arith.cmpi ne, %convert_element_type3A, %cond3A : i32
    scf.if %cond3A_5 {
      "tpu.region"() ({
        %run_scoped3A_160 = tpu.sem_alloc : memref<!tpu.dma_semaphore, #tpu.memory_space<semaphore_mem>>
        %dma_start3A_161 = arith.constant 0 : i32
        %dma_start3A_162 = tpu.memref_slice %arg10[%mul3A_2, %dma_start3A_161] : memref<10112x128xf32, #tpu.memory_space<vmem_shared>> -> memref<632x128xf32, #tpu.memory_space<vmem_shared>>
        %dma_start3A_163 = arith.constant 0 : i32
        %dma_start3A_164 = tpu.memref_slice %arg2[%mul3A_2, %dma_start3A_163] : memref<10000x128xf32, #tpu.memory_space<hbm>> -> memref<632x128xf32, #tpu.memory_space<hbm>>
        tpu.enqueue_dma source(%dma_start3A_164 : memref<632x128xf32, #tpu.memory_space<hbm>>) target(%dma_start3A_162 : memref<632x128xf32, #tpu.memory_space<vmem_shared>>) target_semaphore(%run_scoped3A_160 : memref<!tpu.dma_semaphore, #tpu.memory_space<semaphore_mem>>)
        %dma_wait3A_165 = arith.constant 0 : i32
        %dma_wait3A_166 = tpu.memref_slice %arg10[%mul3A_2, %dma_wait3A_165] : memref<10112x128xf32, #tpu.memory_space<vmem_shared>> -> memref<632x128xf32, #tpu.memory_space<vmem_shared>>
        %dma_wait3A_167 = arith.constant 0 : i32
        %dma_wait3A_168 = tpu.memref_slice %arg2[%mul3A_2, %dma_wait3A_167] : memref<10000x128xf32, #tpu.memory_space<hbm>> -> memref<632x128xf32, #tpu.memory_space<hbm>>
        tpu.wait_dma2 semaphore(%run_scoped3A_160 : memref<!tpu.dma_semaphore, #tpu.memory_space<semaphore_mem>>) src(%dma_wait3A_168 : memref<632x128xf32, #tpu.memory_space<hbm>>) dst(%dma_wait3A_166 : memref<632x128xf32, #tpu.memory_space<vmem_shared>>)
        tpu.yield
      }) : () -> ()
    } else {
    }
    %eq3A_6 = arith.constant 0 : i32
    %eq3A_7 = arith.cmpi eq, %arg0, %eq3A_6 : i32
    %eq3A_8 = arith.constant 15 : i32
    %eq3A_9 = arith.cmpi eq, %arg1, %eq3A_8 : i32
    %and3A_10 = arith.andi %eq3A_7, %eq3A_9 : i1
    %convert_element_type3A_11 = arith.extui %and3A_10 : i1 to i32
    %cond3A_12 = arith.constant 0 : i32
    %cond3A_13 = arith.cmpi ne, %convert_element_type3A_11, %cond3A_12 : i32
    scf.if %cond3A_13 {
      "tpu.region"() ({
        %run_scoped3A_160 = tpu.sem_alloc : memref<!tpu.dma_semaphore, #tpu.memory_space<semaphore_mem>>
        %dma_start3A_161 = arith.constant 0 : i32
        %dma_start3A_162 = tpu.memref_slice %arg10[%mul3A_2, %dma_start3A_161] : memref<10112x128xf32, #tpu.memory_space<vmem_shared>> -> memref<520x128xf32, #tpu.memory_space<vmem_shared>>
        %dma_start3A_163 = arith.constant 0 : i32
        %dma_start3A_164 = tpu.memref_slice %arg2[%mul3A_2, %dma_start3A_163] : memref<10000x128xf32, #tpu.memory_space<hbm>> -> memref<520x128xf32, #tpu.memory_space<hbm>>
        tpu.enqueue_dma source(%dma_start3A_164 : memref<520x128xf32, #tpu.memory_space<hbm>>) target(%dma_start3A_162 : memref<520x128xf32, #tpu.memory_space<vmem_shared>>) target_semaphore(%run_scoped3A_160 : memref<!tpu.dma_semaphore, #tpu.memory_space<semaphore_mem>>)
        %dma_wait3A_165 = arith.constant 0 : i32
        %dma_wait3A_166 = tpu.memref_slice %arg10[%mul3A_2, %dma_wait3A_165] : memref<10112x128xf32, #tpu.memory_space<vmem_shared>> -> memref<520x128xf32, #tpu.memory_space<vmem_shared>>
        %dma_wait3A_167 = arith.constant 0 : i32
        %dma_wait3A_168 = tpu.memref_slice %arg2[%mul3A_2, %dma_wait3A_167] : memref<10000x128xf32, #tpu.memory_space<hbm>> -> memref<520x128xf32, #tpu.memory_space<hbm>>
        tpu.wait_dma2 semaphore(%run_scoped3A_160 : memref<!tpu.dma_semaphore, #tpu.memory_space<semaphore_mem>>) src(%dma_wait3A_168 : memref<520x128xf32, #tpu.memory_space<hbm>>) dst(%dma_wait3A_166 : memref<520x128xf32, #tpu.memory_space<vmem_shared>>)
        tpu.yield
      }) : () -> ()
    } else {
    }
    %ne3A = arith.constant 0 : i32
    %ne3A_14 = arith.cmpi ne, %arg0, %ne3A : i32
    %lt3A_15 = arith.constant 15 : i32
    %lt3A_16 = arith.cmpi slt, %arg1, %lt3A_15 : i32
    %and3A_17 = arith.andi %ne3A_14, %lt3A_16 : i1
    %convert_element_type3A_18 = arith.extui %and3A_17 : i1 to i32
    %cond3A_19 = arith.constant 0 : i32
    %cond3A_20 = arith.cmpi ne, %convert_element_type3A_18, %cond3A_19 : i32
    scf.if %cond3A_20 {
      "tpu.region"() ({
        %run_scoped3A_160 = tpu.sem_alloc : memref<!tpu.dma_semaphore, #tpu.memory_space<semaphore_mem>>
        %dma_start3A_161 = arith.constant 0 : i32
        %dma_start3A_162 = tpu.memref_slice %arg10[%mul3A_2, %dma_start3A_161] : memref<10112x128xf32, #tpu.memory_space<vmem_shared>> -> memref<632x128xf32, #tpu.memory_space<vmem_shared>>
        %dma_start3A_163 = arith.constant 0 : i32
        %dma_start3A_164 = tpu.memref_slice %arg3[%mul3A_2, %dma_start3A_163] : memref<10000x128xf32, #tpu.memory_space<hbm>> -> memref<632x128xf32, #tpu.memory_space<hbm>>
        tpu.enqueue_dma source(%dma_start3A_164 : memref<632x128xf32, #tpu.memory_space<hbm>>) target(%dma_start3A_162 : memref<632x128xf32, #tpu.memory_space<vmem_shared>>) target_semaphore(%run_scoped3A_160 : memref<!tpu.dma_semaphore, #tpu.memory_space<semaphore_mem>>)
        %dma_wait3A_165 = arith.constant 0 : i32
        %dma_wait3A_166 = tpu.memref_slice %arg10[%mul3A_2, %dma_wait3A_165] : memref<10112x128xf32, #tpu.memory_space<vmem_shared>> -> memref<632x128xf32, #tpu.memory_space<vmem_shared>>
        %dma_wait3A_167 = arith.constant 0 : i32
        %dma_wait3A_168 = tpu.memref_slice %arg3[%mul3A_2, %dma_wait3A_167] : memref<10000x128xf32, #tpu.memory_space<hbm>> -> memref<632x128xf32, #tpu.memory_space<hbm>>
        tpu.wait_dma2 semaphore(%run_scoped3A_160 : memref<!tpu.dma_semaphore, #tpu.memory_space<semaphore_mem>>) src(%dma_wait3A_168 : memref<632x128xf32, #tpu.memory_space<hbm>>) dst(%dma_wait3A_166 : memref<632x128xf32, #tpu.memory_space<vmem_shared>>)
        tpu.yield
      }) : () -> ()
    } else {
    }
    %ne3A_21 = arith.constant 0 : i32
    %ne3A_22 = arith.cmpi ne, %arg0, %ne3A_21 : i32
    %eq3A_23 = arith.constant 15 : i32
    %eq3A_24 = arith.cmpi eq, %arg1, %eq3A_23 : i32
    %and3A_25 = arith.andi %ne3A_22, %eq3A_24 : i1
    %convert_element_type3A_26 = arith.extui %and3A_25 : i1 to i32
    %cond3A_27 = arith.constant 0 : i32
    %cond3A_28 = arith.cmpi ne, %convert_element_type3A_26, %cond3A_27 : i32
    scf.if %cond3A_28 {
      "tpu.region"() ({
        %run_scoped3A_160 = tpu.sem_alloc : memref<!tpu.dma_semaphore, #tpu.memory_space<semaphore_mem>>
        %dma_start3A_161 = arith.constant 0 : i32
        %dma_start3A_162 = tpu.memref_slice %arg10[%mul3A_2, %dma_start3A_161] : memref<10112x128xf32, #tpu.memory_space<vmem_shared>> -> memref<520x128xf32, #tpu.memory_space<vmem_shared>>
        %dma_start3A_163 = arith.constant 0 : i32
        %dma_start3A_164 = tpu.memref_slice %arg3[%mul3A_2, %dma_start3A_163] : memref<10000x128xf32, #tpu.memory_space<hbm>> -> memref<520x128xf32, #tpu.memory_space<hbm>>
        tpu.enqueue_dma source(%dma_start3A_164 : memref<520x128xf32, #tpu.memory_space<hbm>>) target(%dma_start3A_162 : memref<520x128xf32, #tpu.memory_space<vmem_shared>>) target_semaphore(%run_scoped3A_160 : memref<!tpu.dma_semaphore, #tpu.memory_space<semaphore_mem>>)
        %dma_wait3A_165 = arith.constant 0 : i32
        %dma_wait3A_166 = tpu.memref_slice %arg10[%mul3A_2, %dma_wait3A_165] : memref<10112x128xf32, #tpu.memory_space<vmem_shared>> -> memref<520x128xf32, #tpu.memory_space<vmem_shared>>
        %dma_wait3A_167 = arith.constant 0 : i32
        %dma_wait3A_168 = tpu.memref_slice %arg3[%mul3A_2, %dma_wait3A_167] : memref<10000x128xf32, #tpu.memory_space<hbm>> -> memref<520x128xf32, #tpu.memory_space<hbm>>
        tpu.wait_dma2 semaphore(%run_scoped3A_160 : memref<!tpu.dma_semaphore, #tpu.memory_space<semaphore_mem>>) src(%dma_wait3A_168 : memref<520x128xf32, #tpu.memory_space<hbm>>) dst(%dma_wait3A_166 : memref<520x128xf32, #tpu.memory_space<vmem_shared>>)
        tpu.yield
      }) : () -> ()
    } else {
    }
    %barrier3A = arith.constant 0 : index
    tpu.barrier barrier_id(%barrier3A)
    %mul3A_29 = arith.constant 2 : i32
    %mul3A_30 = arith.muli %add3A, %mul3A_29 : i32
    %add3A_31 = arith.constant 0 : i32
    %add3A_32 = arith.addi %mul3A_30, %add3A_31 : i32
    "tpu.region"() ({
      %run_scoped3A_160 = tpu.sem_alloc : memref<!tpu.dma_semaphore, #tpu.memory_space<semaphore_mem>>
      %dma_start3A_161 = arith.constant 0 : i32
      %dma_start3A_162 = tpu.memref_slice %arg4[%add3A_32, %dma_start3A_161] : memref<64x5088xi32, #tpu.memory_space<hbm>> -> memref<1x5088xi32, #tpu.memory_space<hbm>>
      %dma_start3A_163 = tpu.memref_squeeze %dma_start3A_162 : memref<1x5088xi32, #tpu.memory_space<hbm>> -> memref<5088xi32, #tpu.memory_space<hbm>>
      %dma_start3A_164 = arith.constant 0 : i32
      %dma_start3A_165 = tpu.memref_slice %arg4[%add3A_32, %dma_start3A_164] : memref<64x5088xi32, #tpu.memory_space<hbm>> -> memref<1x5088xi32, #tpu.memory_space<hbm>>
      %dma_start3A_166 = tpu.memref_squeeze %dma_start3A_165 : memref<1x5088xi32, #tpu.memory_space<hbm>> -> memref<5088xi32, #tpu.memory_space<hbm>>
      tpu.enqueue_dma source(%dma_start3A_166 : memref<5088xi32, #tpu.memory_space<hbm>>) target(%arg7 : memref<5088xi32, #tpu.memory_space<vmem>>) target_semaphore(%run_scoped3A_160 : memref<!tpu.dma_semaphore, #tpu.memory_space<semaphore_mem>>)
      %dma_wait3A_167 = arith.constant 0 : i32
      %dma_wait3A_168 = tpu.memref_slice %arg4[%add3A_32, %dma_wait3A_167] : memref<64x5088xi32, #tpu.memory_space<hbm>> -> memref<1x5088xi32, #tpu.memory_space<hbm>>
      %dma_wait3A_169 = tpu.memref_squeeze %dma_wait3A_168 : memref<1x5088xi32, #tpu.memory_space<hbm>> -> memref<5088xi32, #tpu.memory_space<hbm>>
      %dma_wait3A_170 = arith.constant 0 : i32
      %dma_wait3A_171 = tpu.memref_slice %arg4[%add3A_32, %dma_wait3A_170] : memref<64x5088xi32, #tpu.memory_space<hbm>> -> memref<1x5088xi32, #tpu.memory_space<hbm>>
      %dma_wait3A_172 = tpu.memref_squeeze %dma_wait3A_171 : memref<1x5088xi32, #tpu.memory_space<hbm>> -> memref<5088xi32, #tpu.memory_space<hbm>>
      tpu.wait_dma2 semaphore(%run_scoped3A_160 : memref<!tpu.dma_semaphore, #tpu.memory_space<semaphore_mem>>) src(%dma_wait3A_172 : memref<5088xi32, #tpu.memory_space<hbm>>) dst(%arg7 : memref<5088xi32, #tpu.memory_space<vmem>>)
      tpu.yield
    }) : () -> ()
    %mul3A_33 = arith.constant 2 : i32
    %mul3A_34 = arith.muli %add3A, %mul3A_33 : i32
    %add3A_35 = arith.constant 0 : i32
    %add3A_36 = arith.addi %mul3A_34, %add3A_35 : i32
    "tpu.region"() ({
      %run_scoped3A_160 = tpu.sem_alloc : memref<!tpu.dma_semaphore, #tpu.memory_space<semaphore_mem>>
      %dma_start3A_161 = arith.constant 0 : i32
      %dma_start3A_162 = arith.constant 0 : i32
      %dma_start3A_163 = tpu.memref_slice %arg5[%add3A_36, %dma_start3A_161, %dma_start3A_162] : memref<64x53x96xi32, #tpu.memory_space<hbm>> -> memref<1x53x96xi32, #tpu.memory_space<hbm>>
      %dma_start3A_164 = tpu.memref_squeeze %dma_start3A_163 : memref<1x53x96xi32, #tpu.memory_space<hbm>> -> memref<53x96xi32, #tpu.memory_space<hbm>>
      %dma_start3A_165 = arith.constant 0 : i32
      %dma_start3A_166 = arith.constant 0 : i32
      %dma_start3A_167 = tpu.memref_slice %arg5[%add3A_36, %dma_start3A_165, %dma_start3A_166] : memref<64x53x96xi32, #tpu.memory_space<hbm>> -> memref<1x53x96xi32, #tpu.memory_space<hbm>>
      %dma_start3A_168 = tpu.memref_squeeze %dma_start3A_167 : memref<1x53x96xi32, #tpu.memory_space<hbm>> -> memref<53x96xi32, #tpu.memory_space<hbm>>
      tpu.enqueue_dma source(%dma_start3A_168 : memref<53x96xi32, #tpu.memory_space<hbm>>) target(%arg8 : memref<53x96xi32, #tpu.memory_space<vmem>>) target_semaphore(%run_scoped3A_160 : memref<!tpu.dma_semaphore, #tpu.memory_space<semaphore_mem>>)
      %dma_wait3A_169 = arith.constant 0 : i32
      %dma_wait3A_170 = arith.constant 0 : i32
      %dma_wait3A_171 = tpu.memref_slice %arg5[%add3A_36, %dma_wait3A_169, %dma_wait3A_170] : memref<64x53x96xi32, #tpu.memory_space<hbm>> -> memref<1x53x96xi32, #tpu.memory_space<hbm>>
      %dma_wait3A_172 = tpu.memref_squeeze %dma_wait3A_171 : memref<1x53x96xi32, #tpu.memory_space<hbm>> -> memref<53x96xi32, #tpu.memory_space<hbm>>
      %dma_wait3A_173 = arith.constant 0 : i32
      %dma_wait3A_174 = arith.constant 0 : i32
      %dma_wait3A_175 = tpu.memref_slice %arg5[%add3A_36, %dma_wait3A_173, %dma_wait3A_174] : memref<64x53x96xi32, #tpu.memory_space<hbm>> -> memref<1x53x96xi32, #tpu.memory_space<hbm>>
      %dma_wait3A_176 = tpu.memref_squeeze %dma_wait3A_175 : memref<1x53x96xi32, #tpu.memory_space<hbm>> -> memref<53x96xi32, #tpu.memory_space<hbm>>
      tpu.wait_dma2 semaphore(%run_scoped3A_160 : memref<!tpu.dma_semaphore, #tpu.memory_space<semaphore_mem>>) src(%dma_wait3A_176 : memref<53x96xi32, #tpu.memory_space<hbm>>) dst(%arg8 : memref<53x96xi32, #tpu.memory_space<vmem>>)
      tpu.yield
    }) : () -> ()
    %dma_start3A = arith.constant 0 : i32
    %dma_start3A_37 = arith.constant 0 : i32
    %dma_start3A_38 = arith.constant 0 : i32
    %dma_start3A_39 = tpu.memref_slice %arg9[%dma_start3A, %dma_start3A_37, %dma_start3A_38] : memref<3x96x128xf32, #tpu.memory_space<vmem>> -> memref<1x96x128xf32, #tpu.memory_space<vmem>>
    %dma_start3A_40 = tpu.memref_squeeze %dma_start3A_39 : memref<1x96x128xf32, #tpu.memory_space<vmem>> -> memref<96x128xf32, #tpu.memory_space<vmem>>
    %dma_start3A_41 = arith.constant 0 : i32
    %dma_start3A_42 = tpu.memref_slice %arg7[%dma_start3A_41] : memref<5088xi32, #tpu.memory_space<vmem>> -> memref<96xi32, #tpu.memory_space<vmem>>
    %dma_start3A_43 = arith.constant 0 : i32
    %dma_start3A_44 = arith.constant 0 : i32
    %dma_start3A_45 = tpu.memref_slice %arg2[%dma_start3A_43, %dma_start3A_44] : memref<10000x128xf32, #tpu.memory_space<hbm>> -> memref<10000x128xf32, #tpu.memory_space<hbm>>
    tpu.enqueue_indirect_dma source(%dma_start3A_45 : memref<10000x128xf32, #tpu.memory_space<hbm>>) target(%dma_start3A_40 : memref<96x128xf32, #tpu.memory_space<vmem>>) offsets(%dma_start3A_42 : memref<96xi32, #tpu.memory_space<vmem>>) semaphore(%arg11 : memref<!tpu.dma_semaphore, #tpu.memory_space<semaphore_mem>>)
    %dma_start3A_46 = arith.constant 1 : i32
    %dma_start3A_47 = arith.constant 0 : i32
    %dma_start3A_48 = arith.constant 0 : i32
    %dma_start3A_49 = tpu.memref_slice %arg9[%dma_start3A_46, %dma_start3A_47, %dma_start3A_48] : memref<3x96x128xf32, #tpu.memory_space<vmem>> -> memref<1x96x128xf32, #tpu.memory_space<vmem>>
    %dma_start3A_50 = tpu.memref_squeeze %dma_start3A_49 : memref<1x96x128xf32, #tpu.memory_space<vmem>> -> memref<96x128xf32, #tpu.memory_space<vmem>>
    %dma_start3A_51 = arith.constant 96 : i32
    %dma_start3A_52 = tpu.memref_slice %arg7[%dma_start3A_51] : memref<5088xi32, #tpu.memory_space<vmem>> -> memref<96xi32, #tpu.memory_space<vmem>>
    %dma_start3A_53 = arith.constant 0 : i32
    %dma_start3A_54 = arith.constant 0 : i32
    %dma_start3A_55 = tpu.memref_slice %arg2[%dma_start3A_53, %dma_start3A_54] : memref<10000x128xf32, #tpu.memory_space<hbm>> -> memref<10000x128xf32, #tpu.memory_space<hbm>>
    tpu.enqueue_indirect_dma source(%dma_start3A_55 : memref<10000x128xf32, #tpu.memory_space<hbm>>) target(%dma_start3A_50 : memref<96x128xf32, #tpu.memory_space<vmem>>) offsets(%dma_start3A_52 : memref<96xi32, #tpu.memory_space<vmem>>) semaphore(%arg12 : memref<!tpu.dma_semaphore, #tpu.memory_space<semaphore_mem>>)
    %dma_start3A_56 = arith.constant 2 : i32
    %dma_start3A_57 = arith.constant 0 : i32
    %dma_start3A_58 = arith.constant 0 : i32
    %dma_start3A_59 = tpu.memref_slice %arg9[%dma_start3A_56, %dma_start3A_57, %dma_start3A_58] : memref<3x96x128xf32, #tpu.memory_space<vmem>> -> memref<1x96x128xf32, #tpu.memory_space<vmem>>
    %dma_start3A_60 = tpu.memref_squeeze %dma_start3A_59 : memref<1x96x128xf32, #tpu.memory_space<vmem>> -> memref<96x128xf32, #tpu.memory_space<vmem>>
    %dma_start3A_61 = arith.constant 192 : i32
    %dma_start3A_62 = tpu.memref_slice %arg7[%dma_start3A_61] : memref<5088xi32, #tpu.memory_space<vmem>> -> memref<96xi32, #tpu.memory_space<vmem>>
    %dma_start3A_63 = arith.constant 0 : i32
    %dma_start3A_64 = arith.constant 0 : i32
    %dma_start3A_65 = tpu.memref_slice %arg2[%dma_start3A_63, %dma_start3A_64] : memref<10000x128xf32, #tpu.memory_space<hbm>> -> memref<10000x128xf32, #tpu.memory_space<hbm>>
    tpu.enqueue_indirect_dma source(%dma_start3A_65 : memref<10000x128xf32, #tpu.memory_space<hbm>>) target(%dma_start3A_60 : memref<96x128xf32, #tpu.memory_space<vmem>>) offsets(%dma_start3A_62 : memref<96xi32, #tpu.memory_space<vmem>>) semaphore(%arg13 : memref<!tpu.dma_semaphore, #tpu.memory_space<semaphore_mem>>)
    %scan3A = arith.constant 0 : i32
    %scan3A_66 = arith.constant 17 : i32
    %scan3A_67 = arith.addi %scan3A, %scan3A_66 : i32
    %scan3A_68 = arith.constant 1 : i32
    scf.for %scan3A_160 = %scan3A to %scan3A_67 step %scan3A_68  : i32 {
      %mul3A_161 = arith.constant 3 : i32
      %mul3A_162 = arith.muli %scan3A_160, %mul3A_161 : i32
      %add3A_163 = arith.constant 0 : i32
      %add3A_164 = arith.addi %add3A_163, %mul3A_162 : i32
      %add3A_165 = arith.constant 0 : i32
      %add3A_166 = arith.addi %add3A_164, %add3A_165 : i32
      %mul3A_167 = arith.constant 96 : i32
      %mul3A_168 = arith.muli %add3A_166, %mul3A_167 : i32
      %dma_wait3A_169 = arith.constant 0 : i32
      %dma_wait3A_170 = arith.constant 0 : i32
      %dma_wait3A_171 = arith.constant 0 : i32
      %dma_wait3A_172 = tpu.memref_slice %arg9[%dma_wait3A_169, %dma_wait3A_170, %dma_wait3A_171] : memref<3x96x128xf32, #tpu.memory_space<vmem>> -> memref<1x96x128xf32, #tpu.memory_space<vmem>>
      %dma_wait3A_173 = tpu.memref_squeeze %dma_wait3A_172 : memref<1x96x128xf32, #tpu.memory_space<vmem>> -> memref<96x128xf32, #tpu.memory_space<vmem>>
      %dma_wait3A_174 = tpu.memref_slice %arg7[%mul3A_168] : memref<5088xi32, #tpu.memory_space<vmem>> -> memref<96xi32, #tpu.memory_space<vmem>>
      %dma_wait3A_175 = arith.constant 0 : i32
      %dma_wait3A_176 = arith.constant 0 : i32
      %dma_wait3A_177 = tpu.memref_slice %arg2[%dma_wait3A_175, %dma_wait3A_176] : memref<10000x128xf32, #tpu.memory_space<hbm>> -> memref<10000x128xf32, #tpu.memory_space<hbm>>
      tpu.wait_indirect_dma semaphore(%arg11 : memref<!tpu.dma_semaphore, #tpu.memory_space<semaphore_mem>>) src(%dma_wait3A_177 : memref<10000x128xf32, #tpu.memory_space<hbm>>) dst(%dma_wait3A_173 : memref<96x128xf32, #tpu.memory_space<vmem>>)
      %run_scoped3A_178 = arith.constant 0 : i32
      "tpu.region"() ({
        %run_scoped3A_228 = tpu.sem_alloc : memref<!tpu.dma_semaphore, #tpu.memory_space<semaphore_mem>>
        %dma_start3A_229 = arith.constant 0 : i32
        %dma_start3A_230 = arith.constant 0 : i32
        %dma_start3A_231 = tpu.memref_slice %arg9[%run_scoped3A_178, %dma_start3A_229, %dma_start3A_230] : memref<3x96x128xf32, #tpu.memory_space<vmem>> -> memref<1x96x128xf32, #tpu.memory_space<vmem>>
        %dma_start3A_232 = tpu.memref_squeeze %dma_start3A_231 : memref<1x96x128xf32, #tpu.memory_space<vmem>> -> memref<96x128xf32, #tpu.memory_space<vmem>>
        %dma_start3A_233 = arith.constant 0 : i32
        %dma_start3A_234 = tpu.memref_slice %arg8[%add3A_166, %dma_start3A_233] : memref<53x96xi32, #tpu.memory_space<vmem>> -> memref<1x96xi32, #tpu.memory_space<vmem>>
        %dma_start3A_235 = tpu.memref_squeeze %dma_start3A_234 : memref<1x96xi32, #tpu.memory_space<vmem>> -> memref<96xi32, #tpu.memory_space<vmem>>
        %dma_start3A_236 = arith.constant 0 : i32
        %dma_start3A_237 = arith.constant 0 : i32
        %dma_start3A_238 = tpu.memref_slice %arg10[%dma_start3A_236, %dma_start3A_237] : memref<10112x128xf32, #tpu.memory_space<vmem_shared>> -> memref<10112x128xf32, #tpu.memory_space<vmem_shared>>
        tpu.enqueue_indirect_dma source(%dma_start3A_232 : memref<96x128xf32, #tpu.memory_space<vmem>>) target(%dma_start3A_238 : memref<10112x128xf32, #tpu.memory_space<vmem_shared>>) offsets(%dma_start3A_235 : memref<96xi32, #tpu.memory_space<vmem>>) semaphore(%run_scoped3A_228 : memref<!tpu.dma_semaphore, #tpu.memory_space<semaphore_mem>>) {add = true}
        %dma_wait3A_239 = arith.constant 0 : i32
        %dma_wait3A_240 = arith.constant 0 : i32
        %dma_wait3A_241 = tpu.memref_slice %arg9[%run_scoped3A_178, %dma_wait3A_239, %dma_wait3A_240] : memref<3x96x128xf32, #tpu.memory_space<vmem>> -> memref<1x96x128xf32, #tpu.memory_space<vmem>>
        %dma_wait3A_242 = tpu.memref_squeeze %dma_wait3A_241 : memref<1x96x128xf32, #tpu.memory_space<vmem>> -> memref<96x128xf32, #tpu.memory_space<vmem>>
        %dma_wait3A_243 = arith.constant 0 : i32
        %dma_wait3A_244 = tpu.memref_slice %arg8[%add3A_166, %dma_wait3A_243] : memref<53x96xi32, #tpu.memory_space<vmem>> -> memref<1x96xi32, #tpu.memory_space<vmem>>
        %dma_wait3A_245 = tpu.memref_squeeze %dma_wait3A_244 : memref<1x96xi32, #tpu.memory_space<vmem>> -> memref<96xi32, #tpu.memory_space<vmem>>
        %dma_wait3A_246 = arith.constant 0 : i32
        %dma_wait3A_247 = arith.constant 0 : i32
        %dma_wait3A_248 = tpu.memref_slice %arg10[%dma_wait3A_246, %dma_wait3A_247] : memref<10112x128xf32, #tpu.memory_space<vmem_shared>> -> memref<10112x128xf32, #tpu.memory_space<vmem_shared>>
        tpu.wait_indirect_dma semaphore(%run_scoped3A_228 : memref<!tpu.dma_semaphore, #tpu.memory_space<semaphore_mem>>) src(%dma_wait3A_242 : memref<96x128xf32, #tpu.memory_space<vmem>>) dst(%dma_wait3A_248 : memref<10112x128xf32, #tpu.memory_space<vmem_shared>>)
        tpu.yield
      }) : () -> ()
      %add3A_179 = arith.constant 3 : i32
      %add3A_180 = arith.addi %add3A_166, %add3A_179 : i32
      %lt3A_181 = arith.constant 53 : i32
      %lt3A_182 = arith.cmpi slt, %add3A_180, %lt3A_181 : i32
      %convert_element_type3A_183 = arith.extui %lt3A_182 : i1 to i32
      %cond3A_184 = arith.constant 0 : i32
      %cond3A_185 = arith.cmpi ne, %convert_element_type3A_183, %cond3A_184 : i32
      scf.if %cond3A_185 {
        %add3A_228 = arith.constant 3 : i32
        %add3A_229 = arith.addi %add3A_166, %add3A_228 : i32
        %mul3A_230 = arith.constant 96 : i32
        %mul3A_231 = arith.muli %add3A_229, %mul3A_230 : i32
        %dma_start3A_232 = arith.constant 0 : i32
        %dma_start3A_233 = arith.constant 0 : i32
        %dma_start3A_234 = arith.constant 0 : i32
        %dma_start3A_235 = tpu.memref_slice %arg9[%dma_start3A_232, %dma_start3A_233, %dma_start3A_234] : memref<3x96x128xf32, #tpu.memory_space<vmem>> -> memref<1x96x128xf32, #tpu.memory_space<vmem>>
        %dma_start3A_236 = tpu.memref_squeeze %dma_start3A_235 : memref<1x96x128xf32, #tpu.memory_space<vmem>> -> memref<96x128xf32, #tpu.memory_space<vmem>>
        %dma_start3A_237 = tpu.memref_slice %arg7[%mul3A_231] : memref<5088xi32, #tpu.memory_space<vmem>> -> memref<96xi32, #tpu.memory_space<vmem>>
        %dma_start3A_238 = arith.constant 0 : i32
        %dma_start3A_239 = arith.constant 0 : i32
        %dma_start3A_240 = tpu.memref_slice %arg2[%dma_start3A_238, %dma_start3A_239] : memref<10000x128xf32, #tpu.memory_space<hbm>> -> memref<10000x128xf32, #tpu.memory_space<hbm>>
        tpu.enqueue_indirect_dma source(%dma_start3A_240 : memref<10000x128xf32, #tpu.memory_space<hbm>>) target(%dma_start3A_236 : memref<96x128xf32, #tpu.memory_space<vmem>>) offsets(%dma_start3A_237 : memref<96xi32, #tpu.memory_space<vmem>>) semaphore(%arg11 : memref<!tpu.dma_semaphore, #tpu.memory_space<semaphore_mem>>)
      } else {
      }
      %add3A_186 = arith.constant 1 : i32
      %add3A_187 = arith.addi %add3A_164, %add3A_186 : i32
      %mul3A_188 = arith.constant 96 : i32
      %mul3A_189 = arith.muli %add3A_187, %mul3A_188 : i32
      %dma_wait3A_190 = arith.constant 1 : i32
      %dma_wait3A_191 = arith.constant 0 : i32
      %dma_wait3A_192 = arith.constant 0 : i32
      %dma_wait3A_193 = tpu.memref_slice %arg9[%dma_wait3A_190, %dma_wait3A_191, %dma_wait3A_192] : memref<3x96x128xf32, #tpu.memory_space<vmem>> -> memref<1x96x128xf32, #tpu.memory_space<vmem>>
      %dma_wait3A_194 = tpu.memref_squeeze %dma_wait3A_193 : memref<1x96x128xf32, #tpu.memory_space<vmem>> -> memref<96x128xf32, #tpu.memory_space<vmem>>
      %dma_wait3A_195 = tpu.memref_slice %arg7[%mul3A_189] : memref<5088xi32, #tpu.memory_space<vmem>> -> memref<96xi32, #tpu.memory_space<vmem>>
      %dma_wait3A_196 = arith.constant 0 : i32
      %dma_wait3A_197 = arith.constant 0 : i32
      %dma_wait3A_198 = tpu.memref_slice %arg2[%dma_wait3A_196, %dma_wait3A_197] : memref<10000x128xf32, #tpu.memory_space<hbm>> -> memref<10000x128xf32, #tpu.memory_space<hbm>>
      tpu.wait_indirect_dma semaphore(%arg12 : memref<!tpu.dma_semaphore, #tpu.memory_space<semaphore_mem>>) src(%dma_wait3A_198 : memref<10000x128xf32, #tpu.memory_space<hbm>>) dst(%dma_wait3A_194 : memref<96x128xf32, #tpu.memory_space<vmem>>)
      %run_scoped3A_199 = arith.constant 1 : i32
      "tpu.region"() ({
        %run_scoped3A_228 = tpu.sem_alloc : memref<!tpu.dma_semaphore, #tpu.memory_space<semaphore_mem>>
        %dma_start3A_229 = arith.constant 0 : i32
        %dma_start3A_230 = arith.constant 0 : i32
        %dma_start3A_231 = tpu.memref_slice %arg9[%run_scoped3A_199, %dma_start3A_229, %dma_start3A_230] : memref<3x96x128xf32, #tpu.memory_space<vmem>> -> memref<1x96x128xf32, #tpu.memory_space<vmem>>
        %dma_start3A_232 = tpu.memref_squeeze %dma_start3A_231 : memref<1x96x128xf32, #tpu.memory_space<vmem>> -> memref<96x128xf32, #tpu.memory_space<vmem>>
        %dma_start3A_233 = arith.constant 0 : i32
        %dma_start3A_234 = tpu.memref_slice %arg8[%add3A_187, %dma_start3A_233] : memref<53x96xi32, #tpu.memory_space<vmem>> -> memref<1x96xi32, #tpu.memory_space<vmem>>
        %dma_start3A_235 = tpu.memref_squeeze %dma_start3A_234 : memref<1x96xi32, #tpu.memory_space<vmem>> -> memref<96xi32, #tpu.memory_space<vmem>>
        %dma_start3A_236 = arith.constant 0 : i32
        %dma_start3A_237 = arith.constant 0 : i32
        %dma_start3A_238 = tpu.memref_slice %arg10[%dma_start3A_236, %dma_start3A_237] : memref<10112x128xf32, #tpu.memory_space<vmem_shared>> -> memref<10112x128xf32, #tpu.memory_space<vmem_shared>>
        tpu.enqueue_indirect_dma source(%dma_start3A_232 : memref<96x128xf32, #tpu.memory_space<vmem>>) target(%dma_start3A_238 : memref<10112x128xf32, #tpu.memory_space<vmem_shared>>) offsets(%dma_start3A_235 : memref<96xi32, #tpu.memory_space<vmem>>) semaphore(%run_scoped3A_228 : memref<!tpu.dma_semaphore, #tpu.memory_space<semaphore_mem>>) {add = true}
        %dma_wait3A_239 = arith.constant 0 : i32
        %dma_wait3A_240 = arith.constant 0 : i32
        %dma_wait3A_241 = tpu.memref_slice %arg9[%run_scoped3A_199, %dma_wait3A_239, %dma_wait3A_240] : memref<3x96x128xf32, #tpu.memory_space<vmem>> -> memref<1x96x128xf32, #tpu.memory_space<vmem>>
        %dma_wait3A_242 = tpu.memref_squeeze %dma_wait3A_241 : memref<1x96x128xf32, #tpu.memory_space<vmem>> -> memref<96x128xf32, #tpu.memory_space<vmem>>
        %dma_wait3A_243 = arith.constant 0 : i32
        %dma_wait3A_244 = tpu.memref_slice %arg8[%add3A_187, %dma_wait3A_243] : memref<53x96xi32, #tpu.memory_space<vmem>> -> memref<1x96xi32, #tpu.memory_space<vmem>>
        %dma_wait3A_245 = tpu.memref_squeeze %dma_wait3A_244 : memref<1x96xi32, #tpu.memory_space<vmem>> -> memref<96xi32, #tpu.memory_space<vmem>>
        %dma_wait3A_246 = arith.constant 0 : i32
        %dma_wait3A_247 = arith.constant 0 : i32
        %dma_wait3A_248 = tpu.memref_slice %arg10[%dma_wait3A_246, %dma_wait3A_247] : memref<10112x128xf32, #tpu.memory_space<vmem_shared>> -> memref<10112x128xf32, #tpu.memory_space<vmem_shared>>
        tpu.wait_indirect_dma semaphore(%run_scoped3A_228 : memref<!tpu.dma_semaphore, #tpu.memory_space<semaphore_mem>>) src(%dma_wait3A_242 : memref<96x128xf32, #tpu.memory_space<vmem>>) dst(%dma_wait3A_248 : memref<10112x128xf32, #tpu.memory_space<vmem_shared>>)
        tpu.yield
      }) : () -> ()
      %add3A_200 = arith.constant 3 : i32
      %add3A_201 = arith.addi %add3A_187, %add3A_200 : i32
      %lt3A_202 = arith.constant 53 : i32
      %lt3A_203 = arith.cmpi slt, %add3A_201, %lt3A_202 : i32
      %convert_element_type3A_204 = arith.extui %lt3A_203 : i1 to i32
      %cond3A_205 = arith.constant 0 : i32
      %cond3A_206 = arith.cmpi ne, %convert_element_type3A_204, %cond3A_205 : i32
      scf.if %cond3A_206 {
        %add3A_228 = arith.constant 3 : i32
        %add3A_229 = arith.addi %add3A_187, %add3A_228 : i32
        %mul3A_230 = arith.constant 96 : i32
        %mul3A_231 = arith.muli %add3A_229, %mul3A_230 : i32
        %dma_start3A_232 = arith.constant 1 : i32
        %dma_start3A_233 = arith.constant 0 : i32
        %dma_start3A_234 = arith.constant 0 : i32
        %dma_start3A_235 = tpu.memref_slice %arg9[%dma_start3A_232, %dma_start3A_233, %dma_start3A_234] : memref<3x96x128xf32, #tpu.memory_space<vmem>> -> memref<1x96x128xf32, #tpu.memory_space<vmem>>
        %dma_start3A_236 = tpu.memref_squeeze %dma_start3A_235 : memref<1x96x128xf32, #tpu.memory_space<vmem>> -> memref<96x128xf32, #tpu.memory_space<vmem>>
        %dma_start3A_237 = tpu.memref_slice %arg7[%mul3A_231] : memref<5088xi32, #tpu.memory_space<vmem>> -> memref<96xi32, #tpu.memory_space<vmem>>
        %dma_start3A_238 = arith.constant 0 : i32
        %dma_start3A_239 = arith.constant 0 : i32
        %dma_start3A_240 = tpu.memref_slice %arg2[%dma_start3A_238, %dma_start3A_239] : memref<10000x128xf32, #tpu.memory_space<hbm>> -> memref<10000x128xf32, #tpu.memory_space<hbm>>
        tpu.enqueue_indirect_dma source(%dma_start3A_240 : memref<10000x128xf32, #tpu.memory_space<hbm>>) target(%dma_start3A_236 : memref<96x128xf32, #tpu.memory_space<vmem>>) offsets(%dma_start3A_237 : memref<96xi32, #tpu.memory_space<vmem>>) semaphore(%arg12 : memref<!tpu.dma_semaphore, #tpu.memory_space<semaphore_mem>>)
      } else {
      }
      %add3A_207 = arith.constant 2 : i32
      %add3A_208 = arith.addi %add3A_164, %add3A_207 : i32
      %mul3A_209 = arith.constant 96 : i32
      %mul3A_210 = arith.muli %add3A_208, %mul3A_209 : i32
      %dma_wait3A_211 = arith.constant 2 : i32
      %dma_wait3A_212 = arith.constant 0 : i32
      %dma_wait3A_213 = arith.constant 0 : i32
      %dma_wait3A_214 = tpu.memref_slice %arg9[%dma_wait3A_211, %dma_wait3A_212, %dma_wait3A_213] : memref<3x96x128xf32, #tpu.memory_space<vmem>> -> memref<1x96x128xf32, #tpu.memory_space<vmem>>
      %dma_wait3A_215 = tpu.memref_squeeze %dma_wait3A_214 : memref<1x96x128xf32, #tpu.memory_space<vmem>> -> memref<96x128xf32, #tpu.memory_space<vmem>>
      %dma_wait3A_216 = tpu.memref_slice %arg7[%mul3A_210] : memref<5088xi32, #tpu.memory_space<vmem>> -> memref<96xi32, #tpu.memory_space<vmem>>
      %dma_wait3A_217 = arith.constant 0 : i32
      %dma_wait3A_218 = arith.constant 0 : i32
      %dma_wait3A_219 = tpu.memref_slice %arg2[%dma_wait3A_217, %dma_wait3A_218] : memref<10000x128xf32, #tpu.memory_space<hbm>> -> memref<10000x128xf32, #tpu.memory_space<hbm>>
      tpu.wait_indirect_dma semaphore(%arg13 : memref<!tpu.dma_semaphore, #tpu.memory_space<semaphore_mem>>) src(%dma_wait3A_219 : memref<10000x128xf32, #tpu.memory_space<hbm>>) dst(%dma_wait3A_215 : memref<96x128xf32, #tpu.memory_space<vmem>>)
      %run_scoped3A_220 = arith.constant 2 : i32
      "tpu.region"() ({
        %run_scoped3A_228 = tpu.sem_alloc : memref<!tpu.dma_semaphore, #tpu.memory_space<semaphore_mem>>
        %dma_start3A_229 = arith.constant 0 : i32
        %dma_start3A_230 = arith.constant 0 : i32
        %dma_start3A_231 = tpu.memref_slice %arg9[%run_scoped3A_220, %dma_start3A_229, %dma_start3A_230] : memref<3x96x128xf32, #tpu.memory_space<vmem>> -> memref<1x96x128xf32, #tpu.memory_space<vmem>>
        %dma_start3A_232 = tpu.memref_squeeze %dma_start3A_231 : memref<1x96x128xf32, #tpu.memory_space<vmem>> -> memref<96x128xf32, #tpu.memory_space<vmem>>
        %dma_start3A_233 = arith.constant 0 : i32
        %dma_start3A_234 = tpu.memref_slice %arg8[%add3A_208, %dma_start3A_233] : memref<53x96xi32, #tpu.memory_space<vmem>> -> memref<1x96xi32, #tpu.memory_space<vmem>>
        %dma_start3A_235 = tpu.memref_squeeze %dma_start3A_234 : memref<1x96xi32, #tpu.memory_space<vmem>> -> memref<96xi32, #tpu.memory_space<vmem>>
        %dma_start3A_236 = arith.constant 0 : i32
        %dma_start3A_237 = arith.constant 0 : i32
        %dma_start3A_238 = tpu.memref_slice %arg10[%dma_start3A_236, %dma_start3A_237] : memref<10112x128xf32, #tpu.memory_space<vmem_shared>> -> memref<10112x128xf32, #tpu.memory_space<vmem_shared>>
        tpu.enqueue_indirect_dma source(%dma_start3A_232 : memref<96x128xf32, #tpu.memory_space<vmem>>) target(%dma_start3A_238 : memref<10112x128xf32, #tpu.memory_space<vmem_shared>>) offsets(%dma_start3A_235 : memref<96xi32, #tpu.memory_space<vmem>>) semaphore(%run_scoped3A_228 : memref<!tpu.dma_semaphore, #tpu.memory_space<semaphore_mem>>) {add = true}
        %dma_wait3A_239 = arith.constant 0 : i32
        %dma_wait3A_240 = arith.constant 0 : i32
        %dma_wait3A_241 = tpu.memref_slice %arg9[%run_scoped3A_220, %dma_wait3A_239, %dma_wait3A_240] : memref<3x96x128xf32, #tpu.memory_space<vmem>> -> memref<1x96x128xf32, #tpu.memory_space<vmem>>
        %dma_wait3A_242 = tpu.memref_squeeze %dma_wait3A_241 : memref<1x96x128xf32, #tpu.memory_space<vmem>> -> memref<96x128xf32, #tpu.memory_space<vmem>>
        %dma_wait3A_243 = arith.constant 0 : i32
        %dma_wait3A_244 = tpu.memref_slice %arg8[%add3A_208, %dma_wait3A_243] : memref<53x96xi32, #tpu.memory_space<vmem>> -> memref<1x96xi32, #tpu.memory_space<vmem>>
        %dma_wait3A_245 = tpu.memref_squeeze %dma_wait3A_244 : memref<1x96xi32, #tpu.memory_space<vmem>> -> memref<96xi32, #tpu.memory_space<vmem>>
        %dma_wait3A_246 = arith.constant 0 : i32
        %dma_wait3A_247 = arith.constant 0 : i32
        %dma_wait3A_248 = tpu.memref_slice %arg10[%dma_wait3A_246, %dma_wait3A_247] : memref<10112x128xf32, #tpu.memory_space<vmem_shared>> -> memref<10112x128xf32, #tpu.memory_space<vmem_shared>>
        tpu.wait_indirect_dma semaphore(%run_scoped3A_228 : memref<!tpu.dma_semaphore, #tpu.memory_space<semaphore_mem>>) src(%dma_wait3A_242 : memref<96x128xf32, #tpu.memory_space<vmem>>) dst(%dma_wait3A_248 : memref<10112x128xf32, #tpu.memory_space<vmem_shared>>)
        tpu.yield
      }) : () -> ()
      %add3A_221 = arith.constant 3 : i32
      %add3A_222 = arith.addi %add3A_208, %add3A_221 : i32
      %lt3A_223 = arith.constant 53 : i32
      %lt3A_224 = arith.cmpi slt, %add3A_222, %lt3A_223 : i32
      %convert_element_type3A_225 = arith.extui %lt3A_224 : i1 to i32
      %cond3A_226 = arith.constant 0 : i32
      %cond3A_227 = arith.cmpi ne, %convert_element_type3A_225, %cond3A_226 : i32
      scf.if %cond3A_227 {
        %add3A_228 = arith.constant 3 : i32
        %add3A_229 = arith.addi %add3A_208, %add3A_228 : i32
        %mul3A_230 = arith.constant 96 : i32
        %mul3A_231 = arith.muli %add3A_229, %mul3A_230 : i32
        %dma_start3A_232 = arith.constant 2 : i32
        %dma_start3A_233 = arith.constant 0 : i32
        %dma_start3A_234 = arith.constant 0 : i32
        %dma_start3A_235 = tpu.memref_slice %arg9[%dma_start3A_232, %dma_start3A_233, %dma_start3A_234] : memref<3x96x128xf32, #tpu.memory_space<vmem>> -> memref<1x96x128xf32, #tpu.memory_space<vmem>>
        %dma_start3A_236 = tpu.memref_squeeze %dma_start3A_235 : memref<1x96x128xf32, #tpu.memory_space<vmem>> -> memref<96x128xf32, #tpu.memory_space<vmem>>
        %dma_start3A_237 = tpu.memref_slice %arg7[%mul3A_231] : memref<5088xi32, #tpu.memory_space<vmem>> -> memref<96xi32, #tpu.memory_space<vmem>>
        %dma_start3A_238 = arith.constant 0 : i32
        %dma_start3A_239 = arith.constant 0 : i32
        %dma_start3A_240 = tpu.memref_slice %arg2[%dma_start3A_238, %dma_start3A_239] : memref<10000x128xf32, #tpu.memory_space<hbm>> -> memref<10000x128xf32, #tpu.memory_space<hbm>>
        tpu.enqueue_indirect_dma source(%dma_start3A_240 : memref<10000x128xf32, #tpu.memory_space<hbm>>) target(%dma_start3A_236 : memref<96x128xf32, #tpu.memory_space<vmem>>) offsets(%dma_start3A_237 : memref<96xi32, #tpu.memory_space<vmem>>) semaphore(%arg13 : memref<!tpu.dma_semaphore, #tpu.memory_space<semaphore_mem>>)
      } else {
      }
    }
    %scan3A_69 = arith.constant 17 : i32
    %dma_wait3A = arith.constant 0 : i32
    %dma_wait3A_70 = arith.constant 0 : i32
    %dma_wait3A_71 = arith.constant 0 : i32
    %dma_wait3A_72 = tpu.memref_slice %arg9[%dma_wait3A, %dma_wait3A_70, %dma_wait3A_71] : memref<3x96x128xf32, #tpu.memory_space<vmem>> -> memref<1x96x128xf32, #tpu.memory_space<vmem>>
    %dma_wait3A_73 = tpu.memref_squeeze %dma_wait3A_72 : memref<1x96x128xf32, #tpu.memory_space<vmem>> -> memref<96x128xf32, #tpu.memory_space<vmem>>
    %dma_wait3A_74 = arith.constant 4896 : i32
    %dma_wait3A_75 = tpu.memref_slice %arg7[%dma_wait3A_74] : memref<5088xi32, #tpu.memory_space<vmem>> -> memref<96xi32, #tpu.memory_space<vmem>>
    %dma_wait3A_76 = arith.constant 0 : i32
    %dma_wait3A_77 = arith.constant 0 : i32
    %dma_wait3A_78 = tpu.memref_slice %arg2[%dma_wait3A_76, %dma_wait3A_77] : memref<10000x128xf32, #tpu.memory_space<hbm>> -> memref<10000x128xf32, #tpu.memory_space<hbm>>
    tpu.wait_indirect_dma semaphore(%arg11 : memref<!tpu.dma_semaphore, #tpu.memory_space<semaphore_mem>>) src(%dma_wait3A_78 : memref<10000x128xf32, #tpu.memory_space<hbm>>) dst(%dma_wait3A_73 : memref<96x128xf32, #tpu.memory_space<vmem>>)
    %run_scoped3A = arith.constant 0 : i32
    %run_scoped3A_79 = arith.constant 51 : i32
    "tpu.region"() ({
      %run_scoped3A_160 = tpu.sem_alloc : memref<!tpu.dma_semaphore, #tpu.memory_space<semaphore_mem>>
      %dma_start3A_161 = arith.constant 0 : i32
      %dma_start3A_162 = arith.constant 0 : i32
      %dma_start3A_163 = tpu.memref_slice %arg9[%run_scoped3A, %dma_start3A_161, %dma_start3A_162] : memref<3x96x128xf32, #tpu.memory_space<vmem>> -> memref<1x96x128xf32, #tpu.memory_space<vmem>>
      %dma_start3A_164 = tpu.memref_squeeze %dma_start3A_163 : memref<1x96x128xf32, #tpu.memory_space<vmem>> -> memref<96x128xf32, #tpu.memory_space<vmem>>
      %dma_start3A_165 = arith.constant 0 : i32
      %dma_start3A_166 = tpu.memref_slice %arg8[%run_scoped3A_79, %dma_start3A_165] : memref<53x96xi32, #tpu.memory_space<vmem>> -> memref<1x96xi32, #tpu.memory_space<vmem>>
      %dma_start3A_167 = tpu.memref_squeeze %dma_start3A_166 : memref<1x96xi32, #tpu.memory_space<vmem>> -> memref<96xi32, #tpu.memory_space<vmem>>
      %dma_start3A_168 = arith.constant 0 : i32
      %dma_start3A_169 = arith.constant 0 : i32
      %dma_start3A_170 = tpu.memref_slice %arg10[%dma_start3A_168, %dma_start3A_169] : memref<10112x128xf32, #tpu.memory_space<vmem_shared>> -> memref<10112x128xf32, #tpu.memory_space<vmem_shared>>
      tpu.enqueue_indirect_dma source(%dma_start3A_164 : memref<96x128xf32, #tpu.memory_space<vmem>>) target(%dma_start3A_170 : memref<10112x128xf32, #tpu.memory_space<vmem_shared>>) offsets(%dma_start3A_167 : memref<96xi32, #tpu.memory_space<vmem>>) semaphore(%run_scoped3A_160 : memref<!tpu.dma_semaphore, #tpu.memory_space<semaphore_mem>>) {add = true}
      %dma_wait3A_171 = arith.constant 0 : i32
      %dma_wait3A_172 = arith.constant 0 : i32
      %dma_wait3A_173 = tpu.memref_slice %arg9[%run_scoped3A, %dma_wait3A_171, %dma_wait3A_172] : memref<3x96x128xf32, #tpu.memory_space<vmem>> -> memref<1x96x128xf32, #tpu.memory_space<vmem>>
      %dma_wait3A_174 = tpu.memref_squeeze %dma_wait3A_173 : memref<1x96x128xf32, #tpu.memory_space<vmem>> -> memref<96x128xf32, #tpu.memory_space<vmem>>
      %dma_wait3A_175 = arith.constant 0 : i32
      %dma_wait3A_176 = tpu.memref_slice %arg8[%run_scoped3A_79, %dma_wait3A_175] : memref<53x96xi32, #tpu.memory_space<vmem>> -> memref<1x96xi32, #tpu.memory_space<vmem>>
      %dma_wait3A_177 = tpu.memref_squeeze %dma_wait3A_176 : memref<1x96xi32, #tpu.memory_space<vmem>> -> memref<96xi32, #tpu.memory_space<vmem>>
      %dma_wait3A_178 = arith.constant 0 : i32
      %dma_wait3A_179 = arith.constant 0 : i32
      %dma_wait3A_180 = tpu.memref_slice %arg10[%dma_wait3A_178, %dma_wait3A_179] : memref<10112x128xf32, #tpu.memory_space<vmem_shared>> -> memref<10112x128xf32, #tpu.memory_space<vmem_shared>>
      tpu.wait_indirect_dma semaphore(%run_scoped3A_160 : memref<!tpu.dma_semaphore, #tpu.memory_space<semaphore_mem>>) src(%dma_wait3A_174 : memref<96x128xf32, #tpu.memory_space<vmem>>) dst(%dma_wait3A_180 : memref<10112x128xf32, #tpu.memory_space<vmem_shared>>)
      tpu.yield
    }) : () -> ()
    %dma_wait3A_80 = arith.constant 1 : i32
    %dma_wait3A_81 = arith.constant 0 : i32
    %dma_wait3A_82 = arith.constant 0 : i32
    %dma_wait3A_83 = tpu.memref_slice %arg9[%dma_wait3A_80, %dma_wait3A_81, %dma_wait3A_82] : memref<3x96x128xf32, #tpu.memory_space<vmem>> -> memref<1x96x128xf32, #tpu.memory_space<vmem>>
    %dma_wait3A_84 = tpu.memref_squeeze %dma_wait3A_83 : memref<1x96x128xf32, #tpu.memory_space<vmem>> -> memref<96x128xf32, #tpu.memory_space<vmem>>
    %dma_wait3A_85 = arith.constant 4992 : i32
    %dma_wait3A_86 = tpu.memref_slice %arg7[%dma_wait3A_85] : memref<5088xi32, #tpu.memory_space<vmem>> -> memref<96xi32, #tpu.memory_space<vmem>>
    %dma_wait3A_87 = arith.constant 0 : i32
    %dma_wait3A_88 = arith.constant 0 : i32
    %dma_wait3A_89 = tpu.memref_slice %arg2[%dma_wait3A_87, %dma_wait3A_88] : memref<10000x128xf32, #tpu.memory_space<hbm>> -> memref<10000x128xf32, #tpu.memory_space<hbm>>
    tpu.wait_indirect_dma semaphore(%arg12 : memref<!tpu.dma_semaphore, #tpu.memory_space<semaphore_mem>>) src(%dma_wait3A_89 : memref<10000x128xf32, #tpu.memory_space<hbm>>) dst(%dma_wait3A_84 : memref<96x128xf32, #tpu.memory_space<vmem>>)
    %run_scoped3A_90 = arith.constant 1 : i32
    %run_scoped3A_91 = arith.constant 52 : i32
    "tpu.region"() ({
      %run_scoped3A_160 = tpu.sem_alloc : memref<!tpu.dma_semaphore, #tpu.memory_space<semaphore_mem>>
      %dma_start3A_161 = arith.constant 0 : i32
      %dma_start3A_162 = arith.constant 0 : i32
      %dma_start3A_163 = tpu.memref_slice %arg9[%run_scoped3A_90, %dma_start3A_161, %dma_start3A_162] : memref<3x96x128xf32, #tpu.memory_space<vmem>> -> memref<1x96x128xf32, #tpu.memory_space<vmem>>
      %dma_start3A_164 = tpu.memref_squeeze %dma_start3A_163 : memref<1x96x128xf32, #tpu.memory_space<vmem>> -> memref<96x128xf32, #tpu.memory_space<vmem>>
      %dma_start3A_165 = arith.constant 0 : i32
      %dma_start3A_166 = tpu.memref_slice %arg8[%run_scoped3A_91, %dma_start3A_165] : memref<53x96xi32, #tpu.memory_space<vmem>> -> memref<1x96xi32, #tpu.memory_space<vmem>>
      %dma_start3A_167 = tpu.memref_squeeze %dma_start3A_166 : memref<1x96xi32, #tpu.memory_space<vmem>> -> memref<96xi32, #tpu.memory_space<vmem>>
      %dma_start3A_168 = arith.constant 0 : i32
      %dma_start3A_169 = arith.constant 0 : i32
      %dma_start3A_170 = tpu.memref_slice %arg10[%dma_start3A_168, %dma_start3A_169] : memref<10112x128xf32, #tpu.memory_space<vmem_shared>> -> memref<10112x128xf32, #tpu.memory_space<vmem_shared>>
      tpu.enqueue_indirect_dma source(%dma_start3A_164 : memref<96x128xf32, #tpu.memory_space<vmem>>) target(%dma_start3A_170 : memref<10112x128xf32, #tpu.memory_space<vmem_shared>>) offsets(%dma_start3A_167 : memref<96xi32, #tpu.memory_space<vmem>>) semaphore(%run_scoped3A_160 : memref<!tpu.dma_semaphore, #tpu.memory_space<semaphore_mem>>) {add = true}
      %dma_wait3A_171 = arith.constant 0 : i32
      %dma_wait3A_172 = arith.constant 0 : i32
      %dma_wait3A_173 = tpu.memref_slice %arg9[%run_scoped3A_90, %dma_wait3A_171, %dma_wait3A_172] : memref<3x96x128xf32, #tpu.memory_space<vmem>> -> memref<1x96x128xf32, #tpu.memory_space<vmem>>
      %dma_wait3A_174 = tpu.memref_squeeze %dma_wait3A_173 : memref<1x96x128xf32, #tpu.memory_space<vmem>> -> memref<96x128xf32, #tpu.memory_space<vmem>>
      %dma_wait3A_175 = arith.constant 0 : i32
      %dma_wait3A_176 = tpu.memref_slice %arg8[%run_scoped3A_91, %dma_wait3A_175] : memref<53x96xi32, #tpu.memory_space<vmem>> -> memref<1x96xi32, #tpu.memory_space<vmem>>
      %dma_wait3A_177 = tpu.memref_squeeze %dma_wait3A_176 : memref<1x96xi32, #tpu.memory_space<vmem>> -> memref<96xi32, #tpu.memory_space<vmem>>
      %dma_wait3A_178 = arith.constant 0 : i32
      %dma_wait3A_179 = arith.constant 0 : i32
      %dma_wait3A_180 = tpu.memref_slice %arg10[%dma_wait3A_178, %dma_wait3A_179] : memref<10112x128xf32, #tpu.memory_space<vmem_shared>> -> memref<10112x128xf32, #tpu.memory_space<vmem_shared>>
      tpu.wait_indirect_dma semaphore(%run_scoped3A_160 : memref<!tpu.dma_semaphore, #tpu.memory_space<semaphore_mem>>) src(%dma_wait3A_174 : memref<96x128xf32, #tpu.memory_space<vmem>>) dst(%dma_wait3A_180 : memref<10112x128xf32, #tpu.memory_space<vmem_shared>>)
      tpu.yield
    }) : () -> ()
    %mul3A_92 = arith.constant 2 : i32
    %mul3A_93 = arith.muli %add3A, %mul3A_92 : i32
    %add3A_94 = arith.constant 1 : i32
    %add3A_95 = arith.addi %mul3A_93, %add3A_94 : i32
    "tpu.region"() ({
      %run_scoped3A_160 = tpu.sem_alloc : memref<!tpu.dma_semaphore, #tpu.memory_space<semaphore_mem>>
      %dma_start3A_161 = arith.constant 0 : i32
      %dma_start3A_162 = tpu.memref_slice %arg4[%add3A_95, %dma_start3A_161] : memref<64x5088xi32, #tpu.memory_space<hbm>> -> memref<1x5088xi32, #tpu.memory_space<hbm>>
      %dma_start3A_163 = tpu.memref_squeeze %dma_start3A_162 : memref<1x5088xi32, #tpu.memory_space<hbm>> -> memref<5088xi32, #tpu.memory_space<hbm>>
      %dma_start3A_164 = arith.constant 0 : i32
      %dma_start3A_165 = tpu.memref_slice %arg4[%add3A_95, %dma_start3A_164] : memref<64x5088xi32, #tpu.memory_space<hbm>> -> memref<1x5088xi32, #tpu.memory_space<hbm>>
      %dma_start3A_166 = tpu.memref_squeeze %dma_start3A_165 : memref<1x5088xi32, #tpu.memory_space<hbm>> -> memref<5088xi32, #tpu.memory_space<hbm>>
      tpu.enqueue_dma source(%dma_start3A_166 : memref<5088xi32, #tpu.memory_space<hbm>>) target(%arg7 : memref<5088xi32, #tpu.memory_space<vmem>>) target_semaphore(%run_scoped3A_160 : memref<!tpu.dma_semaphore, #tpu.memory_space<semaphore_mem>>)
      %dma_wait3A_167 = arith.constant 0 : i32
      %dma_wait3A_168 = tpu.memref_slice %arg4[%add3A_95, %dma_wait3A_167] : memref<64x5088xi32, #tpu.memory_space<hbm>> -> memref<1x5088xi32, #tpu.memory_space<hbm>>
      %dma_wait3A_169 = tpu.memref_squeeze %dma_wait3A_168 : memref<1x5088xi32, #tpu.memory_space<hbm>> -> memref<5088xi32, #tpu.memory_space<hbm>>
      %dma_wait3A_170 = arith.constant 0 : i32
      %dma_wait3A_171 = tpu.memref_slice %arg4[%add3A_95, %dma_wait3A_170] : memref<64x5088xi32, #tpu.memory_space<hbm>> -> memref<1x5088xi32, #tpu.memory_space<hbm>>
      %dma_wait3A_172 = tpu.memref_squeeze %dma_wait3A_171 : memref<1x5088xi32, #tpu.memory_space<hbm>> -> memref<5088xi32, #tpu.memory_space<hbm>>
      tpu.wait_dma2 semaphore(%run_scoped3A_160 : memref<!tpu.dma_semaphore, #tpu.memory_space<semaphore_mem>>) src(%dma_wait3A_172 : memref<5088xi32, #tpu.memory_space<hbm>>) dst(%arg7 : memref<5088xi32, #tpu.memory_space<vmem>>)
      tpu.yield
    }) : () -> ()
    %mul3A_96 = arith.constant 2 : i32
    %mul3A_97 = arith.muli %add3A, %mul3A_96 : i32
    %add3A_98 = arith.constant 1 : i32
    %add3A_99 = arith.addi %mul3A_97, %add3A_98 : i32
    "tpu.region"() ({
      %run_scoped3A_160 = tpu.sem_alloc : memref<!tpu.dma_semaphore, #tpu.memory_space<semaphore_mem>>
      %dma_start3A_161 = arith.constant 0 : i32
      %dma_start3A_162 = arith.constant 0 : i32
      %dma_start3A_163 = tpu.memref_slice %arg5[%add3A_99, %dma_start3A_161, %dma_start3A_162] : memref<64x53x96xi32, #tpu.memory_space<hbm>> -> memref<1x53x96xi32, #tpu.memory_space<hbm>>
      %dma_start3A_164 = tpu.memref_squeeze %dma_start3A_163 : memref<1x53x96xi32, #tpu.memory_space<hbm>> -> memref<53x96xi32, #tpu.memory_space<hbm>>
      %dma_start3A_165 = arith.constant 0 : i32
      %dma_start3A_166 = arith.constant 0 : i32
      %dma_start3A_167 = tpu.memref_slice %arg5[%add3A_99, %dma_start3A_165, %dma_start3A_166] : memref<64x53x96xi32, #tpu.memory_space<hbm>> -> memref<1x53x96xi32, #tpu.memory_space<hbm>>
      %dma_start3A_168 = tpu.memref_squeeze %dma_start3A_167 : memref<1x53x96xi32, #tpu.memory_space<hbm>> -> memref<53x96xi32, #tpu.memory_space<hbm>>
      tpu.enqueue_dma source(%dma_start3A_168 : memref<53x96xi32, #tpu.memory_space<hbm>>) target(%arg8 : memref<53x96xi32, #tpu.memory_space<vmem>>) target_semaphore(%run_scoped3A_160 : memref<!tpu.dma_semaphore, #tpu.memory_space<semaphore_mem>>)
      %dma_wait3A_169 = arith.constant 0 : i32
      %dma_wait3A_170 = arith.constant 0 : i32
      %dma_wait3A_171 = tpu.memref_slice %arg5[%add3A_99, %dma_wait3A_169, %dma_wait3A_170] : memref<64x53x96xi32, #tpu.memory_space<hbm>> -> memref<1x53x96xi32, #tpu.memory_space<hbm>>
      %dma_wait3A_172 = tpu.memref_squeeze %dma_wait3A_171 : memref<1x53x96xi32, #tpu.memory_space<hbm>> -> memref<53x96xi32, #tpu.memory_space<hbm>>
      %dma_wait3A_173 = arith.constant 0 : i32
      %dma_wait3A_174 = arith.constant 0 : i32
      %dma_wait3A_175 = tpu.memref_slice %arg5[%add3A_99, %dma_wait3A_173, %dma_wait3A_174] : memref<64x53x96xi32, #tpu.memory_space<hbm>> -> memref<1x53x96xi32, #tpu.memory_space<hbm>>
      %dma_wait3A_176 = tpu.memref_squeeze %dma_wait3A_175 : memref<1x53x96xi32, #tpu.memory_space<hbm>> -> memref<53x96xi32, #tpu.memory_space<hbm>>
      tpu.wait_dma2 semaphore(%run_scoped3A_160 : memref<!tpu.dma_semaphore, #tpu.memory_space<semaphore_mem>>) src(%dma_wait3A_176 : memref<53x96xi32, #tpu.memory_space<hbm>>) dst(%arg8 : memref<53x96xi32, #tpu.memory_space<vmem>>)
      tpu.yield
    }) : () -> ()
    %dma_start3A_100 = arith.constant 0 : i32
    %dma_start3A_101 = arith.constant 0 : i32
    %dma_start3A_102 = arith.constant 0 : i32
    %dma_start3A_103 = tpu.memref_slice %arg9[%dma_start3A_100, %dma_start3A_101, %dma_start3A_102] : memref<3x96x128xf32, #tpu.memory_space<vmem>> -> memref<1x96x128xf32, #tpu.memory_space<vmem>>
    %dma_start3A_104 = tpu.memref_squeeze %dma_start3A_103 : memref<1x96x128xf32, #tpu.memory_space<vmem>> -> memref<96x128xf32, #tpu.memory_space<vmem>>
    %dma_start3A_105 = arith.constant 0 : i32
    %dma_start3A_106 = tpu.memref_slice %arg7[%dma_start3A_105] : memref<5088xi32, #tpu.memory_space<vmem>> -> memref<96xi32, #tpu.memory_space<vmem>>
    %dma_start3A_107 = arith.constant 0 : i32
    %dma_start3A_108 = arith.constant 0 : i32
    %dma_start3A_109 = tpu.memref_slice %arg2[%dma_start3A_107, %dma_start3A_108] : memref<10000x128xf32, #tpu.memory_space<hbm>> -> memref<10000x128xf32, #tpu.memory_space<hbm>>
    tpu.enqueue_indirect_dma source(%dma_start3A_109 : memref<10000x128xf32, #tpu.memory_space<hbm>>) target(%dma_start3A_104 : memref<96x128xf32, #tpu.memory_space<vmem>>) offsets(%dma_start3A_106 : memref<96xi32, #tpu.memory_space<vmem>>) semaphore(%arg11 : memref<!tpu.dma_semaphore, #tpu.memory_space<semaphore_mem>>)
    %dma_start3A_110 = arith.constant 1 : i32
    %dma_start3A_111 = arith.constant 0 : i32
    %dma_start3A_112 = arith.constant 0 : i32
    %dma_start3A_113 = tpu.memref_slice %arg9[%dma_start3A_110, %dma_start3A_111, %dma_start3A_112] : memref<3x96x128xf32, #tpu.memory_space<vmem>> -> memref<1x96x128xf32, #tpu.memory_space<vmem>>
    %dma_start3A_114 = tpu.memref_squeeze %dma_start3A_113 : memref<1x96x128xf32, #tpu.memory_space<vmem>> -> memref<96x128xf32, #tpu.memory_space<vmem>>
    %dma_start3A_115 = arith.constant 96 : i32
    %dma_start3A_116 = tpu.memref_slice %arg7[%dma_start3A_115] : memref<5088xi32, #tpu.memory_space<vmem>> -> memref<96xi32, #tpu.memory_space<vmem>>
    %dma_start3A_117 = arith.constant 0 : i32
    %dma_start3A_118 = arith.constant 0 : i32
    %dma_start3A_119 = tpu.memref_slice %arg2[%dma_start3A_117, %dma_start3A_118] : memref<10000x128xf32, #tpu.memory_space<hbm>> -> memref<10000x128xf32, #tpu.memory_space<hbm>>
    tpu.enqueue_indirect_dma source(%dma_start3A_119 : memref<10000x128xf32, #tpu.memory_space<hbm>>) target(%dma_start3A_114 : memref<96x128xf32, #tpu.memory_space<vmem>>) offsets(%dma_start3A_116 : memref<96xi32, #tpu.memory_space<vmem>>) semaphore(%arg12 : memref<!tpu.dma_semaphore, #tpu.memory_space<semaphore_mem>>)
    %dma_start3A_120 = arith.constant 2 : i32
    %dma_start3A_121 = arith.constant 0 : i32
    %dma_start3A_122 = arith.constant 0 : i32
    %dma_start3A_123 = tpu.memref_slice %arg9[%dma_start3A_120, %dma_start3A_121, %dma_start3A_122] : memref<3x96x128xf32, #tpu.memory_space<vmem>> -> memref<1x96x128xf32, #tpu.memory_space<vmem>>
    %dma_start3A_124 = tpu.memref_squeeze %dma_start3A_123 : memref<1x96x128xf32, #tpu.memory_space<vmem>> -> memref<96x128xf32, #tpu.memory_space<vmem>>
    %dma_start3A_125 = arith.constant 192 : i32
    %dma_start3A_126 = tpu.memref_slice %arg7[%dma_start3A_125] : memref<5088xi32, #tpu.memory_space<vmem>> -> memref<96xi32, #tpu.memory_space<vmem>>
    %dma_start3A_127 = arith.constant 0 : i32
    %dma_start3A_128 = arith.constant 0 : i32
    %dma_start3A_129 = tpu.memref_slice %arg2[%dma_start3A_127, %dma_start3A_128] : memref<10000x128xf32, #tpu.memory_space<hbm>> -> memref<10000x128xf32, #tpu.memory_space<hbm>>
    tpu.enqueue_indirect_dma source(%dma_start3A_129 : memref<10000x128xf32, #tpu.memory_space<hbm>>) target(%dma_start3A_124 : memref<96x128xf32, #tpu.memory_space<vmem>>) offsets(%dma_start3A_126 : memref<96xi32, #tpu.memory_space<vmem>>) semaphore(%arg13 : memref<!tpu.dma_semaphore, #tpu.memory_space<semaphore_mem>>)
    %scan3A_130 = arith.constant 0 : i32
    %scan3A_131 = arith.constant 17 : i32
    %scan3A_132 = arith.addi %scan3A_130, %scan3A_131 : i32
    %scan3A_133 = arith.constant 1 : i32
    scf.for %scan3A_160 = %scan3A_130 to %scan3A_132 step %scan3A_133  : i32 {
      %mul3A_161 = arith.constant 3 : i32
      %mul3A_162 = arith.muli %scan3A_160, %mul3A_161 : i32
      %add3A_163 = arith.constant 0 : i32
      %add3A_164 = arith.addi %add3A_163, %mul3A_162 : i32
      %add3A_165 = arith.constant 0 : i32
      %add3A_166 = arith.addi %add3A_164, %add3A_165 : i32
      %mul3A_167 = arith.constant 96 : i32
      %mul3A_168 = arith.muli %add3A_166, %mul3A_167 : i32
      %dma_wait3A_169 = arith.constant 0 : i32
      %dma_wait3A_170 = arith.constant 0 : i32
      %dma_wait3A_171 = arith.constant 0 : i32
      %dma_wait3A_172 = tpu.memref_slice %arg9[%dma_wait3A_169, %dma_wait3A_170, %dma_wait3A_171] : memref<3x96x128xf32, #tpu.memory_space<vmem>> -> memref<1x96x128xf32, #tpu.memory_space<vmem>>
      %dma_wait3A_173 = tpu.memref_squeeze %dma_wait3A_172 : memref<1x96x128xf32, #tpu.memory_space<vmem>> -> memref<96x128xf32, #tpu.memory_space<vmem>>
      %dma_wait3A_174 = tpu.memref_slice %arg7[%mul3A_168] : memref<5088xi32, #tpu.memory_space<vmem>> -> memref<96xi32, #tpu.memory_space<vmem>>
      %dma_wait3A_175 = arith.constant 0 : i32
      %dma_wait3A_176 = arith.constant 0 : i32
      %dma_wait3A_177 = tpu.memref_slice %arg2[%dma_wait3A_175, %dma_wait3A_176] : memref<10000x128xf32, #tpu.memory_space<hbm>> -> memref<10000x128xf32, #tpu.memory_space<hbm>>
      tpu.wait_indirect_dma semaphore(%arg11 : memref<!tpu.dma_semaphore, #tpu.memory_space<semaphore_mem>>) src(%dma_wait3A_177 : memref<10000x128xf32, #tpu.memory_space<hbm>>) dst(%dma_wait3A_173 : memref<96x128xf32, #tpu.memory_space<vmem>>)
      %run_scoped3A_178 = arith.constant 0 : i32
      "tpu.region"() ({
        %run_scoped3A_228 = tpu.sem_alloc : memref<!tpu.dma_semaphore, #tpu.memory_space<semaphore_mem>>
        %dma_start3A_229 = arith.constant 0 : i32
        %dma_start3A_230 = arith.constant 0 : i32
        %dma_start3A_231 = tpu.memref_slice %arg9[%run_scoped3A_178, %dma_start3A_229, %dma_start3A_230] : memref<3x96x128xf32, #tpu.memory_space<vmem>> -> memref<1x96x128xf32, #tpu.memory_space<vmem>>
        %dma_start3A_232 = tpu.memref_squeeze %dma_start3A_231 : memref<1x96x128xf32, #tpu.memory_space<vmem>> -> memref<96x128xf32, #tpu.memory_space<vmem>>
        %dma_start3A_233 = arith.constant 0 : i32
        %dma_start3A_234 = tpu.memref_slice %arg8[%add3A_166, %dma_start3A_233] : memref<53x96xi32, #tpu.memory_space<vmem>> -> memref<1x96xi32, #tpu.memory_space<vmem>>
        %dma_start3A_235 = tpu.memref_squeeze %dma_start3A_234 : memref<1x96xi32, #tpu.memory_space<vmem>> -> memref<96xi32, #tpu.memory_space<vmem>>
        %dma_start3A_236 = arith.constant 0 : i32
        %dma_start3A_237 = arith.constant 0 : i32
        %dma_start3A_238 = tpu.memref_slice %arg10[%dma_start3A_236, %dma_start3A_237] : memref<10112x128xf32, #tpu.memory_space<vmem_shared>> -> memref<10112x128xf32, #tpu.memory_space<vmem_shared>>
        tpu.enqueue_indirect_dma source(%dma_start3A_232 : memref<96x128xf32, #tpu.memory_space<vmem>>) target(%dma_start3A_238 : memref<10112x128xf32, #tpu.memory_space<vmem_shared>>) offsets(%dma_start3A_235 : memref<96xi32, #tpu.memory_space<vmem>>) semaphore(%run_scoped3A_228 : memref<!tpu.dma_semaphore, #tpu.memory_space<semaphore_mem>>) {add = true}
        %dma_wait3A_239 = arith.constant 0 : i32
        %dma_wait3A_240 = arith.constant 0 : i32
        %dma_wait3A_241 = tpu.memref_slice %arg9[%run_scoped3A_178, %dma_wait3A_239, %dma_wait3A_240] : memref<3x96x128xf32, #tpu.memory_space<vmem>> -> memref<1x96x128xf32, #tpu.memory_space<vmem>>
        %dma_wait3A_242 = tpu.memref_squeeze %dma_wait3A_241 : memref<1x96x128xf32, #tpu.memory_space<vmem>> -> memref<96x128xf32, #tpu.memory_space<vmem>>
        %dma_wait3A_243 = arith.constant 0 : i32
        %dma_wait3A_244 = tpu.memref_slice %arg8[%add3A_166, %dma_wait3A_243] : memref<53x96xi32, #tpu.memory_space<vmem>> -> memref<1x96xi32, #tpu.memory_space<vmem>>
        %dma_wait3A_245 = tpu.memref_squeeze %dma_wait3A_244 : memref<1x96xi32, #tpu.memory_space<vmem>> -> memref<96xi32, #tpu.memory_space<vmem>>
        %dma_wait3A_246 = arith.constant 0 : i32
        %dma_wait3A_247 = arith.constant 0 : i32
        %dma_wait3A_248 = tpu.memref_slice %arg10[%dma_wait3A_246, %dma_wait3A_247] : memref<10112x128xf32, #tpu.memory_space<vmem_shared>> -> memref<10112x128xf32, #tpu.memory_space<vmem_shared>>
        tpu.wait_indirect_dma semaphore(%run_scoped3A_228 : memref<!tpu.dma_semaphore, #tpu.memory_space<semaphore_mem>>) src(%dma_wait3A_242 : memref<96x128xf32, #tpu.memory_space<vmem>>) dst(%dma_wait3A_248 : memref<10112x128xf32, #tpu.memory_space<vmem_shared>>)
        tpu.yield
      }) : () -> ()
      %add3A_179 = arith.constant 3 : i32
      %add3A_180 = arith.addi %add3A_166, %add3A_179 : i32
      %lt3A_181 = arith.constant 53 : i32
      %lt3A_182 = arith.cmpi slt, %add3A_180, %lt3A_181 : i32
      %convert_element_type3A_183 = arith.extui %lt3A_182 : i1 to i32
      %cond3A_184 = arith.constant 0 : i32
      %cond3A_185 = arith.cmpi ne, %convert_element_type3A_183, %cond3A_184 : i32
      scf.if %cond3A_185 {
        %add3A_228 = arith.constant 3 : i32
        %add3A_229 = arith.addi %add3A_166, %add3A_228 : i32
        %mul3A_230 = arith.constant 96 : i32
        %mul3A_231 = arith.muli %add3A_229, %mul3A_230 : i32
        %dma_start3A_232 = arith.constant 0 : i32
        %dma_start3A_233 = arith.constant 0 : i32
        %dma_start3A_234 = arith.constant 0 : i32
        %dma_start3A_235 = tpu.memref_slice %arg9[%dma_start3A_232, %dma_start3A_233, %dma_start3A_234] : memref<3x96x128xf32, #tpu.memory_space<vmem>> -> memref<1x96x128xf32, #tpu.memory_space<vmem>>
        %dma_start3A_236 = tpu.memref_squeeze %dma_start3A_235 : memref<1x96x128xf32, #tpu.memory_space<vmem>> -> memref<96x128xf32, #tpu.memory_space<vmem>>
        %dma_start3A_237 = tpu.memref_slice %arg7[%mul3A_231] : memref<5088xi32, #tpu.memory_space<vmem>> -> memref<96xi32, #tpu.memory_space<vmem>>
        %dma_start3A_238 = arith.constant 0 : i32
        %dma_start3A_239 = arith.constant 0 : i32
        %dma_start3A_240 = tpu.memref_slice %arg2[%dma_start3A_238, %dma_start3A_239] : memref<10000x128xf32, #tpu.memory_space<hbm>> -> memref<10000x128xf32, #tpu.memory_space<hbm>>
        tpu.enqueue_indirect_dma source(%dma_start3A_240 : memref<10000x128xf32, #tpu.memory_space<hbm>>) target(%dma_start3A_236 : memref<96x128xf32, #tpu.memory_space<vmem>>) offsets(%dma_start3A_237 : memref<96xi32, #tpu.memory_space<vmem>>) semaphore(%arg11 : memref<!tpu.dma_semaphore, #tpu.memory_space<semaphore_mem>>)
      } else {
      }
      %add3A_186 = arith.constant 1 : i32
      %add3A_187 = arith.addi %add3A_164, %add3A_186 : i32
      %mul3A_188 = arith.constant 96 : i32
      %mul3A_189 = arith.muli %add3A_187, %mul3A_188 : i32
      %dma_wait3A_190 = arith.constant 1 : i32
      %dma_wait3A_191 = arith.constant 0 : i32
      %dma_wait3A_192 = arith.constant 0 : i32
      %dma_wait3A_193 = tpu.memref_slice %arg9[%dma_wait3A_190, %dma_wait3A_191, %dma_wait3A_192] : memref<3x96x128xf32, #tpu.memory_space<vmem>> -> memref<1x96x128xf32, #tpu.memory_space<vmem>>
      %dma_wait3A_194 = tpu.memref_squeeze %dma_wait3A_193 : memref<1x96x128xf32, #tpu.memory_space<vmem>> -> memref<96x128xf32, #tpu.memory_space<vmem>>
      %dma_wait3A_195 = tpu.memref_slice %arg7[%mul3A_189] : memref<5088xi32, #tpu.memory_space<vmem>> -> memref<96xi32, #tpu.memory_space<vmem>>
      %dma_wait3A_196 = arith.constant 0 : i32
      %dma_wait3A_197 = arith.constant 0 : i32
      %dma_wait3A_198 = tpu.memref_slice %arg2[%dma_wait3A_196, %dma_wait3A_197] : memref<10000x128xf32, #tpu.memory_space<hbm>> -> memref<10000x128xf32, #tpu.memory_space<hbm>>
      tpu.wait_indirect_dma semaphore(%arg12 : memref<!tpu.dma_semaphore, #tpu.memory_space<semaphore_mem>>) src(%dma_wait3A_198 : memref<10000x128xf32, #tpu.memory_space<hbm>>) dst(%dma_wait3A_194 : memref<96x128xf32, #tpu.memory_space<vmem>>)
      %run_scoped3A_199 = arith.constant 1 : i32
      "tpu.region"() ({
        %run_scoped3A_228 = tpu.sem_alloc : memref<!tpu.dma_semaphore, #tpu.memory_space<semaphore_mem>>
        %dma_start3A_229 = arith.constant 0 : i32
        %dma_start3A_230 = arith.constant 0 : i32
        %dma_start3A_231 = tpu.memref_slice %arg9[%run_scoped3A_199, %dma_start3A_229, %dma_start3A_230] : memref<3x96x128xf32, #tpu.memory_space<vmem>> -> memref<1x96x128xf32, #tpu.memory_space<vmem>>
        %dma_start3A_232 = tpu.memref_squeeze %dma_start3A_231 : memref<1x96x128xf32, #tpu.memory_space<vmem>> -> memref<96x128xf32, #tpu.memory_space<vmem>>
        %dma_start3A_233 = arith.constant 0 : i32
        %dma_start3A_234 = tpu.memref_slice %arg8[%add3A_187, %dma_start3A_233] : memref<53x96xi32, #tpu.memory_space<vmem>> -> memref<1x96xi32, #tpu.memory_space<vmem>>
        %dma_start3A_235 = tpu.memref_squeeze %dma_start3A_234 : memref<1x96xi32, #tpu.memory_space<vmem>> -> memref<96xi32, #tpu.memory_space<vmem>>
        %dma_start3A_236 = arith.constant 0 : i32
        %dma_start3A_237 = arith.constant 0 : i32
        %dma_start3A_238 = tpu.memref_slice %arg10[%dma_start3A_236, %dma_start3A_237] : memref<10112x128xf32, #tpu.memory_space<vmem_shared>> -> memref<10112x128xf32, #tpu.memory_space<vmem_shared>>
        tpu.enqueue_indirect_dma source(%dma_start3A_232 : memref<96x128xf32, #tpu.memory_space<vmem>>) target(%dma_start3A_238 : memref<10112x128xf32, #tpu.memory_space<vmem_shared>>) offsets(%dma_start3A_235 : memref<96xi32, #tpu.memory_space<vmem>>) semaphore(%run_scoped3A_228 : memref<!tpu.dma_semaphore, #tpu.memory_space<semaphore_mem>>) {add = true}
        %dma_wait3A_239 = arith.constant 0 : i32
        %dma_wait3A_240 = arith.constant 0 : i32
        %dma_wait3A_241 = tpu.memref_slice %arg9[%run_scoped3A_199, %dma_wait3A_239, %dma_wait3A_240] : memref<3x96x128xf32, #tpu.memory_space<vmem>> -> memref<1x96x128xf32, #tpu.memory_space<vmem>>
        %dma_wait3A_242 = tpu.memref_squeeze %dma_wait3A_241 : memref<1x96x128xf32, #tpu.memory_space<vmem>> -> memref<96x128xf32, #tpu.memory_space<vmem>>
        %dma_wait3A_243 = arith.constant 0 : i32
        %dma_wait3A_244 = tpu.memref_slice %arg8[%add3A_187, %dma_wait3A_243] : memref<53x96xi32, #tpu.memory_space<vmem>> -> memref<1x96xi32, #tpu.memory_space<vmem>>
        %dma_wait3A_245 = tpu.memref_squeeze %dma_wait3A_244 : memref<1x96xi32, #tpu.memory_space<vmem>> -> memref<96xi32, #tpu.memory_space<vmem>>
        %dma_wait3A_246 = arith.constant 0 : i32
        %dma_wait3A_247 = arith.constant 0 : i32
        %dma_wait3A_248 = tpu.memref_slice %arg10[%dma_wait3A_246, %dma_wait3A_247] : memref<10112x128xf32, #tpu.memory_space<vmem_shared>> -> memref<10112x128xf32, #tpu.memory_space<vmem_shared>>
        tpu.wait_indirect_dma semaphore(%run_scoped3A_228 : memref<!tpu.dma_semaphore, #tpu.memory_space<semaphore_mem>>) src(%dma_wait3A_242 : memref<96x128xf32, #tpu.memory_space<vmem>>) dst(%dma_wait3A_248 : memref<10112x128xf32, #tpu.memory_space<vmem_shared>>)
        tpu.yield
      }) : () -> ()
      %add3A_200 = arith.constant 3 : i32
      %add3A_201 = arith.addi %add3A_187, %add3A_200 : i32
      %lt3A_202 = arith.constant 53 : i32
      %lt3A_203 = arith.cmpi slt, %add3A_201, %lt3A_202 : i32
      %convert_element_type3A_204 = arith.extui %lt3A_203 : i1 to i32
      %cond3A_205 = arith.constant 0 : i32
      %cond3A_206 = arith.cmpi ne, %convert_element_type3A_204, %cond3A_205 : i32
      scf.if %cond3A_206 {
        %add3A_228 = arith.constant 3 : i32
        %add3A_229 = arith.addi %add3A_187, %add3A_228 : i32
        %mul3A_230 = arith.constant 96 : i32
        %mul3A_231 = arith.muli %add3A_229, %mul3A_230 : i32
        %dma_start3A_232 = arith.constant 1 : i32
        %dma_start3A_233 = arith.constant 0 : i32
        %dma_start3A_234 = arith.constant 0 : i32
        %dma_start3A_235 = tpu.memref_slice %arg9[%dma_start3A_232, %dma_start3A_233, %dma_start3A_234] : memref<3x96x128xf32, #tpu.memory_space<vmem>> -> memref<1x96x128xf32, #tpu.memory_space<vmem>>
        %dma_start3A_236 = tpu.memref_squeeze %dma_start3A_235 : memref<1x96x128xf32, #tpu.memory_space<vmem>> -> memref<96x128xf32, #tpu.memory_space<vmem>>
        %dma_start3A_237 = tpu.memref_slice %arg7[%mul3A_231] : memref<5088xi32, #tpu.memory_space<vmem>> -> memref<96xi32, #tpu.memory_space<vmem>>
        %dma_start3A_238 = arith.constant 0 : i32
        %dma_start3A_239 = arith.constant 0 : i32
        %dma_start3A_240 = tpu.memref_slice %arg2[%dma_start3A_238, %dma_start3A_239] : memref<10000x128xf32, #tpu.memory_space<hbm>> -> memref<10000x128xf32, #tpu.memory_space<hbm>>
        tpu.enqueue_indirect_dma source(%dma_start3A_240 : memref<10000x128xf32, #tpu.memory_space<hbm>>) target(%dma_start3A_236 : memref<96x128xf32, #tpu.memory_space<vmem>>) offsets(%dma_start3A_237 : memref<96xi32, #tpu.memory_space<vmem>>) semaphore(%arg12 : memref<!tpu.dma_semaphore, #tpu.memory_space<semaphore_mem>>)
      } else {
      }
      %add3A_207 = arith.constant 2 : i32
      %add3A_208 = arith.addi %add3A_164, %add3A_207 : i32
      %mul3A_209 = arith.constant 96 : i32
      %mul3A_210 = arith.muli %add3A_208, %mul3A_209 : i32
      %dma_wait3A_211 = arith.constant 2 : i32
      %dma_wait3A_212 = arith.constant 0 : i32
      %dma_wait3A_213 = arith.constant 0 : i32
      %dma_wait3A_214 = tpu.memref_slice %arg9[%dma_wait3A_211, %dma_wait3A_212, %dma_wait3A_213] : memref<3x96x128xf32, #tpu.memory_space<vmem>> -> memref<1x96x128xf32, #tpu.memory_space<vmem>>
      %dma_wait3A_215 = tpu.memref_squeeze %dma_wait3A_214 : memref<1x96x128xf32, #tpu.memory_space<vmem>> -> memref<96x128xf32, #tpu.memory_space<vmem>>
      %dma_wait3A_216 = tpu.memref_slice %arg7[%mul3A_210] : memref<5088xi32, #tpu.memory_space<vmem>> -> memref<96xi32, #tpu.memory_space<vmem>>
      %dma_wait3A_217 = arith.constant 0 : i32
      %dma_wait3A_218 = arith.constant 0 : i32
      %dma_wait3A_219 = tpu.memref_slice %arg2[%dma_wait3A_217, %dma_wait3A_218] : memref<10000x128xf32, #tpu.memory_space<hbm>> -> memref<10000x128xf32, #tpu.memory_space<hbm>>
      tpu.wait_indirect_dma semaphore(%arg13 : memref<!tpu.dma_semaphore, #tpu.memory_space<semaphore_mem>>) src(%dma_wait3A_219 : memref<10000x128xf32, #tpu.memory_space<hbm>>) dst(%dma_wait3A_215 : memref<96x128xf32, #tpu.memory_space<vmem>>)
      %run_scoped3A_220 = arith.constant 2 : i32
      "tpu.region"() ({
        %run_scoped3A_228 = tpu.sem_alloc : memref<!tpu.dma_semaphore, #tpu.memory_space<semaphore_mem>>
        %dma_start3A_229 = arith.constant 0 : i32
        %dma_start3A_230 = arith.constant 0 : i32
        %dma_start3A_231 = tpu.memref_slice %arg9[%run_scoped3A_220, %dma_start3A_229, %dma_start3A_230] : memref<3x96x128xf32, #tpu.memory_space<vmem>> -> memref<1x96x128xf32, #tpu.memory_space<vmem>>
        %dma_start3A_232 = tpu.memref_squeeze %dma_start3A_231 : memref<1x96x128xf32, #tpu.memory_space<vmem>> -> memref<96x128xf32, #tpu.memory_space<vmem>>
        %dma_start3A_233 = arith.constant 0 : i32
        %dma_start3A_234 = tpu.memref_slice %arg8[%add3A_208, %dma_start3A_233] : memref<53x96xi32, #tpu.memory_space<vmem>> -> memref<1x96xi32, #tpu.memory_space<vmem>>
        %dma_start3A_235 = tpu.memref_squeeze %dma_start3A_234 : memref<1x96xi32, #tpu.memory_space<vmem>> -> memref<96xi32, #tpu.memory_space<vmem>>
        %dma_start3A_236 = arith.constant 0 : i32
        %dma_start3A_237 = arith.constant 0 : i32
        %dma_start3A_238 = tpu.memref_slice %arg10[%dma_start3A_236, %dma_start3A_237] : memref<10112x128xf32, #tpu.memory_space<vmem_shared>> -> memref<10112x128xf32, #tpu.memory_space<vmem_shared>>
        tpu.enqueue_indirect_dma source(%dma_start3A_232 : memref<96x128xf32, #tpu.memory_space<vmem>>) target(%dma_start3A_238 : memref<10112x128xf32, #tpu.memory_space<vmem_shared>>) offsets(%dma_start3A_235 : memref<96xi32, #tpu.memory_space<vmem>>) semaphore(%run_scoped3A_228 : memref<!tpu.dma_semaphore, #tpu.memory_space<semaphore_mem>>) {add = true}
        %dma_wait3A_239 = arith.constant 0 : i32
        %dma_wait3A_240 = arith.constant 0 : i32
        %dma_wait3A_241 = tpu.memref_slice %arg9[%run_scoped3A_220, %dma_wait3A_239, %dma_wait3A_240] : memref<3x96x128xf32, #tpu.memory_space<vmem>> -> memref<1x96x128xf32, #tpu.memory_space<vmem>>
        %dma_wait3A_242 = tpu.memref_squeeze %dma_wait3A_241 : memref<1x96x128xf32, #tpu.memory_space<vmem>> -> memref<96x128xf32, #tpu.memory_space<vmem>>
        %dma_wait3A_243 = arith.constant 0 : i32
        %dma_wait3A_244 = tpu.memref_slice %arg8[%add3A_208, %dma_wait3A_243] : memref<53x96xi32, #tpu.memory_space<vmem>> -> memref<1x96xi32, #tpu.memory_space<vmem>>
        %dma_wait3A_245 = tpu.memref_squeeze %dma_wait3A_244 : memref<1x96xi32, #tpu.memory_space<vmem>> -> memref<96xi32, #tpu.memory_space<vmem>>
        %dma_wait3A_246 = arith.constant 0 : i32
        %dma_wait3A_247 = arith.constant 0 : i32
        %dma_wait3A_248 = tpu.memref_slice %arg10[%dma_wait3A_246, %dma_wait3A_247] : memref<10112x128xf32, #tpu.memory_space<vmem_shared>> -> memref<10112x128xf32, #tpu.memory_space<vmem_shared>>
        tpu.wait_indirect_dma semaphore(%run_scoped3A_228 : memref<!tpu.dma_semaphore, #tpu.memory_space<semaphore_mem>>) src(%dma_wait3A_242 : memref<96x128xf32, #tpu.memory_space<vmem>>) dst(%dma_wait3A_248 : memref<10112x128xf32, #tpu.memory_space<vmem_shared>>)
        tpu.yield
      }) : () -> ()
      %add3A_221 = arith.constant 3 : i32
      %add3A_222 = arith.addi %add3A_208, %add3A_221 : i32
      %lt3A_223 = arith.constant 53 : i32
      %lt3A_224 = arith.cmpi slt, %add3A_222, %lt3A_223 : i32
      %convert_element_type3A_225 = arith.extui %lt3A_224 : i1 to i32
      %cond3A_226 = arith.constant 0 : i32
      %cond3A_227 = arith.cmpi ne, %convert_element_type3A_225, %cond3A_226 : i32
      scf.if %cond3A_227 {
        %add3A_228 = arith.constant 3 : i32
        %add3A_229 = arith.addi %add3A_208, %add3A_228 : i32
        %mul3A_230 = arith.constant 96 : i32
        %mul3A_231 = arith.muli %add3A_229, %mul3A_230 : i32
        %dma_start3A_232 = arith.constant 2 : i32
        %dma_start3A_233 = arith.constant 0 : i32
        %dma_start3A_234 = arith.constant 0 : i32
        %dma_start3A_235 = tpu.memref_slice %arg9[%dma_start3A_232, %dma_start3A_233, %dma_start3A_234] : memref<3x96x128xf32, #tpu.memory_space<vmem>> -> memref<1x96x128xf32, #tpu.memory_space<vmem>>
        %dma_start3A_236 = tpu.memref_squeeze %dma_start3A_235 : memref<1x96x128xf32, #tpu.memory_space<vmem>> -> memref<96x128xf32, #tpu.memory_space<vmem>>
        %dma_start3A_237 = tpu.memref_slice %arg7[%mul3A_231] : memref<5088xi32, #tpu.memory_space<vmem>> -> memref<96xi32, #tpu.memory_space<vmem>>
        %dma_start3A_238 = arith.constant 0 : i32
        %dma_start3A_239 = arith.constant 0 : i32
        %dma_start3A_240 = tpu.memref_slice %arg2[%dma_start3A_238, %dma_start3A_239] : memref<10000x128xf32, #tpu.memory_space<hbm>> -> memref<10000x128xf32, #tpu.memory_space<hbm>>
        tpu.enqueue_indirect_dma source(%dma_start3A_240 : memref<10000x128xf32, #tpu.memory_space<hbm>>) target(%dma_start3A_236 : memref<96x128xf32, #tpu.memory_space<vmem>>) offsets(%dma_start3A_237 : memref<96xi32, #tpu.memory_space<vmem>>) semaphore(%arg13 : memref<!tpu.dma_semaphore, #tpu.memory_space<semaphore_mem>>)
      } else {
      }
    }
    %scan3A_134 = arith.constant 17 : i32
    %dma_wait3A_135 = arith.constant 0 : i32
    %dma_wait3A_136 = arith.constant 0 : i32
    %dma_wait3A_137 = arith.constant 0 : i32
    %dma_wait3A_138 = tpu.memref_slice %arg9[%dma_wait3A_135, %dma_wait3A_136, %dma_wait3A_137] : memref<3x96x128xf32, #tpu.memory_space<vmem>> -> memref<1x96x128xf32, #tpu.memory_space<vmem>>
    %dma_wait3A_139 = tpu.memref_squeeze %dma_wait3A_138 : memref<1x96x128xf32, #tpu.memory_space<vmem>> -> memref<96x128xf32, #tpu.memory_space<vmem>>
    %dma_wait3A_140 = arith.constant 4896 : i32
    %dma_wait3A_141 = tpu.memref_slice %arg7[%dma_wait3A_140] : memref<5088xi32, #tpu.memory_space<vmem>> -> memref<96xi32, #tpu.memory_space<vmem>>
    %dma_wait3A_142 = arith.constant 0 : i32
    %dma_wait3A_143 = arith.constant 0 : i32
    %dma_wait3A_144 = tpu.memref_slice %arg2[%dma_wait3A_142, %dma_wait3A_143] : memref<10000x128xf32, #tpu.memory_space<hbm>> -> memref<10000x128xf32, #tpu.memory_space<hbm>>
    tpu.wait_indirect_dma semaphore(%arg11 : memref<!tpu.dma_semaphore, #tpu.memory_space<semaphore_mem>>) src(%dma_wait3A_144 : memref<10000x128xf32, #tpu.memory_space<hbm>>) dst(%dma_wait3A_139 : memref<96x128xf32, #tpu.memory_space<vmem>>)
    %run_scoped3A_145 = arith.constant 0 : i32
    %run_scoped3A_146 = arith.constant 51 : i32
    "tpu.region"() ({
      %run_scoped3A_160 = tpu.sem_alloc : memref<!tpu.dma_semaphore, #tpu.memory_space<semaphore_mem>>
      %dma_start3A_161 = arith.constant 0 : i32
      %dma_start3A_162 = arith.constant 0 : i32
      %dma_start3A_163 = tpu.memref_slice %arg9[%run_scoped3A_145, %dma_start3A_161, %dma_start3A_162] : memref<3x96x128xf32, #tpu.memory_space<vmem>> -> memref<1x96x128xf32, #tpu.memory_space<vmem>>
      %dma_start3A_164 = tpu.memref_squeeze %dma_start3A_163 : memref<1x96x128xf32, #tpu.memory_space<vmem>> -> memref<96x128xf32, #tpu.memory_space<vmem>>
      %dma_start3A_165 = arith.constant 0 : i32
      %dma_start3A_166 = tpu.memref_slice %arg8[%run_scoped3A_146, %dma_start3A_165] : memref<53x96xi32, #tpu.memory_space<vmem>> -> memref<1x96xi32, #tpu.memory_space<vmem>>
      %dma_start3A_167 = tpu.memref_squeeze %dma_start3A_166 : memref<1x96xi32, #tpu.memory_space<vmem>> -> memref<96xi32, #tpu.memory_space<vmem>>
      %dma_start3A_168 = arith.constant 0 : i32
      %dma_start3A_169 = arith.constant 0 : i32
      %dma_start3A_170 = tpu.memref_slice %arg10[%dma_start3A_168, %dma_start3A_169] : memref<10112x128xf32, #tpu.memory_space<vmem_shared>> -> memref<10112x128xf32, #tpu.memory_space<vmem_shared>>
      tpu.enqueue_indirect_dma source(%dma_start3A_164 : memref<96x128xf32, #tpu.memory_space<vmem>>) target(%dma_start3A_170 : memref<10112x128xf32, #tpu.memory_space<vmem_shared>>) offsets(%dma_start3A_167 : memref<96xi32, #tpu.memory_space<vmem>>) semaphore(%run_scoped3A_160 : memref<!tpu.dma_semaphore, #tpu.memory_space<semaphore_mem>>) {add = true}
      %dma_wait3A_171 = arith.constant 0 : i32
      %dma_wait3A_172 = arith.constant 0 : i32
      %dma_wait3A_173 = tpu.memref_slice %arg9[%run_scoped3A_145, %dma_wait3A_171, %dma_wait3A_172] : memref<3x96x128xf32, #tpu.memory_space<vmem>> -> memref<1x96x128xf32, #tpu.memory_space<vmem>>
      %dma_wait3A_174 = tpu.memref_squeeze %dma_wait3A_173 : memref<1x96x128xf32, #tpu.memory_space<vmem>> -> memref<96x128xf32, #tpu.memory_space<vmem>>
      %dma_wait3A_175 = arith.constant 0 : i32
      %dma_wait3A_176 = tpu.memref_slice %arg8[%run_scoped3A_146, %dma_wait3A_175] : memref<53x96xi32, #tpu.memory_space<vmem>> -> memref<1x96xi32, #tpu.memory_space<vmem>>
      %dma_wait3A_177 = tpu.memref_squeeze %dma_wait3A_176 : memref<1x96xi32, #tpu.memory_space<vmem>> -> memref<96xi32, #tpu.memory_space<vmem>>
      %dma_wait3A_178 = arith.constant 0 : i32
      %dma_wait3A_179 = arith.constant 0 : i32
      %dma_wait3A_180 = tpu.memref_slice %arg10[%dma_wait3A_178, %dma_wait3A_179] : memref<10112x128xf32, #tpu.memory_space<vmem_shared>> -> memref<10112x128xf32, #tpu.memory_space<vmem_shared>>
      tpu.wait_indirect_dma semaphore(%run_scoped3A_160 : memref<!tpu.dma_semaphore, #tpu.memory_space<semaphore_mem>>) src(%dma_wait3A_174 : memref<96x128xf32, #tpu.memory_space<vmem>>) dst(%dma_wait3A_180 : memref<10112x128xf32, #tpu.memory_space<vmem_shared>>)
      tpu.yield
    }) : () -> ()
    %dma_wait3A_147 = arith.constant 1 : i32
    %dma_wait3A_148 = arith.constant 0 : i32
    %dma_wait3A_149 = arith.constant 0 : i32
    %dma_wait3A_150 = tpu.memref_slice %arg9[%dma_wait3A_147, %dma_wait3A_148, %dma_wait3A_149] : memref<3x96x128xf32, #tpu.memory_space<vmem>> -> memref<1x96x128xf32, #tpu.memory_space<vmem>>
    %dma_wait3A_151 = tpu.memref_squeeze %dma_wait3A_150 : memref<1x96x128xf32, #tpu.memory_space<vmem>> -> memref<96x128xf32, #tpu.memory_space<vmem>>
    %dma_wait3A_152 = arith.constant 4992 : i32
    %dma_wait3A_153 = tpu.memref_slice %arg7[%dma_wait3A_152] : memref<5088xi32, #tpu.memory_space<vmem>> -> memref<96xi32, #tpu.memory_space<vmem>>
    %dma_wait3A_154 = arith.constant 0 : i32
    %dma_wait3A_155 = arith.constant 0 : i32
    %dma_wait3A_156 = tpu.memref_slice %arg2[%dma_wait3A_154, %dma_wait3A_155] : memref<10000x128xf32, #tpu.memory_space<hbm>> -> memref<10000x128xf32, #tpu.memory_space<hbm>>
    tpu.wait_indirect_dma semaphore(%arg12 : memref<!tpu.dma_semaphore, #tpu.memory_space<semaphore_mem>>) src(%dma_wait3A_156 : memref<10000x128xf32, #tpu.memory_space<hbm>>) dst(%dma_wait3A_151 : memref<96x128xf32, #tpu.memory_space<vmem>>)
    %run_scoped3A_157 = arith.constant 1 : i32
    %run_scoped3A_158 = arith.constant 52 : i32
    "tpu.region"() ({
      %run_scoped3A_160 = tpu.sem_alloc : memref<!tpu.dma_semaphore, #tpu.memory_space<semaphore_mem>>
      %dma_start3A_161 = arith.constant 0 : i32
      %dma_start3A_162 = arith.constant 0 : i32
      %dma_start3A_163 = tpu.memref_slice %arg9[%run_scoped3A_157, %dma_start3A_161, %dma_start3A_162] : memref<3x96x128xf32, #tpu.memory_space<vmem>> -> memref<1x96x128xf32, #tpu.memory_space<vmem>>
      %dma_start3A_164 = tpu.memref_squeeze %dma_start3A_163 : memref<1x96x128xf32, #tpu.memory_space<vmem>> -> memref<96x128xf32, #tpu.memory_space<vmem>>
      %dma_start3A_165 = arith.constant 0 : i32
      %dma_start3A_166 = tpu.memref_slice %arg8[%run_scoped3A_158, %dma_start3A_165] : memref<53x96xi32, #tpu.memory_space<vmem>> -> memref<1x96xi32, #tpu.memory_space<vmem>>
      %dma_start3A_167 = tpu.memref_squeeze %dma_start3A_166 : memref<1x96xi32, #tpu.memory_space<vmem>> -> memref<96xi32, #tpu.memory_space<vmem>>
      %dma_start3A_168 = arith.constant 0 : i32
      %dma_start3A_169 = arith.constant 0 : i32
      %dma_start3A_170 = tpu.memref_slice %arg10[%dma_start3A_168, %dma_start3A_169] : memref<10112x128xf32, #tpu.memory_space<vmem_shared>> -> memref<10112x128xf32, #tpu.memory_space<vmem_shared>>
      tpu.enqueue_indirect_dma source(%dma_start3A_164 : memref<96x128xf32, #tpu.memory_space<vmem>>) target(%dma_start3A_170 : memref<10112x128xf32, #tpu.memory_space<vmem_shared>>) offsets(%dma_start3A_167 : memref<96xi32, #tpu.memory_space<vmem>>) semaphore(%run_scoped3A_160 : memref<!tpu.dma_semaphore, #tpu.memory_space<semaphore_mem>>) {add = true}
      %dma_wait3A_171 = arith.constant 0 : i32
      %dma_wait3A_172 = arith.constant 0 : i32
      %dma_wait3A_173 = tpu.memref_slice %arg9[%run_scoped3A_157, %dma_wait3A_171, %dma_wait3A_172] : memref<3x96x128xf32, #tpu.memory_space<vmem>> -> memref<1x96x128xf32, #tpu.memory_space<vmem>>
      %dma_wait3A_174 = tpu.memref_squeeze %dma_wait3A_173 : memref<1x96x128xf32, #tpu.memory_space<vmem>> -> memref<96x128xf32, #tpu.memory_space<vmem>>
      %dma_wait3A_175 = arith.constant 0 : i32
      %dma_wait3A_176 = tpu.memref_slice %arg8[%run_scoped3A_158, %dma_wait3A_175] : memref<53x96xi32, #tpu.memory_space<vmem>> -> memref<1x96xi32, #tpu.memory_space<vmem>>
      %dma_wait3A_177 = tpu.memref_squeeze %dma_wait3A_176 : memref<1x96xi32, #tpu.memory_space<vmem>> -> memref<96xi32, #tpu.memory_space<vmem>>
      %dma_wait3A_178 = arith.constant 0 : i32
      %dma_wait3A_179 = arith.constant 0 : i32
      %dma_wait3A_180 = tpu.memref_slice %arg10[%dma_wait3A_178, %dma_wait3A_179] : memref<10112x128xf32, #tpu.memory_space<vmem_shared>> -> memref<10112x128xf32, #tpu.memory_space<vmem_shared>>
      tpu.wait_indirect_dma semaphore(%run_scoped3A_160 : memref<!tpu.dma_semaphore, #tpu.memory_space<semaphore_mem>>) src(%dma_wait3A_174 : memref<96x128xf32, #tpu.memory_space<vmem>>) dst(%dma_wait3A_180 : memref<10112x128xf32, #tpu.memory_space<vmem_shared>>)
      tpu.yield
    }) : () -> ()
    %barrier3A_159 = arith.constant 0 : index
    tpu.barrier barrier_id(%barrier3A_159)
    "tpu.region"() ({
      %run_scoped3A_160 = tpu.sem_alloc : memref<!tpu.dma_semaphore, #tpu.memory_space<semaphore_mem>>
      %dma_start3A_161 = arith.constant 0 : i32
      %dma_start3A_162 = tpu.memref_slice %arg6[%arg0, %mul3A_2, %dma_start3A_161] : memref<2x10112x128xf32, #tpu.memory_space<hbm>> -> memref<1x632x128xf32, #tpu.memory_space<hbm>>
      %dma_start3A_163 = tpu.memref_squeeze %dma_start3A_162 : memref<1x632x128xf32, #tpu.memory_space<hbm>> -> memref<632x128xf32, #tpu.memory_space<hbm>>
      %dma_start3A_164 = arith.constant 0 : i32
      %dma_start3A_165 = tpu.memref_slice %arg10[%mul3A_2, %dma_start3A_164] : memref<10112x128xf32, #tpu.memory_space<vmem_shared>> -> memref<632x128xf32, #tpu.memory_space<vmem_shared>>
      tpu.enqueue_dma source(%dma_start3A_165 : memref<632x128xf32, #tpu.memory_space<vmem_shared>>) target(%dma_start3A_163 : memref<632x128xf32, #tpu.memory_space<hbm>>) target_semaphore(%run_scoped3A_160 : memref<!tpu.dma_semaphore, #tpu.memory_space<semaphore_mem>>)
      %dma_wait3A_166 = arith.constant 0 : i32
      %dma_wait3A_167 = tpu.memref_slice %arg6[%arg0, %mul3A_2, %dma_wait3A_166] : memref<2x10112x128xf32, #tpu.memory_space<hbm>> -> memref<1x632x128xf32, #tpu.memory_space<hbm>>
      %dma_wait3A_168 = tpu.memref_squeeze %dma_wait3A_167 : memref<1x632x128xf32, #tpu.memory_space<hbm>> -> memref<632x128xf32, #tpu.memory_space<hbm>>
      %dma_wait3A_169 = arith.constant 0 : i32
      %dma_wait3A_170 = tpu.memref_slice %arg10[%mul3A_2, %dma_wait3A_169] : memref<10112x128xf32, #tpu.memory_space<vmem_shared>> -> memref<632x128xf32, #tpu.memory_space<vmem_shared>>
      tpu.wait_dma2 semaphore(%run_scoped3A_160 : memref<!tpu.dma_semaphore, #tpu.memory_space<semaphore_mem>>) src(%dma_wait3A_170 : memref<632x128xf32, #tpu.memory_space<vmem_shared>>) dst(%dma_wait3A_168 : memref<632x128xf32, #tpu.memory_space<hbm>>)
      tpu.yield
    }) : () -> ()
    return
  }
}

#map = affine_map<(d0, d1) -> (0, 0)>
#map1 = affine_map<(d0, d1) -> (0, 0, 0)>
module attributes {stable_mosaic.version = 14 : i64} {
  func.func @_agg_kernel(%arg0: i32, %arg1: i32, %arg2: memref<10000x128xf32, #tpu.memory_space<hbm>>, %arg3: memref<10000x128xf32, #tpu.memory_space<hbm>>, %arg4: memref<64x5088xi32, #tpu.memory_space<hbm>>, %arg5: memref<64x53x96xi32, #tpu.memory_space<hbm>>, %arg6: memref<2x10112x128xf32, #tpu.memory_space<hbm>>, %arg7: memref<5088xi32, #tpu.memory_space<vmem>>, %arg8: memref<53x96xi32, #tpu.memory_space<vmem>>, %arg9: memref<3x96x128xf32, #tpu.memory_space<vmem>>, %arg10: memref<10112x128xf32, #tpu.memory_space<vmem_shared>>, %arg11: memref<!tpu.dma_semaphore, #tpu.memory_space<semaphore_mem>>, %arg12: memref<!tpu.dma_semaphore, #tpu.memory_space<semaphore_mem>>, %arg13: memref<!tpu.dma_semaphore, #tpu.memory_space<semaphore_mem>>) attributes {dimension_semantics = [#tpu.dimension_semantics<core_parallel>, #tpu.dimension_semantics<subcore_parallel>], iteration_bounds = array<i64: 2, 16>, scalar_prefetch = 0 : i64, scratch_operands = 7 : i64, tpu.core_type = #tpu.core_type<sc_vector_subcore>, window_params = [{transform_indices = #map}, {transform_indices = #map}, {transform_indices = #map}, {transform_indices = #map1}, {transform_indices = #map1}]} {
    %mul3A = arith.constant 2 : i32
    %mul3A_0 = arith.muli %arg1, %mul3A : i32
    %add3A = arith.addi %mul3A_0, %arg0 : i32
    %mul3A_1 = arith.constant 632 : i32
    %mul3A_2 = arith.muli %arg1, %mul3A_1 : i32
    %eq3A = arith.constant 0 : i32
    %eq3A_3 = arith.cmpi eq, %arg0, %eq3A : i32
    %lt3A = arith.constant 15 : i32
    %lt3A_4 = arith.cmpi slt, %arg1, %lt3A : i32
    %and3A = arith.andi %eq3A_3, %lt3A_4 : i1
    %convert_element_type3A = arith.extui %and3A : i1 to i32
    %cond3A = arith.constant 0 : i32
    %cond3A_5 = arith.cmpi ne, %convert_element_type3A, %cond3A : i32
    scf.if %cond3A_5 {
      "tpu.region"() ({
        %run_scoped3A_160 = tpu.sem_alloc : memref<!tpu.dma_semaphore, #tpu.memory_space<semaphore_mem>>
        %dma_start3A_161 = arith.constant 0 : i32
        %dma_start3A_162 = tpu.memref_slice %arg10[%mul3A_2, %dma_start3A_161] : memref<10112x128xf32, #tpu.memory_space<vmem_shared>> -> memref<632x128xf32, #tpu.memory_space<vmem_shared>>
        %dma_start3A_163 = arith.constant 0 : i32
        %dma_start3A_164 = tpu.memref_slice %arg2[%mul3A_2, %dma_start3A_163] : memref<10000x128xf32, #tpu.memory_space<hbm>> -> memref<632x128xf32, #tpu.memory_space<hbm>>
        tpu.enqueue_dma source(%dma_start3A_164 : memref<632x128xf32, #tpu.memory_space<hbm>>) target(%dma_start3A_162 : memref<632x128xf32, #tpu.memory_space<vmem_shared>>) target_semaphore(%run_scoped3A_160 : memref<!tpu.dma_semaphore, #tpu.memory_space<semaphore_mem>>)
        %dma_wait3A_165 = arith.constant 0 : i32
        %dma_wait3A_166 = tpu.memref_slice %arg10[%mul3A_2, %dma_wait3A_165] : memref<10112x128xf32, #tpu.memory_space<vmem_shared>> -> memref<632x128xf32, #tpu.memory_space<vmem_shared>>
        %dma_wait3A_167 = arith.constant 0 : i32
        %dma_wait3A_168 = tpu.memref_slice %arg2[%mul3A_2, %dma_wait3A_167] : memref<10000x128xf32, #tpu.memory_space<hbm>> -> memref<632x128xf32, #tpu.memory_space<hbm>>
        tpu.wait_dma2 semaphore(%run_scoped3A_160 : memref<!tpu.dma_semaphore, #tpu.memory_space<semaphore_mem>>) src(%dma_wait3A_168 : memref<632x128xf32, #tpu.memory_space<hbm>>) dst(%dma_wait3A_166 : memref<632x128xf32, #tpu.memory_space<vmem_shared>>)
        tpu.yield
      }) : () -> ()
    } else {
    }
    %eq3A_6 = arith.constant 0 : i32
    %eq3A_7 = arith.cmpi eq, %arg0, %eq3A_6 : i32
    %eq3A_8 = arith.constant 15 : i32
    %eq3A_9 = arith.cmpi eq, %arg1, %eq3A_8 : i32
    %and3A_10 = arith.andi %eq3A_7, %eq3A_9 : i1
    %convert_element_type3A_11 = arith.extui %and3A_10 : i1 to i32
    %cond3A_12 = arith.constant 0 : i32
    %cond3A_13 = arith.cmpi ne, %convert_element_type3A_11, %cond3A_12 : i32
    scf.if %cond3A_13 {
      "tpu.region"() ({
        %run_scoped3A_160 = tpu.sem_alloc : memref<!tpu.dma_semaphore, #tpu.memory_space<semaphore_mem>>
        %dma_start3A_161 = arith.constant 0 : i32
        %dma_start3A_162 = tpu.memref_slice %arg10[%mul3A_2, %dma_start3A_161] : memref<10112x128xf32, #tpu.memory_space<vmem_shared>> -> memref<520x128xf32, #tpu.memory_space<vmem_shared>>
        %dma_start3A_163 = arith.constant 0 : i32
        %dma_start3A_164 = tpu.memref_slice %arg2[%mul3A_2, %dma_start3A_163] : memref<10000x128xf32, #tpu.memory_space<hbm>> -> memref<520x128xf32, #tpu.memory_space<hbm>>
        tpu.enqueue_dma source(%dma_start3A_164 : memref<520x128xf32, #tpu.memory_space<hbm>>) target(%dma_start3A_162 : memref<520x128xf32, #tpu.memory_space<vmem_shared>>) target_semaphore(%run_scoped3A_160 : memref<!tpu.dma_semaphore, #tpu.memory_space<semaphore_mem>>)
        %dma_wait3A_165 = arith.constant 0 : i32
        %dma_wait3A_166 = tpu.memref_slice %arg10[%mul3A_2, %dma_wait3A_165] : memref<10112x128xf32, #tpu.memory_space<vmem_shared>> -> memref<520x128xf32, #tpu.memory_space<vmem_shared>>
        %dma_wait3A_167 = arith.constant 0 : i32
        %dma_wait3A_168 = tpu.memref_slice %arg2[%mul3A_2, %dma_wait3A_167] : memref<10000x128xf32, #tpu.memory_space<hbm>> -> memref<520x128xf32, #tpu.memory_space<hbm>>
        tpu.wait_dma2 semaphore(%run_scoped3A_160 : memref<!tpu.dma_semaphore, #tpu.memory_space<semaphore_mem>>) src(%dma_wait3A_168 : memref<520x128xf32, #tpu.memory_space<hbm>>) dst(%dma_wait3A_166 : memref<520x128xf32, #tpu.memory_space<vmem_shared>>)
        tpu.yield
      }) : () -> ()
    } else {
    }
    %ne3A = arith.constant 0 : i32
    %ne3A_14 = arith.cmpi ne, %arg0, %ne3A : i32
    %lt3A_15 = arith.constant 15 : i32
    %lt3A_16 = arith.cmpi slt, %arg1, %lt3A_15 : i32
    %and3A_17 = arith.andi %ne3A_14, %lt3A_16 : i1
    %convert_element_type3A_18 = arith.extui %and3A_17 : i1 to i32
    %cond3A_19 = arith.constant 0 : i32
    %cond3A_20 = arith.cmpi ne, %convert_element_type3A_18, %cond3A_19 : i32
    scf.if %cond3A_20 {
      "tpu.region"() ({
        %run_scoped3A_160 = tpu.sem_alloc : memref<!tpu.dma_semaphore, #tpu.memory_space<semaphore_mem>>
        %dma_start3A_161 = arith.constant 0 : i32
        %dma_start3A_162 = tpu.memref_slice %arg10[%mul3A_2, %dma_start3A_161] : memref<10112x128xf32, #tpu.memory_space<vmem_shared>> -> memref<632x128xf32, #tpu.memory_space<vmem_shared>>
        %dma_start3A_163 = arith.constant 0 : i32
        %dma_start3A_164 = tpu.memref_slice %arg3[%mul3A_2, %dma_start3A_163] : memref<10000x128xf32, #tpu.memory_space<hbm>> -> memref<632x128xf32, #tpu.memory_space<hbm>>
        tpu.enqueue_dma source(%dma_start3A_164 : memref<632x128xf32, #tpu.memory_space<hbm>>) target(%dma_start3A_162 : memref<632x128xf32, #tpu.memory_space<vmem_shared>>) target_semaphore(%run_scoped3A_160 : memref<!tpu.dma_semaphore, #tpu.memory_space<semaphore_mem>>)
        %dma_wait3A_165 = arith.constant 0 : i32
        %dma_wait3A_166 = tpu.memref_slice %arg10[%mul3A_2, %dma_wait3A_165] : memref<10112x128xf32, #tpu.memory_space<vmem_shared>> -> memref<632x128xf32, #tpu.memory_space<vmem_shared>>
        %dma_wait3A_167 = arith.constant 0 : i32
        %dma_wait3A_168 = tpu.memref_slice %arg3[%mul3A_2, %dma_wait3A_167] : memref<10000x128xf32, #tpu.memory_space<hbm>> -> memref<632x128xf32, #tpu.memory_space<hbm>>
        tpu.wait_dma2 semaphore(%run_scoped3A_160 : memref<!tpu.dma_semaphore, #tpu.memory_space<semaphore_mem>>) src(%dma_wait3A_168 : memref<632x128xf32, #tpu.memory_space<hbm>>) dst(%dma_wait3A_166 : memref<632x128xf32, #tpu.memory_space<vmem_shared>>)
        tpu.yield
      }) : () -> ()
    } else {
    }
    %ne3A_21 = arith.constant 0 : i32
    %ne3A_22 = arith.cmpi ne, %arg0, %ne3A_21 : i32
    %eq3A_23 = arith.constant 15 : i32
    %eq3A_24 = arith.cmpi eq, %arg1, %eq3A_23 : i32
    %and3A_25 = arith.andi %ne3A_22, %eq3A_24 : i1
    %convert_element_type3A_26 = arith.extui %and3A_25 : i1 to i32
    %cond3A_27 = arith.constant 0 : i32
    %cond3A_28 = arith.cmpi ne, %convert_element_type3A_26, %cond3A_27 : i32
    scf.if %cond3A_28 {
      "tpu.region"() ({
        %run_scoped3A_160 = tpu.sem_alloc : memref<!tpu.dma_semaphore, #tpu.memory_space<semaphore_mem>>
        %dma_start3A_161 = arith.constant 0 : i32
        %dma_start3A_162 = tpu.memref_slice %arg10[%mul3A_2, %dma_start3A_161] : memref<10112x128xf32, #tpu.memory_space<vmem_shared>> -> memref<520x128xf32, #tpu.memory_space<vmem_shared>>
        %dma_start3A_163 = arith.constant 0 : i32
        %dma_start3A_164 = tpu.memref_slice %arg3[%mul3A_2, %dma_start3A_163] : memref<10000x128xf32, #tpu.memory_space<hbm>> -> memref<520x128xf32, #tpu.memory_space<hbm>>
        tpu.enqueue_dma source(%dma_start3A_164 : memref<520x128xf32, #tpu.memory_space<hbm>>) target(%dma_start3A_162 : memref<520x128xf32, #tpu.memory_space<vmem_shared>>) target_semaphore(%run_scoped3A_160 : memref<!tpu.dma_semaphore, #tpu.memory_space<semaphore_mem>>)
        %dma_wait3A_165 = arith.constant 0 : i32
        %dma_wait3A_166 = tpu.memref_slice %arg10[%mul3A_2, %dma_wait3A_165] : memref<10112x128xf32, #tpu.memory_space<vmem_shared>> -> memref<520x128xf32, #tpu.memory_space<vmem_shared>>
        %dma_wait3A_167 = arith.constant 0 : i32
        %dma_wait3A_168 = tpu.memref_slice %arg3[%mul3A_2, %dma_wait3A_167] : memref<10000x128xf32, #tpu.memory_space<hbm>> -> memref<520x128xf32, #tpu.memory_space<hbm>>
        tpu.wait_dma2 semaphore(%run_scoped3A_160 : memref<!tpu.dma_semaphore, #tpu.memory_space<semaphore_mem>>) src(%dma_wait3A_168 : memref<520x128xf32, #tpu.memory_space<hbm>>) dst(%dma_wait3A_166 : memref<520x128xf32, #tpu.memory_space<vmem_shared>>)
        tpu.yield
      }) : () -> ()
    } else {
    }
    %barrier3A = arith.constant 0 : index
    tpu.barrier barrier_id(%barrier3A)
    %mul3A_29 = arith.constant 2 : i32
    %mul3A_30 = arith.muli %add3A, %mul3A_29 : i32
    %add3A_31 = arith.constant 0 : i32
    %add3A_32 = arith.addi %mul3A_30, %add3A_31 : i32
    "tpu.region"() ({
      %run_scoped3A_160 = tpu.sem_alloc : memref<!tpu.dma_semaphore, #tpu.memory_space<semaphore_mem>>
      %dma_start3A_161 = arith.constant 0 : i32
      %dma_start3A_162 = tpu.memref_slice %arg4[%add3A_32, %dma_start3A_161] : memref<64x5088xi32, #tpu.memory_space<hbm>> -> memref<1x5088xi32, #tpu.memory_space<hbm>>
      %dma_start3A_163 = tpu.memref_squeeze %dma_start3A_162 : memref<1x5088xi32, #tpu.memory_space<hbm>> -> memref<5088xi32, #tpu.memory_space<hbm>>
      %dma_start3A_164 = arith.constant 0 : i32
      %dma_start3A_165 = tpu.memref_slice %arg4[%add3A_32, %dma_start3A_164] : memref<64x5088xi32, #tpu.memory_space<hbm>> -> memref<1x5088xi32, #tpu.memory_space<hbm>>
      %dma_start3A_166 = tpu.memref_squeeze %dma_start3A_165 : memref<1x5088xi32, #tpu.memory_space<hbm>> -> memref<5088xi32, #tpu.memory_space<hbm>>
      tpu.enqueue_dma source(%dma_start3A_166 : memref<5088xi32, #tpu.memory_space<hbm>>) target(%arg7 : memref<5088xi32, #tpu.memory_space<vmem>>) target_semaphore(%run_scoped3A_160 : memref<!tpu.dma_semaphore, #tpu.memory_space<semaphore_mem>>)
      %dma_wait3A_167 = arith.constant 0 : i32
      %dma_wait3A_168 = tpu.memref_slice %arg4[%add3A_32, %dma_wait3A_167] : memref<64x5088xi32, #tpu.memory_space<hbm>> -> memref<1x5088xi32, #tpu.memory_space<hbm>>
      %dma_wait3A_169 = tpu.memref_squeeze %dma_wait3A_168 : memref<1x5088xi32, #tpu.memory_space<hbm>> -> memref<5088xi32, #tpu.memory_space<hbm>>
      %dma_wait3A_170 = arith.constant 0 : i32
      %dma_wait3A_171 = tpu.memref_slice %arg4[%add3A_32, %dma_wait3A_170] : memref<64x5088xi32, #tpu.memory_space<hbm>> -> memref<1x5088xi32, #tpu.memory_space<hbm>>
      %dma_wait3A_172 = tpu.memref_squeeze %dma_wait3A_171 : memref<1x5088xi32, #tpu.memory_space<hbm>> -> memref<5088xi32, #tpu.memory_space<hbm>>
      tpu.wait_dma2 semaphore(%run_scoped3A_160 : memref<!tpu.dma_semaphore, #tpu.memory_space<semaphore_mem>>) src(%dma_wait3A_172 : memref<5088xi32, #tpu.memory_space<hbm>>) dst(%arg7 : memref<5088xi32, #tpu.memory_space<vmem>>)
      tpu.yield
    }) : () -> ()
    %mul3A_33 = arith.constant 2 : i32
    %mul3A_34 = arith.muli %add3A, %mul3A_33 : i32
    %add3A_35 = arith.constant 0 : i32
    %add3A_36 = arith.addi %mul3A_34, %add3A_35 : i32
    "tpu.region"() ({
      %run_scoped3A_160 = tpu.sem_alloc : memref<!tpu.dma_semaphore, #tpu.memory_space<semaphore_mem>>
      %dma_start3A_161 = arith.constant 0 : i32
      %dma_start3A_162 = arith.constant 0 : i32
      %dma_start3A_163 = tpu.memref_slice %arg5[%add3A_36, %dma_start3A_161, %dma_start3A_162] : memref<64x53x96xi32, #tpu.memory_space<hbm>> -> memref<1x53x96xi32, #tpu.memory_space<hbm>>
      %dma_start3A_164 = tpu.memref_squeeze %dma_start3A_163 : memref<1x53x96xi32, #tpu.memory_space<hbm>> -> memref<53x96xi32, #tpu.memory_space<hbm>>
      %dma_start3A_165 = arith.constant 0 : i32
      %dma_start3A_166 = arith.constant 0 : i32
      %dma_start3A_167 = tpu.memref_slice %arg5[%add3A_36, %dma_start3A_165, %dma_start3A_166] : memref<64x53x96xi32, #tpu.memory_space<hbm>> -> memref<1x53x96xi32, #tpu.memory_space<hbm>>
      %dma_start3A_168 = tpu.memref_squeeze %dma_start3A_167 : memref<1x53x96xi32, #tpu.memory_space<hbm>> -> memref<53x96xi32, #tpu.memory_space<hbm>>
      tpu.enqueue_dma source(%dma_start3A_168 : memref<53x96xi32, #tpu.memory_space<hbm>>) target(%arg8 : memref<53x96xi32, #tpu.memory_space<vmem>>) target_semaphore(%run_scoped3A_160 : memref<!tpu.dma_semaphore, #tpu.memory_space<semaphore_mem>>)
      %dma_wait3A_169 = arith.constant 0 : i32
      %dma_wait3A_170 = arith.constant 0 : i32
      %dma_wait3A_171 = tpu.memref_slice %arg5[%add3A_36, %dma_wait3A_169, %dma_wait3A_170] : memref<64x53x96xi32, #tpu.memory_space<hbm>> -> memref<1x53x96xi32, #tpu.memory_space<hbm>>
      %dma_wait3A_172 = tpu.memref_squeeze %dma_wait3A_171 : memref<1x53x96xi32, #tpu.memory_space<hbm>> -> memref<53x96xi32, #tpu.memory_space<hbm>>
      %dma_wait3A_173 = arith.constant 0 : i32
      %dma_wait3A_174 = arith.constant 0 : i32
      %dma_wait3A_175 = tpu.memref_slice %arg5[%add3A_36, %dma_wait3A_173, %dma_wait3A_174] : memref<64x53x96xi32, #tpu.memory_space<hbm>> -> memref<1x53x96xi32, #tpu.memory_space<hbm>>
      %dma_wait3A_176 = tpu.memref_squeeze %dma_wait3A_175 : memref<1x53x96xi32, #tpu.memory_space<hbm>> -> memref<53x96xi32, #tpu.memory_space<hbm>>
      tpu.wait_dma2 semaphore(%run_scoped3A_160 : memref<!tpu.dma_semaphore, #tpu.memory_space<semaphore_mem>>) src(%dma_wait3A_176 : memref<53x96xi32, #tpu.memory_space<hbm>>) dst(%arg8 : memref<53x96xi32, #tpu.memory_space<vmem>>)
      tpu.yield
    }) : () -> ()
    %dma_start3A = arith.constant 0 : i32
    %dma_start3A_37 = arith.constant 0 : i32
    %dma_start3A_38 = arith.constant 0 : i32
    %dma_start3A_39 = tpu.memref_slice %arg9[%dma_start3A, %dma_start3A_37, %dma_start3A_38] : memref<3x96x128xf32, #tpu.memory_space<vmem>> -> memref<1x96x128xf32, #tpu.memory_space<vmem>>
    %dma_start3A_40 = tpu.memref_squeeze %dma_start3A_39 : memref<1x96x128xf32, #tpu.memory_space<vmem>> -> memref<96x128xf32, #tpu.memory_space<vmem>>
    %dma_start3A_41 = arith.constant 0 : i32
    %dma_start3A_42 = tpu.memref_slice %arg7[%dma_start3A_41] : memref<5088xi32, #tpu.memory_space<vmem>> -> memref<96xi32, #tpu.memory_space<vmem>>
    %dma_start3A_43 = arith.constant 0 : i32
    %dma_start3A_44 = arith.constant 0 : i32
    %dma_start3A_45 = tpu.memref_slice %arg2[%dma_start3A_43, %dma_start3A_44] : memref<10000x128xf32, #tpu.memory_space<hbm>> -> memref<10000x128xf32, #tpu.memory_space<hbm>>
    tpu.enqueue_indirect_dma source(%dma_start3A_45 : memref<10000x128xf32, #tpu.memory_space<hbm>>) target(%dma_start3A_40 : memref<96x128xf32, #tpu.memory_space<vmem>>) offsets(%dma_start3A_42 : memref<96xi32, #tpu.memory_space<vmem>>) semaphore(%arg11 : memref<!tpu.dma_semaphore, #tpu.memory_space<semaphore_mem>>)
    %dma_start3A_46 = arith.constant 1 : i32
    %dma_start3A_47 = arith.constant 0 : i32
    %dma_start3A_48 = arith.constant 0 : i32
    %dma_start3A_49 = tpu.memref_slice %arg9[%dma_start3A_46, %dma_start3A_47, %dma_start3A_48] : memref<3x96x128xf32, #tpu.memory_space<vmem>> -> memref<1x96x128xf32, #tpu.memory_space<vmem>>
    %dma_start3A_50 = tpu.memref_squeeze %dma_start3A_49 : memref<1x96x128xf32, #tpu.memory_space<vmem>> -> memref<96x128xf32, #tpu.memory_space<vmem>>
    %dma_start3A_51 = arith.constant 96 : i32
    %dma_start3A_52 = tpu.memref_slice %arg7[%dma_start3A_51] : memref<5088xi32, #tpu.memory_space<vmem>> -> memref<96xi32, #tpu.memory_space<vmem>>
    %dma_start3A_53 = arith.constant 0 : i32
    %dma_start3A_54 = arith.constant 0 : i32
    %dma_start3A_55 = tpu.memref_slice %arg2[%dma_start3A_53, %dma_start3A_54] : memref<10000x128xf32, #tpu.memory_space<hbm>> -> memref<10000x128xf32, #tpu.memory_space<hbm>>
    tpu.enqueue_indirect_dma source(%dma_start3A_55 : memref<10000x128xf32, #tpu.memory_space<hbm>>) target(%dma_start3A_50 : memref<96x128xf32, #tpu.memory_space<vmem>>) offsets(%dma_start3A_52 : memref<96xi32, #tpu.memory_space<vmem>>) semaphore(%arg12 : memref<!tpu.dma_semaphore, #tpu.memory_space<semaphore_mem>>)
    %dma_start3A_56 = arith.constant 2 : i32
    %dma_start3A_57 = arith.constant 0 : i32
    %dma_start3A_58 = arith.constant 0 : i32
    %dma_start3A_59 = tpu.memref_slice %arg9[%dma_start3A_56, %dma_start3A_57, %dma_start3A_58] : memref<3x96x128xf32, #tpu.memory_space<vmem>> -> memref<1x96x128xf32, #tpu.memory_space<vmem>>
    %dma_start3A_60 = tpu.memref_squeeze %dma_start3A_59 : memref<1x96x128xf32, #tpu.memory_space<vmem>> -> memref<96x128xf32, #tpu.memory_space<vmem>>
    %dma_start3A_61 = arith.constant 192 : i32
    %dma_start3A_62 = tpu.memref_slice %arg7[%dma_start3A_61] : memref<5088xi32, #tpu.memory_space<vmem>> -> memref<96xi32, #tpu.memory_space<vmem>>
    %dma_start3A_63 = arith.constant 0 : i32
    %dma_start3A_64 = arith.constant 0 : i32
    %dma_start3A_65 = tpu.memref_slice %arg2[%dma_start3A_63, %dma_start3A_64] : memref<10000x128xf32, #tpu.memory_space<hbm>> -> memref<10000x128xf32, #tpu.memory_space<hbm>>
    tpu.enqueue_indirect_dma source(%dma_start3A_65 : memref<10000x128xf32, #tpu.memory_space<hbm>>) target(%dma_start3A_60 : memref<96x128xf32, #tpu.memory_space<vmem>>) offsets(%dma_start3A_62 : memref<96xi32, #tpu.memory_space<vmem>>) semaphore(%arg13 : memref<!tpu.dma_semaphore, #tpu.memory_space<semaphore_mem>>)
    %scan3A = arith.constant 0 : i32
    %scan3A_66 = arith.constant 17 : i32
    %scan3A_67 = arith.addi %scan3A, %scan3A_66 : i32
    %scan3A_68 = arith.constant 1 : i32
    scf.for %scan3A_160 = %scan3A to %scan3A_67 step %scan3A_68  : i32 {
      %mul3A_161 = arith.constant 3 : i32
      %mul3A_162 = arith.muli %scan3A_160, %mul3A_161 : i32
      %add3A_163 = arith.constant 0 : i32
      %add3A_164 = arith.addi %add3A_163, %mul3A_162 : i32
      %add3A_165 = arith.constant 0 : i32
      %add3A_166 = arith.addi %add3A_164, %add3A_165 : i32
      %mul3A_167 = arith.constant 96 : i32
      %mul3A_168 = arith.muli %add3A_166, %mul3A_167 : i32
      %dma_wait3A_169 = arith.constant 0 : i32
      %dma_wait3A_170 = arith.constant 0 : i32
      %dma_wait3A_171 = arith.constant 0 : i32
      %dma_wait3A_172 = tpu.memref_slice %arg9[%dma_wait3A_169, %dma_wait3A_170, %dma_wait3A_171] : memref<3x96x128xf32, #tpu.memory_space<vmem>> -> memref<1x96x128xf32, #tpu.memory_space<vmem>>
      %dma_wait3A_173 = tpu.memref_squeeze %dma_wait3A_172 : memref<1x96x128xf32, #tpu.memory_space<vmem>> -> memref<96x128xf32, #tpu.memory_space<vmem>>
      %dma_wait3A_174 = tpu.memref_slice %arg7[%mul3A_168] : memref<5088xi32, #tpu.memory_space<vmem>> -> memref<96xi32, #tpu.memory_space<vmem>>
      %dma_wait3A_175 = arith.constant 0 : i32
      %dma_wait3A_176 = arith.constant 0 : i32
      %dma_wait3A_177 = tpu.memref_slice %arg2[%dma_wait3A_175, %dma_wait3A_176] : memref<10000x128xf32, #tpu.memory_space<hbm>> -> memref<10000x128xf32, #tpu.memory_space<hbm>>
      tpu.wait_indirect_dma semaphore(%arg11 : memref<!tpu.dma_semaphore, #tpu.memory_space<semaphore_mem>>) src(%dma_wait3A_177 : memref<10000x128xf32, #tpu.memory_space<hbm>>) dst(%dma_wait3A_173 : memref<96x128xf32, #tpu.memory_space<vmem>>)
      %run_scoped3A_178 = arith.constant 0 : i32
      "tpu.region"() ({
        %run_scoped3A_228 = tpu.sem_alloc : memref<!tpu.dma_semaphore, #tpu.memory_space<semaphore_mem>>
        %dma_start3A_229 = arith.constant 0 : i32
        %dma_start3A_230 = arith.constant 0 : i32
        %dma_start3A_231 = tpu.memref_slice %arg9[%run_scoped3A_178, %dma_start3A_229, %dma_start3A_230] : memref<3x96x128xf32, #tpu.memory_space<vmem>> -> memref<1x96x128xf32, #tpu.memory_space<vmem>>
        %dma_start3A_232 = tpu.memref_squeeze %dma_start3A_231 : memref<1x96x128xf32, #tpu.memory_space<vmem>> -> memref<96x128xf32, #tpu.memory_space<vmem>>
        %dma_start3A_233 = arith.constant 0 : i32
        %dma_start3A_234 = tpu.memref_slice %arg8[%add3A_166, %dma_start3A_233] : memref<53x96xi32, #tpu.memory_space<vmem>> -> memref<1x96xi32, #tpu.memory_space<vmem>>
        %dma_start3A_235 = tpu.memref_squeeze %dma_start3A_234 : memref<1x96xi32, #tpu.memory_space<vmem>> -> memref<96xi32, #tpu.memory_space<vmem>>
        %dma_start3A_236 = arith.constant 0 : i32
        %dma_start3A_237 = arith.constant 0 : i32
        %dma_start3A_238 = tpu.memref_slice %arg10[%dma_start3A_236, %dma_start3A_237] : memref<10112x128xf32, #tpu.memory_space<vmem_shared>> -> memref<10112x128xf32, #tpu.memory_space<vmem_shared>>
        tpu.enqueue_indirect_dma source(%dma_start3A_232 : memref<96x128xf32, #tpu.memory_space<vmem>>) target(%dma_start3A_238 : memref<10112x128xf32, #tpu.memory_space<vmem_shared>>) offsets(%dma_start3A_235 : memref<96xi32, #tpu.memory_space<vmem>>) semaphore(%run_scoped3A_228 : memref<!tpu.dma_semaphore, #tpu.memory_space<semaphore_mem>>) {add = true}
        %dma_wait3A_239 = arith.constant 0 : i32
        %dma_wait3A_240 = arith.constant 0 : i32
        %dma_wait3A_241 = tpu.memref_slice %arg9[%run_scoped3A_178, %dma_wait3A_239, %dma_wait3A_240] : memref<3x96x128xf32, #tpu.memory_space<vmem>> -> memref<1x96x128xf32, #tpu.memory_space<vmem>>
        %dma_wait3A_242 = tpu.memref_squeeze %dma_wait3A_241 : memref<1x96x128xf32, #tpu.memory_space<vmem>> -> memref<96x128xf32, #tpu.memory_space<vmem>>
        %dma_wait3A_243 = arith.constant 0 : i32
        %dma_wait3A_244 = tpu.memref_slice %arg8[%add3A_166, %dma_wait3A_243] : memref<53x96xi32, #tpu.memory_space<vmem>> -> memref<1x96xi32, #tpu.memory_space<vmem>>
        %dma_wait3A_245 = tpu.memref_squeeze %dma_wait3A_244 : memref<1x96xi32, #tpu.memory_space<vmem>> -> memref<96xi32, #tpu.memory_space<vmem>>
        %dma_wait3A_246 = arith.constant 0 : i32
        %dma_wait3A_247 = arith.constant 0 : i32
        %dma_wait3A_248 = tpu.memref_slice %arg10[%dma_wait3A_246, %dma_wait3A_247] : memref<10112x128xf32, #tpu.memory_space<vmem_shared>> -> memref<10112x128xf32, #tpu.memory_space<vmem_shared>>
        tpu.wait_indirect_dma semaphore(%run_scoped3A_228 : memref<!tpu.dma_semaphore, #tpu.memory_space<semaphore_mem>>) src(%dma_wait3A_242 : memref<96x128xf32, #tpu.memory_space<vmem>>) dst(%dma_wait3A_248 : memref<10112x128xf32, #tpu.memory_space<vmem_shared>>)
        tpu.yield
      }) : () -> ()
      %add3A_179 = arith.constant 3 : i32
      %add3A_180 = arith.addi %add3A_166, %add3A_179 : i32
      %lt3A_181 = arith.constant 53 : i32
      %lt3A_182 = arith.cmpi slt, %add3A_180, %lt3A_181 : i32
      %convert_element_type3A_183 = arith.extui %lt3A_182 : i1 to i32
      %cond3A_184 = arith.constant 0 : i32
      %cond3A_185 = arith.cmpi ne, %convert_element_type3A_183, %cond3A_184 : i32
      scf.if %cond3A_185 {
        %add3A_228 = arith.constant 3 : i32
        %add3A_229 = arith.addi %add3A_166, %add3A_228 : i32
        %mul3A_230 = arith.constant 96 : i32
        %mul3A_231 = arith.muli %add3A_229, %mul3A_230 : i32
        %dma_start3A_232 = arith.constant 0 : i32
        %dma_start3A_233 = arith.constant 0 : i32
        %dma_start3A_234 = arith.constant 0 : i32
        %dma_start3A_235 = tpu.memref_slice %arg9[%dma_start3A_232, %dma_start3A_233, %dma_start3A_234] : memref<3x96x128xf32, #tpu.memory_space<vmem>> -> memref<1x96x128xf32, #tpu.memory_space<vmem>>
        %dma_start3A_236 = tpu.memref_squeeze %dma_start3A_235 : memref<1x96x128xf32, #tpu.memory_space<vmem>> -> memref<96x128xf32, #tpu.memory_space<vmem>>
        %dma_start3A_237 = tpu.memref_slice %arg7[%mul3A_231] : memref<5088xi32, #tpu.memory_space<vmem>> -> memref<96xi32, #tpu.memory_space<vmem>>
        %dma_start3A_238 = arith.constant 0 : i32
        %dma_start3A_239 = arith.constant 0 : i32
        %dma_start3A_240 = tpu.memref_slice %arg2[%dma_start3A_238, %dma_start3A_239] : memref<10000x128xf32, #tpu.memory_space<hbm>> -> memref<10000x128xf32, #tpu.memory_space<hbm>>
        tpu.enqueue_indirect_dma source(%dma_start3A_240 : memref<10000x128xf32, #tpu.memory_space<hbm>>) target(%dma_start3A_236 : memref<96x128xf32, #tpu.memory_space<vmem>>) offsets(%dma_start3A_237 : memref<96xi32, #tpu.memory_space<vmem>>) semaphore(%arg11 : memref<!tpu.dma_semaphore, #tpu.memory_space<semaphore_mem>>)
      } else {
      }
      %add3A_186 = arith.constant 1 : i32
      %add3A_187 = arith.addi %add3A_164, %add3A_186 : i32
      %mul3A_188 = arith.constant 96 : i32
      %mul3A_189 = arith.muli %add3A_187, %mul3A_188 : i32
      %dma_wait3A_190 = arith.constant 1 : i32
      %dma_wait3A_191 = arith.constant 0 : i32
      %dma_wait3A_192 = arith.constant 0 : i32
      %dma_wait3A_193 = tpu.memref_slice %arg9[%dma_wait3A_190, %dma_wait3A_191, %dma_wait3A_192] : memref<3x96x128xf32, #tpu.memory_space<vmem>> -> memref<1x96x128xf32, #tpu.memory_space<vmem>>
      %dma_wait3A_194 = tpu.memref_squeeze %dma_wait3A_193 : memref<1x96x128xf32, #tpu.memory_space<vmem>> -> memref<96x128xf32, #tpu.memory_space<vmem>>
      %dma_wait3A_195 = tpu.memref_slice %arg7[%mul3A_189] : memref<5088xi32, #tpu.memory_space<vmem>> -> memref<96xi32, #tpu.memory_space<vmem>>
      %dma_wait3A_196 = arith.constant 0 : i32
      %dma_wait3A_197 = arith.constant 0 : i32
      %dma_wait3A_198 = tpu.memref_slice %arg2[%dma_wait3A_196, %dma_wait3A_197] : memref<10000x128xf32, #tpu.memory_space<hbm>> -> memref<10000x128xf32, #tpu.memory_space<hbm>>
      tpu.wait_indirect_dma semaphore(%arg12 : memref<!tpu.dma_semaphore, #tpu.memory_space<semaphore_mem>>) src(%dma_wait3A_198 : memref<10000x128xf32, #tpu.memory_space<hbm>>) dst(%dma_wait3A_194 : memref<96x128xf32, #tpu.memory_space<vmem>>)
      %run_scoped3A_199 = arith.constant 1 : i32
      "tpu.region"() ({
        %run_scoped3A_228 = tpu.sem_alloc : memref<!tpu.dma_semaphore, #tpu.memory_space<semaphore_mem>>
        %dma_start3A_229 = arith.constant 0 : i32
        %dma_start3A_230 = arith.constant 0 : i32
        %dma_start3A_231 = tpu.memref_slice %arg9[%run_scoped3A_199, %dma_start3A_229, %dma_start3A_230] : memref<3x96x128xf32, #tpu.memory_space<vmem>> -> memref<1x96x128xf32, #tpu.memory_space<vmem>>
        %dma_start3A_232 = tpu.memref_squeeze %dma_start3A_231 : memref<1x96x128xf32, #tpu.memory_space<vmem>> -> memref<96x128xf32, #tpu.memory_space<vmem>>
        %dma_start3A_233 = arith.constant 0 : i32
        %dma_start3A_234 = tpu.memref_slice %arg8[%add3A_187, %dma_start3A_233] : memref<53x96xi32, #tpu.memory_space<vmem>> -> memref<1x96xi32, #tpu.memory_space<vmem>>
        %dma_start3A_235 = tpu.memref_squeeze %dma_start3A_234 : memref<1x96xi32, #tpu.memory_space<vmem>> -> memref<96xi32, #tpu.memory_space<vmem>>
        %dma_start3A_236 = arith.constant 0 : i32
        %dma_start3A_237 = arith.constant 0 : i32
        %dma_start3A_238 = tpu.memref_slice %arg10[%dma_start3A_236, %dma_start3A_237] : memref<10112x128xf32, #tpu.memory_space<vmem_shared>> -> memref<10112x128xf32, #tpu.memory_space<vmem_shared>>
        tpu.enqueue_indirect_dma source(%dma_start3A_232 : memref<96x128xf32, #tpu.memory_space<vmem>>) target(%dma_start3A_238 : memref<10112x128xf32, #tpu.memory_space<vmem_shared>>) offsets(%dma_start3A_235 : memref<96xi32, #tpu.memory_space<vmem>>) semaphore(%run_scoped3A_228 : memref<!tpu.dma_semaphore, #tpu.memory_space<semaphore_mem>>) {add = true}
        %dma_wait3A_239 = arith.constant 0 : i32
        %dma_wait3A_240 = arith.constant 0 : i32
        %dma_wait3A_241 = tpu.memref_slice %arg9[%run_scoped3A_199, %dma_wait3A_239, %dma_wait3A_240] : memref<3x96x128xf32, #tpu.memory_space<vmem>> -> memref<1x96x128xf32, #tpu.memory_space<vmem>>
        %dma_wait3A_242 = tpu.memref_squeeze %dma_wait3A_241 : memref<1x96x128xf32, #tpu.memory_space<vmem>> -> memref<96x128xf32, #tpu.memory_space<vmem>>
        %dma_wait3A_243 = arith.constant 0 : i32
        %dma_wait3A_244 = tpu.memref_slice %arg8[%add3A_187, %dma_wait3A_243] : memref<53x96xi32, #tpu.memory_space<vmem>> -> memref<1x96xi32, #tpu.memory_space<vmem>>
        %dma_wait3A_245 = tpu.memref_squeeze %dma_wait3A_244 : memref<1x96xi32, #tpu.memory_space<vmem>> -> memref<96xi32, #tpu.memory_space<vmem>>
        %dma_wait3A_246 = arith.constant 0 : i32
        %dma_wait3A_247 = arith.constant 0 : i32
        %dma_wait3A_248 = tpu.memref_slice %arg10[%dma_wait3A_246, %dma_wait3A_247] : memref<10112x128xf32, #tpu.memory_space<vmem_shared>> -> memref<10112x128xf32, #tpu.memory_space<vmem_shared>>
        tpu.wait_indirect_dma semaphore(%run_scoped3A_228 : memref<!tpu.dma_semaphore, #tpu.memory_space<semaphore_mem>>) src(%dma_wait3A_242 : memref<96x128xf32, #tpu.memory_space<vmem>>) dst(%dma_wait3A_248 : memref<10112x128xf32, #tpu.memory_space<vmem_shared>>)
        tpu.yield
      }) : () -> ()
      %add3A_200 = arith.constant 3 : i32
      %add3A_201 = arith.addi %add3A_187, %add3A_200 : i32
      %lt3A_202 = arith.constant 53 : i32
      %lt3A_203 = arith.cmpi slt, %add3A_201, %lt3A_202 : i32
      %convert_element_type3A_204 = arith.extui %lt3A_203 : i1 to i32
      %cond3A_205 = arith.constant 0 : i32
      %cond3A_206 = arith.cmpi ne, %convert_element_type3A_204, %cond3A_205 : i32
      scf.if %cond3A_206 {
        %add3A_228 = arith.constant 3 : i32
        %add3A_229 = arith.addi %add3A_187, %add3A_228 : i32
        %mul3A_230 = arith.constant 96 : i32
        %mul3A_231 = arith.muli %add3A_229, %mul3A_230 : i32
        %dma_start3A_232 = arith.constant 1 : i32
        %dma_start3A_233 = arith.constant 0 : i32
        %dma_start3A_234 = arith.constant 0 : i32
        %dma_start3A_235 = tpu.memref_slice %arg9[%dma_start3A_232, %dma_start3A_233, %dma_start3A_234] : memref<3x96x128xf32, #tpu.memory_space<vmem>> -> memref<1x96x128xf32, #tpu.memory_space<vmem>>
        %dma_start3A_236 = tpu.memref_squeeze %dma_start3A_235 : memref<1x96x128xf32, #tpu.memory_space<vmem>> -> memref<96x128xf32, #tpu.memory_space<vmem>>
        %dma_start3A_237 = tpu.memref_slice %arg7[%mul3A_231] : memref<5088xi32, #tpu.memory_space<vmem>> -> memref<96xi32, #tpu.memory_space<vmem>>
        %dma_start3A_238 = arith.constant 0 : i32
        %dma_start3A_239 = arith.constant 0 : i32
        %dma_start3A_240 = tpu.memref_slice %arg2[%dma_start3A_238, %dma_start3A_239] : memref<10000x128xf32, #tpu.memory_space<hbm>> -> memref<10000x128xf32, #tpu.memory_space<hbm>>
        tpu.enqueue_indirect_dma source(%dma_start3A_240 : memref<10000x128xf32, #tpu.memory_space<hbm>>) target(%dma_start3A_236 : memref<96x128xf32, #tpu.memory_space<vmem>>) offsets(%dma_start3A_237 : memref<96xi32, #tpu.memory_space<vmem>>) semaphore(%arg12 : memref<!tpu.dma_semaphore, #tpu.memory_space<semaphore_mem>>)
      } else {
      }
      %add3A_207 = arith.constant 2 : i32
      %add3A_208 = arith.addi %add3A_164, %add3A_207 : i32
      %mul3A_209 = arith.constant 96 : i32
      %mul3A_210 = arith.muli %add3A_208, %mul3A_209 : i32
      %dma_wait3A_211 = arith.constant 2 : i32
      %dma_wait3A_212 = arith.constant 0 : i32
      %dma_wait3A_213 = arith.constant 0 : i32
      %dma_wait3A_214 = tpu.memref_slice %arg9[%dma_wait3A_211, %dma_wait3A_212, %dma_wait3A_213] : memref<3x96x128xf32, #tpu.memory_space<vmem>> -> memref<1x96x128xf32, #tpu.memory_space<vmem>>
      %dma_wait3A_215 = tpu.memref_squeeze %dma_wait3A_214 : memref<1x96x128xf32, #tpu.memory_space<vmem>> -> memref<96x128xf32, #tpu.memory_space<vmem>>
      %dma_wait3A_216 = tpu.memref_slice %arg7[%mul3A_210] : memref<5088xi32, #tpu.memory_space<vmem>> -> memref<96xi32, #tpu.memory_space<vmem>>
      %dma_wait3A_217 = arith.constant 0 : i32
      %dma_wait3A_218 = arith.constant 0 : i32
      %dma_wait3A_219 = tpu.memref_slice %arg2[%dma_wait3A_217, %dma_wait3A_218] : memref<10000x128xf32, #tpu.memory_space<hbm>> -> memref<10000x128xf32, #tpu.memory_space<hbm>>
      tpu.wait_indirect_dma semaphore(%arg13 : memref<!tpu.dma_semaphore, #tpu.memory_space<semaphore_mem>>) src(%dma_wait3A_219 : memref<10000x128xf32, #tpu.memory_space<hbm>>) dst(%dma_wait3A_215 : memref<96x128xf32, #tpu.memory_space<vmem>>)
      %run_scoped3A_220 = arith.constant 2 : i32
      "tpu.region"() ({
        %run_scoped3A_228 = tpu.sem_alloc : memref<!tpu.dma_semaphore, #tpu.memory_space<semaphore_mem>>
        %dma_start3A_229 = arith.constant 0 : i32
        %dma_start3A_230 = arith.constant 0 : i32
        %dma_start3A_231 = tpu.memref_slice %arg9[%run_scoped3A_220, %dma_start3A_229, %dma_start3A_230] : memref<3x96x128xf32, #tpu.memory_space<vmem>> -> memref<1x96x128xf32, #tpu.memory_space<vmem>>
        %dma_start3A_232 = tpu.memref_squeeze %dma_start3A_231 : memref<1x96x128xf32, #tpu.memory_space<vmem>> -> memref<96x128xf32, #tpu.memory_space<vmem>>
        %dma_start3A_233 = arith.constant 0 : i32
        %dma_start3A_234 = tpu.memref_slice %arg8[%add3A_208, %dma_start3A_233] : memref<53x96xi32, #tpu.memory_space<vmem>> -> memref<1x96xi32, #tpu.memory_space<vmem>>
        %dma_start3A_235 = tpu.memref_squeeze %dma_start3A_234 : memref<1x96xi32, #tpu.memory_space<vmem>> -> memref<96xi32, #tpu.memory_space<vmem>>
        %dma_start3A_236 = arith.constant 0 : i32
        %dma_start3A_237 = arith.constant 0 : i32
        %dma_start3A_238 = tpu.memref_slice %arg10[%dma_start3A_236, %dma_start3A_237] : memref<10112x128xf32, #tpu.memory_space<vmem_shared>> -> memref<10112x128xf32, #tpu.memory_space<vmem_shared>>
        tpu.enqueue_indirect_dma source(%dma_start3A_232 : memref<96x128xf32, #tpu.memory_space<vmem>>) target(%dma_start3A_238 : memref<10112x128xf32, #tpu.memory_space<vmem_shared>>) offsets(%dma_start3A_235 : memref<96xi32, #tpu.memory_space<vmem>>) semaphore(%run_scoped3A_228 : memref<!tpu.dma_semaphore, #tpu.memory_space<semaphore_mem>>) {add = true}
        %dma_wait3A_239 = arith.constant 0 : i32
        %dma_wait3A_240 = arith.constant 0 : i32
        %dma_wait3A_241 = tpu.memref_slice %arg9[%run_scoped3A_220, %dma_wait3A_239, %dma_wait3A_240] : memref<3x96x128xf32, #tpu.memory_space<vmem>> -> memref<1x96x128xf32, #tpu.memory_space<vmem>>
        %dma_wait3A_242 = tpu.memref_squeeze %dma_wait3A_241 : memref<1x96x128xf32, #tpu.memory_space<vmem>> -> memref<96x128xf32, #tpu.memory_space<vmem>>
        %dma_wait3A_243 = arith.constant 0 : i32
        %dma_wait3A_244 = tpu.memref_slice %arg8[%add3A_208, %dma_wait3A_243] : memref<53x96xi32, #tpu.memory_space<vmem>> -> memref<1x96xi32, #tpu.memory_space<vmem>>
        %dma_wait3A_245 = tpu.memref_squeeze %dma_wait3A_244 : memref<1x96xi32, #tpu.memory_space<vmem>> -> memref<96xi32, #tpu.memory_space<vmem>>
        %dma_wait3A_246 = arith.constant 0 : i32
        %dma_wait3A_247 = arith.constant 0 : i32
        %dma_wait3A_248 = tpu.memref_slice %arg10[%dma_wait3A_246, %dma_wait3A_247] : memref<10112x128xf32, #tpu.memory_space<vmem_shared>> -> memref<10112x128xf32, #tpu.memory_space<vmem_shared>>
        tpu.wait_indirect_dma semaphore(%run_scoped3A_228 : memref<!tpu.dma_semaphore, #tpu.memory_space<semaphore_mem>>) src(%dma_wait3A_242 : memref<96x128xf32, #tpu.memory_space<vmem>>) dst(%dma_wait3A_248 : memref<10112x128xf32, #tpu.memory_space<vmem_shared>>)
        tpu.yield
      }) : () -> ()
      %add3A_221 = arith.constant 3 : i32
      %add3A_222 = arith.addi %add3A_208, %add3A_221 : i32
      %lt3A_223 = arith.constant 53 : i32
      %lt3A_224 = arith.cmpi slt, %add3A_222, %lt3A_223 : i32
      %convert_element_type3A_225 = arith.extui %lt3A_224 : i1 to i32
      %cond3A_226 = arith.constant 0 : i32
      %cond3A_227 = arith.cmpi ne, %convert_element_type3A_225, %cond3A_226 : i32
      scf.if %cond3A_227 {
        %add3A_228 = arith.constant 3 : i32
        %add3A_229 = arith.addi %add3A_208, %add3A_228 : i32
        %mul3A_230 = arith.constant 96 : i32
        %mul3A_231 = arith.muli %add3A_229, %mul3A_230 : i32
        %dma_start3A_232 = arith.constant 2 : i32
        %dma_start3A_233 = arith.constant 0 : i32
        %dma_start3A_234 = arith.constant 0 : i32
        %dma_start3A_235 = tpu.memref_slice %arg9[%dma_start3A_232, %dma_start3A_233, %dma_start3A_234] : memref<3x96x128xf32, #tpu.memory_space<vmem>> -> memref<1x96x128xf32, #tpu.memory_space<vmem>>
        %dma_start3A_236 = tpu.memref_squeeze %dma_start3A_235 : memref<1x96x128xf32, #tpu.memory_space<vmem>> -> memref<96x128xf32, #tpu.memory_space<vmem>>
        %dma_start3A_237 = tpu.memref_slice %arg7[%mul3A_231] : memref<5088xi32, #tpu.memory_space<vmem>> -> memref<96xi32, #tpu.memory_space<vmem>>
        %dma_start3A_238 = arith.constant 0 : i32
        %dma_start3A_239 = arith.constant 0 : i32
        %dma_start3A_240 = tpu.memref_slice %arg2[%dma_start3A_238, %dma_start3A_239] : memref<10000x128xf32, #tpu.memory_space<hbm>> -> memref<10000x128xf32, #tpu.memory_space<hbm>>
        tpu.enqueue_indirect_dma source(%dma_start3A_240 : memref<10000x128xf32, #tpu.memory_space<hbm>>) target(%dma_start3A_236 : memref<96x128xf32, #tpu.memory_space<vmem>>) offsets(%dma_start3A_237 : memref<96xi32, #tpu.memory_space<vmem>>) semaphore(%arg13 : memref<!tpu.dma_semaphore, #tpu.memory_space<semaphore_mem>>)
      } else {
      }
    }
    %scan3A_69 = arith.constant 17 : i32
    %dma_wait3A = arith.constant 0 : i32
    %dma_wait3A_70 = arith.constant 0 : i32
    %dma_wait3A_71 = arith.constant 0 : i32
    %dma_wait3A_72 = tpu.memref_slice %arg9[%dma_wait3A, %dma_wait3A_70, %dma_wait3A_71] : memref<3x96x128xf32, #tpu.memory_space<vmem>> -> memref<1x96x128xf32, #tpu.memory_space<vmem>>
    %dma_wait3A_73 = tpu.memref_squeeze %dma_wait3A_72 : memref<1x96x128xf32, #tpu.memory_space<vmem>> -> memref<96x128xf32, #tpu.memory_space<vmem>>
    %dma_wait3A_74 = arith.constant 4896 : i32
    %dma_wait3A_75 = tpu.memref_slice %arg7[%dma_wait3A_74] : memref<5088xi32, #tpu.memory_space<vmem>> -> memref<96xi32, #tpu.memory_space<vmem>>
    %dma_wait3A_76 = arith.constant 0 : i32
    %dma_wait3A_77 = arith.constant 0 : i32
    %dma_wait3A_78 = tpu.memref_slice %arg2[%dma_wait3A_76, %dma_wait3A_77] : memref<10000x128xf32, #tpu.memory_space<hbm>> -> memref<10000x128xf32, #tpu.memory_space<hbm>>
    tpu.wait_indirect_dma semaphore(%arg11 : memref<!tpu.dma_semaphore, #tpu.memory_space<semaphore_mem>>) src(%dma_wait3A_78 : memref<10000x128xf32, #tpu.memory_space<hbm>>) dst(%dma_wait3A_73 : memref<96x128xf32, #tpu.memory_space<vmem>>)
    %run_scoped3A = arith.constant 0 : i32
    %run_scoped3A_79 = arith.constant 51 : i32
    "tpu.region"() ({
      %run_scoped3A_160 = tpu.sem_alloc : memref<!tpu.dma_semaphore, #tpu.memory_space<semaphore_mem>>
      %dma_start3A_161 = arith.constant 0 : i32
      %dma_start3A_162 = arith.constant 0 : i32
      %dma_start3A_163 = tpu.memref_slice %arg9[%run_scoped3A, %dma_start3A_161, %dma_start3A_162] : memref<3x96x128xf32, #tpu.memory_space<vmem>> -> memref<1x96x128xf32, #tpu.memory_space<vmem>>
      %dma_start3A_164 = tpu.memref_squeeze %dma_start3A_163 : memref<1x96x128xf32, #tpu.memory_space<vmem>> -> memref<96x128xf32, #tpu.memory_space<vmem>>
      %dma_start3A_165 = arith.constant 0 : i32
      %dma_start3A_166 = tpu.memref_slice %arg8[%run_scoped3A_79, %dma_start3A_165] : memref<53x96xi32, #tpu.memory_space<vmem>> -> memref<1x96xi32, #tpu.memory_space<vmem>>
      %dma_start3A_167 = tpu.memref_squeeze %dma_start3A_166 : memref<1x96xi32, #tpu.memory_space<vmem>> -> memref<96xi32, #tpu.memory_space<vmem>>
      %dma_start3A_168 = arith.constant 0 : i32
      %dma_start3A_169 = arith.constant 0 : i32
      %dma_start3A_170 = tpu.memref_slice %arg10[%dma_start3A_168, %dma_start3A_169] : memref<10112x128xf32, #tpu.memory_space<vmem_shared>> -> memref<10112x128xf32, #tpu.memory_space<vmem_shared>>
      tpu.enqueue_indirect_dma source(%dma_start3A_164 : memref<96x128xf32, #tpu.memory_space<vmem>>) target(%dma_start3A_170 : memref<10112x128xf32, #tpu.memory_space<vmem_shared>>) offsets(%dma_start3A_167 : memref<96xi32, #tpu.memory_space<vmem>>) semaphore(%run_scoped3A_160 : memref<!tpu.dma_semaphore, #tpu.memory_space<semaphore_mem>>) {add = true}
      %dma_wait3A_171 = arith.constant 0 : i32
      %dma_wait3A_172 = arith.constant 0 : i32
      %dma_wait3A_173 = tpu.memref_slice %arg9[%run_scoped3A, %dma_wait3A_171, %dma_wait3A_172] : memref<3x96x128xf32, #tpu.memory_space<vmem>> -> memref<1x96x128xf32, #tpu.memory_space<vmem>>
      %dma_wait3A_174 = tpu.memref_squeeze %dma_wait3A_173 : memref<1x96x128xf32, #tpu.memory_space<vmem>> -> memref<96x128xf32, #tpu.memory_space<vmem>>
      %dma_wait3A_175 = arith.constant 0 : i32
      %dma_wait3A_176 = tpu.memref_slice %arg8[%run_scoped3A_79, %dma_wait3A_175] : memref<53x96xi32, #tpu.memory_space<vmem>> -> memref<1x96xi32, #tpu.memory_space<vmem>>
      %dma_wait3A_177 = tpu.memref_squeeze %dma_wait3A_176 : memref<1x96xi32, #tpu.memory_space<vmem>> -> memref<96xi32, #tpu.memory_space<vmem>>
      %dma_wait3A_178 = arith.constant 0 : i32
      %dma_wait3A_179 = arith.constant 0 : i32
      %dma_wait3A_180 = tpu.memref_slice %arg10[%dma_wait3A_178, %dma_wait3A_179] : memref<10112x128xf32, #tpu.memory_space<vmem_shared>> -> memref<10112x128xf32, #tpu.memory_space<vmem_shared>>
      tpu.wait_indirect_dma semaphore(%run_scoped3A_160 : memref<!tpu.dma_semaphore, #tpu.memory_space<semaphore_mem>>) src(%dma_wait3A_174 : memref<96x128xf32, #tpu.memory_space<vmem>>) dst(%dma_wait3A_180 : memref<10112x128xf32, #tpu.memory_space<vmem_shared>>)
      tpu.yield
    }) : () -> ()
    %dma_wait3A_80 = arith.constant 1 : i32
    %dma_wait3A_81 = arith.constant 0 : i32
    %dma_wait3A_82 = arith.constant 0 : i32
    %dma_wait3A_83 = tpu.memref_slice %arg9[%dma_wait3A_80, %dma_wait3A_81, %dma_wait3A_82] : memref<3x96x128xf32, #tpu.memory_space<vmem>> -> memref<1x96x128xf32, #tpu.memory_space<vmem>>
    %dma_wait3A_84 = tpu.memref_squeeze %dma_wait3A_83 : memref<1x96x128xf32, #tpu.memory_space<vmem>> -> memref<96x128xf32, #tpu.memory_space<vmem>>
    %dma_wait3A_85 = arith.constant 4992 : i32
    %dma_wait3A_86 = tpu.memref_slice %arg7[%dma_wait3A_85] : memref<5088xi32, #tpu.memory_space<vmem>> -> memref<96xi32, #tpu.memory_space<vmem>>
    %dma_wait3A_87 = arith.constant 0 : i32
    %dma_wait3A_88 = arith.constant 0 : i32
    %dma_wait3A_89 = tpu.memref_slice %arg2[%dma_wait3A_87, %dma_wait3A_88] : memref<10000x128xf32, #tpu.memory_space<hbm>> -> memref<10000x128xf32, #tpu.memory_space<hbm>>
    tpu.wait_indirect_dma semaphore(%arg12 : memref<!tpu.dma_semaphore, #tpu.memory_space<semaphore_mem>>) src(%dma_wait3A_89 : memref<10000x128xf32, #tpu.memory_space<hbm>>) dst(%dma_wait3A_84 : memref<96x128xf32, #tpu.memory_space<vmem>>)
    %run_scoped3A_90 = arith.constant 1 : i32
    %run_scoped3A_91 = arith.constant 52 : i32
    "tpu.region"() ({
      %run_scoped3A_160 = tpu.sem_alloc : memref<!tpu.dma_semaphore, #tpu.memory_space<semaphore_mem>>
      %dma_start3A_161 = arith.constant 0 : i32
      %dma_start3A_162 = arith.constant 0 : i32
      %dma_start3A_163 = tpu.memref_slice %arg9[%run_scoped3A_90, %dma_start3A_161, %dma_start3A_162] : memref<3x96x128xf32, #tpu.memory_space<vmem>> -> memref<1x96x128xf32, #tpu.memory_space<vmem>>
      %dma_start3A_164 = tpu.memref_squeeze %dma_start3A_163 : memref<1x96x128xf32, #tpu.memory_space<vmem>> -> memref<96x128xf32, #tpu.memory_space<vmem>>
      %dma_start3A_165 = arith.constant 0 : i32
      %dma_start3A_166 = tpu.memref_slice %arg8[%run_scoped3A_91, %dma_start3A_165] : memref<53x96xi32, #tpu.memory_space<vmem>> -> memref<1x96xi32, #tpu.memory_space<vmem>>
      %dma_start3A_167 = tpu.memref_squeeze %dma_start3A_166 : memref<1x96xi32, #tpu.memory_space<vmem>> -> memref<96xi32, #tpu.memory_space<vmem>>
      %dma_start3A_168 = arith.constant 0 : i32
      %dma_start3A_169 = arith.constant 0 : i32
      %dma_start3A_170 = tpu.memref_slice %arg10[%dma_start3A_168, %dma_start3A_169] : memref<10112x128xf32, #tpu.memory_space<vmem_shared>> -> memref<10112x128xf32, #tpu.memory_space<vmem_shared>>
      tpu.enqueue_indirect_dma source(%dma_start3A_164 : memref<96x128xf32, #tpu.memory_space<vmem>>) target(%dma_start3A_170 : memref<10112x128xf32, #tpu.memory_space<vmem_shared>>) offsets(%dma_start3A_167 : memref<96xi32, #tpu.memory_space<vmem>>) semaphore(%run_scoped3A_160 : memref<!tpu.dma_semaphore, #tpu.memory_space<semaphore_mem>>) {add = true}
      %dma_wait3A_171 = arith.constant 0 : i32
      %dma_wait3A_172 = arith.constant 0 : i32
      %dma_wait3A_173 = tpu.memref_slice %arg9[%run_scoped3A_90, %dma_wait3A_171, %dma_wait3A_172] : memref<3x96x128xf32, #tpu.memory_space<vmem>> -> memref<1x96x128xf32, #tpu.memory_space<vmem>>
      %dma_wait3A_174 = tpu.memref_squeeze %dma_wait3A_173 : memref<1x96x128xf32, #tpu.memory_space<vmem>> -> memref<96x128xf32, #tpu.memory_space<vmem>>
      %dma_wait3A_175 = arith.constant 0 : i32
      %dma_wait3A_176 = tpu.memref_slice %arg8[%run_scoped3A_91, %dma_wait3A_175] : memref<53x96xi32, #tpu.memory_space<vmem>> -> memref<1x96xi32, #tpu.memory_space<vmem>>
      %dma_wait3A_177 = tpu.memref_squeeze %dma_wait3A_176 : memref<1x96xi32, #tpu.memory_space<vmem>> -> memref<96xi32, #tpu.memory_space<vmem>>
      %dma_wait3A_178 = arith.constant 0 : i32
      %dma_wait3A_179 = arith.constant 0 : i32
      %dma_wait3A_180 = tpu.memref_slice %arg10[%dma_wait3A_178, %dma_wait3A_179] : memref<10112x128xf32, #tpu.memory_space<vmem_shared>> -> memref<10112x128xf32, #tpu.memory_space<vmem_shared>>
      tpu.wait_indirect_dma semaphore(%run_scoped3A_160 : memref<!tpu.dma_semaphore, #tpu.memory_space<semaphore_mem>>) src(%dma_wait3A_174 : memref<96x128xf32, #tpu.memory_space<vmem>>) dst(%dma_wait3A_180 : memref<10112x128xf32, #tpu.memory_space<vmem_shared>>)
      tpu.yield
    }) : () -> ()
    %mul3A_92 = arith.constant 2 : i32
    %mul3A_93 = arith.muli %add3A, %mul3A_92 : i32
    %add3A_94 = arith.constant 1 : i32
    %add3A_95 = arith.addi %mul3A_93, %add3A_94 : i32
    "tpu.region"() ({
      %run_scoped3A_160 = tpu.sem_alloc : memref<!tpu.dma_semaphore, #tpu.memory_space<semaphore_mem>>
      %dma_start3A_161 = arith.constant 0 : i32
      %dma_start3A_162 = tpu.memref_slice %arg4[%add3A_95, %dma_start3A_161] : memref<64x5088xi32, #tpu.memory_space<hbm>> -> memref<1x5088xi32, #tpu.memory_space<hbm>>
      %dma_start3A_163 = tpu.memref_squeeze %dma_start3A_162 : memref<1x5088xi32, #tpu.memory_space<hbm>> -> memref<5088xi32, #tpu.memory_space<hbm>>
      %dma_start3A_164 = arith.constant 0 : i32
      %dma_start3A_165 = tpu.memref_slice %arg4[%add3A_95, %dma_start3A_164] : memref<64x5088xi32, #tpu.memory_space<hbm>> -> memref<1x5088xi32, #tpu.memory_space<hbm>>
      %dma_start3A_166 = tpu.memref_squeeze %dma_start3A_165 : memref<1x5088xi32, #tpu.memory_space<hbm>> -> memref<5088xi32, #tpu.memory_space<hbm>>
      tpu.enqueue_dma source(%dma_start3A_166 : memref<5088xi32, #tpu.memory_space<hbm>>) target(%arg7 : memref<5088xi32, #tpu.memory_space<vmem>>) target_semaphore(%run_scoped3A_160 : memref<!tpu.dma_semaphore, #tpu.memory_space<semaphore_mem>>)
      %dma_wait3A_167 = arith.constant 0 : i32
      %dma_wait3A_168 = tpu.memref_slice %arg4[%add3A_95, %dma_wait3A_167] : memref<64x5088xi32, #tpu.memory_space<hbm>> -> memref<1x5088xi32, #tpu.memory_space<hbm>>
      %dma_wait3A_169 = tpu.memref_squeeze %dma_wait3A_168 : memref<1x5088xi32, #tpu.memory_space<hbm>> -> memref<5088xi32, #tpu.memory_space<hbm>>
      %dma_wait3A_170 = arith.constant 0 : i32
      %dma_wait3A_171 = tpu.memref_slice %arg4[%add3A_95, %dma_wait3A_170] : memref<64x5088xi32, #tpu.memory_space<hbm>> -> memref<1x5088xi32, #tpu.memory_space<hbm>>
      %dma_wait3A_172 = tpu.memref_squeeze %dma_wait3A_171 : memref<1x5088xi32, #tpu.memory_space<hbm>> -> memref<5088xi32, #tpu.memory_space<hbm>>
      tpu.wait_dma2 semaphore(%run_scoped3A_160 : memref<!tpu.dma_semaphore, #tpu.memory_space<semaphore_mem>>) src(%dma_wait3A_172 : memref<5088xi32, #tpu.memory_space<hbm>>) dst(%arg7 : memref<5088xi32, #tpu.memory_space<vmem>>)
      tpu.yield
    }) : () -> ()
    %mul3A_96 = arith.constant 2 : i32
    %mul3A_97 = arith.muli %add3A, %mul3A_96 : i32
    %add3A_98 = arith.constant 1 : i32
    %add3A_99 = arith.addi %mul3A_97, %add3A_98 : i32
    "tpu.region"() ({
      %run_scoped3A_160 = tpu.sem_alloc : memref<!tpu.dma_semaphore, #tpu.memory_space<semaphore_mem>>
      %dma_start3A_161 = arith.constant 0 : i32
      %dma_start3A_162 = arith.constant 0 : i32
      %dma_start3A_163 = tpu.memref_slice %arg5[%add3A_99, %dma_start3A_161, %dma_start3A_162] : memref<64x53x96xi32, #tpu.memory_space<hbm>> -> memref<1x53x96xi32, #tpu.memory_space<hbm>>
      %dma_start3A_164 = tpu.memref_squeeze %dma_start3A_163 : memref<1x53x96xi32, #tpu.memory_space<hbm>> -> memref<53x96xi32, #tpu.memory_space<hbm>>
      %dma_start3A_165 = arith.constant 0 : i32
      %dma_start3A_166 = arith.constant 0 : i32
      %dma_start3A_167 = tpu.memref_slice %arg5[%add3A_99, %dma_start3A_165, %dma_start3A_166] : memref<64x53x96xi32, #tpu.memory_space<hbm>> -> memref<1x53x96xi32, #tpu.memory_space<hbm>>
      %dma_start3A_168 = tpu.memref_squeeze %dma_start3A_167 : memref<1x53x96xi32, #tpu.memory_space<hbm>> -> memref<53x96xi32, #tpu.memory_space<hbm>>
      tpu.enqueue_dma source(%dma_start3A_168 : memref<53x96xi32, #tpu.memory_space<hbm>>) target(%arg8 : memref<53x96xi32, #tpu.memory_space<vmem>>) target_semaphore(%run_scoped3A_160 : memref<!tpu.dma_semaphore, #tpu.memory_space<semaphore_mem>>)
      %dma_wait3A_169 = arith.constant 0 : i32
      %dma_wait3A_170 = arith.constant 0 : i32
      %dma_wait3A_171 = tpu.memref_slice %arg5[%add3A_99, %dma_wait3A_169, %dma_wait3A_170] : memref<64x53x96xi32, #tpu.memory_space<hbm>> -> memref<1x53x96xi32, #tpu.memory_space<hbm>>
      %dma_wait3A_172 = tpu.memref_squeeze %dma_wait3A_171 : memref<1x53x96xi32, #tpu.memory_space<hbm>> -> memref<53x96xi32, #tpu.memory_space<hbm>>
      %dma_wait3A_173 = arith.constant 0 : i32
      %dma_wait3A_174 = arith.constant 0 : i32
      %dma_wait3A_175 = tpu.memref_slice %arg5[%add3A_99, %dma_wait3A_173, %dma_wait3A_174] : memref<64x53x96xi32, #tpu.memory_space<hbm>> -> memref<1x53x96xi32, #tpu.memory_space<hbm>>
      %dma_wait3A_176 = tpu.memref_squeeze %dma_wait3A_175 : memref<1x53x96xi32, #tpu.memory_space<hbm>> -> memref<53x96xi32, #tpu.memory_space<hbm>>
      tpu.wait_dma2 semaphore(%run_scoped3A_160 : memref<!tpu.dma_semaphore, #tpu.memory_space<semaphore_mem>>) src(%dma_wait3A_176 : memref<53x96xi32, #tpu.memory_space<hbm>>) dst(%arg8 : memref<53x96xi32, #tpu.memory_space<vmem>>)
      tpu.yield
    }) : () -> ()
    %dma_start3A_100 = arith.constant 0 : i32
    %dma_start3A_101 = arith.constant 0 : i32
    %dma_start3A_102 = arith.constant 0 : i32
    %dma_start3A_103 = tpu.memref_slice %arg9[%dma_start3A_100, %dma_start3A_101, %dma_start3A_102] : memref<3x96x128xf32, #tpu.memory_space<vmem>> -> memref<1x96x128xf32, #tpu.memory_space<vmem>>
    %dma_start3A_104 = tpu.memref_squeeze %dma_start3A_103 : memref<1x96x128xf32, #tpu.memory_space<vmem>> -> memref<96x128xf32, #tpu.memory_space<vmem>>
    %dma_start3A_105 = arith.constant 0 : i32
    %dma_start3A_106 = tpu.memref_slice %arg7[%dma_start3A_105] : memref<5088xi32, #tpu.memory_space<vmem>> -> memref<96xi32, #tpu.memory_space<vmem>>
    %dma_start3A_107 = arith.constant 0 : i32
    %dma_start3A_108 = arith.constant 0 : i32
    %dma_start3A_109 = tpu.memref_slice %arg2[%dma_start3A_107, %dma_start3A_108] : memref<10000x128xf32, #tpu.memory_space<hbm>> -> memref<10000x128xf32, #tpu.memory_space<hbm>>
    tpu.enqueue_indirect_dma source(%dma_start3A_109 : memref<10000x128xf32, #tpu.memory_space<hbm>>) target(%dma_start3A_104 : memref<96x128xf32, #tpu.memory_space<vmem>>) offsets(%dma_start3A_106 : memref<96xi32, #tpu.memory_space<vmem>>) semaphore(%arg11 : memref<!tpu.dma_semaphore, #tpu.memory_space<semaphore_mem>>)
    %dma_start3A_110 = arith.constant 1 : i32
    %dma_start3A_111 = arith.constant 0 : i32
    %dma_start3A_112 = arith.constant 0 : i32
    %dma_start3A_113 = tpu.memref_slice %arg9[%dma_start3A_110, %dma_start3A_111, %dma_start3A_112] : memref<3x96x128xf32, #tpu.memory_space<vmem>> -> memref<1x96x128xf32, #tpu.memory_space<vmem>>
    %dma_start3A_114 = tpu.memref_squeeze %dma_start3A_113 : memref<1x96x128xf32, #tpu.memory_space<vmem>> -> memref<96x128xf32, #tpu.memory_space<vmem>>
    %dma_start3A_115 = arith.constant 96 : i32
    %dma_start3A_116 = tpu.memref_slice %arg7[%dma_start3A_115] : memref<5088xi32, #tpu.memory_space<vmem>> -> memref<96xi32, #tpu.memory_space<vmem>>
    %dma_start3A_117 = arith.constant 0 : i32
    %dma_start3A_118 = arith.constant 0 : i32
    %dma_start3A_119 = tpu.memref_slice %arg2[%dma_start3A_117, %dma_start3A_118] : memref<10000x128xf32, #tpu.memory_space<hbm>> -> memref<10000x128xf32, #tpu.memory_space<hbm>>
    tpu.enqueue_indirect_dma source(%dma_start3A_119 : memref<10000x128xf32, #tpu.memory_space<hbm>>) target(%dma_start3A_114 : memref<96x128xf32, #tpu.memory_space<vmem>>) offsets(%dma_start3A_116 : memref<96xi32, #tpu.memory_space<vmem>>) semaphore(%arg12 : memref<!tpu.dma_semaphore, #tpu.memory_space<semaphore_mem>>)
    %dma_start3A_120 = arith.constant 2 : i32
    %dma_start3A_121 = arith.constant 0 : i32
    %dma_start3A_122 = arith.constant 0 : i32
    %dma_start3A_123 = tpu.memref_slice %arg9[%dma_start3A_120, %dma_start3A_121, %dma_start3A_122] : memref<3x96x128xf32, #tpu.memory_space<vmem>> -> memref<1x96x128xf32, #tpu.memory_space<vmem>>
    %dma_start3A_124 = tpu.memref_squeeze %dma_start3A_123 : memref<1x96x128xf32, #tpu.memory_space<vmem>> -> memref<96x128xf32, #tpu.memory_space<vmem>>
    %dma_start3A_125 = arith.constant 192 : i32
    %dma_start3A_126 = tpu.memref_slice %arg7[%dma_start3A_125] : memref<5088xi32, #tpu.memory_space<vmem>> -> memref<96xi32, #tpu.memory_space<vmem>>
    %dma_start3A_127 = arith.constant 0 : i32
    %dma_start3A_128 = arith.constant 0 : i32
    %dma_start3A_129 = tpu.memref_slice %arg2[%dma_start3A_127, %dma_start3A_128] : memref<10000x128xf32, #tpu.memory_space<hbm>> -> memref<10000x128xf32, #tpu.memory_space<hbm>>
    tpu.enqueue_indirect_dma source(%dma_start3A_129 : memref<10000x128xf32, #tpu.memory_space<hbm>>) target(%dma_start3A_124 : memref<96x128xf32, #tpu.memory_space<vmem>>) offsets(%dma_start3A_126 : memref<96xi32, #tpu.memory_space<vmem>>) semaphore(%arg13 : memref<!tpu.dma_semaphore, #tpu.memory_space<semaphore_mem>>)
    %scan3A_130 = arith.constant 0 : i32
    %scan3A_131 = arith.constant 17 : i32
    %scan3A_132 = arith.addi %scan3A_130, %scan3A_131 : i32
    %scan3A_133 = arith.constant 1 : i32
    scf.for %scan3A_160 = %scan3A_130 to %scan3A_132 step %scan3A_133  : i32 {
      %mul3A_161 = arith.constant 3 : i32
      %mul3A_162 = arith.muli %scan3A_160, %mul3A_161 : i32
      %add3A_163 = arith.constant 0 : i32
      %add3A_164 = arith.addi %add3A_163, %mul3A_162 : i32
      %add3A_165 = arith.constant 0 : i32
      %add3A_166 = arith.addi %add3A_164, %add3A_165 : i32
      %mul3A_167 = arith.constant 96 : i32
      %mul3A_168 = arith.muli %add3A_166, %mul3A_167 : i32
      %dma_wait3A_169 = arith.constant 0 : i32
      %dma_wait3A_170 = arith.constant 0 : i32
      %dma_wait3A_171 = arith.constant 0 : i32
      %dma_wait3A_172 = tpu.memref_slice %arg9[%dma_wait3A_169, %dma_wait3A_170, %dma_wait3A_171] : memref<3x96x128xf32, #tpu.memory_space<vmem>> -> memref<1x96x128xf32, #tpu.memory_space<vmem>>
      %dma_wait3A_173 = tpu.memref_squeeze %dma_wait3A_172 : memref<1x96x128xf32, #tpu.memory_space<vmem>> -> memref<96x128xf32, #tpu.memory_space<vmem>>
      %dma_wait3A_174 = tpu.memref_slice %arg7[%mul3A_168] : memref<5088xi32, #tpu.memory_space<vmem>> -> memref<96xi32, #tpu.memory_space<vmem>>
      %dma_wait3A_175 = arith.constant 0 : i32
      %dma_wait3A_176 = arith.constant 0 : i32
      %dma_wait3A_177 = tpu.memref_slice %arg2[%dma_wait3A_175, %dma_wait3A_176] : memref<10000x128xf32, #tpu.memory_space<hbm>> -> memref<10000x128xf32, #tpu.memory_space<hbm>>
      tpu.wait_indirect_dma semaphore(%arg11 : memref<!tpu.dma_semaphore, #tpu.memory_space<semaphore_mem>>) src(%dma_wait3A_177 : memref<10000x128xf32, #tpu.memory_space<hbm>>) dst(%dma_wait3A_173 : memref<96x128xf32, #tpu.memory_space<vmem>>)
      %run_scoped3A_178 = arith.constant 0 : i32
      "tpu.region"() ({
        %run_scoped3A_228 = tpu.sem_alloc : memref<!tpu.dma_semaphore, #tpu.memory_space<semaphore_mem>>
        %dma_start3A_229 = arith.constant 0 : i32
        %dma_start3A_230 = arith.constant 0 : i32
        %dma_start3A_231 = tpu.memref_slice %arg9[%run_scoped3A_178, %dma_start3A_229, %dma_start3A_230] : memref<3x96x128xf32, #tpu.memory_space<vmem>> -> memref<1x96x128xf32, #tpu.memory_space<vmem>>
        %dma_start3A_232 = tpu.memref_squeeze %dma_start3A_231 : memref<1x96x128xf32, #tpu.memory_space<vmem>> -> memref<96x128xf32, #tpu.memory_space<vmem>>
        %dma_start3A_233 = arith.constant 0 : i32
        %dma_start3A_234 = tpu.memref_slice %arg8[%add3A_166, %dma_start3A_233] : memref<53x96xi32, #tpu.memory_space<vmem>> -> memref<1x96xi32, #tpu.memory_space<vmem>>
        %dma_start3A_235 = tpu.memref_squeeze %dma_start3A_234 : memref<1x96xi32, #tpu.memory_space<vmem>> -> memref<96xi32, #tpu.memory_space<vmem>>
        %dma_start3A_236 = arith.constant 0 : i32
        %dma_start3A_237 = arith.constant 0 : i32
        %dma_start3A_238 = tpu.memref_slice %arg10[%dma_start3A_236, %dma_start3A_237] : memref<10112x128xf32, #tpu.memory_space<vmem_shared>> -> memref<10112x128xf32, #tpu.memory_space<vmem_shared>>
        tpu.enqueue_indirect_dma source(%dma_start3A_232 : memref<96x128xf32, #tpu.memory_space<vmem>>) target(%dma_start3A_238 : memref<10112x128xf32, #tpu.memory_space<vmem_shared>>) offsets(%dma_start3A_235 : memref<96xi32, #tpu.memory_space<vmem>>) semaphore(%run_scoped3A_228 : memref<!tpu.dma_semaphore, #tpu.memory_space<semaphore_mem>>) {add = true}
        %dma_wait3A_239 = arith.constant 0 : i32
        %dma_wait3A_240 = arith.constant 0 : i32
        %dma_wait3A_241 = tpu.memref_slice %arg9[%run_scoped3A_178, %dma_wait3A_239, %dma_wait3A_240] : memref<3x96x128xf32, #tpu.memory_space<vmem>> -> memref<1x96x128xf32, #tpu.memory_space<vmem>>
        %dma_wait3A_242 = tpu.memref_squeeze %dma_wait3A_241 : memref<1x96x128xf32, #tpu.memory_space<vmem>> -> memref<96x128xf32, #tpu.memory_space<vmem>>
        %dma_wait3A_243 = arith.constant 0 : i32
        %dma_wait3A_244 = tpu.memref_slice %arg8[%add3A_166, %dma_wait3A_243] : memref<53x96xi32, #tpu.memory_space<vmem>> -> memref<1x96xi32, #tpu.memory_space<vmem>>
        %dma_wait3A_245 = tpu.memref_squeeze %dma_wait3A_244 : memref<1x96xi32, #tpu.memory_space<vmem>> -> memref<96xi32, #tpu.memory_space<vmem>>
        %dma_wait3A_246 = arith.constant 0 : i32
        %dma_wait3A_247 = arith.constant 0 : i32
        %dma_wait3A_248 = tpu.memref_slice %arg10[%dma_wait3A_246, %dma_wait3A_247] : memref<10112x128xf32, #tpu.memory_space<vmem_shared>> -> memref<10112x128xf32, #tpu.memory_space<vmem_shared>>
        tpu.wait_indirect_dma semaphore(%run_scoped3A_228 : memref<!tpu.dma_semaphore, #tpu.memory_space<semaphore_mem>>) src(%dma_wait3A_242 : memref<96x128xf32, #tpu.memory_space<vmem>>) dst(%dma_wait3A_248 : memref<10112x128xf32, #tpu.memory_space<vmem_shared>>)
        tpu.yield
      }) : () -> ()
      %add3A_179 = arith.constant 3 : i32
      %add3A_180 = arith.addi %add3A_166, %add3A_179 : i32
      %lt3A_181 = arith.constant 53 : i32
      %lt3A_182 = arith.cmpi slt, %add3A_180, %lt3A_181 : i32
      %convert_element_type3A_183 = arith.extui %lt3A_182 : i1 to i32
      %cond3A_184 = arith.constant 0 : i32
      %cond3A_185 = arith.cmpi ne, %convert_element_type3A_183, %cond3A_184 : i32
      scf.if %cond3A_185 {
        %add3A_228 = arith.constant 3 : i32
        %add3A_229 = arith.addi %add3A_166, %add3A_228 : i32
        %mul3A_230 = arith.constant 96 : i32
        %mul3A_231 = arith.muli %add3A_229, %mul3A_230 : i32
        %dma_start3A_232 = arith.constant 0 : i32
        %dma_start3A_233 = arith.constant 0 : i32
        %dma_start3A_234 = arith.constant 0 : i32
        %dma_start3A_235 = tpu.memref_slice %arg9[%dma_start3A_232, %dma_start3A_233, %dma_start3A_234] : memref<3x96x128xf32, #tpu.memory_space<vmem>> -> memref<1x96x128xf32, #tpu.memory_space<vmem>>
        %dma_start3A_236 = tpu.memref_squeeze %dma_start3A_235 : memref<1x96x128xf32, #tpu.memory_space<vmem>> -> memref<96x128xf32, #tpu.memory_space<vmem>>
        %dma_start3A_237 = tpu.memref_slice %arg7[%mul3A_231] : memref<5088xi32, #tpu.memory_space<vmem>> -> memref<96xi32, #tpu.memory_space<vmem>>
        %dma_start3A_238 = arith.constant 0 : i32
        %dma_start3A_239 = arith.constant 0 : i32
        %dma_start3A_240 = tpu.memref_slice %arg2[%dma_start3A_238, %dma_start3A_239] : memref<10000x128xf32, #tpu.memory_space<hbm>> -> memref<10000x128xf32, #tpu.memory_space<hbm>>
        tpu.enqueue_indirect_dma source(%dma_start3A_240 : memref<10000x128xf32, #tpu.memory_space<hbm>>) target(%dma_start3A_236 : memref<96x128xf32, #tpu.memory_space<vmem>>) offsets(%dma_start3A_237 : memref<96xi32, #tpu.memory_space<vmem>>) semaphore(%arg11 : memref<!tpu.dma_semaphore, #tpu.memory_space<semaphore_mem>>)
      } else {
      }
      %add3A_186 = arith.constant 1 : i32
      %add3A_187 = arith.addi %add3A_164, %add3A_186 : i32
      %mul3A_188 = arith.constant 96 : i32
      %mul3A_189 = arith.muli %add3A_187, %mul3A_188 : i32
      %dma_wait3A_190 = arith.constant 1 : i32
      %dma_wait3A_191 = arith.constant 0 : i32
      %dma_wait3A_192 = arith.constant 0 : i32
      %dma_wait3A_193 = tpu.memref_slice %arg9[%dma_wait3A_190, %dma_wait3A_191, %dma_wait3A_192] : memref<3x96x128xf32, #tpu.memory_space<vmem>> -> memref<1x96x128xf32, #tpu.memory_space<vmem>>
      %dma_wait3A_194 = tpu.memref_squeeze %dma_wait3A_193 : memref<1x96x128xf32, #tpu.memory_space<vmem>> -> memref<96x128xf32, #tpu.memory_space<vmem>>
      %dma_wait3A_195 = tpu.memref_slice %arg7[%mul3A_189] : memref<5088xi32, #tpu.memory_space<vmem>> -> memref<96xi32, #tpu.memory_space<vmem>>
      %dma_wait3A_196 = arith.constant 0 : i32
      %dma_wait3A_197 = arith.constant 0 : i32
      %dma_wait3A_198 = tpu.memref_slice %arg2[%dma_wait3A_196, %dma_wait3A_197] : memref<10000x128xf32, #tpu.memory_space<hbm>> -> memref<10000x128xf32, #tpu.memory_space<hbm>>
      tpu.wait_indirect_dma semaphore(%arg12 : memref<!tpu.dma_semaphore, #tpu.memory_space<semaphore_mem>>) src(%dma_wait3A_198 : memref<10000x128xf32, #tpu.memory_space<hbm>>) dst(%dma_wait3A_194 : memref<96x128xf32, #tpu.memory_space<vmem>>)
      %run_scoped3A_199 = arith.constant 1 : i32
      "tpu.region"() ({
        %run_scoped3A_228 = tpu.sem_alloc : memref<!tpu.dma_semaphore, #tpu.memory_space<semaphore_mem>>
        %dma_start3A_229 = arith.constant 0 : i32
        %dma_start3A_230 = arith.constant 0 : i32
        %dma_start3A_231 = tpu.memref_slice %arg9[%run_scoped3A_199, %dma_start3A_229, %dma_start3A_230] : memref<3x96x128xf32, #tpu.memory_space<vmem>> -> memref<1x96x128xf32, #tpu.memory_space<vmem>>
        %dma_start3A_232 = tpu.memref_squeeze %dma_start3A_231 : memref<1x96x128xf32, #tpu.memory_space<vmem>> -> memref<96x128xf32, #tpu.memory_space<vmem>>
        %dma_start3A_233 = arith.constant 0 : i32
        %dma_start3A_234 = tpu.memref_slice %arg8[%add3A_187, %dma_start3A_233] : memref<53x96xi32, #tpu.memory_space<vmem>> -> memref<1x96xi32, #tpu.memory_space<vmem>>
        %dma_start3A_235 = tpu.memref_squeeze %dma_start3A_234 : memref<1x96xi32, #tpu.memory_space<vmem>> -> memref<96xi32, #tpu.memory_space<vmem>>
        %dma_start3A_236 = arith.constant 0 : i32
        %dma_start3A_237 = arith.constant 0 : i32
        %dma_start3A_238 = tpu.memref_slice %arg10[%dma_start3A_236, %dma_start3A_237] : memref<10112x128xf32, #tpu.memory_space<vmem_shared>> -> memref<10112x128xf32, #tpu.memory_space<vmem_shared>>
        tpu.enqueue_indirect_dma source(%dma_start3A_232 : memref<96x128xf32, #tpu.memory_space<vmem>>) target(%dma_start3A_238 : memref<10112x128xf32, #tpu.memory_space<vmem_shared>>) offsets(%dma_start3A_235 : memref<96xi32, #tpu.memory_space<vmem>>) semaphore(%run_scoped3A_228 : memref<!tpu.dma_semaphore, #tpu.memory_space<semaphore_mem>>) {add = true}
        %dma_wait3A_239 = arith.constant 0 : i32
        %dma_wait3A_240 = arith.constant 0 : i32
        %dma_wait3A_241 = tpu.memref_slice %arg9[%run_scoped3A_199, %dma_wait3A_239, %dma_wait3A_240] : memref<3x96x128xf32, #tpu.memory_space<vmem>> -> memref<1x96x128xf32, #tpu.memory_space<vmem>>
        %dma_wait3A_242 = tpu.memref_squeeze %dma_wait3A_241 : memref<1x96x128xf32, #tpu.memory_space<vmem>> -> memref<96x128xf32, #tpu.memory_space<vmem>>
        %dma_wait3A_243 = arith.constant 0 : i32
        %dma_wait3A_244 = tpu.memref_slice %arg8[%add3A_187, %dma_wait3A_243] : memref<53x96xi32, #tpu.memory_space<vmem>> -> memref<1x96xi32, #tpu.memory_space<vmem>>
        %dma_wait3A_245 = tpu.memref_squeeze %dma_wait3A_244 : memref<1x96xi32, #tpu.memory_space<vmem>> -> memref<96xi32, #tpu.memory_space<vmem>>
        %dma_wait3A_246 = arith.constant 0 : i32
        %dma_wait3A_247 = arith.constant 0 : i32
        %dma_wait3A_248 = tpu.memref_slice %arg10[%dma_wait3A_246, %dma_wait3A_247] : memref<10112x128xf32, #tpu.memory_space<vmem_shared>> -> memref<10112x128xf32, #tpu.memory_space<vmem_shared>>
        tpu.wait_indirect_dma semaphore(%run_scoped3A_228 : memref<!tpu.dma_semaphore, #tpu.memory_space<semaphore_mem>>) src(%dma_wait3A_242 : memref<96x128xf32, #tpu.memory_space<vmem>>) dst(%dma_wait3A_248 : memref<10112x128xf32, #tpu.memory_space<vmem_shared>>)
        tpu.yield
      }) : () -> ()
      %add3A_200 = arith.constant 3 : i32
      %add3A_201 = arith.addi %add3A_187, %add3A_200 : i32
      %lt3A_202 = arith.constant 53 : i32
      %lt3A_203 = arith.cmpi slt, %add3A_201, %lt3A_202 : i32
      %convert_element_type3A_204 = arith.extui %lt3A_203 : i1 to i32
      %cond3A_205 = arith.constant 0 : i32
      %cond3A_206 = arith.cmpi ne, %convert_element_type3A_204, %cond3A_205 : i32
      scf.if %cond3A_206 {
        %add3A_228 = arith.constant 3 : i32
        %add3A_229 = arith.addi %add3A_187, %add3A_228 : i32
        %mul3A_230 = arith.constant 96 : i32
        %mul3A_231 = arith.muli %add3A_229, %mul3A_230 : i32
        %dma_start3A_232 = arith.constant 1 : i32
        %dma_start3A_233 = arith.constant 0 : i32
        %dma_start3A_234 = arith.constant 0 : i32
        %dma_start3A_235 = tpu.memref_slice %arg9[%dma_start3A_232, %dma_start3A_233, %dma_start3A_234] : memref<3x96x128xf32, #tpu.memory_space<vmem>> -> memref<1x96x128xf32, #tpu.memory_space<vmem>>
        %dma_start3A_236 = tpu.memref_squeeze %dma_start3A_235 : memref<1x96x128xf32, #tpu.memory_space<vmem>> -> memref<96x128xf32, #tpu.memory_space<vmem>>
        %dma_start3A_237 = tpu.memref_slice %arg7[%mul3A_231] : memref<5088xi32, #tpu.memory_space<vmem>> -> memref<96xi32, #tpu.memory_space<vmem>>
        %dma_start3A_238 = arith.constant 0 : i32
        %dma_start3A_239 = arith.constant 0 : i32
        %dma_start3A_240 = tpu.memref_slice %arg2[%dma_start3A_238, %dma_start3A_239] : memref<10000x128xf32, #tpu.memory_space<hbm>> -> memref<10000x128xf32, #tpu.memory_space<hbm>>
        tpu.enqueue_indirect_dma source(%dma_start3A_240 : memref<10000x128xf32, #tpu.memory_space<hbm>>) target(%dma_start3A_236 : memref<96x128xf32, #tpu.memory_space<vmem>>) offsets(%dma_start3A_237 : memref<96xi32, #tpu.memory_space<vmem>>) semaphore(%arg12 : memref<!tpu.dma_semaphore, #tpu.memory_space<semaphore_mem>>)
      } else {
      }
      %add3A_207 = arith.constant 2 : i32
      %add3A_208 = arith.addi %add3A_164, %add3A_207 : i32
      %mul3A_209 = arith.constant 96 : i32
      %mul3A_210 = arith.muli %add3A_208, %mul3A_209 : i32
      %dma_wait3A_211 = arith.constant 2 : i32
      %dma_wait3A_212 = arith.constant 0 : i32
      %dma_wait3A_213 = arith.constant 0 : i32
      %dma_wait3A_214 = tpu.memref_slice %arg9[%dma_wait3A_211, %dma_wait3A_212, %dma_wait3A_213] : memref<3x96x128xf32, #tpu.memory_space<vmem>> -> memref<1x96x128xf32, #tpu.memory_space<vmem>>
      %dma_wait3A_215 = tpu.memref_squeeze %dma_wait3A_214 : memref<1x96x128xf32, #tpu.memory_space<vmem>> -> memref<96x128xf32, #tpu.memory_space<vmem>>
      %dma_wait3A_216 = tpu.memref_slice %arg7[%mul3A_210] : memref<5088xi32, #tpu.memory_space<vmem>> -> memref<96xi32, #tpu.memory_space<vmem>>
      %dma_wait3A_217 = arith.constant 0 : i32
      %dma_wait3A_218 = arith.constant 0 : i32
      %dma_wait3A_219 = tpu.memref_slice %arg2[%dma_wait3A_217, %dma_wait3A_218] : memref<10000x128xf32, #tpu.memory_space<hbm>> -> memref<10000x128xf32, #tpu.memory_space<hbm>>
      tpu.wait_indirect_dma semaphore(%arg13 : memref<!tpu.dma_semaphore, #tpu.memory_space<semaphore_mem>>) src(%dma_wait3A_219 : memref<10000x128xf32, #tpu.memory_space<hbm>>) dst(%dma_wait3A_215 : memref<96x128xf32, #tpu.memory_space<vmem>>)
      %run_scoped3A_220 = arith.constant 2 : i32
      "tpu.region"() ({
        %run_scoped3A_228 = tpu.sem_alloc : memref<!tpu.dma_semaphore, #tpu.memory_space<semaphore_mem>>
        %dma_start3A_229 = arith.constant 0 : i32
        %dma_start3A_230 = arith.constant 0 : i32
        %dma_start3A_231 = tpu.memref_slice %arg9[%run_scoped3A_220, %dma_start3A_229, %dma_start3A_230] : memref<3x96x128xf32, #tpu.memory_space<vmem>> -> memref<1x96x128xf32, #tpu.memory_space<vmem>>
        %dma_start3A_232 = tpu.memref_squeeze %dma_start3A_231 : memref<1x96x128xf32, #tpu.memory_space<vmem>> -> memref<96x128xf32, #tpu.memory_space<vmem>>
        %dma_start3A_233 = arith.constant 0 : i32
        %dma_start3A_234 = tpu.memref_slice %arg8[%add3A_208, %dma_start3A_233] : memref<53x96xi32, #tpu.memory_space<vmem>> -> memref<1x96xi32, #tpu.memory_space<vmem>>
        %dma_start3A_235 = tpu.memref_squeeze %dma_start3A_234 : memref<1x96xi32, #tpu.memory_space<vmem>> -> memref<96xi32, #tpu.memory_space<vmem>>
        %dma_start3A_236 = arith.constant 0 : i32
        %dma_start3A_237 = arith.constant 0 : i32
        %dma_start3A_238 = tpu.memref_slice %arg10[%dma_start3A_236, %dma_start3A_237] : memref<10112x128xf32, #tpu.memory_space<vmem_shared>> -> memref<10112x128xf32, #tpu.memory_space<vmem_shared>>
        tpu.enqueue_indirect_dma source(%dma_start3A_232 : memref<96x128xf32, #tpu.memory_space<vmem>>) target(%dma_start3A_238 : memref<10112x128xf32, #tpu.memory_space<vmem_shared>>) offsets(%dma_start3A_235 : memref<96xi32, #tpu.memory_space<vmem>>) semaphore(%run_scoped3A_228 : memref<!tpu.dma_semaphore, #tpu.memory_space<semaphore_mem>>) {add = true}
        %dma_wait3A_239 = arith.constant 0 : i32
        %dma_wait3A_240 = arith.constant 0 : i32
        %dma_wait3A_241 = tpu.memref_slice %arg9[%run_scoped3A_220, %dma_wait3A_239, %dma_wait3A_240] : memref<3x96x128xf32, #tpu.memory_space<vmem>> -> memref<1x96x128xf32, #tpu.memory_space<vmem>>
        %dma_wait3A_242 = tpu.memref_squeeze %dma_wait3A_241 : memref<1x96x128xf32, #tpu.memory_space<vmem>> -> memref<96x128xf32, #tpu.memory_space<vmem>>
        %dma_wait3A_243 = arith.constant 0 : i32
        %dma_wait3A_244 = tpu.memref_slice %arg8[%add3A_208, %dma_wait3A_243] : memref<53x96xi32, #tpu.memory_space<vmem>> -> memref<1x96xi32, #tpu.memory_space<vmem>>
        %dma_wait3A_245 = tpu.memref_squeeze %dma_wait3A_244 : memref<1x96xi32, #tpu.memory_space<vmem>> -> memref<96xi32, #tpu.memory_space<vmem>>
        %dma_wait3A_246 = arith.constant 0 : i32
        %dma_wait3A_247 = arith.constant 0 : i32
        %dma_wait3A_248 = tpu.memref_slice %arg10[%dma_wait3A_246, %dma_wait3A_247] : memref<10112x128xf32, #tpu.memory_space<vmem_shared>> -> memref<10112x128xf32, #tpu.memory_space<vmem_shared>>
        tpu.wait_indirect_dma semaphore(%run_scoped3A_228 : memref<!tpu.dma_semaphore, #tpu.memory_space<semaphore_mem>>) src(%dma_wait3A_242 : memref<96x128xf32, #tpu.memory_space<vmem>>) dst(%dma_wait3A_248 : memref<10112x128xf32, #tpu.memory_space<vmem_shared>>)
        tpu.yield
      }) : () -> ()
      %add3A_221 = arith.constant 3 : i32
      %add3A_222 = arith.addi %add3A_208, %add3A_221 : i32
      %lt3A_223 = arith.constant 53 : i32
      %lt3A_224 = arith.cmpi slt, %add3A_222, %lt3A_223 : i32
      %convert_element_type3A_225 = arith.extui %lt3A_224 : i1 to i32
      %cond3A_226 = arith.constant 0 : i32
      %cond3A_227 = arith.cmpi ne, %convert_element_type3A_225, %cond3A_226 : i32
      scf.if %cond3A_227 {
        %add3A_228 = arith.constant 3 : i32
        %add3A_229 = arith.addi %add3A_208, %add3A_228 : i32
        %mul3A_230 = arith.constant 96 : i32
        %mul3A_231 = arith.muli %add3A_229, %mul3A_230 : i32
        %dma_start3A_232 = arith.constant 2 : i32
        %dma_start3A_233 = arith.constant 0 : i32
        %dma_start3A_234 = arith.constant 0 : i32
        %dma_start3A_235 = tpu.memref_slice %arg9[%dma_start3A_232, %dma_start3A_233, %dma_start3A_234] : memref<3x96x128xf32, #tpu.memory_space<vmem>> -> memref<1x96x128xf32, #tpu.memory_space<vmem>>
        %dma_start3A_236 = tpu.memref_squeeze %dma_start3A_235 : memref<1x96x128xf32, #tpu.memory_space<vmem>> -> memref<96x128xf32, #tpu.memory_space<vmem>>
        %dma_start3A_237 = tpu.memref_slice %arg7[%mul3A_231] : memref<5088xi32, #tpu.memory_space<vmem>> -> memref<96xi32, #tpu.memory_space<vmem>>
        %dma_start3A_238 = arith.constant 0 : i32
        %dma_start3A_239 = arith.constant 0 : i32
        %dma_start3A_240 = tpu.memref_slice %arg2[%dma_start3A_238, %dma_start3A_239] : memref<10000x128xf32, #tpu.memory_space<hbm>> -> memref<10000x128xf32, #tpu.memory_space<hbm>>
        tpu.enqueue_indirect_dma source(%dma_start3A_240 : memref<10000x128xf32, #tpu.memory_space<hbm>>) target(%dma_start3A_236 : memref<96x128xf32, #tpu.memory_space<vmem>>) offsets(%dma_start3A_237 : memref<96xi32, #tpu.memory_space<vmem>>) semaphore(%arg13 : memref<!tpu.dma_semaphore, #tpu.memory_space<semaphore_mem>>)
      } else {
      }
    }
    %scan3A_134 = arith.constant 17 : i32
    %dma_wait3A_135 = arith.constant 0 : i32
    %dma_wait3A_136 = arith.constant 0 : i32
    %dma_wait3A_137 = arith.constant 0 : i32
    %dma_wait3A_138 = tpu.memref_slice %arg9[%dma_wait3A_135, %dma_wait3A_136, %dma_wait3A_137] : memref<3x96x128xf32, #tpu.memory_space<vmem>> -> memref<1x96x128xf32, #tpu.memory_space<vmem>>
    %dma_wait3A_139 = tpu.memref_squeeze %dma_wait3A_138 : memref<1x96x128xf32, #tpu.memory_space<vmem>> -> memref<96x128xf32, #tpu.memory_space<vmem>>
    %dma_wait3A_140 = arith.constant 4896 : i32
    %dma_wait3A_141 = tpu.memref_slice %arg7[%dma_wait3A_140] : memref<5088xi32, #tpu.memory_space<vmem>> -> memref<96xi32, #tpu.memory_space<vmem>>
    %dma_wait3A_142 = arith.constant 0 : i32
    %dma_wait3A_143 = arith.constant 0 : i32
    %dma_wait3A_144 = tpu.memref_slice %arg2[%dma_wait3A_142, %dma_wait3A_143] : memref<10000x128xf32, #tpu.memory_space<hbm>> -> memref<10000x128xf32, #tpu.memory_space<hbm>>
    tpu.wait_indirect_dma semaphore(%arg11 : memref<!tpu.dma_semaphore, #tpu.memory_space<semaphore_mem>>) src(%dma_wait3A_144 : memref<10000x128xf32, #tpu.memory_space<hbm>>) dst(%dma_wait3A_139 : memref<96x128xf32, #tpu.memory_space<vmem>>)
    %run_scoped3A_145 = arith.constant 0 : i32
    %run_scoped3A_146 = arith.constant 51 : i32
    "tpu.region"() ({
      %run_scoped3A_160 = tpu.sem_alloc : memref<!tpu.dma_semaphore, #tpu.memory_space<semaphore_mem>>
      %dma_start3A_161 = arith.constant 0 : i32
      %dma_start3A_162 = arith.constant 0 : i32
      %dma_start3A_163 = tpu.memref_slice %arg9[%run_scoped3A_145, %dma_start3A_161, %dma_start3A_162] : memref<3x96x128xf32, #tpu.memory_space<vmem>> -> memref<1x96x128xf32, #tpu.memory_space<vmem>>
      %dma_start3A_164 = tpu.memref_squeeze %dma_start3A_163 : memref<1x96x128xf32, #tpu.memory_space<vmem>> -> memref<96x128xf32, #tpu.memory_space<vmem>>
      %dma_start3A_165 = arith.constant 0 : i32
      %dma_start3A_166 = tpu.memref_slice %arg8[%run_scoped3A_146, %dma_start3A_165] : memref<53x96xi32, #tpu.memory_space<vmem>> -> memref<1x96xi32, #tpu.memory_space<vmem>>
      %dma_start3A_167 = tpu.memref_squeeze %dma_start3A_166 : memref<1x96xi32, #tpu.memory_space<vmem>> -> memref<96xi32, #tpu.memory_space<vmem>>
      %dma_start3A_168 = arith.constant 0 : i32
      %dma_start3A_169 = arith.constant 0 : i32
      %dma_start3A_170 = tpu.memref_slice %arg10[%dma_start3A_168, %dma_start3A_169] : memref<10112x128xf32, #tpu.memory_space<vmem_shared>> -> memref<10112x128xf32, #tpu.memory_space<vmem_shared>>
      tpu.enqueue_indirect_dma source(%dma_start3A_164 : memref<96x128xf32, #tpu.memory_space<vmem>>) target(%dma_start3A_170 : memref<10112x128xf32, #tpu.memory_space<vmem_shared>>) offsets(%dma_start3A_167 : memref<96xi32, #tpu.memory_space<vmem>>) semaphore(%run_scoped3A_160 : memref<!tpu.dma_semaphore, #tpu.memory_space<semaphore_mem>>) {add = true}
      %dma_wait3A_171 = arith.constant 0 : i32
      %dma_wait3A_172 = arith.constant 0 : i32
      %dma_wait3A_173 = tpu.memref_slice %arg9[%run_scoped3A_145, %dma_wait3A_171, %dma_wait3A_172] : memref<3x96x128xf32, #tpu.memory_space<vmem>> -> memref<1x96x128xf32, #tpu.memory_space<vmem>>
      %dma_wait3A_174 = tpu.memref_squeeze %dma_wait3A_173 : memref<1x96x128xf32, #tpu.memory_space<vmem>> -> memref<96x128xf32, #tpu.memory_space<vmem>>
      %dma_wait3A_175 = arith.constant 0 : i32
      %dma_wait3A_176 = tpu.memref_slice %arg8[%run_scoped3A_146, %dma_wait3A_175] : memref<53x96xi32, #tpu.memory_space<vmem>> -> memref<1x96xi32, #tpu.memory_space<vmem>>
      %dma_wait3A_177 = tpu.memref_squeeze %dma_wait3A_176 : memref<1x96xi32, #tpu.memory_space<vmem>> -> memref<96xi32, #tpu.memory_space<vmem>>
      %dma_wait3A_178 = arith.constant 0 : i32
      %dma_wait3A_179 = arith.constant 0 : i32
      %dma_wait3A_180 = tpu.memref_slice %arg10[%dma_wait3A_178, %dma_wait3A_179] : memref<10112x128xf32, #tpu.memory_space<vmem_shared>> -> memref<10112x128xf32, #tpu.memory_space<vmem_shared>>
      tpu.wait_indirect_dma semaphore(%run_scoped3A_160 : memref<!tpu.dma_semaphore, #tpu.memory_space<semaphore_mem>>) src(%dma_wait3A_174 : memref<96x128xf32, #tpu.memory_space<vmem>>) dst(%dma_wait3A_180 : memref<10112x128xf32, #tpu.memory_space<vmem_shared>>)
      tpu.yield
    }) : () -> ()
    %dma_wait3A_147 = arith.constant 1 : i32
    %dma_wait3A_148 = arith.constant 0 : i32
    %dma_wait3A_149 = arith.constant 0 : i32
    %dma_wait3A_150 = tpu.memref_slice %arg9[%dma_wait3A_147, %dma_wait3A_148, %dma_wait3A_149] : memref<3x96x128xf32, #tpu.memory_space<vmem>> -> memref<1x96x128xf32, #tpu.memory_space<vmem>>
    %dma_wait3A_151 = tpu.memref_squeeze %dma_wait3A_150 : memref<1x96x128xf32, #tpu.memory_space<vmem>> -> memref<96x128xf32, #tpu.memory_space<vmem>>
    %dma_wait3A_152 = arith.constant 4992 : i32
    %dma_wait3A_153 = tpu.memref_slice %arg7[%dma_wait3A_152] : memref<5088xi32, #tpu.memory_space<vmem>> -> memref<96xi32, #tpu.memory_space<vmem>>
    %dma_wait3A_154 = arith.constant 0 : i32
    %dma_wait3A_155 = arith.constant 0 : i32
    %dma_wait3A_156 = tpu.memref_slice %arg2[%dma_wait3A_154, %dma_wait3A_155] : memref<10000x128xf32, #tpu.memory_space<hbm>> -> memref<10000x128xf32, #tpu.memory_space<hbm>>
    tpu.wait_indirect_dma semaphore(%arg12 : memref<!tpu.dma_semaphore, #tpu.memory_space<semaphore_mem>>) src(%dma_wait3A_156 : memref<10000x128xf32, #tpu.memory_space<hbm>>) dst(%dma_wait3A_151 : memref<96x128xf32, #tpu.memory_space<vmem>>)
    %run_scoped3A_157 = arith.constant 1 : i32
    %run_scoped3A_158 = arith.constant 52 : i32
    "tpu.region"() ({
      %run_scoped3A_160 = tpu.sem_alloc : memref<!tpu.dma_semaphore, #tpu.memory_space<semaphore_mem>>
      %dma_start3A_161 = arith.constant 0 : i32
      %dma_start3A_162 = arith.constant 0 : i32
      %dma_start3A_163 = tpu.memref_slice %arg9[%run_scoped3A_157, %dma_start3A_161, %dma_start3A_162] : memref<3x96x128xf32, #tpu.memory_space<vmem>> -> memref<1x96x128xf32, #tpu.memory_space<vmem>>
      %dma_start3A_164 = tpu.memref_squeeze %dma_start3A_163 : memref<1x96x128xf32, #tpu.memory_space<vmem>> -> memref<96x128xf32, #tpu.memory_space<vmem>>
      %dma_start3A_165 = arith.constant 0 : i32
      %dma_start3A_166 = tpu.memref_slice %arg8[%run_scoped3A_158, %dma_start3A_165] : memref<53x96xi32, #tpu.memory_space<vmem>> -> memref<1x96xi32, #tpu.memory_space<vmem>>
      %dma_start3A_167 = tpu.memref_squeeze %dma_start3A_166 : memref<1x96xi32, #tpu.memory_space<vmem>> -> memref<96xi32, #tpu.memory_space<vmem>>
      %dma_start3A_168 = arith.constant 0 : i32
      %dma_start3A_169 = arith.constant 0 : i32
      %dma_start3A_170 = tpu.memref_slice %arg10[%dma_start3A_168, %dma_start3A_169] : memref<10112x128xf32, #tpu.memory_space<vmem_shared>> -> memref<10112x128xf32, #tpu.memory_space<vmem_shared>>
      tpu.enqueue_indirect_dma source(%dma_start3A_164 : memref<96x128xf32, #tpu.memory_space<vmem>>) target(%dma_start3A_170 : memref<10112x128xf32, #tpu.memory_space<vmem_shared>>) offsets(%dma_start3A_167 : memref<96xi32, #tpu.memory_space<vmem>>) semaphore(%run_scoped3A_160 : memref<!tpu.dma_semaphore, #tpu.memory_space<semaphore_mem>>) {add = true}
      %dma_wait3A_171 = arith.constant 0 : i32
      %dma_wait3A_172 = arith.constant 0 : i32
      %dma_wait3A_173 = tpu.memref_slice %arg9[%run_scoped3A_157, %dma_wait3A_171, %dma_wait3A_172] : memref<3x96x128xf32, #tpu.memory_space<vmem>> -> memref<1x96x128xf32, #tpu.memory_space<vmem>>
      %dma_wait3A_174 = tpu.memref_squeeze %dma_wait3A_173 : memref<1x96x128xf32, #tpu.memory_space<vmem>> -> memref<96x128xf32, #tpu.memory_space<vmem>>
      %dma_wait3A_175 = arith.constant 0 : i32
      %dma_wait3A_176 = tpu.memref_slice %arg8[%run_scoped3A_158, %dma_wait3A_175] : memref<53x96xi32, #tpu.memory_space<vmem>> -> memref<1x96xi32, #tpu.memory_space<vmem>>
      %dma_wait3A_177 = tpu.memref_squeeze %dma_wait3A_176 : memref<1x96xi32, #tpu.memory_space<vmem>> -> memref<96xi32, #tpu.memory_space<vmem>>
      %dma_wait3A_178 = arith.constant 0 : i32
      %dma_wait3A_179 = arith.constant 0 : i32
      %dma_wait3A_180 = tpu.memref_slice %arg10[%dma_wait3A_178, %dma_wait3A_179] : memref<10112x128xf32, #tpu.memory_space<vmem_shared>> -> memref<10112x128xf32, #tpu.memory_space<vmem_shared>>
      tpu.wait_indirect_dma semaphore(%run_scoped3A_160 : memref<!tpu.dma_semaphore, #tpu.memory_space<semaphore_mem>>) src(%dma_wait3A_174 : memref<96x128xf32, #tpu.memory_space<vmem>>) dst(%dma_wait3A_180 : memref<10112x128xf32, #tpu.memory_space<vmem_shared>>)
      tpu.yield
    }) : () -> ()
    %barrier3A_159 = arith.constant 0 : index
    tpu.barrier barrier_id(%barrier3A_159)
    "tpu.region"() ({
      %run_scoped3A_160 = tpu.sem_alloc : memref<!tpu.dma_semaphore, #tpu.memory_space<semaphore_mem>>
      %dma_start3A_161 = arith.constant 0 : i32
      %dma_start3A_162 = tpu.memref_slice %arg6[%arg0, %mul3A_2, %dma_start3A_161] : memref<2x10112x128xf32, #tpu.memory_space<hbm>> -> memref<1x632x128xf32, #tpu.memory_space<hbm>>
      %dma_start3A_163 = tpu.memref_squeeze %dma_start3A_162 : memref<1x632x128xf32, #tpu.memory_space<hbm>> -> memref<632x128xf32, #tpu.memory_space<hbm>>
      %dma_start3A_164 = arith.constant 0 : i32
      %dma_start3A_165 = tpu.memref_slice %arg10[%mul3A_2, %dma_start3A_164] : memref<10112x128xf32, #tpu.memory_space<vmem_shared>> -> memref<632x128xf32, #tpu.memory_space<vmem_shared>>
      tpu.enqueue_dma source(%dma_start3A_165 : memref<632x128xf32, #tpu.memory_space<vmem_shared>>) target(%dma_start3A_163 : memref<632x128xf32, #tpu.memory_space<hbm>>) target_semaphore(%run_scoped3A_160 : memref<!tpu.dma_semaphore, #tpu.memory_space<semaphore_mem>>)
      %dma_wait3A_166 = arith.constant 0 : i32
      %dma_wait3A_167 = tpu.memref_slice %arg6[%arg0, %mul3A_2, %dma_wait3A_166] : memref<2x10112x128xf32, #tpu.memory_space<hbm>> -> memref<1x632x128xf32, #tpu.memory_space<hbm>>
      %dma_wait3A_168 = tpu.memref_squeeze %dma_wait3A_167 : memref<1x632x128xf32, #tpu.memory_space<hbm>> -> memref<632x128xf32, #tpu.memory_space<hbm>>
      %dma_wait3A_169 = arith.constant 0 : i32
      %dma_wait3A_170 = tpu.memref_slice %arg10[%mul3A_2, %dma_wait3A_169] : memref<10112x128xf32, #tpu.memory_space<vmem_shared>> -> memref<632x128xf32, #tpu.memory_space<vmem_shared>>
      tpu.wait_dma2 semaphore(%run_scoped3A_160 : memref<!tpu.dma_semaphore, #tpu.memory_space<semaphore_mem>>) src(%dma_wait3A_170 : memref<632x128xf32, #tpu.memory_space<vmem_shared>>) dst(%dma_wait3A_168 : memref<632x128xf32, #tpu.memory_space<hbm>>)
      tpu.yield
    }) : () -> ()
    return
  }
}

#map = affine_map<(d0, d1) -> (0, 0, 0)>
#map1 = affine_map<(d0, d1) -> (0, 0)>
module attributes {stable_mosaic.version = 14 : i64} {
  func.func @_deg_kernel(%arg0: i32, %arg1: i32, %arg2: memref<64x53x96xi32, #tpu.memory_space<hbm>>, %arg3: memref<2x16384xf32, #tpu.memory_space<hbm>>, %arg4: memref<53x96xi32, #tpu.memory_space<vmem>>, %arg5: memref<96xf32, #tpu.memory_space<vmem>>, %arg6: memref<1024xf32, #tpu.memory_space<vmem>>, %arg7: memref<16384xf32, #tpu.memory_space<vmem_shared>>) attributes {dimension_semantics = [#tpu.dimension_semantics<core_parallel>, #tpu.dimension_semantics<subcore_parallel>], iteration_bounds = array<i64: 2, 16>, scalar_prefetch = 0 : i64, scratch_operands = 4 : i64, tpu.core_type = #tpu.core_type<sc_vector_subcore>, window_params = [{transform_indices = #map}, {transform_indices = #map1}]} {
    %mul3A = arith.constant 2 : i32
    %mul3A_0 = arith.muli %arg1, %mul3A : i32
    %add3A = arith.addi %mul3A_0, %arg0 : i32
    %broadcast_in_dim3A = arith.constant 1.000000e+00 : f32
    %broadcast_in_dim3A_1 = vector.broadcast %broadcast_in_dim3A : f32 to vector<16xf32>
    %swap3A = arith.constant 0 : index
    %swap3A_2 = tpu.vector_load %arg5[%swap3A] {strides = array<i32>} : memref<96xf32, #tpu.memory_space<vmem>>, vector<16xf32>,
    %swap3A_3 = vector.shape_cast %swap3A_2 : vector<16xf32> to vector<16xf32>
    %swap3A_4 = vector.shape_cast %broadcast_in_dim3A_1 : vector<16xf32> to vector<16xf32>
    tpu.vector_store %arg5[%swap3A], %swap3A_4 {strides = array<i32>} : memref<96xf32, #tpu.memory_space<vmem>>, vector<16xf32>,
    %broadcast_in_dim3A_5 = arith.constant 1.000000e+00 : f32
    %broadcast_in_dim3A_6 = vector.broadcast %broadcast_in_dim3A_5 : f32 to vector<16xf32>
    %swap3A_7 = arith.constant 16 : index
    %swap3A_8 = tpu.vector_load %arg5[%swap3A_7] {strides = array<i32>} : memref<96xf32, #tpu.memory_space<vmem>>, vector<16xf32>,
    %swap3A_9 = vector.shape_cast %swap3A_8 : vector<16xf32> to vector<16xf32>
    %swap3A_10 = vector.shape_cast %broadcast_in_dim3A_6 : vector<16xf32> to vector<16xf32>
    tpu.vector_store %arg5[%swap3A_7], %swap3A_10 {strides = array<i32>} : memref<96xf32, #tpu.memory_space<vmem>>, vector<16xf32>,
    %broadcast_in_dim3A_11 = arith.constant 1.000000e+00 : f32
    %broadcast_in_dim3A_12 = vector.broadcast %broadcast_in_dim3A_11 : f32 to vector<16xf32>
    %swap3A_13 = arith.constant 32 : index
    %swap3A_14 = tpu.vector_load %arg5[%swap3A_13] {strides = array<i32>} : memref<96xf32, #tpu.memory_space<vmem>>, vector<16xf32>,
    %swap3A_15 = vector.shape_cast %swap3A_14 : vector<16xf32> to vector<16xf32>
    %swap3A_16 = vector.shape_cast %broadcast_in_dim3A_12 : vector<16xf32> to vector<16xf32>
    tpu.vector_store %arg5[%swap3A_13], %swap3A_16 {strides = array<i32>} : memref<96xf32, #tpu.memory_space<vmem>>, vector<16xf32>,
    %broadcast_in_dim3A_17 = arith.constant 1.000000e+00 : f32
    %broadcast_in_dim3A_18 = vector.broadcast %broadcast_in_dim3A_17 : f32 to vector<16xf32>
    %swap3A_19 = arith.constant 48 : index
    %swap3A_20 = tpu.vector_load %arg5[%swap3A_19] {strides = array<i32>} : memref<96xf32, #tpu.memory_space<vmem>>, vector<16xf32>,
    %swap3A_21 = vector.shape_cast %swap3A_20 : vector<16xf32> to vector<16xf32>
    %swap3A_22 = vector.shape_cast %broadcast_in_dim3A_18 : vector<16xf32> to vector<16xf32>
    tpu.vector_store %arg5[%swap3A_19], %swap3A_22 {strides = array<i32>} : memref<96xf32, #tpu.memory_space<vmem>>, vector<16xf32>,
    %broadcast_in_dim3A_23 = arith.constant 1.000000e+00 : f32
    %broadcast_in_dim3A_24 = vector.broadcast %broadcast_in_dim3A_23 : f32 to vector<16xf32>
    %swap3A_25 = arith.constant 64 : index
    %swap3A_26 = tpu.vector_load %arg5[%swap3A_25] {strides = array<i32>} : memref<96xf32, #tpu.memory_space<vmem>>, vector<16xf32>,
    %swap3A_27 = vector.shape_cast %swap3A_26 : vector<16xf32> to vector<16xf32>
    %swap3A_28 = vector.shape_cast %broadcast_in_dim3A_24 : vector<16xf32> to vector<16xf32>
    tpu.vector_store %arg5[%swap3A_25], %swap3A_28 {strides = array<i32>} : memref<96xf32, #tpu.memory_space<vmem>>, vector<16xf32>,
    %broadcast_in_dim3A_29 = arith.constant 1.000000e+00 : f32
    %broadcast_in_dim3A_30 = vector.broadcast %broadcast_in_dim3A_29 : f32 to vector<16xf32>
    %swap3A_31 = arith.constant 80 : index
    %swap3A_32 = tpu.vector_load %arg5[%swap3A_31] {strides = array<i32>} : memref<96xf32, #tpu.memory_space<vmem>>, vector<16xf32>,
    %swap3A_33 = vector.shape_cast %swap3A_32 : vector<16xf32> to vector<16xf32>
    %swap3A_34 = vector.shape_cast %broadcast_in_dim3A_30 : vector<16xf32> to vector<16xf32>
    tpu.vector_store %arg5[%swap3A_31], %swap3A_34 {strides = array<i32>} : memref<96xf32, #tpu.memory_space<vmem>>, vector<16xf32>,
    %broadcast_in_dim3A_35 = arith.constant 0.000000e+00 : f32
    %broadcast_in_dim3A_36 = vector.broadcast %broadcast_in_dim3A_35 : f32 to vector<16xf32>
    %swap3A_37 = arith.constant 0 : index
    %swap3A_38 = tpu.vector_load %arg6[%swap3A_37] {strides = array<i32>} : memref<1024xf32, #tpu.memory_space<vmem>>, vector<16xf32>,
    %swap3A_39 = vector.shape_cast %swap3A_38 : vector<16xf32> to vector<16xf32>
    %swap3A_40 = vector.shape_cast %broadcast_in_dim3A_36 : vector<16xf32> to vector<16xf32>
    tpu.vector_store %arg6[%swap3A_37], %swap3A_40 {strides = array<i32>} : memref<1024xf32, #tpu.memory_space<vmem>>, vector<16xf32>,
    %broadcast_in_dim3A_41 = arith.constant 0.000000e+00 : f32
    %broadcast_in_dim3A_42 = vector.broadcast %broadcast_in_dim3A_41 : f32 to vector<16xf32>
    %swap3A_43 = arith.constant 16 : index
    %swap3A_44 = tpu.vector_load %arg6[%swap3A_43] {strides = array<i32>} : memref<1024xf32, #tpu.memory_space<vmem>>, vector<16xf32>,
    %swap3A_45 = vector.shape_cast %swap3A_44 : vector<16xf32> to vector<16xf32>
    %swap3A_46 = vector.shape_cast %broadcast_in_dim3A_42 : vector<16xf32> to vector<16xf32>
    tpu.vector_store %arg6[%swap3A_43], %swap3A_46 {strides = array<i32>} : memref<1024xf32, #tpu.memory_space<vmem>>, vector<16xf32>,
    %broadcast_in_dim3A_47 = arith.constant 0.000000e+00 : f32
    %broadcast_in_dim3A_48 = vector.broadcast %broadcast_in_dim3A_47 : f32 to vector<16xf32>
    %swap3A_49 = arith.constant 32 : index
    %swap3A_50 = tpu.vector_load %arg6[%swap3A_49] {strides = array<i32>} : memref<1024xf32, #tpu.memory_space<vmem>>, vector<16xf32>,
    %swap3A_51 = vector.shape_cast %swap3A_50 : vector<16xf32> to vector<16xf32>
    %swap3A_52 = vector.shape_cast %broadcast_in_dim3A_48 : vector<16xf32> to vector<16xf32>
    tpu.vector_store %arg6[%swap3A_49], %swap3A_52 {strides = array<i32>} : memref<1024xf32, #tpu.memory_space<vmem>>, vector<16xf32>,
    %broadcast_in_dim3A_53 = arith.constant 0.000000e+00 : f32
    %broadcast_in_dim3A_54 = vector.broadcast %broadcast_in_dim3A_53 : f32 to vector<16xf32>
    %swap3A_55 = arith.constant 48 : index
    %swap3A_56 = tpu.vector_load %arg6[%swap3A_55] {strides = array<i32>} : memref<1024xf32, #tpu.memory_space<vmem>>, vector<16xf32>,
    %swap3A_57 = vector.shape_cast %swap3A_56 : vector<16xf32> to vector<16xf32>
    %swap3A_58 = vector.shape_cast %broadcast_in_dim3A_54 : vector<16xf32> to vector<16xf32>
    tpu.vector_store %arg6[%swap3A_55], %swap3A_58 {strides = array<i32>} : memref<1024xf32, #tpu.memory_space<vmem>>, vector<16xf32>,
    %broadcast_in_dim3A_59 = arith.constant 0.000000e+00 : f32
    %broadcast_in_dim3A_60 = vector.broadcast %broadcast_in_dim3A_59 : f32 to vector<16xf32>
    %swap3A_61 = arith.constant 64 : index
    %swap3A_62 = tpu.vector_load %arg6[%swap3A_61] {strides = array<i32>} : memref<1024xf32, #tpu.memory_space<vmem>>, vector<16xf32>,
    %swap3A_63 = vector.shape_cast %swap3A_62 : vector<16xf32> to vector<16xf32>
    %swap3A_64 = vector.shape_cast %broadcast_in_dim3A_60 : vector<16xf32> to vector<16xf32>
    tpu.vector_store %arg6[%swap3A_61], %swap3A_64 {strides = array<i32>} : memref<1024xf32, #tpu.memory_space<vmem>>, vector<16xf32>,
    %broadcast_in_dim3A_65 = arith.constant 0.000000e+00 : f32
    %broadcast_in_dim3A_66 = vector.broadcast %broadcast_in_dim3A_65 : f32 to vector<16xf32>
    %swap3A_67 = arith.constant 80 : index
    %swap3A_68 = tpu.vector_load %arg6[%swap3A_67] {strides = array<i32>} : memref<1024xf32, #tpu.memory_space<vmem>>, vector<16xf32>,
    %swap3A_69 = vector.shape_cast %swap3A_68 : vector<16xf32> to vector<16xf32>
    %swap3A_70 = vector.shape_cast %broadcast_in_dim3A_66 : vector<16xf32> to vector<16xf32>
    tpu.vector_store %arg6[%swap3A_67], %swap3A_70 {strides = array<i32>} : memref<1024xf32, #tpu.memory_space<vmem>>, vector<16xf32>,
    %broadcast_in_dim3A_71 = arith.constant 0.000000e+00 : f32
    %broadcast_in_dim3A_72 = vector.broadcast %broadcast_in_dim3A_71 : f32 to vector<16xf32>
    %swap3A_73 = arith.constant 96 : index
    %swap3A_74 = tpu.vector_load %arg6[%swap3A_73] {strides = array<i32>} : memref<1024xf32, #tpu.memory_space<vmem>>, vector<16xf32>,
    %swap3A_75 = vector.shape_cast %swap3A_74 : vector<16xf32> to vector<16xf32>
    %swap3A_76 = vector.shape_cast %broadcast_in_dim3A_72 : vector<16xf32> to vector<16xf32>
    tpu.vector_store %arg6[%swap3A_73], %swap3A_76 {strides = array<i32>} : memref<1024xf32, #tpu.memory_space<vmem>>, vector<16xf32>,
    %broadcast_in_dim3A_77 = arith.constant 0.000000e+00 : f32
    %broadcast_in_dim3A_78 = vector.broadcast %broadcast_in_dim3A_77 : f32 to vector<16xf32>
    %swap3A_79 = arith.constant 112 : index
    %swap3A_80 = tpu.vector_load %arg6[%swap3A_79] {strides = array<i32>} : memref<1024xf32, #tpu.memory_space<vmem>>, vector<16xf32>,
    %swap3A_81 = vector.shape_cast %swap3A_80 : vector<16xf32> to vector<16xf32>
    %swap3A_82 = vector.shape_cast %broadcast_in_dim3A_78 : vector<16xf32> to vector<16xf32>
    tpu.vector_store %arg6[%swap3A_79], %swap3A_82 {strides = array<i32>} : memref<1024xf32, #tpu.memory_space<vmem>>, vector<16xf32>,
    %broadcast_in_dim3A_83 = arith.constant 0.000000e+00 : f32
    %broadcast_in_dim3A_84 = vector.broadcast %broadcast_in_dim3A_83 : f32 to vector<16xf32>
    %swap3A_85 = arith.constant 128 : index
    %swap3A_86 = tpu.vector_load %arg6[%swap3A_85] {strides = array<i32>} : memref<1024xf32, #tpu.memory_space<vmem>>, vector<16xf32>,
    %swap3A_87 = vector.shape_cast %swap3A_86 : vector<16xf32> to vector<16xf32>
    %swap3A_88 = vector.shape_cast %broadcast_in_dim3A_84 : vector<16xf32> to vector<16xf32>
    tpu.vector_store %arg6[%swap3A_85], %swap3A_88 {strides = array<i32>} : memref<1024xf32, #tpu.memory_space<vmem>>, vector<16xf32>,
    %broadcast_in_dim3A_89 = arith.constant 0.000000e+00 : f32
    %broadcast_in_dim3A_90 = vector.broadcast %broadcast_in_dim3A_89 : f32 to vector<16xf32>
    %swap3A_91 = arith.constant 144 : index
    %swap3A_92 = tpu.vector_load %arg6[%swap3A_91] {strides = array<i32>} : memref<1024xf32, #tpu.memory_space<vmem>>, vector<16xf32>,
    %swap3A_93 = vector.shape_cast %swap3A_92 : vector<16xf32> to vector<16xf32>
    %swap3A_94 = vector.shape_cast %broadcast_in_dim3A_90 : vector<16xf32> to vector<16xf32>
    tpu.vector_store %arg6[%swap3A_91], %swap3A_94 {strides = array<i32>} : memref<1024xf32, #tpu.memory_space<vmem>>, vector<16xf32>,
    %broadcast_in_dim3A_95 = arith.constant 0.000000e+00 : f32
    %broadcast_in_dim3A_96 = vector.broadcast %broadcast_in_dim3A_95 : f32 to vector<16xf32>
    %swap3A_97 = arith.constant 160 : index
    %swap3A_98 = tpu.vector_load %arg6[%swap3A_97] {strides = array<i32>} : memref<1024xf32, #tpu.memory_space<vmem>>, vector<16xf32>,
    %swap3A_99 = vector.shape_cast %swap3A_98 : vector<16xf32> to vector<16xf32>
    %swap3A_100 = vector.shape_cast %broadcast_in_dim3A_96 : vector<16xf32> to vector<16xf32>
    tpu.vector_store %arg6[%swap3A_97], %swap3A_100 {strides = array<i32>} : memref<1024xf32, #tpu.memory_space<vmem>>, vector<16xf32>,
    %broadcast_in_dim3A_101 = arith.constant 0.000000e+00 : f32
    %broadcast_in_dim3A_102 = vector.broadcast %broadcast_in_dim3A_101 : f32 to vector<16xf32>
    %swap3A_103 = arith.constant 176 : index
    %swap3A_104 = tpu.vector_load %arg6[%swap3A_103] {strides = array<i32>} : memref<1024xf32, #tpu.memory_space<vmem>>, vector<16xf32>,
    %swap3A_105 = vector.shape_cast %swap3A_104 : vector<16xf32> to vector<16xf32>
    %swap3A_106 = vector.shape_cast %broadcast_in_dim3A_102 : vector<16xf32> to vector<16xf32>
    tpu.vector_store %arg6[%swap3A_103], %swap3A_106 {strides = array<i32>} : memref<1024xf32, #tpu.memory_space<vmem>>, vector<16xf32>,
    %broadcast_in_dim3A_107 = arith.constant 0.000000e+00 : f32
    %broadcast_in_dim3A_108 = vector.broadcast %broadcast_in_dim3A_107 : f32 to vector<16xf32>
    %swap3A_109 = arith.constant 192 : index
    %swap3A_110 = tpu.vector_load %arg6[%swap3A_109] {strides = array<i32>} : memref<1024xf32, #tpu.memory_space<vmem>>, vector<16xf32>,
    %swap3A_111 = vector.shape_cast %swap3A_110 : vector<16xf32> to vector<16xf32>
    %swap3A_112 = vector.shape_cast %broadcast_in_dim3A_108 : vector<16xf32> to vector<16xf32>
    tpu.vector_store %arg6[%swap3A_109], %swap3A_112 {strides = array<i32>} : memref<1024xf32, #tpu.memory_space<vmem>>, vector<16xf32>,
    %broadcast_in_dim3A_113 = arith.constant 0.000000e+00 : f32
    %broadcast_in_dim3A_114 = vector.broadcast %broadcast_in_dim3A_113 : f32 to vector<16xf32>
    %swap3A_115 = arith.constant 208 : index
    %swap3A_116 = tpu.vector_load %arg6[%swap3A_115] {strides = array<i32>} : memref<1024xf32, #tpu.memory_space<vmem>>, vector<16xf32>,
    %swap3A_117 = vector.shape_cast %swap3A_116 : vector<16xf32> to vector<16xf32>
    %swap3A_118 = vector.shape_cast %broadcast_in_dim3A_114 : vector<16xf32> to vector<16xf32>
    tpu.vector_store %arg6[%swap3A_115], %swap3A_118 {strides = array<i32>} : memref<1024xf32, #tpu.memory_space<vmem>>, vector<16xf32>,
    %broadcast_in_dim3A_119 = arith.constant 0.000000e+00 : f32
    %broadcast_in_dim3A_120 = vector.broadcast %broadcast_in_dim3A_119 : f32 to vector<16xf32>
    %swap3A_121 = arith.constant 224 : index
    %swap3A_122 = tpu.vector_load %arg6[%swap3A_121] {strides = array<i32>} : memref<1024xf32, #tpu.memory_space<vmem>>, vector<16xf32>,
    %swap3A_123 = vector.shape_cast %swap3A_122 : vector<16xf32> to vector<16xf32>
    %swap3A_124 = vector.shape_cast %broadcast_in_dim3A_120 : vector<16xf32> to vector<16xf32>
    tpu.vector_store %arg6[%swap3A_121], %swap3A_124 {strides = array<i32>} : memref<1024xf32, #tpu.memory_space<vmem>>, vector<16xf32>,
    %broadcast_in_dim3A_125 = arith.constant 0.000000e+00 : f32
    %broadcast_in_dim3A_126 = vector.broadcast %broadcast_in_dim3A_125 : f32 to vector<16xf32>
    %swap3A_127 = arith.constant 240 : index
    %swap3A_128 = tpu.vector_load %arg6[%swap3A_127] {strides = array<i32>} : memref<1024xf32, #tpu.memory_space<vmem>>, vector<16xf32>,
    %swap3A_129 = vector.shape_cast %swap3A_128 : vector<16xf32> to vector<16xf32>
    %swap3A_130 = vector.shape_cast %broadcast_in_dim3A_126 : vector<16xf32> to vector<16xf32>
    tpu.vector_store %arg6[%swap3A_127], %swap3A_130 {strides = array<i32>} : memref<1024xf32, #tpu.memory_space<vmem>>, vector<16xf32>,
    %broadcast_in_dim3A_131 = arith.constant 0.000000e+00 : f32
    %broadcast_in_dim3A_132 = vector.broadcast %broadcast_in_dim3A_131 : f32 to vector<16xf32>
    %swap3A_133 = arith.constant 256 : index
    %swap3A_134 = tpu.vector_load %arg6[%swap3A_133] {strides = array<i32>} : memref<1024xf32, #tpu.memory_space<vmem>>, vector<16xf32>,
    %swap3A_135 = vector.shape_cast %swap3A_134 : vector<16xf32> to vector<16xf32>
    %swap3A_136 = vector.shape_cast %broadcast_in_dim3A_132 : vector<16xf32> to vector<16xf32>
    tpu.vector_store %arg6[%swap3A_133], %swap3A_136 {strides = array<i32>} : memref<1024xf32, #tpu.memory_space<vmem>>, vector<16xf32>,
    %broadcast_in_dim3A_137 = arith.constant 0.000000e+00 : f32
    %broadcast_in_dim3A_138 = vector.broadcast %broadcast_in_dim3A_137 : f32 to vector<16xf32>
    %swap3A_139 = arith.constant 272 : index
    %swap3A_140 = tpu.vector_load %arg6[%swap3A_139] {strides = array<i32>} : memref<1024xf32, #tpu.memory_space<vmem>>, vector<16xf32>,
    %swap3A_141 = vector.shape_cast %swap3A_140 : vector<16xf32> to vector<16xf32>
    %swap3A_142 = vector.shape_cast %broadcast_in_dim3A_138 : vector<16xf32> to vector<16xf32>
    tpu.vector_store %arg6[%swap3A_139], %swap3A_142 {strides = array<i32>} : memref<1024xf32, #tpu.memory_space<vmem>>, vector<16xf32>,
    %broadcast_in_dim3A_143 = arith.constant 0.000000e+00 : f32
    %broadcast_in_dim3A_144 = vector.broadcast %broadcast_in_dim3A_143 : f32 to vector<16xf32>
    %swap3A_145 = arith.constant 288 : index
    %swap3A_146 = tpu.vector_load %arg6[%swap3A_145] {strides = array<i32>} : memref<1024xf32, #tpu.memory_space<vmem>>, vector<16xf32>,
    %swap3A_147 = vector.shape_cast %swap3A_146 : vector<16xf32> to vector<16xf32>
    %swap3A_148 = vector.shape_cast %broadcast_in_dim3A_144 : vector<16xf32> to vector<16xf32>
    tpu.vector_store %arg6[%swap3A_145], %swap3A_148 {strides = array<i32>} : memref<1024xf32, #tpu.memory_space<vmem>>, vector<16xf32>,
    %broadcast_in_dim3A_149 = arith.constant 0.000000e+00 : f32
    %broadcast_in_dim3A_150 = vector.broadcast %broadcast_in_dim3A_149 : f32 to vector<16xf32>
    %swap3A_151 = arith.constant 304 : index
    %swap3A_152 = tpu.vector_load %arg6[%swap3A_151] {strides = array<i32>} : memref<1024xf32, #tpu.memory_space<vmem>>, vector<16xf32>,
    %swap3A_153 = vector.shape_cast %swap3A_152 : vector<16xf32> to vector<16xf32>
    %swap3A_154 = vector.shape_cast %broadcast_in_dim3A_150 : vector<16xf32> to vector<16xf32>
    tpu.vector_store %arg6[%swap3A_151], %swap3A_154 {strides = array<i32>} : memref<1024xf32, #tpu.memory_space<vmem>>, vector<16xf32>,
    %broadcast_in_dim3A_155 = arith.constant 0.000000e+00 : f32
    %broadcast_in_dim3A_156 = vector.broadcast %broadcast_in_dim3A_155 : f32 to vector<16xf32>
    %swap3A_157 = arith.constant 320 : index
    %swap3A_158 = tpu.vector_load %arg6[%swap3A_157] {strides = array<i32>} : memref<1024xf32, #tpu.memory_space<vmem>>, vector<16xf32>,
    %swap3A_159 = vector.shape_cast %swap3A_158 : vector<16xf32> to vector<16xf32>
    %swap3A_160 = vector.shape_cast %broadcast_in_dim3A_156 : vector<16xf32> to vector<16xf32>
    tpu.vector_store %arg6[%swap3A_157], %swap3A_160 {strides = array<i32>} : memref<1024xf32, #tpu.memory_space<vmem>>, vector<16xf32>,
    %broadcast_in_dim3A_161 = arith.constant 0.000000e+00 : f32
    %broadcast_in_dim3A_162 = vector.broadcast %broadcast_in_dim3A_161 : f32 to vector<16xf32>
    %swap3A_163 = arith.constant 336 : index
    %swap3A_164 = tpu.vector_load %arg6[%swap3A_163] {strides = array<i32>} : memref<1024xf32, #tpu.memory_space<vmem>>, vector<16xf32>,
    %swap3A_165 = vector.shape_cast %swap3A_164 : vector<16xf32> to vector<16xf32>
    %swap3A_166 = vector.shape_cast %broadcast_in_dim3A_162 : vector<16xf32> to vector<16xf32>
    tpu.vector_store %arg6[%swap3A_163], %swap3A_166 {strides = array<i32>} : memref<1024xf32, #tpu.memory_space<vmem>>, vector<16xf32>,
    %broadcast_in_dim3A_167 = arith.constant 0.000000e+00 : f32
    %broadcast_in_dim3A_168 = vector.broadcast %broadcast_in_dim3A_167 : f32 to vector<16xf32>
    %swap3A_169 = arith.constant 352 : index
    %swap3A_170 = tpu.vector_load %arg6[%swap3A_169] {strides = array<i32>} : memref<1024xf32, #tpu.memory_space<vmem>>, vector<16xf32>,
    %swap3A_171 = vector.shape_cast %swap3A_170 : vector<16xf32> to vector<16xf32>
    %swap3A_172 = vector.shape_cast %broadcast_in_dim3A_168 : vector<16xf32> to vector<16xf32>
    tpu.vector_store %arg6[%swap3A_169], %swap3A_172 {strides = array<i32>} : memref<1024xf32, #tpu.memory_space<vmem>>, vector<16xf32>,
    %broadcast_in_dim3A_173 = arith.constant 0.000000e+00 : f32
    %broadcast_in_dim3A_174 = vector.broadcast %broadcast_in_dim3A_173 : f32 to vector<16xf32>
    %swap3A_175 = arith.constant 368 : index
    %swap3A_176 = tpu.vector_load %arg6[%swap3A_175] {strides = array<i32>} : memref<1024xf32, #tpu.memory_space<vmem>>, vector<16xf32>,
    %swap3A_177 = vector.shape_cast %swap3A_176 : vector<16xf32> to vector<16xf32>
    %swap3A_178 = vector.shape_cast %broadcast_in_dim3A_174 : vector<16xf32> to vector<16xf32>
    tpu.vector_store %arg6[%swap3A_175], %swap3A_178 {strides = array<i32>} : memref<1024xf32, #tpu.memory_space<vmem>>, vector<16xf32>,
    %broadcast_in_dim3A_179 = arith.constant 0.000000e+00 : f32
    %broadcast_in_dim3A_180 = vector.broadcast %broadcast_in_dim3A_179 : f32 to vector<16xf32>
    %swap3A_181 = arith.constant 384 : index
    %swap3A_182 = tpu.vector_load %arg6[%swap3A_181] {strides = array<i32>} : memref<1024xf32, #tpu.memory_space<vmem>>, vector<16xf32>,
    %swap3A_183 = vector.shape_cast %swap3A_182 : vector<16xf32> to vector<16xf32>
    %swap3A_184 = vector.shape_cast %broadcast_in_dim3A_180 : vector<16xf32> to vector<16xf32>
    tpu.vector_store %arg6[%swap3A_181], %swap3A_184 {strides = array<i32>} : memref<1024xf32, #tpu.memory_space<vmem>>, vector<16xf32>,
    %broadcast_in_dim3A_185 = arith.constant 0.000000e+00 : f32
    %broadcast_in_dim3A_186 = vector.broadcast %broadcast_in_dim3A_185 : f32 to vector<16xf32>
    %swap3A_187 = arith.constant 400 : index
    %swap3A_188 = tpu.vector_load %arg6[%swap3A_187] {strides = array<i32>} : memref<1024xf32, #tpu.memory_space<vmem>>, vector<16xf32>,
    %swap3A_189 = vector.shape_cast %swap3A_188 : vector<16xf32> to vector<16xf32>
    %swap3A_190 = vector.shape_cast %broadcast_in_dim3A_186 : vector<16xf32> to vector<16xf32>
    tpu.vector_store %arg6[%swap3A_187], %swap3A_190 {strides = array<i32>} : memref<1024xf32, #tpu.memory_space<vmem>>, vector<16xf32>,
    %broadcast_in_dim3A_191 = arith.constant 0.000000e+00 : f32
    %broadcast_in_dim3A_192 = vector.broadcast %broadcast_in_dim3A_191 : f32 to vector<16xf32>
    %swap3A_193 = arith.constant 416 : index
    %swap3A_194 = tpu.vector_load %arg6[%swap3A_193] {strides = array<i32>} : memref<1024xf32, #tpu.memory_space<vmem>>, vector<16xf32>,
    %swap3A_195 = vector.shape_cast %swap3A_194 : vector<16xf32> to vector<16xf32>
    %swap3A_196 = vector.shape_cast %broadcast_in_dim3A_192 : vector<16xf32> to vector<16xf32>
    tpu.vector_store %arg6[%swap3A_193], %swap3A_196 {strides = array<i32>} : memref<1024xf32, #tpu.memory_space<vmem>>, vector<16xf32>,
    %broadcast_in_dim3A_197 = arith.constant 0.000000e+00 : f32
    %broadcast_in_dim3A_198 = vector.broadcast %broadcast_in_dim3A_197 : f32 to vector<16xf32>
    %swap3A_199 = arith.constant 432 : index
    %swap3A_200 = tpu.vector_load %arg6[%swap3A_199] {strides = array<i32>} : memref<1024xf32, #tpu.memory_space<vmem>>, vector<16xf32>,
    %swap3A_201 = vector.shape_cast %swap3A_200 : vector<16xf32> to vector<16xf32>
    %swap3A_202 = vector.shape_cast %broadcast_in_dim3A_198 : vector<16xf32> to vector<16xf32>
    tpu.vector_store %arg6[%swap3A_199], %swap3A_202 {strides = array<i32>} : memref<1024xf32, #tpu.memory_space<vmem>>, vector<16xf32>,
    %broadcast_in_dim3A_203 = arith.constant 0.000000e+00 : f32
    %broadcast_in_dim3A_204 = vector.broadcast %broadcast_in_dim3A_203 : f32 to vector<16xf32>
    %swap3A_205 = arith.constant 448 : index
    %swap3A_206 = tpu.vector_load %arg6[%swap3A_205] {strides = array<i32>} : memref<1024xf32, #tpu.memory_space<vmem>>, vector<16xf32>,
    %swap3A_207 = vector.shape_cast %swap3A_206 : vector<16xf32> to vector<16xf32>
    %swap3A_208 = vector.shape_cast %broadcast_in_dim3A_204 : vector<16xf32> to vector<16xf32>
    tpu.vector_store %arg6[%swap3A_205], %swap3A_208 {strides = array<i32>} : memref<1024xf32, #tpu.memory_space<vmem>>, vector<16xf32>,
    %broadcast_in_dim3A_209 = arith.constant 0.000000e+00 : f32
    %broadcast_in_dim3A_210 = vector.broadcast %broadcast_in_dim3A_209 : f32 to vector<16xf32>
    %swap3A_211 = arith.constant 464 : index
    %swap3A_212 = tpu.vector_load %arg6[%swap3A_211] {strides = array<i32>} : memref<1024xf32, #tpu.memory_space<vmem>>, vector<16xf32>,
    %swap3A_213 = vector.shape_cast %swap3A_212 : vector<16xf32> to vector<16xf32>
    %swap3A_214 = vector.shape_cast %broadcast_in_dim3A_210 : vector<16xf32> to vector<16xf32>
    tpu.vector_store %arg6[%swap3A_211], %swap3A_214 {strides = array<i32>} : memref<1024xf32, #tpu.memory_space<vmem>>, vector<16xf32>,
    %broadcast_in_dim3A_215 = arith.constant 0.000000e+00 : f32
    %broadcast_in_dim3A_216 = vector.broadcast %broadcast_in_dim3A_215 : f32 to vector<16xf32>
    %swap3A_217 = arith.constant 480 : index
    %swap3A_218 = tpu.vector_load %arg6[%swap3A_217] {strides = array<i32>} : memref<1024xf32, #tpu.memory_space<vmem>>, vector<16xf32>,
    %swap3A_219 = vector.shape_cast %swap3A_218 : vector<16xf32> to vector<16xf32>
    %swap3A_220 = vector.shape_cast %broadcast_in_dim3A_216 : vector<16xf32> to vector<16xf32>
    tpu.vector_store %arg6[%swap3A_217], %swap3A_220 {strides = array<i32>} : memref<1024xf32, #tpu.memory_space<vmem>>, vector<16xf32>,
    %broadcast_in_dim3A_221 = arith.constant 0.000000e+00 : f32
    %broadcast_in_dim3A_222 = vector.broadcast %broadcast_in_dim3A_221 : f32 to vector<16xf32>
    %swap3A_223 = arith.constant 496 : index
    %swap3A_224 = tpu.vector_load %arg6[%swap3A_223] {strides = array<i32>} : memref<1024xf32, #tpu.memory_space<vmem>>, vector<16xf32>,
    %swap3A_225 = vector.shape_cast %swap3A_224 : vector<16xf32> to vector<16xf32>
    %swap3A_226 = vector.shape_cast %broadcast_in_dim3A_222 : vector<16xf32> to vector<16xf32>
    tpu.vector_store %arg6[%swap3A_223], %swap3A_226 {strides = array<i32>} : memref<1024xf32, #tpu.memory_space<vmem>>, vector<16xf32>,
    %broadcast_in_dim3A_227 = arith.constant 0.000000e+00 : f32
    %broadcast_in_dim3A_228 = vector.broadcast %broadcast_in_dim3A_227 : f32 to vector<16xf32>
    %swap3A_229 = arith.constant 512 : index
    %swap3A_230 = tpu.vector_load %arg6[%swap3A_229] {strides = array<i32>} : memref<1024xf32, #tpu.memory_space<vmem>>, vector<16xf32>,
    %swap3A_231 = vector.shape_cast %swap3A_230 : vector<16xf32> to vector<16xf32>
    %swap3A_232 = vector.shape_cast %broadcast_in_dim3A_228 : vector<16xf32> to vector<16xf32>
    tpu.vector_store %arg6[%swap3A_229], %swap3A_232 {strides = array<i32>} : memref<1024xf32, #tpu.memory_space<vmem>>, vector<16xf32>,
    %broadcast_in_dim3A_233 = arith.constant 0.000000e+00 : f32
    %broadcast_in_dim3A_234 = vector.broadcast %broadcast_in_dim3A_233 : f32 to vector<16xf32>
    %swap3A_235 = arith.constant 528 : index
    %swap3A_236 = tpu.vector_load %arg6[%swap3A_235] {strides = array<i32>} : memref<1024xf32, #tpu.memory_space<vmem>>, vector<16xf32>,
    %swap3A_237 = vector.shape_cast %swap3A_236 : vector<16xf32> to vector<16xf32>
    %swap3A_238 = vector.shape_cast %broadcast_in_dim3A_234 : vector<16xf32> to vector<16xf32>
    tpu.vector_store %arg6[%swap3A_235], %swap3A_238 {strides = array<i32>} : memref<1024xf32, #tpu.memory_space<vmem>>, vector<16xf32>,
    %broadcast_in_dim3A_239 = arith.constant 0.000000e+00 : f32
    %broadcast_in_dim3A_240 = vector.broadcast %broadcast_in_dim3A_239 : f32 to vector<16xf32>
    %swap3A_241 = arith.constant 544 : index
    %swap3A_242 = tpu.vector_load %arg6[%swap3A_241] {strides = array<i32>} : memref<1024xf32, #tpu.memory_space<vmem>>, vector<16xf32>,
    %swap3A_243 = vector.shape_cast %swap3A_242 : vector<16xf32> to vector<16xf32>
    %swap3A_244 = vector.shape_cast %broadcast_in_dim3A_240 : vector<16xf32> to vector<16xf32>
    tpu.vector_store %arg6[%swap3A_241], %swap3A_244 {strides = array<i32>} : memref<1024xf32, #tpu.memory_space<vmem>>, vector<16xf32>,
    %broadcast_in_dim3A_245 = arith.constant 0.000000e+00 : f32
    %broadcast_in_dim3A_246 = vector.broadcast %broadcast_in_dim3A_245 : f32 to vector<16xf32>
    %swap3A_247 = arith.constant 560 : index
    %swap3A_248 = tpu.vector_load %arg6[%swap3A_247] {strides = array<i32>} : memref<1024xf32, #tpu.memory_space<vmem>>, vector<16xf32>,
    %swap3A_249 = vector.shape_cast %swap3A_248 : vector<16xf32> to vector<16xf32>
    %swap3A_250 = vector.shape_cast %broadcast_in_dim3A_246 : vector<16xf32> to vector<16xf32>
    tpu.vector_store %arg6[%swap3A_247], %swap3A_250 {strides = array<i32>} : memref<1024xf32, #tpu.memory_space<vmem>>, vector<16xf32>,
    %broadcast_in_dim3A_251 = arith.constant 0.000000e+00 : f32
    %broadcast_in_dim3A_252 = vector.broadcast %broadcast_in_dim3A_251 : f32 to vector<16xf32>
    %swap3A_253 = arith.constant 576 : index
    %swap3A_254 = tpu.vector_load %arg6[%swap3A_253] {strides = array<i32>} : memref<1024xf32, #tpu.memory_space<vmem>>, vector<16xf32>,
    %swap3A_255 = vector.shape_cast %swap3A_254 : vector<16xf32> to vector<16xf32>
    %swap3A_256 = vector.shape_cast %broadcast_in_dim3A_252 : vector<16xf32> to vector<16xf32>
    tpu.vector_store %arg6[%swap3A_253], %swap3A_256 {strides = array<i32>} : memref<1024xf32, #tpu.memory_space<vmem>>, vector<16xf32>,
    %broadcast_in_dim3A_257 = arith.constant 0.000000e+00 : f32
    %broadcast_in_dim3A_258 = vector.broadcast %broadcast_in_dim3A_257 : f32 to vector<16xf32>
    %swap3A_259 = arith.constant 592 : index
    %swap3A_260 = tpu.vector_load %arg6[%swap3A_259] {strides = array<i32>} : memref<1024xf32, #tpu.memory_space<vmem>>, vector<16xf32>,
    %swap3A_261 = vector.shape_cast %swap3A_260 : vector<16xf32> to vector<16xf32>
    %swap3A_262 = vector.shape_cast %broadcast_in_dim3A_258 : vector<16xf32> to vector<16xf32>
    tpu.vector_store %arg6[%swap3A_259], %swap3A_262 {strides = array<i32>} : memref<1024xf32, #tpu.memory_space<vmem>>, vector<16xf32>,
    %broadcast_in_dim3A_263 = arith.constant 0.000000e+00 : f32
    %broadcast_in_dim3A_264 = vector.broadcast %broadcast_in_dim3A_263 : f32 to vector<16xf32>
    %swap3A_265 = arith.constant 608 : index
    %swap3A_266 = tpu.vector_load %arg6[%swap3A_265] {strides = array<i32>} : memref<1024xf32, #tpu.memory_space<vmem>>, vector<16xf32>,
    %swap3A_267 = vector.shape_cast %swap3A_266 : vector<16xf32> to vector<16xf32>
    %swap3A_268 = vector.shape_cast %broadcast_in_dim3A_264 : vector<16xf32> to vector<16xf32>
    tpu.vector_store %arg6[%swap3A_265], %swap3A_268 {strides = array<i32>} : memref<1024xf32, #tpu.memory_space<vmem>>, vector<16xf32>,
    %broadcast_in_dim3A_269 = arith.constant 0.000000e+00 : f32
    %broadcast_in_dim3A_270 = vector.broadcast %broadcast_in_dim3A_269 : f32 to vector<16xf32>
    %swap3A_271 = arith.constant 624 : index
    %swap3A_272 = tpu.vector_load %arg6[%swap3A_271] {strides = array<i32>} : memref<1024xf32, #tpu.memory_space<vmem>>, vector<16xf32>,
    %swap3A_273 = vector.shape_cast %swap3A_272 : vector<16xf32> to vector<16xf32>
    %swap3A_274 = vector.shape_cast %broadcast_in_dim3A_270 : vector<16xf32> to vector<16xf32>
    tpu.vector_store %arg6[%swap3A_271], %swap3A_274 {strides = array<i32>} : memref<1024xf32, #tpu.memory_space<vmem>>, vector<16xf32>,
    %broadcast_in_dim3A_275 = arith.constant 0.000000e+00 : f32
    %broadcast_in_dim3A_276 = vector.broadcast %broadcast_in_dim3A_275 : f32 to vector<16xf32>
    %swap3A_277 = arith.constant 640 : index
    %swap3A_278 = tpu.vector_load %arg6[%swap3A_277] {strides = array<i32>} : memref<1024xf32, #tpu.memory_space<vmem>>, vector<16xf32>,
    %swap3A_279 = vector.shape_cast %swap3A_278 : vector<16xf32> to vector<16xf32>
    %swap3A_280 = vector.shape_cast %broadcast_in_dim3A_276 : vector<16xf32> to vector<16xf32>
    tpu.vector_store %arg6[%swap3A_277], %swap3A_280 {strides = array<i32>} : memref<1024xf32, #tpu.memory_space<vmem>>, vector<16xf32>,
    %broadcast_in_dim3A_281 = arith.constant 0.000000e+00 : f32
    %broadcast_in_dim3A_282 = vector.broadcast %broadcast_in_dim3A_281 : f32 to vector<16xf32>
    %swap3A_283 = arith.constant 656 : index
    %swap3A_284 = tpu.vector_load %arg6[%swap3A_283] {strides = array<i32>} : memref<1024xf32, #tpu.memory_space<vmem>>, vector<16xf32>,
    %swap3A_285 = vector.shape_cast %swap3A_284 : vector<16xf32> to vector<16xf32>
    %swap3A_286 = vector.shape_cast %broadcast_in_dim3A_282 : vector<16xf32> to vector<16xf32>
    tpu.vector_store %arg6[%swap3A_283], %swap3A_286 {strides = array<i32>} : memref<1024xf32, #tpu.memory_space<vmem>>, vector<16xf32>,
    %broadcast_in_dim3A_287 = arith.constant 0.000000e+00 : f32
    %broadcast_in_dim3A_288 = vector.broadcast %broadcast_in_dim3A_287 : f32 to vector<16xf32>
    %swap3A_289 = arith.constant 672 : index
    %swap3A_290 = tpu.vector_load %arg6[%swap3A_289] {strides = array<i32>} : memref<1024xf32, #tpu.memory_space<vmem>>, vector<16xf32>,
    %swap3A_291 = vector.shape_cast %swap3A_290 : vector<16xf32> to vector<16xf32>
    %swap3A_292 = vector.shape_cast %broadcast_in_dim3A_288 : vector<16xf32> to vector<16xf32>
    tpu.vector_store %arg6[%swap3A_289], %swap3A_292 {strides = array<i32>} : memref<1024xf32, #tpu.memory_space<vmem>>, vector<16xf32>,
    %broadcast_in_dim3A_293 = arith.constant 0.000000e+00 : f32
    %broadcast_in_dim3A_294 = vector.broadcast %broadcast_in_dim3A_293 : f32 to vector<16xf32>
    %swap3A_295 = arith.constant 688 : index
    %swap3A_296 = tpu.vector_load %arg6[%swap3A_295] {strides = array<i32>} : memref<1024xf32, #tpu.memory_space<vmem>>, vector<16xf32>,
    %swap3A_297 = vector.shape_cast %swap3A_296 : vector<16xf32> to vector<16xf32>
    %swap3A_298 = vector.shape_cast %broadcast_in_dim3A_294 : vector<16xf32> to vector<16xf32>
    tpu.vector_store %arg6[%swap3A_295], %swap3A_298 {strides = array<i32>} : memref<1024xf32, #tpu.memory_space<vmem>>, vector<16xf32>,
    %broadcast_in_dim3A_299 = arith.constant 0.000000e+00 : f32
    %broadcast_in_dim3A_300 = vector.broadcast %broadcast_in_dim3A_299 : f32 to vector<16xf32>
    %swap3A_301 = arith.constant 704 : index
    %swap3A_302 = tpu.vector_load %arg6[%swap3A_301] {strides = array<i32>} : memref<1024xf32, #tpu.memory_space<vmem>>, vector<16xf32>,
    %swap3A_303 = vector.shape_cast %swap3A_302 : vector<16xf32> to vector<16xf32>
    %swap3A_304 = vector.shape_cast %broadcast_in_dim3A_300 : vector<16xf32> to vector<16xf32>
    tpu.vector_store %arg6[%swap3A_301], %swap3A_304 {strides = array<i32>} : memref<1024xf32, #tpu.memory_space<vmem>>, vector<16xf32>,
    %broadcast_in_dim3A_305 = arith.constant 0.000000e+00 : f32
    %broadcast_in_dim3A_306 = vector.broadcast %broadcast_in_dim3A_305 : f32 to vector<16xf32>
    %swap3A_307 = arith.constant 720 : index
    %swap3A_308 = tpu.vector_load %arg6[%swap3A_307] {strides = array<i32>} : memref<1024xf32, #tpu.memory_space<vmem>>, vector<16xf32>,
    %swap3A_309 = vector.shape_cast %swap3A_308 : vector<16xf32> to vector<16xf32>
    %swap3A_310 = vector.shape_cast %broadcast_in_dim3A_306 : vector<16xf32> to vector<16xf32>
    tpu.vector_store %arg6[%swap3A_307], %swap3A_310 {strides = array<i32>} : memref<1024xf32, #tpu.memory_space<vmem>>, vector<16xf32>,
    %broadcast_in_dim3A_311 = arith.constant 0.000000e+00 : f32
    %broadcast_in_dim3A_312 = vector.broadcast %broadcast_in_dim3A_311 : f32 to vector<16xf32>
    %swap3A_313 = arith.constant 736 : index
    %swap3A_314 = tpu.vector_load %arg6[%swap3A_313] {strides = array<i32>} : memref<1024xf32, #tpu.memory_space<vmem>>, vector<16xf32>,
    %swap3A_315 = vector.shape_cast %swap3A_314 : vector<16xf32> to vector<16xf32>
    %swap3A_316 = vector.shape_cast %broadcast_in_dim3A_312 : vector<16xf32> to vector<16xf32>
    tpu.vector_store %arg6[%swap3A_313], %swap3A_316 {strides = array<i32>} : memref<1024xf32, #tpu.memory_space<vmem>>, vector<16xf32>,
    %broadcast_in_dim3A_317 = arith.constant 0.000000e+00 : f32
    %broadcast_in_dim3A_318 = vector.broadcast %broadcast_in_dim3A_317 : f32 to vector<16xf32>
    %swap3A_319 = arith.constant 752 : index
    %swap3A_320 = tpu.vector_load %arg6[%swap3A_319] {strides = array<i32>} : memref<1024xf32, #tpu.memory_space<vmem>>, vector<16xf32>,
    %swap3A_321 = vector.shape_cast %swap3A_320 : vector<16xf32> to vector<16xf32>
    %swap3A_322 = vector.shape_cast %broadcast_in_dim3A_318 : vector<16xf32> to vector<16xf32>
    tpu.vector_store %arg6[%swap3A_319], %swap3A_322 {strides = array<i32>} : memref<1024xf32, #tpu.memory_space<vmem>>, vector<16xf32>,
    %broadcast_in_dim3A_323 = arith.constant 0.000000e+00 : f32
    %broadcast_in_dim3A_324 = vector.broadcast %broadcast_in_dim3A_323 : f32 to vector<16xf32>
    %swap3A_325 = arith.constant 768 : index
    %swap3A_326 = tpu.vector_load %arg6[%swap3A_325] {strides = array<i32>} : memref<1024xf32, #tpu.memory_space<vmem>>, vector<16xf32>,
    %swap3A_327 = vector.shape_cast %swap3A_326 : vector<16xf32> to vector<16xf32>
    %swap3A_328 = vector.shape_cast %broadcast_in_dim3A_324 : vector<16xf32> to vector<16xf32>
    tpu.vector_store %arg6[%swap3A_325], %swap3A_328 {strides = array<i32>} : memref<1024xf32, #tpu.memory_space<vmem>>, vector<16xf32>,
    %broadcast_in_dim3A_329 = arith.constant 0.000000e+00 : f32
    %broadcast_in_dim3A_330 = vector.broadcast %broadcast_in_dim3A_329 : f32 to vector<16xf32>
    %swap3A_331 = arith.constant 784 : index
    %swap3A_332 = tpu.vector_load %arg6[%swap3A_331] {strides = array<i32>} : memref<1024xf32, #tpu.memory_space<vmem>>, vector<16xf32>,
    %swap3A_333 = vector.shape_cast %swap3A_332 : vector<16xf32> to vector<16xf32>
    %swap3A_334 = vector.shape_cast %broadcast_in_dim3A_330 : vector<16xf32> to vector<16xf32>
    tpu.vector_store %arg6[%swap3A_331], %swap3A_334 {strides = array<i32>} : memref<1024xf32, #tpu.memory_space<vmem>>, vector<16xf32>,
    %broadcast_in_dim3A_335 = arith.constant 0.000000e+00 : f32
    %broadcast_in_dim3A_336 = vector.broadcast %broadcast_in_dim3A_335 : f32 to vector<16xf32>
    %swap3A_337 = arith.constant 800 : index
    %swap3A_338 = tpu.vector_load %arg6[%swap3A_337] {strides = array<i32>} : memref<1024xf32, #tpu.memory_space<vmem>>, vector<16xf32>,
    %swap3A_339 = vector.shape_cast %swap3A_338 : vector<16xf32> to vector<16xf32>
    %swap3A_340 = vector.shape_cast %broadcast_in_dim3A_336 : vector<16xf32> to vector<16xf32>
    tpu.vector_store %arg6[%swap3A_337], %swap3A_340 {strides = array<i32>} : memref<1024xf32, #tpu.memory_space<vmem>>, vector<16xf32>,
    %broadcast_in_dim3A_341 = arith.constant 0.000000e+00 : f32
    %broadcast_in_dim3A_342 = vector.broadcast %broadcast_in_dim3A_341 : f32 to vector<16xf32>
    %swap3A_343 = arith.constant 816 : index
    %swap3A_344 = tpu.vector_load %arg6[%swap3A_343] {strides = array<i32>} : memref<1024xf32, #tpu.memory_space<vmem>>, vector<16xf32>,
    %swap3A_345 = vector.shape_cast %swap3A_344 : vector<16xf32> to vector<16xf32>
    %swap3A_346 = vector.shape_cast %broadcast_in_dim3A_342 : vector<16xf32> to vector<16xf32>
    tpu.vector_store %arg6[%swap3A_343], %swap3A_346 {strides = array<i32>} : memref<1024xf32, #tpu.memory_space<vmem>>, vector<16xf32>,
    %broadcast_in_dim3A_347 = arith.constant 0.000000e+00 : f32
    %broadcast_in_dim3A_348 = vector.broadcast %broadcast_in_dim3A_347 : f32 to vector<16xf32>
    %swap3A_349 = arith.constant 832 : index
    %swap3A_350 = tpu.vector_load %arg6[%swap3A_349] {strides = array<i32>} : memref<1024xf32, #tpu.memory_space<vmem>>, vector<16xf32>,
    %swap3A_351 = vector.shape_cast %swap3A_350 : vector<16xf32> to vector<16xf32>
    %swap3A_352 = vector.shape_cast %broadcast_in_dim3A_348 : vector<16xf32> to vector<16xf32>
    tpu.vector_store %arg6[%swap3A_349], %swap3A_352 {strides = array<i32>} : memref<1024xf32, #tpu.memory_space<vmem>>, vector<16xf32>,
    %broadcast_in_dim3A_353 = arith.constant 0.000000e+00 : f32
    %broadcast_in_dim3A_354 = vector.broadcast %broadcast_in_dim3A_353 : f32 to vector<16xf32>
    %swap3A_355 = arith.constant 848 : index
    %swap3A_356 = tpu.vector_load %arg6[%swap3A_355] {strides = array<i32>} : memref<1024xf32, #tpu.memory_space<vmem>>, vector<16xf32>,
    %swap3A_357 = vector.shape_cast %swap3A_356 : vector<16xf32> to vector<16xf32>
    %swap3A_358 = vector.shape_cast %broadcast_in_dim3A_354 : vector<16xf32> to vector<16xf32>
    tpu.vector_store %arg6[%swap3A_355], %swap3A_358 {strides = array<i32>} : memref<1024xf32, #tpu.memory_space<vmem>>, vector<16xf32>,
    %broadcast_in_dim3A_359 = arith.constant 0.000000e+00 : f32
    %broadcast_in_dim3A_360 = vector.broadcast %broadcast_in_dim3A_359 : f32 to vector<16xf32>
    %swap3A_361 = arith.constant 864 : index
    %swap3A_362 = tpu.vector_load %arg6[%swap3A_361] {strides = array<i32>} : memref<1024xf32, #tpu.memory_space<vmem>>, vector<16xf32>,
    %swap3A_363 = vector.shape_cast %swap3A_362 : vector<16xf32> to vector<16xf32>
    %swap3A_364 = vector.shape_cast %broadcast_in_dim3A_360 : vector<16xf32> to vector<16xf32>
    tpu.vector_store %arg6[%swap3A_361], %swap3A_364 {strides = array<i32>} : memref<1024xf32, #tpu.memory_space<vmem>>, vector<16xf32>,
    %broadcast_in_dim3A_365 = arith.constant 0.000000e+00 : f32
    %broadcast_in_dim3A_366 = vector.broadcast %broadcast_in_dim3A_365 : f32 to vector<16xf32>
    %swap3A_367 = arith.constant 880 : index
    %swap3A_368 = tpu.vector_load %arg6[%swap3A_367] {strides = array<i32>} : memref<1024xf32, #tpu.memory_space<vmem>>, vector<16xf32>,
    %swap3A_369 = vector.shape_cast %swap3A_368 : vector<16xf32> to vector<16xf32>
    %swap3A_370 = vector.shape_cast %broadcast_in_dim3A_366 : vector<16xf32> to vector<16xf32>
    tpu.vector_store %arg6[%swap3A_367], %swap3A_370 {strides = array<i32>} : memref<1024xf32, #tpu.memory_space<vmem>>, vector<16xf32>,
    %broadcast_in_dim3A_371 = arith.constant 0.000000e+00 : f32
    %broadcast_in_dim3A_372 = vector.broadcast %broadcast_in_dim3A_371 : f32 to vector<16xf32>
    %swap3A_373 = arith.constant 896 : index
    %swap3A_374 = tpu.vector_load %arg6[%swap3A_373] {strides = array<i32>} : memref<1024xf32, #tpu.memory_space<vmem>>, vector<16xf32>,
    %swap3A_375 = vector.shape_cast %swap3A_374 : vector<16xf32> to vector<16xf32>
    %swap3A_376 = vector.shape_cast %broadcast_in_dim3A_372 : vector<16xf32> to vector<16xf32>
    tpu.vector_store %arg6[%swap3A_373], %swap3A_376 {strides = array<i32>} : memref<1024xf32, #tpu.memory_space<vmem>>, vector<16xf32>,
    %broadcast_in_dim3A_377 = arith.constant 0.000000e+00 : f32
    %broadcast_in_dim3A_378 = vector.broadcast %broadcast_in_dim3A_377 : f32 to vector<16xf32>
    %swap3A_379 = arith.constant 912 : index
    %swap3A_380 = tpu.vector_load %arg6[%swap3A_379] {strides = array<i32>} : memref<1024xf32, #tpu.memory_space<vmem>>, vector<16xf32>,
    %swap3A_381 = vector.shape_cast %swap3A_380 : vector<16xf32> to vector<16xf32>
    %swap3A_382 = vector.shape_cast %broadcast_in_dim3A_378 : vector<16xf32> to vector<16xf32>
    tpu.vector_store %arg6[%swap3A_379], %swap3A_382 {strides = array<i32>} : memref<1024xf32, #tpu.memory_space<vmem>>, vector<16xf32>,
    %broadcast_in_dim3A_383 = arith.constant 0.000000e+00 : f32
    %broadcast_in_dim3A_384 = vector.broadcast %broadcast_in_dim3A_383 : f32 to vector<16xf32>
    %swap3A_385 = arith.constant 928 : index
    %swap3A_386 = tpu.vector_load %arg6[%swap3A_385] {strides = array<i32>} : memref<1024xf32, #tpu.memory_space<vmem>>, vector<16xf32>,
    %swap3A_387 = vector.shape_cast %swap3A_386 : vector<16xf32> to vector<16xf32>
    %swap3A_388 = vector.shape_cast %broadcast_in_dim3A_384 : vector<16xf32> to vector<16xf32>
    tpu.vector_store %arg6[%swap3A_385], %swap3A_388 {strides = array<i32>} : memref<1024xf32, #tpu.memory_space<vmem>>, vector<16xf32>,
    %broadcast_in_dim3A_389 = arith.constant 0.000000e+00 : f32
    %broadcast_in_dim3A_390 = vector.broadcast %broadcast_in_dim3A_389 : f32 to vector<16xf32>
    %swap3A_391 = arith.constant 944 : index
    %swap3A_392 = tpu.vector_load %arg6[%swap3A_391] {strides = array<i32>} : memref<1024xf32, #tpu.memory_space<vmem>>, vector<16xf32>,
    %swap3A_393 = vector.shape_cast %swap3A_392 : vector<16xf32> to vector<16xf32>
    %swap3A_394 = vector.shape_cast %broadcast_in_dim3A_390 : vector<16xf32> to vector<16xf32>
    tpu.vector_store %arg6[%swap3A_391], %swap3A_394 {strides = array<i32>} : memref<1024xf32, #tpu.memory_space<vmem>>, vector<16xf32>,
    %broadcast_in_dim3A_395 = arith.constant 0.000000e+00 : f32
    %broadcast_in_dim3A_396 = vector.broadcast %broadcast_in_dim3A_395 : f32 to vector<16xf32>
    %swap3A_397 = arith.constant 960 : index
    %swap3A_398 = tpu.vector_load %arg6[%swap3A_397] {strides = array<i32>} : memref<1024xf32, #tpu.memory_space<vmem>>, vector<16xf32>,
    %swap3A_399 = vector.shape_cast %swap3A_398 : vector<16xf32> to vector<16xf32>
    %swap3A_400 = vector.shape_cast %broadcast_in_dim3A_396 : vector<16xf32> to vector<16xf32>
    tpu.vector_store %arg6[%swap3A_397], %swap3A_400 {strides = array<i32>} : memref<1024xf32, #tpu.memory_space<vmem>>, vector<16xf32>,
    %broadcast_in_dim3A_401 = arith.constant 0.000000e+00 : f32
    %broadcast_in_dim3A_402 = vector.broadcast %broadcast_in_dim3A_401 : f32 to vector<16xf32>
    %swap3A_403 = arith.constant 976 : index
    %swap3A_404 = tpu.vector_load %arg6[%swap3A_403] {strides = array<i32>} : memref<1024xf32, #tpu.memory_space<vmem>>, vector<16xf32>,
    %swap3A_405 = vector.shape_cast %swap3A_404 : vector<16xf32> to vector<16xf32>
    %swap3A_406 = vector.shape_cast %broadcast_in_dim3A_402 : vector<16xf32> to vector<16xf32>
    tpu.vector_store %arg6[%swap3A_403], %swap3A_406 {strides = array<i32>} : memref<1024xf32, #tpu.memory_space<vmem>>, vector<16xf32>,
    %broadcast_in_dim3A_407 = arith.constant 0.000000e+00 : f32
    %broadcast_in_dim3A_408 = vector.broadcast %broadcast_in_dim3A_407 : f32 to vector<16xf32>
    %swap3A_409 = arith.constant 992 : index
    %swap3A_410 = tpu.vector_load %arg6[%swap3A_409] {strides = array<i32>} : memref<1024xf32, #tpu.memory_space<vmem>>, vector<16xf32>,
    %swap3A_411 = vector.shape_cast %swap3A_410 : vector<16xf32> to vector<16xf32>
    %swap3A_412 = vector.shape_cast %broadcast_in_dim3A_408 : vector<16xf32> to vector<16xf32>
    tpu.vector_store %arg6[%swap3A_409], %swap3A_412 {strides = array<i32>} : memref<1024xf32, #tpu.memory_space<vmem>>, vector<16xf32>,
    %broadcast_in_dim3A_413 = arith.constant 0.000000e+00 : f32
    %broadcast_in_dim3A_414 = vector.broadcast %broadcast_in_dim3A_413 : f32 to vector<16xf32>
    %swap3A_415 = arith.constant 1008 : index
    %swap3A_416 = tpu.vector_load %arg6[%swap3A_415] {strides = array<i32>} : memref<1024xf32, #tpu.memory_space<vmem>>, vector<16xf32>,
    %swap3A_417 = vector.shape_cast %swap3A_416 : vector<16xf32> to vector<16xf32>
    %swap3A_418 = vector.shape_cast %broadcast_in_dim3A_414 : vector<16xf32> to vector<16xf32>
    tpu.vector_store %arg6[%swap3A_415], %swap3A_418 {strides = array<i32>} : memref<1024xf32, #tpu.memory_space<vmem>>, vector<16xf32>,
    %mul3A_419 = arith.constant 1024 : i32
    %mul3A_420 = arith.muli %arg1, %mul3A_419 : i32
    "tpu.region"() ({
      %run_scoped3A = tpu.sem_alloc : memref<!tpu.dma_semaphore, #tpu.memory_space<semaphore_mem>>
      %dma_start3A = tpu.memref_slice %arg7[%mul3A_420] : memref<16384xf32, #tpu.memory_space<vmem_shared>> -> memref<1024xf32, #tpu.memory_space<vmem_shared>>
      %dma_start3A_443 = tpu.memref_slice %arg7[%mul3A_420] : memref<16384xf32, #tpu.memory_space<vmem_shared>> -> memref<1024xf32, #tpu.memory_space<vmem_shared>>
      tpu.enqueue_dma source(%arg6 : memref<1024xf32, #tpu.memory_space<vmem>>) target(%dma_start3A_443 : memref<1024xf32, #tpu.memory_space<vmem_shared>>) target_semaphore(%run_scoped3A : memref<!tpu.dma_semaphore, #tpu.memory_space<semaphore_mem>>)
      %dma_wait3A = tpu.memref_slice %arg7[%mul3A_420] : memref<16384xf32, #tpu.memory_space<vmem_shared>> -> memref<1024xf32, #tpu.memory_space<vmem_shared>>
      %dma_wait3A_444 = tpu.memref_slice %arg7[%mul3A_420] : memref<16384xf32, #tpu.memory_space<vmem_shared>> -> memref<1024xf32, #tpu.memory_space<vmem_shared>>
      tpu.wait_dma2 semaphore(%run_scoped3A : memref<!tpu.dma_semaphore, #tpu.memory_space<semaphore_mem>>) src(%arg6 : memref<1024xf32, #tpu.memory_space<vmem>>) dst(%dma_wait3A_444 : memref<1024xf32, #tpu.memory_space<vmem_shared>>)
      tpu.yield
    }) : () -> ()
    %barrier3A = arith.constant 0 : index
    tpu.barrier barrier_id(%barrier3A)
    %mul3A_421 = arith.constant 2 : i32
    %mul3A_422 = arith.muli %add3A, %mul3A_421 : i32
    %add3A_423 = arith.constant 0 : i32
    %add3A_424 = arith.addi %mul3A_422, %add3A_423 : i32
    "tpu.region"() ({
      %run_scoped3A = tpu.sem_alloc : memref<!tpu.dma_semaphore, #tpu.memory_space<semaphore_mem>>
      %dma_start3A = arith.constant 0 : i32
      %dma_start3A_443 = arith.constant 0 : i32
      %dma_start3A_444 = tpu.memref_slice %arg2[%add3A_424, %dma_start3A, %dma_start3A_443] : memref<64x53x96xi32, #tpu.memory_space<hbm>> -> memref<1x53x96xi32, #tpu.memory_space<hbm>>
      %dma_start3A_445 = tpu.memref_squeeze %dma_start3A_444 : memref<1x53x96xi32, #tpu.memory_space<hbm>> -> memref<53x96xi32, #tpu.memory_space<hbm>>
      %dma_start3A_446 = arith.constant 0 : i32
      %dma_start3A_447 = arith.constant 0 : i32
      %dma_start3A_448 = tpu.memref_slice %arg2[%add3A_424, %dma_start3A_446, %dma_start3A_447] : memref<64x53x96xi32, #tpu.memory_space<hbm>> -> memref<1x53x96xi32, #tpu.memory_space<hbm>>
      %dma_start3A_449 = tpu.memref_squeeze %dma_start3A_448 : memref<1x53x96xi32, #tpu.memory_space<hbm>> -> memref<53x96xi32, #tpu.memory_space<hbm>>
      tpu.enqueue_dma source(%dma_start3A_449 : memref<53x96xi32, #tpu.memory_space<hbm>>) target(%arg4 : memref<53x96xi32, #tpu.memory_space<vmem>>) target_semaphore(%run_scoped3A : memref<!tpu.dma_semaphore, #tpu.memory_space<semaphore_mem>>)
      %dma_wait3A = arith.constant 0 : i32
      %dma_wait3A_450 = arith.constant 0 : i32
      %dma_wait3A_451 = tpu.memref_slice %arg2[%add3A_424, %dma_wait3A, %dma_wait3A_450] : memref<64x53x96xi32, #tpu.memory_space<hbm>> -> memref<1x53x96xi32, #tpu.memory_space<hbm>>
      %dma_wait3A_452 = tpu.memref_squeeze %dma_wait3A_451 : memref<1x53x96xi32, #tpu.memory_space<hbm>> -> memref<53x96xi32, #tpu.memory_space<hbm>>
      %dma_wait3A_453 = arith.constant 0 : i32
      %dma_wait3A_454 = arith.constant 0 : i32
      %dma_wait3A_455 = tpu.memref_slice %arg2[%add3A_424, %dma_wait3A_453, %dma_wait3A_454] : memref<64x53x96xi32, #tpu.memory_space<hbm>> -> memref<1x53x96xi32, #tpu.memory_space<hbm>>
      %dma_wait3A_456 = tpu.memref_squeeze %dma_wait3A_455 : memref<1x53x96xi32, #tpu.memory_space<hbm>> -> memref<53x96xi32, #tpu.memory_space<hbm>>
      tpu.wait_dma2 semaphore(%run_scoped3A : memref<!tpu.dma_semaphore, #tpu.memory_space<semaphore_mem>>) src(%dma_wait3A_456 : memref<53x96xi32, #tpu.memory_space<hbm>>) dst(%arg4 : memref<53x96xi32, #tpu.memory_space<vmem>>)
      tpu.yield
    }) : () -> ()
    %scan3A = arith.constant 0 : i32
    %scan3A_425 = arith.constant 53 : i32
    %scan3A_426 = arith.addi %scan3A, %scan3A_425 : i32
    %scan3A_427 = arith.constant 1 : i32
    scf.for %scan3A_443 = %scan3A to %scan3A_426 step %scan3A_427  : i32 {
      %mul3A_444 = arith.constant 1 : i32
      %mul3A_445 = arith.muli %scan3A_443, %mul3A_444 : i32
      %add3A_446 = arith.constant 0 : i32
      %add3A_447 = arith.addi %add3A_446, %mul3A_445 : i32
      "tpu.region"() ({
        %run_scoped3A = tpu.sem_alloc : memref<!tpu.dma_semaphore, #tpu.memory_space<semaphore_mem>>
        %dma_start3A = arith.constant 0 : i32
        %dma_start3A_448 = tpu.memref_slice %arg4[%add3A_447, %dma_start3A] : memref<53x96xi32, #tpu.memory_space<vmem>> -> memref<1x96xi32, #tpu.memory_space<vmem>>
        %dma_start3A_449 = tpu.memref_squeeze %dma_start3A_448 : memref<1x96xi32, #tpu.memory_space<vmem>> -> memref<96xi32, #tpu.memory_space<vmem>>
        %dma_start3A_450 = arith.constant 0 : i32
        %dma_start3A_451 = tpu.memref_slice %arg7[%dma_start3A_450] : memref<16384xf32, #tpu.memory_space<vmem_shared>> -> memref<16384xf32, #tpu.memory_space<vmem_shared>>
        tpu.enqueue_indirect_dma source(%arg5 : memref<96xf32, #tpu.memory_space<vmem>>) target(%dma_start3A_451 : memref<16384xf32, #tpu.memory_space<vmem_shared>>) offsets(%dma_start3A_449 : memref<96xi32, #tpu.memory_space<vmem>>) semaphore(%run_scoped3A : memref<!tpu.dma_semaphore, #tpu.memory_space<semaphore_mem>>) {add = true}
        %dma_wait3A = arith.constant 0 : i32
        %dma_wait3A_452 = tpu.memref_slice %arg4[%add3A_447, %dma_wait3A] : memref<53x96xi32, #tpu.memory_space<vmem>> -> memref<1x96xi32, #tpu.memory_space<vmem>>
        %dma_wait3A_453 = tpu.memref_squeeze %dma_wait3A_452 : memref<1x96xi32, #tpu.memory_space<vmem>> -> memref<96xi32, #tpu.memory_space<vmem>>
        %dma_wait3A_454 = arith.constant 0 : i32
        %dma_wait3A_455 = tpu.memref_slice %arg7[%dma_wait3A_454] : memref<16384xf32, #tpu.memory_space<vmem_shared>> -> memref<16384xf32, #tpu.memory_space<vmem_shared>>
        tpu.wait_indirect_dma semaphore(%run_scoped3A : memref<!tpu.dma_semaphore, #tpu.memory_space<semaphore_mem>>) src(%arg5 : memref<96xf32, #tpu.memory_space<vmem>>) dst(%dma_wait3A_455 : memref<16384xf32, #tpu.memory_space<vmem_shared>>)
        tpu.yield
      }) : () -> ()
    }
    %scan3A_428 = arith.constant 53 : i32
    %mul3A_429 = arith.constant 2 : i32
    %mul3A_430 = arith.muli %add3A, %mul3A_429 : i32
    %add3A_431 = arith.constant 1 : i32
    %add3A_432 = arith.addi %mul3A_430, %add3A_431 : i32
    "tpu.region"() ({
      %run_scoped3A = tpu.sem_alloc : memref<!tpu.dma_semaphore, #tpu.memory_space<semaphore_mem>>
      %dma_start3A = arith.constant 0 : i32
      %dma_start3A_443 = arith.constant 0 : i32
      %dma_start3A_444 = tpu.memref_slice %arg2[%add3A_432, %dma_start3A, %dma_start3A_443] : memref<64x53x96xi32, #tpu.memory_space<hbm>> -> memref<1x53x96xi32, #tpu.memory_space<hbm>>
      %dma_start3A_445 = tpu.memref_squeeze %dma_start3A_444 : memref<1x53x96xi32, #tpu.memory_space<hbm>> -> memref<53x96xi32, #tpu.memory_space<hbm>>
      %dma_start3A_446 = arith.constant 0 : i32
      %dma_start3A_447 = arith.constant 0 : i32
      %dma_start3A_448 = tpu.memref_slice %arg2[%add3A_432, %dma_start3A_446, %dma_start3A_447] : memref<64x53x96xi32, #tpu.memory_space<hbm>> -> memref<1x53x96xi32, #tpu.memory_space<hbm>>
      %dma_start3A_449 = tpu.memref_squeeze %dma_start3A_448 : memref<1x53x96xi32, #tpu.memory_space<hbm>> -> memref<53x96xi32, #tpu.memory_space<hbm>>
      tpu.enqueue_dma source(%dma_start3A_449 : memref<53x96xi32, #tpu.memory_space<hbm>>) target(%arg4 : memref<53x96xi32, #tpu.memory_space<vmem>>) target_semaphore(%run_scoped3A : memref<!tpu.dma_semaphore, #tpu.memory_space<semaphore_mem>>)
      %dma_wait3A = arith.constant 0 : i32
      %dma_wait3A_450 = arith.constant 0 : i32
      %dma_wait3A_451 = tpu.memref_slice %arg2[%add3A_432, %dma_wait3A, %dma_wait3A_450] : memref<64x53x96xi32, #tpu.memory_space<hbm>> -> memref<1x53x96xi32, #tpu.memory_space<hbm>>
      %dma_wait3A_452 = tpu.memref_squeeze %dma_wait3A_451 : memref<1x53x96xi32, #tpu.memory_space<hbm>> -> memref<53x96xi32, #tpu.memory_space<hbm>>
      %dma_wait3A_453 = arith.constant 0 : i32
      %dma_wait3A_454 = arith.constant 0 : i32
      %dma_wait3A_455 = tpu.memref_slice %arg2[%add3A_432, %dma_wait3A_453, %dma_wait3A_454] : memref<64x53x96xi32, #tpu.memory_space<hbm>> -> memref<1x53x96xi32, #tpu.memory_space<hbm>>
      %dma_wait3A_456 = tpu.memref_squeeze %dma_wait3A_455 : memref<1x53x96xi32, #tpu.memory_space<hbm>> -> memref<53x96xi32, #tpu.memory_space<hbm>>
      tpu.wait_dma2 semaphore(%run_scoped3A : memref<!tpu.dma_semaphore, #tpu.memory_space<semaphore_mem>>) src(%dma_wait3A_456 : memref<53x96xi32, #tpu.memory_space<hbm>>) dst(%arg4 : memref<53x96xi32, #tpu.memory_space<vmem>>)
      tpu.yield
    }) : () -> ()
    %scan3A_433 = arith.constant 0 : i32
    %scan3A_434 = arith.constant 53 : i32
    %scan3A_435 = arith.addi %scan3A_433, %scan3A_434 : i32
    %scan3A_436 = arith.constant 1 : i32
    scf.for %scan3A_443 = %scan3A_433 to %scan3A_435 step %scan3A_436  : i32 {
      %mul3A_444 = arith.constant 1 : i32
      %mul3A_445 = arith.muli %scan3A_443, %mul3A_444 : i32
      %add3A_446 = arith.constant 0 : i32
      %add3A_447 = arith.addi %add3A_446, %mul3A_445 : i32
      "tpu.region"() ({
        %run_scoped3A = tpu.sem_alloc : memref<!tpu.dma_semaphore, #tpu.memory_space<semaphore_mem>>
        %dma_start3A = arith.constant 0 : i32
        %dma_start3A_448 = tpu.memref_slice %arg4[%add3A_447, %dma_start3A] : memref<53x96xi32, #tpu.memory_space<vmem>> -> memref<1x96xi32, #tpu.memory_space<vmem>>
        %dma_start3A_449 = tpu.memref_squeeze %dma_start3A_448 : memref<1x96xi32, #tpu.memory_space<vmem>> -> memref<96xi32, #tpu.memory_space<vmem>>
        %dma_start3A_450 = arith.constant 0 : i32
        %dma_start3A_451 = tpu.memref_slice %arg7[%dma_start3A_450] : memref<16384xf32, #tpu.memory_space<vmem_shared>> -> memref<16384xf32, #tpu.memory_space<vmem_shared>>
        tpu.enqueue_indirect_dma source(%arg5 : memref<96xf32, #tpu.memory_space<vmem>>) target(%dma_start3A_451 : memref<16384xf32, #tpu.memory_space<vmem_shared>>) offsets(%dma_start3A_449 : memref<96xi32, #tpu.memory_space<vmem>>) semaphore(%run_scoped3A : memref<!tpu.dma_semaphore, #tpu.memory_space<semaphore_mem>>) {add = true}
        %dma_wait3A = arith.constant 0 : i32
        %dma_wait3A_452 = tpu.memref_slice %arg4[%add3A_447, %dma_wait3A] : memref<53x96xi32, #tpu.memory_space<vmem>> -> memref<1x96xi32, #tpu.memory_space<vmem>>
        %dma_wait3A_453 = tpu.memref_squeeze %dma_wait3A_452 : memref<1x96xi32, #tpu.memory_space<vmem>> -> memref<96xi32, #tpu.memory_space<vmem>>
        %dma_wait3A_454 = arith.constant 0 : i32
        %dma_wait3A_455 = tpu.memref_slice %arg7[%dma_wait3A_454] : memref<16384xf32, #tpu.memory_space<vmem_shared>> -> memref<16384xf32, #tpu.memory_space<vmem_shared>>
        tpu.wait_indirect_dma semaphore(%run_scoped3A : memref<!tpu.dma_semaphore, #tpu.memory_space<semaphore_mem>>) src(%arg5 : memref<96xf32, #tpu.memory_space<vmem>>) dst(%dma_wait3A_455 : memref<16384xf32, #tpu.memory_space<vmem_shared>>)
        tpu.yield
      }) : () -> ()
    }
    %scan3A_437 = arith.constant 53 : i32
    %barrier3A_438 = arith.constant 0 : index
    tpu.barrier barrier_id(%barrier3A_438)
    %mul3A_439 = arith.constant 1024 : i32
    %mul3A_440 = arith.muli %arg1, %mul3A_439 : i32
    %mul3A_441 = arith.constant 1024 : i32
    %mul3A_442 = arith.muli %arg1, %mul3A_441 : i32
    "tpu.region"() ({
      %run_scoped3A = tpu.sem_alloc : memref<!tpu.dma_semaphore, #tpu.memory_space<semaphore_mem>>
      %dma_start3A = tpu.memref_slice %arg3[%arg0, %mul3A_442] : memref<2x16384xf32, #tpu.memory_space<hbm>> -> memref<1x1024xf32, #tpu.memory_space<hbm>>
      %dma_start3A_443 = tpu.memref_squeeze %dma_start3A : memref<1x1024xf32, #tpu.memory_space<hbm>> -> memref<1024xf32, #tpu.memory_space<hbm>>
      %dma_start3A_444 = tpu.memref_slice %arg7[%mul3A_440] : memref<16384xf32, #tpu.memory_space<vmem_shared>> -> memref<1024xf32, #tpu.memory_space<vmem_shared>>
      tpu.enqueue_dma source(%dma_start3A_444 : memref<1024xf32, #tpu.memory_space<vmem_shared>>) target(%dma_start3A_443 : memref<1024xf32, #tpu.memory_space<hbm>>) target_semaphore(%run_scoped3A : memref<!tpu.dma_semaphore, #tpu.memory_space<semaphore_mem>>)
      %dma_wait3A = tpu.memref_slice %arg3[%arg0, %mul3A_442] : memref<2x16384xf32, #tpu.memory_space<hbm>> -> memref<1x1024xf32, #tpu.memory_space<hbm>>
      %dma_wait3A_445 = tpu.memref_squeeze %dma_wait3A : memref<1x1024xf32, #tpu.memory_space<hbm>> -> memref<1024xf32, #tpu.memory_space<hbm>>
      %dma_wait3A_446 = tpu.memref_slice %arg7[%mul3A_440] : memref<16384xf32, #tpu.memory_space<vmem_shared>> -> memref<1024xf32, #tpu.memory_space<vmem_shared>>
      tpu.wait_dma2 semaphore(%run_scoped3A : memref<!tpu.dma_semaphore, #tpu.memory_space<semaphore_mem>>) src(%dma_wait3A_446 : memref<1024xf32, #tpu.memory_space<vmem_shared>>) dst(%dma_wait3A_445 : memref<1024xf32, #tpu.memory_space<hbm>>)
      tpu.yield
    }) : () -> ()
    return
  }
}

#map = affine_map<(d0, d1) -> (0, 0)>
#map1 = affine_map<(d0, d1) -> (0, 0, 0)>
module attributes {stable_mosaic.version = 14 : i64} {
  func.func @_agg_kernel(%arg0: i32, %arg1: i32, %arg2: memref<10000x128xf32, #tpu.memory_space<hbm>>, %arg3: memref<10000x128xf32, #tpu.memory_space<hbm>>, %arg4: memref<64x5088xi32, #tpu.memory_space<hbm>>, %arg5: memref<64x53x96xi32, #tpu.memory_space<hbm>>, %arg6: memref<2x10112x128xf32, #tpu.memory_space<hbm>>, %arg7: memref<5088xi32, #tpu.memory_space<vmem>>, %arg8: memref<53x96xi32, #tpu.memory_space<vmem>>, %arg9: memref<3x96x128xf32, #tpu.memory_space<vmem>>, %arg10: memref<10112x128xf32, #tpu.memory_space<vmem_shared>>, %arg11: memref<!tpu.dma_semaphore, #tpu.memory_space<semaphore_mem>>, %arg12: memref<!tpu.dma_semaphore, #tpu.memory_space<semaphore_mem>>, %arg13: memref<!tpu.dma_semaphore, #tpu.memory_space<semaphore_mem>>) attributes {dimension_semantics = [#tpu.dimension_semantics<core_parallel>, #tpu.dimension_semantics<subcore_parallel>], iteration_bounds = array<i64: 2, 16>, scalar_prefetch = 0 : i64, scratch_operands = 7 : i64, tpu.core_type = #tpu.core_type<sc_vector_subcore>, window_params = [{transform_indices = #map}, {transform_indices = #map}, {transform_indices = #map}, {transform_indices = #map1}, {transform_indices = #map1}]} {
    %mul3A = arith.constant 2 : i32
    %mul3A_0 = arith.muli %arg1, %mul3A : i32
    %add3A = arith.addi %mul3A_0, %arg0 : i32
    %mul3A_1 = arith.constant 632 : i32
    %mul3A_2 = arith.muli %arg1, %mul3A_1 : i32
    %eq3A = arith.constant 0 : i32
    %eq3A_3 = arith.cmpi eq, %arg0, %eq3A : i32
    %lt3A = arith.constant 15 : i32
    %lt3A_4 = arith.cmpi slt, %arg1, %lt3A : i32
    %and3A = arith.andi %eq3A_3, %lt3A_4 : i1
    %convert_element_type3A = arith.extui %and3A : i1 to i32
    %cond3A = arith.constant 0 : i32
    %cond3A_5 = arith.cmpi ne, %convert_element_type3A, %cond3A : i32
    scf.if %cond3A_5 {
      "tpu.region"() ({
        %run_scoped3A_160 = tpu.sem_alloc : memref<!tpu.dma_semaphore, #tpu.memory_space<semaphore_mem>>
        %dma_start3A_161 = arith.constant 0 : i32
        %dma_start3A_162 = tpu.memref_slice %arg10[%mul3A_2, %dma_start3A_161] : memref<10112x128xf32, #tpu.memory_space<vmem_shared>> -> memref<632x128xf32, #tpu.memory_space<vmem_shared>>
        %dma_start3A_163 = arith.constant 0 : i32
        %dma_start3A_164 = tpu.memref_slice %arg2[%mul3A_2, %dma_start3A_163] : memref<10000x128xf32, #tpu.memory_space<hbm>> -> memref<632x128xf32, #tpu.memory_space<hbm>>
        tpu.enqueue_dma source(%dma_start3A_164 : memref<632x128xf32, #tpu.memory_space<hbm>>) target(%dma_start3A_162 : memref<632x128xf32, #tpu.memory_space<vmem_shared>>) target_semaphore(%run_scoped3A_160 : memref<!tpu.dma_semaphore, #tpu.memory_space<semaphore_mem>>)
        %dma_wait3A_165 = arith.constant 0 : i32
        %dma_wait3A_166 = tpu.memref_slice %arg10[%mul3A_2, %dma_wait3A_165] : memref<10112x128xf32, #tpu.memory_space<vmem_shared>> -> memref<632x128xf32, #tpu.memory_space<vmem_shared>>
        %dma_wait3A_167 = arith.constant 0 : i32
        %dma_wait3A_168 = tpu.memref_slice %arg2[%mul3A_2, %dma_wait3A_167] : memref<10000x128xf32, #tpu.memory_space<hbm>> -> memref<632x128xf32, #tpu.memory_space<hbm>>
        tpu.wait_dma2 semaphore(%run_scoped3A_160 : memref<!tpu.dma_semaphore, #tpu.memory_space<semaphore_mem>>) src(%dma_wait3A_168 : memref<632x128xf32, #tpu.memory_space<hbm>>) dst(%dma_wait3A_166 : memref<632x128xf32, #tpu.memory_space<vmem_shared>>)
        tpu.yield
      }) : () -> ()
    } else {
    }
    %eq3A_6 = arith.constant 0 : i32
    %eq3A_7 = arith.cmpi eq, %arg0, %eq3A_6 : i32
    %eq3A_8 = arith.constant 15 : i32
    %eq3A_9 = arith.cmpi eq, %arg1, %eq3A_8 : i32
    %and3A_10 = arith.andi %eq3A_7, %eq3A_9 : i1
    %convert_element_type3A_11 = arith.extui %and3A_10 : i1 to i32
    %cond3A_12 = arith.constant 0 : i32
    %cond3A_13 = arith.cmpi ne, %convert_element_type3A_11, %cond3A_12 : i32
    scf.if %cond3A_13 {
      "tpu.region"() ({
        %run_scoped3A_160 = tpu.sem_alloc : memref<!tpu.dma_semaphore, #tpu.memory_space<semaphore_mem>>
        %dma_start3A_161 = arith.constant 0 : i32
        %dma_start3A_162 = tpu.memref_slice %arg10[%mul3A_2, %dma_start3A_161] : memref<10112x128xf32, #tpu.memory_space<vmem_shared>> -> memref<520x128xf32, #tpu.memory_space<vmem_shared>>
        %dma_start3A_163 = arith.constant 0 : i32
        %dma_start3A_164 = tpu.memref_slice %arg2[%mul3A_2, %dma_start3A_163] : memref<10000x128xf32, #tpu.memory_space<hbm>> -> memref<520x128xf32, #tpu.memory_space<hbm>>
        tpu.enqueue_dma source(%dma_start3A_164 : memref<520x128xf32, #tpu.memory_space<hbm>>) target(%dma_start3A_162 : memref<520x128xf32, #tpu.memory_space<vmem_shared>>) target_semaphore(%run_scoped3A_160 : memref<!tpu.dma_semaphore, #tpu.memory_space<semaphore_mem>>)
        %dma_wait3A_165 = arith.constant 0 : i32
        %dma_wait3A_166 = tpu.memref_slice %arg10[%mul3A_2, %dma_wait3A_165] : memref<10112x128xf32, #tpu.memory_space<vmem_shared>> -> memref<520x128xf32, #tpu.memory_space<vmem_shared>>
        %dma_wait3A_167 = arith.constant 0 : i32
        %dma_wait3A_168 = tpu.memref_slice %arg2[%mul3A_2, %dma_wait3A_167] : memref<10000x128xf32, #tpu.memory_space<hbm>> -> memref<520x128xf32, #tpu.memory_space<hbm>>
        tpu.wait_dma2 semaphore(%run_scoped3A_160 : memref<!tpu.dma_semaphore, #tpu.memory_space<semaphore_mem>>) src(%dma_wait3A_168 : memref<520x128xf32, #tpu.memory_space<hbm>>) dst(%dma_wait3A_166 : memref<520x128xf32, #tpu.memory_space<vmem_shared>>)
        tpu.yield
      }) : () -> ()
    } else {
    }
    %ne3A = arith.constant 0 : i32
    %ne3A_14 = arith.cmpi ne, %arg0, %ne3A : i32
    %lt3A_15 = arith.constant 15 : i32
    %lt3A_16 = arith.cmpi slt, %arg1, %lt3A_15 : i32
    %and3A_17 = arith.andi %ne3A_14, %lt3A_16 : i1
    %convert_element_type3A_18 = arith.extui %and3A_17 : i1 to i32
    %cond3A_19 = arith.constant 0 : i32
    %cond3A_20 = arith.cmpi ne, %convert_element_type3A_18, %cond3A_19 : i32
    scf.if %cond3A_20 {
      "tpu.region"() ({
        %run_scoped3A_160 = tpu.sem_alloc : memref<!tpu.dma_semaphore, #tpu.memory_space<semaphore_mem>>
        %dma_start3A_161 = arith.constant 0 : i32
        %dma_start3A_162 = tpu.memref_slice %arg10[%mul3A_2, %dma_start3A_161] : memref<10112x128xf32, #tpu.memory_space<vmem_shared>> -> memref<632x128xf32, #tpu.memory_space<vmem_shared>>
        %dma_start3A_163 = arith.constant 0 : i32
        %dma_start3A_164 = tpu.memref_slice %arg3[%mul3A_2, %dma_start3A_163] : memref<10000x128xf32, #tpu.memory_space<hbm>> -> memref<632x128xf32, #tpu.memory_space<hbm>>
        tpu.enqueue_dma source(%dma_start3A_164 : memref<632x128xf32, #tpu.memory_space<hbm>>) target(%dma_start3A_162 : memref<632x128xf32, #tpu.memory_space<vmem_shared>>) target_semaphore(%run_scoped3A_160 : memref<!tpu.dma_semaphore, #tpu.memory_space<semaphore_mem>>)
        %dma_wait3A_165 = arith.constant 0 : i32
        %dma_wait3A_166 = tpu.memref_slice %arg10[%mul3A_2, %dma_wait3A_165] : memref<10112x128xf32, #tpu.memory_space<vmem_shared>> -> memref<632x128xf32, #tpu.memory_space<vmem_shared>>
        %dma_wait3A_167 = arith.constant 0 : i32
        %dma_wait3A_168 = tpu.memref_slice %arg3[%mul3A_2, %dma_wait3A_167] : memref<10000x128xf32, #tpu.memory_space<hbm>> -> memref<632x128xf32, #tpu.memory_space<hbm>>
        tpu.wait_dma2 semaphore(%run_scoped3A_160 : memref<!tpu.dma_semaphore, #tpu.memory_space<semaphore_mem>>) src(%dma_wait3A_168 : memref<632x128xf32, #tpu.memory_space<hbm>>) dst(%dma_wait3A_166 : memref<632x128xf32, #tpu.memory_space<vmem_shared>>)
        tpu.yield
      }) : () -> ()
    } else {
    }
    %ne3A_21 = arith.constant 0 : i32
    %ne3A_22 = arith.cmpi ne, %arg0, %ne3A_21 : i32
    %eq3A_23 = arith.constant 15 : i32
    %eq3A_24 = arith.cmpi eq, %arg1, %eq3A_23 : i32
    %and3A_25 = arith.andi %ne3A_22, %eq3A_24 : i1
    %convert_element_type3A_26 = arith.extui %and3A_25 : i1 to i32
    %cond3A_27 = arith.constant 0 : i32
    %cond3A_28 = arith.cmpi ne, %convert_element_type3A_26, %cond3A_27 : i32
    scf.if %cond3A_28 {
      "tpu.region"() ({
        %run_scoped3A_160 = tpu.sem_alloc : memref<!tpu.dma_semaphore, #tpu.memory_space<semaphore_mem>>
        %dma_start3A_161 = arith.constant 0 : i32
        %dma_start3A_162 = tpu.memref_slice %arg10[%mul3A_2, %dma_start3A_161] : memref<10112x128xf32, #tpu.memory_space<vmem_shared>> -> memref<520x128xf32, #tpu.memory_space<vmem_shared>>
        %dma_start3A_163 = arith.constant 0 : i32
        %dma_start3A_164 = tpu.memref_slice %arg3[%mul3A_2, %dma_start3A_163] : memref<10000x128xf32, #tpu.memory_space<hbm>> -> memref<520x128xf32, #tpu.memory_space<hbm>>
        tpu.enqueue_dma source(%dma_start3A_164 : memref<520x128xf32, #tpu.memory_space<hbm>>) target(%dma_start3A_162 : memref<520x128xf32, #tpu.memory_space<vmem_shared>>) target_semaphore(%run_scoped3A_160 : memref<!tpu.dma_semaphore, #tpu.memory_space<semaphore_mem>>)
        %dma_wait3A_165 = arith.constant 0 : i32
        %dma_wait3A_166 = tpu.memref_slice %arg10[%mul3A_2, %dma_wait3A_165] : memref<10112x128xf32, #tpu.memory_space<vmem_shared>> -> memref<520x128xf32, #tpu.memory_space<vmem_shared>>
        %dma_wait3A_167 = arith.constant 0 : i32
        %dma_wait3A_168 = tpu.memref_slice %arg3[%mul3A_2, %dma_wait3A_167] : memref<10000x128xf32, #tpu.memory_space<hbm>> -> memref<520x128xf32, #tpu.memory_space<hbm>>
        tpu.wait_dma2 semaphore(%run_scoped3A_160 : memref<!tpu.dma_semaphore, #tpu.memory_space<semaphore_mem>>) src(%dma_wait3A_168 : memref<520x128xf32, #tpu.memory_space<hbm>>) dst(%dma_wait3A_166 : memref<520x128xf32, #tpu.memory_space<vmem_shared>>)
        tpu.yield
      }) : () -> ()
    } else {
    }
    %barrier3A = arith.constant 0 : index
    tpu.barrier barrier_id(%barrier3A)
    %mul3A_29 = arith.constant 2 : i32
    %mul3A_30 = arith.muli %add3A, %mul3A_29 : i32
    %add3A_31 = arith.constant 0 : i32
    %add3A_32 = arith.addi %mul3A_30, %add3A_31 : i32
    "tpu.region"() ({
      %run_scoped3A_160 = tpu.sem_alloc : memref<!tpu.dma_semaphore, #tpu.memory_space<semaphore_mem>>
      %dma_start3A_161 = arith.constant 0 : i32
      %dma_start3A_162 = tpu.memref_slice %arg4[%add3A_32, %dma_start3A_161] : memref<64x5088xi32, #tpu.memory_space<hbm>> -> memref<1x5088xi32, #tpu.memory_space<hbm>>
      %dma_start3A_163 = tpu.memref_squeeze %dma_start3A_162 : memref<1x5088xi32, #tpu.memory_space<hbm>> -> memref<5088xi32, #tpu.memory_space<hbm>>
      %dma_start3A_164 = arith.constant 0 : i32
      %dma_start3A_165 = tpu.memref_slice %arg4[%add3A_32, %dma_start3A_164] : memref<64x5088xi32, #tpu.memory_space<hbm>> -> memref<1x5088xi32, #tpu.memory_space<hbm>>
      %dma_start3A_166 = tpu.memref_squeeze %dma_start3A_165 : memref<1x5088xi32, #tpu.memory_space<hbm>> -> memref<5088xi32, #tpu.memory_space<hbm>>
      tpu.enqueue_dma source(%dma_start3A_166 : memref<5088xi32, #tpu.memory_space<hbm>>) target(%arg7 : memref<5088xi32, #tpu.memory_space<vmem>>) target_semaphore(%run_scoped3A_160 : memref<!tpu.dma_semaphore, #tpu.memory_space<semaphore_mem>>)
      %dma_wait3A_167 = arith.constant 0 : i32
      %dma_wait3A_168 = tpu.memref_slice %arg4[%add3A_32, %dma_wait3A_167] : memref<64x5088xi32, #tpu.memory_space<hbm>> -> memref<1x5088xi32, #tpu.memory_space<hbm>>
      %dma_wait3A_169 = tpu.memref_squeeze %dma_wait3A_168 : memref<1x5088xi32, #tpu.memory_space<hbm>> -> memref<5088xi32, #tpu.memory_space<hbm>>
      %dma_wait3A_170 = arith.constant 0 : i32
      %dma_wait3A_171 = tpu.memref_slice %arg4[%add3A_32, %dma_wait3A_170] : memref<64x5088xi32, #tpu.memory_space<hbm>> -> memref<1x5088xi32, #tpu.memory_space<hbm>>
      %dma_wait3A_172 = tpu.memref_squeeze %dma_wait3A_171 : memref<1x5088xi32, #tpu.memory_space<hbm>> -> memref<5088xi32, #tpu.memory_space<hbm>>
      tpu.wait_dma2 semaphore(%run_scoped3A_160 : memref<!tpu.dma_semaphore, #tpu.memory_space<semaphore_mem>>) src(%dma_wait3A_172 : memref<5088xi32, #tpu.memory_space<hbm>>) dst(%arg7 : memref<5088xi32, #tpu.memory_space<vmem>>)
      tpu.yield
    }) : () -> ()
    %mul3A_33 = arith.constant 2 : i32
    %mul3A_34 = arith.muli %add3A, %mul3A_33 : i32
    %add3A_35 = arith.constant 0 : i32
    %add3A_36 = arith.addi %mul3A_34, %add3A_35 : i32
    "tpu.region"() ({
      %run_scoped3A_160 = tpu.sem_alloc : memref<!tpu.dma_semaphore, #tpu.memory_space<semaphore_mem>>
      %dma_start3A_161 = arith.constant 0 : i32
      %dma_start3A_162 = arith.constant 0 : i32
      %dma_start3A_163 = tpu.memref_slice %arg5[%add3A_36, %dma_start3A_161, %dma_start3A_162] : memref<64x53x96xi32, #tpu.memory_space<hbm>> -> memref<1x53x96xi32, #tpu.memory_space<hbm>>
      %dma_start3A_164 = tpu.memref_squeeze %dma_start3A_163 : memref<1x53x96xi32, #tpu.memory_space<hbm>> -> memref<53x96xi32, #tpu.memory_space<hbm>>
      %dma_start3A_165 = arith.constant 0 : i32
      %dma_start3A_166 = arith.constant 0 : i32
      %dma_start3A_167 = tpu.memref_slice %arg5[%add3A_36, %dma_start3A_165, %dma_start3A_166] : memref<64x53x96xi32, #tpu.memory_space<hbm>> -> memref<1x53x96xi32, #tpu.memory_space<hbm>>
      %dma_start3A_168 = tpu.memref_squeeze %dma_start3A_167 : memref<1x53x96xi32, #tpu.memory_space<hbm>> -> memref<53x96xi32, #tpu.memory_space<hbm>>
      tpu.enqueue_dma source(%dma_start3A_168 : memref<53x96xi32, #tpu.memory_space<hbm>>) target(%arg8 : memref<53x96xi32, #tpu.memory_space<vmem>>) target_semaphore(%run_scoped3A_160 : memref<!tpu.dma_semaphore, #tpu.memory_space<semaphore_mem>>)
      %dma_wait3A_169 = arith.constant 0 : i32
      %dma_wait3A_170 = arith.constant 0 : i32
      %dma_wait3A_171 = tpu.memref_slice %arg5[%add3A_36, %dma_wait3A_169, %dma_wait3A_170] : memref<64x53x96xi32, #tpu.memory_space<hbm>> -> memref<1x53x96xi32, #tpu.memory_space<hbm>>
      %dma_wait3A_172 = tpu.memref_squeeze %dma_wait3A_171 : memref<1x53x96xi32, #tpu.memory_space<hbm>> -> memref<53x96xi32, #tpu.memory_space<hbm>>
      %dma_wait3A_173 = arith.constant 0 : i32
      %dma_wait3A_174 = arith.constant 0 : i32
      %dma_wait3A_175 = tpu.memref_slice %arg5[%add3A_36, %dma_wait3A_173, %dma_wait3A_174] : memref<64x53x96xi32, #tpu.memory_space<hbm>> -> memref<1x53x96xi32, #tpu.memory_space<hbm>>
      %dma_wait3A_176 = tpu.memref_squeeze %dma_wait3A_175 : memref<1x53x96xi32, #tpu.memory_space<hbm>> -> memref<53x96xi32, #tpu.memory_space<hbm>>
      tpu.wait_dma2 semaphore(%run_scoped3A_160 : memref<!tpu.dma_semaphore, #tpu.memory_space<semaphore_mem>>) src(%dma_wait3A_176 : memref<53x96xi32, #tpu.memory_space<hbm>>) dst(%arg8 : memref<53x96xi32, #tpu.memory_space<vmem>>)
      tpu.yield
    }) : () -> ()
    %dma_start3A = arith.constant 0 : i32
    %dma_start3A_37 = arith.constant 0 : i32
    %dma_start3A_38 = arith.constant 0 : i32
    %dma_start3A_39 = tpu.memref_slice %arg9[%dma_start3A, %dma_start3A_37, %dma_start3A_38] : memref<3x96x128xf32, #tpu.memory_space<vmem>> -> memref<1x96x128xf32, #tpu.memory_space<vmem>>
    %dma_start3A_40 = tpu.memref_squeeze %dma_start3A_39 : memref<1x96x128xf32, #tpu.memory_space<vmem>> -> memref<96x128xf32, #tpu.memory_space<vmem>>
    %dma_start3A_41 = arith.constant 0 : i32
    %dma_start3A_42 = tpu.memref_slice %arg7[%dma_start3A_41] : memref<5088xi32, #tpu.memory_space<vmem>> -> memref<96xi32, #tpu.memory_space<vmem>>
    %dma_start3A_43 = arith.constant 0 : i32
    %dma_start3A_44 = arith.constant 0 : i32
    %dma_start3A_45 = tpu.memref_slice %arg2[%dma_start3A_43, %dma_start3A_44] : memref<10000x128xf32, #tpu.memory_space<hbm>> -> memref<10000x128xf32, #tpu.memory_space<hbm>>
    tpu.enqueue_indirect_dma source(%dma_start3A_45 : memref<10000x128xf32, #tpu.memory_space<hbm>>) target(%dma_start3A_40 : memref<96x128xf32, #tpu.memory_space<vmem>>) offsets(%dma_start3A_42 : memref<96xi32, #tpu.memory_space<vmem>>) semaphore(%arg11 : memref<!tpu.dma_semaphore, #tpu.memory_space<semaphore_mem>>)
    %dma_start3A_46 = arith.constant 1 : i32
    %dma_start3A_47 = arith.constant 0 : i32
    %dma_start3A_48 = arith.constant 0 : i32
    %dma_start3A_49 = tpu.memref_slice %arg9[%dma_start3A_46, %dma_start3A_47, %dma_start3A_48] : memref<3x96x128xf32, #tpu.memory_space<vmem>> -> memref<1x96x128xf32, #tpu.memory_space<vmem>>
    %dma_start3A_50 = tpu.memref_squeeze %dma_start3A_49 : memref<1x96x128xf32, #tpu.memory_space<vmem>> -> memref<96x128xf32, #tpu.memory_space<vmem>>
    %dma_start3A_51 = arith.constant 96 : i32
    %dma_start3A_52 = tpu.memref_slice %arg7[%dma_start3A_51] : memref<5088xi32, #tpu.memory_space<vmem>> -> memref<96xi32, #tpu.memory_space<vmem>>
    %dma_start3A_53 = arith.constant 0 : i32
    %dma_start3A_54 = arith.constant 0 : i32
    %dma_start3A_55 = tpu.memref_slice %arg2[%dma_start3A_53, %dma_start3A_54] : memref<10000x128xf32, #tpu.memory_space<hbm>> -> memref<10000x128xf32, #tpu.memory_space<hbm>>
    tpu.enqueue_indirect_dma source(%dma_start3A_55 : memref<10000x128xf32, #tpu.memory_space<hbm>>) target(%dma_start3A_50 : memref<96x128xf32, #tpu.memory_space<vmem>>) offsets(%dma_start3A_52 : memref<96xi32, #tpu.memory_space<vmem>>) semaphore(%arg12 : memref<!tpu.dma_semaphore, #tpu.memory_space<semaphore_mem>>)
    %dma_start3A_56 = arith.constant 2 : i32
    %dma_start3A_57 = arith.constant 0 : i32
    %dma_start3A_58 = arith.constant 0 : i32
    %dma_start3A_59 = tpu.memref_slice %arg9[%dma_start3A_56, %dma_start3A_57, %dma_start3A_58] : memref<3x96x128xf32, #tpu.memory_space<vmem>> -> memref<1x96x128xf32, #tpu.memory_space<vmem>>
    %dma_start3A_60 = tpu.memref_squeeze %dma_start3A_59 : memref<1x96x128xf32, #tpu.memory_space<vmem>> -> memref<96x128xf32, #tpu.memory_space<vmem>>
    %dma_start3A_61 = arith.constant 192 : i32
    %dma_start3A_62 = tpu.memref_slice %arg7[%dma_start3A_61] : memref<5088xi32, #tpu.memory_space<vmem>> -> memref<96xi32, #tpu.memory_space<vmem>>
    %dma_start3A_63 = arith.constant 0 : i32
    %dma_start3A_64 = arith.constant 0 : i32
    %dma_start3A_65 = tpu.memref_slice %arg2[%dma_start3A_63, %dma_start3A_64] : memref<10000x128xf32, #tpu.memory_space<hbm>> -> memref<10000x128xf32, #tpu.memory_space<hbm>>
    tpu.enqueue_indirect_dma source(%dma_start3A_65 : memref<10000x128xf32, #tpu.memory_space<hbm>>) target(%dma_start3A_60 : memref<96x128xf32, #tpu.memory_space<vmem>>) offsets(%dma_start3A_62 : memref<96xi32, #tpu.memory_space<vmem>>) semaphore(%arg13 : memref<!tpu.dma_semaphore, #tpu.memory_space<semaphore_mem>>)
    %scan3A = arith.constant 0 : i32
    %scan3A_66 = arith.constant 17 : i32
    %scan3A_67 = arith.addi %scan3A, %scan3A_66 : i32
    %scan3A_68 = arith.constant 1 : i32
    scf.for %scan3A_160 = %scan3A to %scan3A_67 step %scan3A_68  : i32 {
      %mul3A_161 = arith.constant 3 : i32
      %mul3A_162 = arith.muli %scan3A_160, %mul3A_161 : i32
      %add3A_163 = arith.constant 0 : i32
      %add3A_164 = arith.addi %add3A_163, %mul3A_162 : i32
      %add3A_165 = arith.constant 0 : i32
      %add3A_166 = arith.addi %add3A_164, %add3A_165 : i32
      %mul3A_167 = arith.constant 96 : i32
      %mul3A_168 = arith.muli %add3A_166, %mul3A_167 : i32
      %dma_wait3A_169 = arith.constant 0 : i32
      %dma_wait3A_170 = arith.constant 0 : i32
      %dma_wait3A_171 = arith.constant 0 : i32
      %dma_wait3A_172 = tpu.memref_slice %arg9[%dma_wait3A_169, %dma_wait3A_170, %dma_wait3A_171] : memref<3x96x128xf32, #tpu.memory_space<vmem>> -> memref<1x96x128xf32, #tpu.memory_space<vmem>>
      %dma_wait3A_173 = tpu.memref_squeeze %dma_wait3A_172 : memref<1x96x128xf32, #tpu.memory_space<vmem>> -> memref<96x128xf32, #tpu.memory_space<vmem>>
      %dma_wait3A_174 = tpu.memref_slice %arg7[%mul3A_168] : memref<5088xi32, #tpu.memory_space<vmem>> -> memref<96xi32, #tpu.memory_space<vmem>>
      %dma_wait3A_175 = arith.constant 0 : i32
      %dma_wait3A_176 = arith.constant 0 : i32
      %dma_wait3A_177 = tpu.memref_slice %arg2[%dma_wait3A_175, %dma_wait3A_176] : memref<10000x128xf32, #tpu.memory_space<hbm>> -> memref<10000x128xf32, #tpu.memory_space<hbm>>
      tpu.wait_indirect_dma semaphore(%arg11 : memref<!tpu.dma_semaphore, #tpu.memory_space<semaphore_mem>>) src(%dma_wait3A_177 : memref<10000x128xf32, #tpu.memory_space<hbm>>) dst(%dma_wait3A_173 : memref<96x128xf32, #tpu.memory_space<vmem>>)
      %run_scoped3A_178 = arith.constant 0 : i32
      "tpu.region"() ({
        %run_scoped3A_228 = tpu.sem_alloc : memref<!tpu.dma_semaphore, #tpu.memory_space<semaphore_mem>>
        %dma_start3A_229 = arith.constant 0 : i32
        %dma_start3A_230 = arith.constant 0 : i32
        %dma_start3A_231 = tpu.memref_slice %arg9[%run_scoped3A_178, %dma_start3A_229, %dma_start3A_230] : memref<3x96x128xf32, #tpu.memory_space<vmem>> -> memref<1x96x128xf32, #tpu.memory_space<vmem>>
        %dma_start3A_232 = tpu.memref_squeeze %dma_start3A_231 : memref<1x96x128xf32, #tpu.memory_space<vmem>> -> memref<96x128xf32, #tpu.memory_space<vmem>>
        %dma_start3A_233 = arith.constant 0 : i32
        %dma_start3A_234 = tpu.memref_slice %arg8[%add3A_166, %dma_start3A_233] : memref<53x96xi32, #tpu.memory_space<vmem>> -> memref<1x96xi32, #tpu.memory_space<vmem>>
        %dma_start3A_235 = tpu.memref_squeeze %dma_start3A_234 : memref<1x96xi32, #tpu.memory_space<vmem>> -> memref<96xi32, #tpu.memory_space<vmem>>
        %dma_start3A_236 = arith.constant 0 : i32
        %dma_start3A_237 = arith.constant 0 : i32
        %dma_start3A_238 = tpu.memref_slice %arg10[%dma_start3A_236, %dma_start3A_237] : memref<10112x128xf32, #tpu.memory_space<vmem_shared>> -> memref<10112x128xf32, #tpu.memory_space<vmem_shared>>
        tpu.enqueue_indirect_dma source(%dma_start3A_232 : memref<96x128xf32, #tpu.memory_space<vmem>>) target(%dma_start3A_238 : memref<10112x128xf32, #tpu.memory_space<vmem_shared>>) offsets(%dma_start3A_235 : memref<96xi32, #tpu.memory_space<vmem>>) semaphore(%run_scoped3A_228 : memref<!tpu.dma_semaphore, #tpu.memory_space<semaphore_mem>>) {add = true}
        %dma_wait3A_239 = arith.constant 0 : i32
        %dma_wait3A_240 = arith.constant 0 : i32
        %dma_wait3A_241 = tpu.memref_slice %arg9[%run_scoped3A_178, %dma_wait3A_239, %dma_wait3A_240] : memref<3x96x128xf32, #tpu.memory_space<vmem>> -> memref<1x96x128xf32, #tpu.memory_space<vmem>>
        %dma_wait3A_242 = tpu.memref_squeeze %dma_wait3A_241 : memref<1x96x128xf32, #tpu.memory_space<vmem>> -> memref<96x128xf32, #tpu.memory_space<vmem>>
        %dma_wait3A_243 = arith.constant 0 : i32
        %dma_wait3A_244 = tpu.memref_slice %arg8[%add3A_166, %dma_wait3A_243] : memref<53x96xi32, #tpu.memory_space<vmem>> -> memref<1x96xi32, #tpu.memory_space<vmem>>
        %dma_wait3A_245 = tpu.memref_squeeze %dma_wait3A_244 : memref<1x96xi32, #tpu.memory_space<vmem>> -> memref<96xi32, #tpu.memory_space<vmem>>
        %dma_wait3A_246 = arith.constant 0 : i32
        %dma_wait3A_247 = arith.constant 0 : i32
        %dma_wait3A_248 = tpu.memref_slice %arg10[%dma_wait3A_246, %dma_wait3A_247] : memref<10112x128xf32, #tpu.memory_space<vmem_shared>> -> memref<10112x128xf32, #tpu.memory_space<vmem_shared>>
        tpu.wait_indirect_dma semaphore(%run_scoped3A_228 : memref<!tpu.dma_semaphore, #tpu.memory_space<semaphore_mem>>) src(%dma_wait3A_242 : memref<96x128xf32, #tpu.memory_space<vmem>>) dst(%dma_wait3A_248 : memref<10112x128xf32, #tpu.memory_space<vmem_shared>>)
        tpu.yield
      }) : () -> ()
      %add3A_179 = arith.constant 3 : i32
      %add3A_180 = arith.addi %add3A_166, %add3A_179 : i32
      %lt3A_181 = arith.constant 53 : i32
      %lt3A_182 = arith.cmpi slt, %add3A_180, %lt3A_181 : i32
      %convert_element_type3A_183 = arith.extui %lt3A_182 : i1 to i32
      %cond3A_184 = arith.constant 0 : i32
      %cond3A_185 = arith.cmpi ne, %convert_element_type3A_183, %cond3A_184 : i32
      scf.if %cond3A_185 {
        %add3A_228 = arith.constant 3 : i32
        %add3A_229 = arith.addi %add3A_166, %add3A_228 : i32
        %mul3A_230 = arith.constant 96 : i32
        %mul3A_231 = arith.muli %add3A_229, %mul3A_230 : i32
        %dma_start3A_232 = arith.constant 0 : i32
        %dma_start3A_233 = arith.constant 0 : i32
        %dma_start3A_234 = arith.constant 0 : i32
        %dma_start3A_235 = tpu.memref_slice %arg9[%dma_start3A_232, %dma_start3A_233, %dma_start3A_234] : memref<3x96x128xf32, #tpu.memory_space<vmem>> -> memref<1x96x128xf32, #tpu.memory_space<vmem>>
        %dma_start3A_236 = tpu.memref_squeeze %dma_start3A_235 : memref<1x96x128xf32, #tpu.memory_space<vmem>> -> memref<96x128xf32, #tpu.memory_space<vmem>>
        %dma_start3A_237 = tpu.memref_slice %arg7[%mul3A_231] : memref<5088xi32, #tpu.memory_space<vmem>> -> memref<96xi32, #tpu.memory_space<vmem>>
        %dma_start3A_238 = arith.constant 0 : i32
        %dma_start3A_239 = arith.constant 0 : i32
        %dma_start3A_240 = tpu.memref_slice %arg2[%dma_start3A_238, %dma_start3A_239] : memref<10000x128xf32, #tpu.memory_space<hbm>> -> memref<10000x128xf32, #tpu.memory_space<hbm>>
        tpu.enqueue_indirect_dma source(%dma_start3A_240 : memref<10000x128xf32, #tpu.memory_space<hbm>>) target(%dma_start3A_236 : memref<96x128xf32, #tpu.memory_space<vmem>>) offsets(%dma_start3A_237 : memref<96xi32, #tpu.memory_space<vmem>>) semaphore(%arg11 : memref<!tpu.dma_semaphore, #tpu.memory_space<semaphore_mem>>)
      } else {
      }
      %add3A_186 = arith.constant 1 : i32
      %add3A_187 = arith.addi %add3A_164, %add3A_186 : i32
      %mul3A_188 = arith.constant 96 : i32
      %mul3A_189 = arith.muli %add3A_187, %mul3A_188 : i32
      %dma_wait3A_190 = arith.constant 1 : i32
      %dma_wait3A_191 = arith.constant 0 : i32
      %dma_wait3A_192 = arith.constant 0 : i32
      %dma_wait3A_193 = tpu.memref_slice %arg9[%dma_wait3A_190, %dma_wait3A_191, %dma_wait3A_192] : memref<3x96x128xf32, #tpu.memory_space<vmem>> -> memref<1x96x128xf32, #tpu.memory_space<vmem>>
      %dma_wait3A_194 = tpu.memref_squeeze %dma_wait3A_193 : memref<1x96x128xf32, #tpu.memory_space<vmem>> -> memref<96x128xf32, #tpu.memory_space<vmem>>
      %dma_wait3A_195 = tpu.memref_slice %arg7[%mul3A_189] : memref<5088xi32, #tpu.memory_space<vmem>> -> memref<96xi32, #tpu.memory_space<vmem>>
      %dma_wait3A_196 = arith.constant 0 : i32
      %dma_wait3A_197 = arith.constant 0 : i32
      %dma_wait3A_198 = tpu.memref_slice %arg2[%dma_wait3A_196, %dma_wait3A_197] : memref<10000x128xf32, #tpu.memory_space<hbm>> -> memref<10000x128xf32, #tpu.memory_space<hbm>>
      tpu.wait_indirect_dma semaphore(%arg12 : memref<!tpu.dma_semaphore, #tpu.memory_space<semaphore_mem>>) src(%dma_wait3A_198 : memref<10000x128xf32, #tpu.memory_space<hbm>>) dst(%dma_wait3A_194 : memref<96x128xf32, #tpu.memory_space<vmem>>)
      %run_scoped3A_199 = arith.constant 1 : i32
      "tpu.region"() ({
        %run_scoped3A_228 = tpu.sem_alloc : memref<!tpu.dma_semaphore, #tpu.memory_space<semaphore_mem>>
        %dma_start3A_229 = arith.constant 0 : i32
        %dma_start3A_230 = arith.constant 0 : i32
        %dma_start3A_231 = tpu.memref_slice %arg9[%run_scoped3A_199, %dma_start3A_229, %dma_start3A_230] : memref<3x96x128xf32, #tpu.memory_space<vmem>> -> memref<1x96x128xf32, #tpu.memory_space<vmem>>
        %dma_start3A_232 = tpu.memref_squeeze %dma_start3A_231 : memref<1x96x128xf32, #tpu.memory_space<vmem>> -> memref<96x128xf32, #tpu.memory_space<vmem>>
        %dma_start3A_233 = arith.constant 0 : i32
        %dma_start3A_234 = tpu.memref_slice %arg8[%add3A_187, %dma_start3A_233] : memref<53x96xi32, #tpu.memory_space<vmem>> -> memref<1x96xi32, #tpu.memory_space<vmem>>
        %dma_start3A_235 = tpu.memref_squeeze %dma_start3A_234 : memref<1x96xi32, #tpu.memory_space<vmem>> -> memref<96xi32, #tpu.memory_space<vmem>>
        %dma_start3A_236 = arith.constant 0 : i32
        %dma_start3A_237 = arith.constant 0 : i32
        %dma_start3A_238 = tpu.memref_slice %arg10[%dma_start3A_236, %dma_start3A_237] : memref<10112x128xf32, #tpu.memory_space<vmem_shared>> -> memref<10112x128xf32, #tpu.memory_space<vmem_shared>>
        tpu.enqueue_indirect_dma source(%dma_start3A_232 : memref<96x128xf32, #tpu.memory_space<vmem>>) target(%dma_start3A_238 : memref<10112x128xf32, #tpu.memory_space<vmem_shared>>) offsets(%dma_start3A_235 : memref<96xi32, #tpu.memory_space<vmem>>) semaphore(%run_scoped3A_228 : memref<!tpu.dma_semaphore, #tpu.memory_space<semaphore_mem>>) {add = true}
        %dma_wait3A_239 = arith.constant 0 : i32
        %dma_wait3A_240 = arith.constant 0 : i32
        %dma_wait3A_241 = tpu.memref_slice %arg9[%run_scoped3A_199, %dma_wait3A_239, %dma_wait3A_240] : memref<3x96x128xf32, #tpu.memory_space<vmem>> -> memref<1x96x128xf32, #tpu.memory_space<vmem>>
        %dma_wait3A_242 = tpu.memref_squeeze %dma_wait3A_241 : memref<1x96x128xf32, #tpu.memory_space<vmem>> -> memref<96x128xf32, #tpu.memory_space<vmem>>
        %dma_wait3A_243 = arith.constant 0 : i32
        %dma_wait3A_244 = tpu.memref_slice %arg8[%add3A_187, %dma_wait3A_243] : memref<53x96xi32, #tpu.memory_space<vmem>> -> memref<1x96xi32, #tpu.memory_space<vmem>>
        %dma_wait3A_245 = tpu.memref_squeeze %dma_wait3A_244 : memref<1x96xi32, #tpu.memory_space<vmem>> -> memref<96xi32, #tpu.memory_space<vmem>>
        %dma_wait3A_246 = arith.constant 0 : i32
        %dma_wait3A_247 = arith.constant 0 : i32
        %dma_wait3A_248 = tpu.memref_slice %arg10[%dma_wait3A_246, %dma_wait3A_247] : memref<10112x128xf32, #tpu.memory_space<vmem_shared>> -> memref<10112x128xf32, #tpu.memory_space<vmem_shared>>
        tpu.wait_indirect_dma semaphore(%run_scoped3A_228 : memref<!tpu.dma_semaphore, #tpu.memory_space<semaphore_mem>>) src(%dma_wait3A_242 : memref<96x128xf32, #tpu.memory_space<vmem>>) dst(%dma_wait3A_248 : memref<10112x128xf32, #tpu.memory_space<vmem_shared>>)
        tpu.yield
      }) : () -> ()
      %add3A_200 = arith.constant 3 : i32
      %add3A_201 = arith.addi %add3A_187, %add3A_200 : i32
      %lt3A_202 = arith.constant 53 : i32
      %lt3A_203 = arith.cmpi slt, %add3A_201, %lt3A_202 : i32
      %convert_element_type3A_204 = arith.extui %lt3A_203 : i1 to i32
      %cond3A_205 = arith.constant 0 : i32
      %cond3A_206 = arith.cmpi ne, %convert_element_type3A_204, %cond3A_205 : i32
      scf.if %cond3A_206 {
        %add3A_228 = arith.constant 3 : i32
        %add3A_229 = arith.addi %add3A_187, %add3A_228 : i32
        %mul3A_230 = arith.constant 96 : i32
        %mul3A_231 = arith.muli %add3A_229, %mul3A_230 : i32
        %dma_start3A_232 = arith.constant 1 : i32
        %dma_start3A_233 = arith.constant 0 : i32
        %dma_start3A_234 = arith.constant 0 : i32
        %dma_start3A_235 = tpu.memref_slice %arg9[%dma_start3A_232, %dma_start3A_233, %dma_start3A_234] : memref<3x96x128xf32, #tpu.memory_space<vmem>> -> memref<1x96x128xf32, #tpu.memory_space<vmem>>
        %dma_start3A_236 = tpu.memref_squeeze %dma_start3A_235 : memref<1x96x128xf32, #tpu.memory_space<vmem>> -> memref<96x128xf32, #tpu.memory_space<vmem>>
        %dma_start3A_237 = tpu.memref_slice %arg7[%mul3A_231] : memref<5088xi32, #tpu.memory_space<vmem>> -> memref<96xi32, #tpu.memory_space<vmem>>
        %dma_start3A_238 = arith.constant 0 : i32
        %dma_start3A_239 = arith.constant 0 : i32
        %dma_start3A_240 = tpu.memref_slice %arg2[%dma_start3A_238, %dma_start3A_239] : memref<10000x128xf32, #tpu.memory_space<hbm>> -> memref<10000x128xf32, #tpu.memory_space<hbm>>
        tpu.enqueue_indirect_dma source(%dma_start3A_240 : memref<10000x128xf32, #tpu.memory_space<hbm>>) target(%dma_start3A_236 : memref<96x128xf32, #tpu.memory_space<vmem>>) offsets(%dma_start3A_237 : memref<96xi32, #tpu.memory_space<vmem>>) semaphore(%arg12 : memref<!tpu.dma_semaphore, #tpu.memory_space<semaphore_mem>>)
      } else {
      }
      %add3A_207 = arith.constant 2 : i32
      %add3A_208 = arith.addi %add3A_164, %add3A_207 : i32
      %mul3A_209 = arith.constant 96 : i32
      %mul3A_210 = arith.muli %add3A_208, %mul3A_209 : i32
      %dma_wait3A_211 = arith.constant 2 : i32
      %dma_wait3A_212 = arith.constant 0 : i32
      %dma_wait3A_213 = arith.constant 0 : i32
      %dma_wait3A_214 = tpu.memref_slice %arg9[%dma_wait3A_211, %dma_wait3A_212, %dma_wait3A_213] : memref<3x96x128xf32, #tpu.memory_space<vmem>> -> memref<1x96x128xf32, #tpu.memory_space<vmem>>
      %dma_wait3A_215 = tpu.memref_squeeze %dma_wait3A_214 : memref<1x96x128xf32, #tpu.memory_space<vmem>> -> memref<96x128xf32, #tpu.memory_space<vmem>>
      %dma_wait3A_216 = tpu.memref_slice %arg7[%mul3A_210] : memref<5088xi32, #tpu.memory_space<vmem>> -> memref<96xi32, #tpu.memory_space<vmem>>
      %dma_wait3A_217 = arith.constant 0 : i32
      %dma_wait3A_218 = arith.constant 0 : i32
      %dma_wait3A_219 = tpu.memref_slice %arg2[%dma_wait3A_217, %dma_wait3A_218] : memref<10000x128xf32, #tpu.memory_space<hbm>> -> memref<10000x128xf32, #tpu.memory_space<hbm>>
      tpu.wait_indirect_dma semaphore(%arg13 : memref<!tpu.dma_semaphore, #tpu.memory_space<semaphore_mem>>) src(%dma_wait3A_219 : memref<10000x128xf32, #tpu.memory_space<hbm>>) dst(%dma_wait3A_215 : memref<96x128xf32, #tpu.memory_space<vmem>>)
      %run_scoped3A_220 = arith.constant 2 : i32
      "tpu.region"() ({
        %run_scoped3A_228 = tpu.sem_alloc : memref<!tpu.dma_semaphore, #tpu.memory_space<semaphore_mem>>
        %dma_start3A_229 = arith.constant 0 : i32
        %dma_start3A_230 = arith.constant 0 : i32
        %dma_start3A_231 = tpu.memref_slice %arg9[%run_scoped3A_220, %dma_start3A_229, %dma_start3A_230] : memref<3x96x128xf32, #tpu.memory_space<vmem>> -> memref<1x96x128xf32, #tpu.memory_space<vmem>>
        %dma_start3A_232 = tpu.memref_squeeze %dma_start3A_231 : memref<1x96x128xf32, #tpu.memory_space<vmem>> -> memref<96x128xf32, #tpu.memory_space<vmem>>
        %dma_start3A_233 = arith.constant 0 : i32
        %dma_start3A_234 = tpu.memref_slice %arg8[%add3A_208, %dma_start3A_233] : memref<53x96xi32, #tpu.memory_space<vmem>> -> memref<1x96xi32, #tpu.memory_space<vmem>>
        %dma_start3A_235 = tpu.memref_squeeze %dma_start3A_234 : memref<1x96xi32, #tpu.memory_space<vmem>> -> memref<96xi32, #tpu.memory_space<vmem>>
        %dma_start3A_236 = arith.constant 0 : i32
        %dma_start3A_237 = arith.constant 0 : i32
        %dma_start3A_238 = tpu.memref_slice %arg10[%dma_start3A_236, %dma_start3A_237] : memref<10112x128xf32, #tpu.memory_space<vmem_shared>> -> memref<10112x128xf32, #tpu.memory_space<vmem_shared>>
        tpu.enqueue_indirect_dma source(%dma_start3A_232 : memref<96x128xf32, #tpu.memory_space<vmem>>) target(%dma_start3A_238 : memref<10112x128xf32, #tpu.memory_space<vmem_shared>>) offsets(%dma_start3A_235 : memref<96xi32, #tpu.memory_space<vmem>>) semaphore(%run_scoped3A_228 : memref<!tpu.dma_semaphore, #tpu.memory_space<semaphore_mem>>) {add = true}
        %dma_wait3A_239 = arith.constant 0 : i32
        %dma_wait3A_240 = arith.constant 0 : i32
        %dma_wait3A_241 = tpu.memref_slice %arg9[%run_scoped3A_220, %dma_wait3A_239, %dma_wait3A_240] : memref<3x96x128xf32, #tpu.memory_space<vmem>> -> memref<1x96x128xf32, #tpu.memory_space<vmem>>
        %dma_wait3A_242 = tpu.memref_squeeze %dma_wait3A_241 : memref<1x96x128xf32, #tpu.memory_space<vmem>> -> memref<96x128xf32, #tpu.memory_space<vmem>>
        %dma_wait3A_243 = arith.constant 0 : i32
        %dma_wait3A_244 = tpu.memref_slice %arg8[%add3A_208, %dma_wait3A_243] : memref<53x96xi32, #tpu.memory_space<vmem>> -> memref<1x96xi32, #tpu.memory_space<vmem>>
        %dma_wait3A_245 = tpu.memref_squeeze %dma_wait3A_244 : memref<1x96xi32, #tpu.memory_space<vmem>> -> memref<96xi32, #tpu.memory_space<vmem>>
        %dma_wait3A_246 = arith.constant 0 : i32
        %dma_wait3A_247 = arith.constant 0 : i32
        %dma_wait3A_248 = tpu.memref_slice %arg10[%dma_wait3A_246, %dma_wait3A_247] : memref<10112x128xf32, #tpu.memory_space<vmem_shared>> -> memref<10112x128xf32, #tpu.memory_space<vmem_shared>>
        tpu.wait_indirect_dma semaphore(%run_scoped3A_228 : memref<!tpu.dma_semaphore, #tpu.memory_space<semaphore_mem>>) src(%dma_wait3A_242 : memref<96x128xf32, #tpu.memory_space<vmem>>) dst(%dma_wait3A_248 : memref<10112x128xf32, #tpu.memory_space<vmem_shared>>)
        tpu.yield
      }) : () -> ()
      %add3A_221 = arith.constant 3 : i32
      %add3A_222 = arith.addi %add3A_208, %add3A_221 : i32
      %lt3A_223 = arith.constant 53 : i32
      %lt3A_224 = arith.cmpi slt, %add3A_222, %lt3A_223 : i32
      %convert_element_type3A_225 = arith.extui %lt3A_224 : i1 to i32
      %cond3A_226 = arith.constant 0 : i32
      %cond3A_227 = arith.cmpi ne, %convert_element_type3A_225, %cond3A_226 : i32
      scf.if %cond3A_227 {
        %add3A_228 = arith.constant 3 : i32
        %add3A_229 = arith.addi %add3A_208, %add3A_228 : i32
        %mul3A_230 = arith.constant 96 : i32
        %mul3A_231 = arith.muli %add3A_229, %mul3A_230 : i32
        %dma_start3A_232 = arith.constant 2 : i32
        %dma_start3A_233 = arith.constant 0 : i32
        %dma_start3A_234 = arith.constant 0 : i32
        %dma_start3A_235 = tpu.memref_slice %arg9[%dma_start3A_232, %dma_start3A_233, %dma_start3A_234] : memref<3x96x128xf32, #tpu.memory_space<vmem>> -> memref<1x96x128xf32, #tpu.memory_space<vmem>>
        %dma_start3A_236 = tpu.memref_squeeze %dma_start3A_235 : memref<1x96x128xf32, #tpu.memory_space<vmem>> -> memref<96x128xf32, #tpu.memory_space<vmem>>
        %dma_start3A_237 = tpu.memref_slice %arg7[%mul3A_231] : memref<5088xi32, #tpu.memory_space<vmem>> -> memref<96xi32, #tpu.memory_space<vmem>>
        %dma_start3A_238 = arith.constant 0 : i32
        %dma_start3A_239 = arith.constant 0 : i32
        %dma_start3A_240 = tpu.memref_slice %arg2[%dma_start3A_238, %dma_start3A_239] : memref<10000x128xf32, #tpu.memory_space<hbm>> -> memref<10000x128xf32, #tpu.memory_space<hbm>>
        tpu.enqueue_indirect_dma source(%dma_start3A_240 : memref<10000x128xf32, #tpu.memory_space<hbm>>) target(%dma_start3A_236 : memref<96x128xf32, #tpu.memory_space<vmem>>) offsets(%dma_start3A_237 : memref<96xi32, #tpu.memory_space<vmem>>) semaphore(%arg13 : memref<!tpu.dma_semaphore, #tpu.memory_space<semaphore_mem>>)
      } else {
      }
    }
    %scan3A_69 = arith.constant 17 : i32
    %dma_wait3A = arith.constant 0 : i32
    %dma_wait3A_70 = arith.constant 0 : i32
    %dma_wait3A_71 = arith.constant 0 : i32
    %dma_wait3A_72 = tpu.memref_slice %arg9[%dma_wait3A, %dma_wait3A_70, %dma_wait3A_71] : memref<3x96x128xf32, #tpu.memory_space<vmem>> -> memref<1x96x128xf32, #tpu.memory_space<vmem>>
    %dma_wait3A_73 = tpu.memref_squeeze %dma_wait3A_72 : memref<1x96x128xf32, #tpu.memory_space<vmem>> -> memref<96x128xf32, #tpu.memory_space<vmem>>
    %dma_wait3A_74 = arith.constant 4896 : i32
    %dma_wait3A_75 = tpu.memref_slice %arg7[%dma_wait3A_74] : memref<5088xi32, #tpu.memory_space<vmem>> -> memref<96xi32, #tpu.memory_space<vmem>>
    %dma_wait3A_76 = arith.constant 0 : i32
    %dma_wait3A_77 = arith.constant 0 : i32
    %dma_wait3A_78 = tpu.memref_slice %arg2[%dma_wait3A_76, %dma_wait3A_77] : memref<10000x128xf32, #tpu.memory_space<hbm>> -> memref<10000x128xf32, #tpu.memory_space<hbm>>
    tpu.wait_indirect_dma semaphore(%arg11 : memref<!tpu.dma_semaphore, #tpu.memory_space<semaphore_mem>>) src(%dma_wait3A_78 : memref<10000x128xf32, #tpu.memory_space<hbm>>) dst(%dma_wait3A_73 : memref<96x128xf32, #tpu.memory_space<vmem>>)
    %run_scoped3A = arith.constant 0 : i32
    %run_scoped3A_79 = arith.constant 51 : i32
    "tpu.region"() ({
      %run_scoped3A_160 = tpu.sem_alloc : memref<!tpu.dma_semaphore, #tpu.memory_space<semaphore_mem>>
      %dma_start3A_161 = arith.constant 0 : i32
      %dma_start3A_162 = arith.constant 0 : i32
      %dma_start3A_163 = tpu.memref_slice %arg9[%run_scoped3A, %dma_start3A_161, %dma_start3A_162] : memref<3x96x128xf32, #tpu.memory_space<vmem>> -> memref<1x96x128xf32, #tpu.memory_space<vmem>>
      %dma_start3A_164 = tpu.memref_squeeze %dma_start3A_163 : memref<1x96x128xf32, #tpu.memory_space<vmem>> -> memref<96x128xf32, #tpu.memory_space<vmem>>
      %dma_start3A_165 = arith.constant 0 : i32
      %dma_start3A_166 = tpu.memref_slice %arg8[%run_scoped3A_79, %dma_start3A_165] : memref<53x96xi32, #tpu.memory_space<vmem>> -> memref<1x96xi32, #tpu.memory_space<vmem>>
      %dma_start3A_167 = tpu.memref_squeeze %dma_start3A_166 : memref<1x96xi32, #tpu.memory_space<vmem>> -> memref<96xi32, #tpu.memory_space<vmem>>
      %dma_start3A_168 = arith.constant 0 : i32
      %dma_start3A_169 = arith.constant 0 : i32
      %dma_start3A_170 = tpu.memref_slice %arg10[%dma_start3A_168, %dma_start3A_169] : memref<10112x128xf32, #tpu.memory_space<vmem_shared>> -> memref<10112x128xf32, #tpu.memory_space<vmem_shared>>
      tpu.enqueue_indirect_dma source(%dma_start3A_164 : memref<96x128xf32, #tpu.memory_space<vmem>>) target(%dma_start3A_170 : memref<10112x128xf32, #tpu.memory_space<vmem_shared>>) offsets(%dma_start3A_167 : memref<96xi32, #tpu.memory_space<vmem>>) semaphore(%run_scoped3A_160 : memref<!tpu.dma_semaphore, #tpu.memory_space<semaphore_mem>>) {add = true}
      %dma_wait3A_171 = arith.constant 0 : i32
      %dma_wait3A_172 = arith.constant 0 : i32
      %dma_wait3A_173 = tpu.memref_slice %arg9[%run_scoped3A, %dma_wait3A_171, %dma_wait3A_172] : memref<3x96x128xf32, #tpu.memory_space<vmem>> -> memref<1x96x128xf32, #tpu.memory_space<vmem>>
      %dma_wait3A_174 = tpu.memref_squeeze %dma_wait3A_173 : memref<1x96x128xf32, #tpu.memory_space<vmem>> -> memref<96x128xf32, #tpu.memory_space<vmem>>
      %dma_wait3A_175 = arith.constant 0 : i32
      %dma_wait3A_176 = tpu.memref_slice %arg8[%run_scoped3A_79, %dma_wait3A_175] : memref<53x96xi32, #tpu.memory_space<vmem>> -> memref<1x96xi32, #tpu.memory_space<vmem>>
      %dma_wait3A_177 = tpu.memref_squeeze %dma_wait3A_176 : memref<1x96xi32, #tpu.memory_space<vmem>> -> memref<96xi32, #tpu.memory_space<vmem>>
      %dma_wait3A_178 = arith.constant 0 : i32
      %dma_wait3A_179 = arith.constant 0 : i32
      %dma_wait3A_180 = tpu.memref_slice %arg10[%dma_wait3A_178, %dma_wait3A_179] : memref<10112x128xf32, #tpu.memory_space<vmem_shared>> -> memref<10112x128xf32, #tpu.memory_space<vmem_shared>>
      tpu.wait_indirect_dma semaphore(%run_scoped3A_160 : memref<!tpu.dma_semaphore, #tpu.memory_space<semaphore_mem>>) src(%dma_wait3A_174 : memref<96x128xf32, #tpu.memory_space<vmem>>) dst(%dma_wait3A_180 : memref<10112x128xf32, #tpu.memory_space<vmem_shared>>)
      tpu.yield
    }) : () -> ()
    %dma_wait3A_80 = arith.constant 1 : i32
    %dma_wait3A_81 = arith.constant 0 : i32
    %dma_wait3A_82 = arith.constant 0 : i32
    %dma_wait3A_83 = tpu.memref_slice %arg9[%dma_wait3A_80, %dma_wait3A_81, %dma_wait3A_82] : memref<3x96x128xf32, #tpu.memory_space<vmem>> -> memref<1x96x128xf32, #tpu.memory_space<vmem>>
    %dma_wait3A_84 = tpu.memref_squeeze %dma_wait3A_83 : memref<1x96x128xf32, #tpu.memory_space<vmem>> -> memref<96x128xf32, #tpu.memory_space<vmem>>
    %dma_wait3A_85 = arith.constant 4992 : i32
    %dma_wait3A_86 = tpu.memref_slice %arg7[%dma_wait3A_85] : memref<5088xi32, #tpu.memory_space<vmem>> -> memref<96xi32, #tpu.memory_space<vmem>>
    %dma_wait3A_87 = arith.constant 0 : i32
    %dma_wait3A_88 = arith.constant 0 : i32
    %dma_wait3A_89 = tpu.memref_slice %arg2[%dma_wait3A_87, %dma_wait3A_88] : memref<10000x128xf32, #tpu.memory_space<hbm>> -> memref<10000x128xf32, #tpu.memory_space<hbm>>
    tpu.wait_indirect_dma semaphore(%arg12 : memref<!tpu.dma_semaphore, #tpu.memory_space<semaphore_mem>>) src(%dma_wait3A_89 : memref<10000x128xf32, #tpu.memory_space<hbm>>) dst(%dma_wait3A_84 : memref<96x128xf32, #tpu.memory_space<vmem>>)
    %run_scoped3A_90 = arith.constant 1 : i32
    %run_scoped3A_91 = arith.constant 52 : i32
    "tpu.region"() ({
      %run_scoped3A_160 = tpu.sem_alloc : memref<!tpu.dma_semaphore, #tpu.memory_space<semaphore_mem>>
      %dma_start3A_161 = arith.constant 0 : i32
      %dma_start3A_162 = arith.constant 0 : i32
      %dma_start3A_163 = tpu.memref_slice %arg9[%run_scoped3A_90, %dma_start3A_161, %dma_start3A_162] : memref<3x96x128xf32, #tpu.memory_space<vmem>> -> memref<1x96x128xf32, #tpu.memory_space<vmem>>
      %dma_start3A_164 = tpu.memref_squeeze %dma_start3A_163 : memref<1x96x128xf32, #tpu.memory_space<vmem>> -> memref<96x128xf32, #tpu.memory_space<vmem>>
      %dma_start3A_165 = arith.constant 0 : i32
      %dma_start3A_166 = tpu.memref_slice %arg8[%run_scoped3A_91, %dma_start3A_165] : memref<53x96xi32, #tpu.memory_space<vmem>> -> memref<1x96xi32, #tpu.memory_space<vmem>>
      %dma_start3A_167 = tpu.memref_squeeze %dma_start3A_166 : memref<1x96xi32, #tpu.memory_space<vmem>> -> memref<96xi32, #tpu.memory_space<vmem>>
      %dma_start3A_168 = arith.constant 0 : i32
      %dma_start3A_169 = arith.constant 0 : i32
      %dma_start3A_170 = tpu.memref_slice %arg10[%dma_start3A_168, %dma_start3A_169] : memref<10112x128xf32, #tpu.memory_space<vmem_shared>> -> memref<10112x128xf32, #tpu.memory_space<vmem_shared>>
      tpu.enqueue_indirect_dma source(%dma_start3A_164 : memref<96x128xf32, #tpu.memory_space<vmem>>) target(%dma_start3A_170 : memref<10112x128xf32, #tpu.memory_space<vmem_shared>>) offsets(%dma_start3A_167 : memref<96xi32, #tpu.memory_space<vmem>>) semaphore(%run_scoped3A_160 : memref<!tpu.dma_semaphore, #tpu.memory_space<semaphore_mem>>) {add = true}
      %dma_wait3A_171 = arith.constant 0 : i32
      %dma_wait3A_172 = arith.constant 0 : i32
      %dma_wait3A_173 = tpu.memref_slice %arg9[%run_scoped3A_90, %dma_wait3A_171, %dma_wait3A_172] : memref<3x96x128xf32, #tpu.memory_space<vmem>> -> memref<1x96x128xf32, #tpu.memory_space<vmem>>
      %dma_wait3A_174 = tpu.memref_squeeze %dma_wait3A_173 : memref<1x96x128xf32, #tpu.memory_space<vmem>> -> memref<96x128xf32, #tpu.memory_space<vmem>>
      %dma_wait3A_175 = arith.constant 0 : i32
      %dma_wait3A_176 = tpu.memref_slice %arg8[%run_scoped3A_91, %dma_wait3A_175] : memref<53x96xi32, #tpu.memory_space<vmem>> -> memref<1x96xi32, #tpu.memory_space<vmem>>
      %dma_wait3A_177 = tpu.memref_squeeze %dma_wait3A_176 : memref<1x96xi32, #tpu.memory_space<vmem>> -> memref<96xi32, #tpu.memory_space<vmem>>
      %dma_wait3A_178 = arith.constant 0 : i32
      %dma_wait3A_179 = arith.constant 0 : i32
      %dma_wait3A_180 = tpu.memref_slice %arg10[%dma_wait3A_178, %dma_wait3A_179] : memref<10112x128xf32, #tpu.memory_space<vmem_shared>> -> memref<10112x128xf32, #tpu.memory_space<vmem_shared>>
      tpu.wait_indirect_dma semaphore(%run_scoped3A_160 : memref<!tpu.dma_semaphore, #tpu.memory_space<semaphore_mem>>) src(%dma_wait3A_174 : memref<96x128xf32, #tpu.memory_space<vmem>>) dst(%dma_wait3A_180 : memref<10112x128xf32, #tpu.memory_space<vmem_shared>>)
      tpu.yield
    }) : () -> ()
    %mul3A_92 = arith.constant 2 : i32
    %mul3A_93 = arith.muli %add3A, %mul3A_92 : i32
    %add3A_94 = arith.constant 1 : i32
    %add3A_95 = arith.addi %mul3A_93, %add3A_94 : i32
    "tpu.region"() ({
      %run_scoped3A_160 = tpu.sem_alloc : memref<!tpu.dma_semaphore, #tpu.memory_space<semaphore_mem>>
      %dma_start3A_161 = arith.constant 0 : i32
      %dma_start3A_162 = tpu.memref_slice %arg4[%add3A_95, %dma_start3A_161] : memref<64x5088xi32, #tpu.memory_space<hbm>> -> memref<1x5088xi32, #tpu.memory_space<hbm>>
      %dma_start3A_163 = tpu.memref_squeeze %dma_start3A_162 : memref<1x5088xi32, #tpu.memory_space<hbm>> -> memref<5088xi32, #tpu.memory_space<hbm>>
      %dma_start3A_164 = arith.constant 0 : i32
      %dma_start3A_165 = tpu.memref_slice %arg4[%add3A_95, %dma_start3A_164] : memref<64x5088xi32, #tpu.memory_space<hbm>> -> memref<1x5088xi32, #tpu.memory_space<hbm>>
      %dma_start3A_166 = tpu.memref_squeeze %dma_start3A_165 : memref<1x5088xi32, #tpu.memory_space<hbm>> -> memref<5088xi32, #tpu.memory_space<hbm>>
      tpu.enqueue_dma source(%dma_start3A_166 : memref<5088xi32, #tpu.memory_space<hbm>>) target(%arg7 : memref<5088xi32, #tpu.memory_space<vmem>>) target_semaphore(%run_scoped3A_160 : memref<!tpu.dma_semaphore, #tpu.memory_space<semaphore_mem>>)
      %dma_wait3A_167 = arith.constant 0 : i32
      %dma_wait3A_168 = tpu.memref_slice %arg4[%add3A_95, %dma_wait3A_167] : memref<64x5088xi32, #tpu.memory_space<hbm>> -> memref<1x5088xi32, #tpu.memory_space<hbm>>
      %dma_wait3A_169 = tpu.memref_squeeze %dma_wait3A_168 : memref<1x5088xi32, #tpu.memory_space<hbm>> -> memref<5088xi32, #tpu.memory_space<hbm>>
      %dma_wait3A_170 = arith.constant 0 : i32
      %dma_wait3A_171 = tpu.memref_slice %arg4[%add3A_95, %dma_wait3A_170] : memref<64x5088xi32, #tpu.memory_space<hbm>> -> memref<1x5088xi32, #tpu.memory_space<hbm>>
      %dma_wait3A_172 = tpu.memref_squeeze %dma_wait3A_171 : memref<1x5088xi32, #tpu.memory_space<hbm>> -> memref<5088xi32, #tpu.memory_space<hbm>>
      tpu.wait_dma2 semaphore(%run_scoped3A_160 : memref<!tpu.dma_semaphore, #tpu.memory_space<semaphore_mem>>) src(%dma_wait3A_172 : memref<5088xi32, #tpu.memory_space<hbm>>) dst(%arg7 : memref<5088xi32, #tpu.memory_space<vmem>>)
      tpu.yield
    }) : () -> ()
    %mul3A_96 = arith.constant 2 : i32
    %mul3A_97 = arith.muli %add3A, %mul3A_96 : i32
    %add3A_98 = arith.constant 1 : i32
    %add3A_99 = arith.addi %mul3A_97, %add3A_98 : i32
    "tpu.region"() ({
      %run_scoped3A_160 = tpu.sem_alloc : memref<!tpu.dma_semaphore, #tpu.memory_space<semaphore_mem>>
      %dma_start3A_161 = arith.constant 0 : i32
      %dma_start3A_162 = arith.constant 0 : i32
      %dma_start3A_163 = tpu.memref_slice %arg5[%add3A_99, %dma_start3A_161, %dma_start3A_162] : memref<64x53x96xi32, #tpu.memory_space<hbm>> -> memref<1x53x96xi32, #tpu.memory_space<hbm>>
      %dma_start3A_164 = tpu.memref_squeeze %dma_start3A_163 : memref<1x53x96xi32, #tpu.memory_space<hbm>> -> memref<53x96xi32, #tpu.memory_space<hbm>>
      %dma_start3A_165 = arith.constant 0 : i32
      %dma_start3A_166 = arith.constant 0 : i32
      %dma_start3A_167 = tpu.memref_slice %arg5[%add3A_99, %dma_start3A_165, %dma_start3A_166] : memref<64x53x96xi32, #tpu.memory_space<hbm>> -> memref<1x53x96xi32, #tpu.memory_space<hbm>>
      %dma_start3A_168 = tpu.memref_squeeze %dma_start3A_167 : memref<1x53x96xi32, #tpu.memory_space<hbm>> -> memref<53x96xi32, #tpu.memory_space<hbm>>
      tpu.enqueue_dma source(%dma_start3A_168 : memref<53x96xi32, #tpu.memory_space<hbm>>) target(%arg8 : memref<53x96xi32, #tpu.memory_space<vmem>>) target_semaphore(%run_scoped3A_160 : memref<!tpu.dma_semaphore, #tpu.memory_space<semaphore_mem>>)
      %dma_wait3A_169 = arith.constant 0 : i32
      %dma_wait3A_170 = arith.constant 0 : i32
      %dma_wait3A_171 = tpu.memref_slice %arg5[%add3A_99, %dma_wait3A_169, %dma_wait3A_170] : memref<64x53x96xi32, #tpu.memory_space<hbm>> -> memref<1x53x96xi32, #tpu.memory_space<hbm>>
      %dma_wait3A_172 = tpu.memref_squeeze %dma_wait3A_171 : memref<1x53x96xi32, #tpu.memory_space<hbm>> -> memref<53x96xi32, #tpu.memory_space<hbm>>
      %dma_wait3A_173 = arith.constant 0 : i32
      %dma_wait3A_174 = arith.constant 0 : i32
      %dma_wait3A_175 = tpu.memref_slice %arg5[%add3A_99, %dma_wait3A_173, %dma_wait3A_174] : memref<64x53x96xi32, #tpu.memory_space<hbm>> -> memref<1x53x96xi32, #tpu.memory_space<hbm>>
      %dma_wait3A_176 = tpu.memref_squeeze %dma_wait3A_175 : memref<1x53x96xi32, #tpu.memory_space<hbm>> -> memref<53x96xi32, #tpu.memory_space<hbm>>
      tpu.wait_dma2 semaphore(%run_scoped3A_160 : memref<!tpu.dma_semaphore, #tpu.memory_space<semaphore_mem>>) src(%dma_wait3A_176 : memref<53x96xi32, #tpu.memory_space<hbm>>) dst(%arg8 : memref<53x96xi32, #tpu.memory_space<vmem>>)
      tpu.yield
    }) : () -> ()
    %dma_start3A_100 = arith.constant 0 : i32
    %dma_start3A_101 = arith.constant 0 : i32
    %dma_start3A_102 = arith.constant 0 : i32
    %dma_start3A_103 = tpu.memref_slice %arg9[%dma_start3A_100, %dma_start3A_101, %dma_start3A_102] : memref<3x96x128xf32, #tpu.memory_space<vmem>> -> memref<1x96x128xf32, #tpu.memory_space<vmem>>
    %dma_start3A_104 = tpu.memref_squeeze %dma_start3A_103 : memref<1x96x128xf32, #tpu.memory_space<vmem>> -> memref<96x128xf32, #tpu.memory_space<vmem>>
    %dma_start3A_105 = arith.constant 0 : i32
    %dma_start3A_106 = tpu.memref_slice %arg7[%dma_start3A_105] : memref<5088xi32, #tpu.memory_space<vmem>> -> memref<96xi32, #tpu.memory_space<vmem>>
    %dma_start3A_107 = arith.constant 0 : i32
    %dma_start3A_108 = arith.constant 0 : i32
    %dma_start3A_109 = tpu.memref_slice %arg2[%dma_start3A_107, %dma_start3A_108] : memref<10000x128xf32, #tpu.memory_space<hbm>> -> memref<10000x128xf32, #tpu.memory_space<hbm>>
    tpu.enqueue_indirect_dma source(%dma_start3A_109 : memref<10000x128xf32, #tpu.memory_space<hbm>>) target(%dma_start3A_104 : memref<96x128xf32, #tpu.memory_space<vmem>>) offsets(%dma_start3A_106 : memref<96xi32, #tpu.memory_space<vmem>>) semaphore(%arg11 : memref<!tpu.dma_semaphore, #tpu.memory_space<semaphore_mem>>)
    %dma_start3A_110 = arith.constant 1 : i32
    %dma_start3A_111 = arith.constant 0 : i32
    %dma_start3A_112 = arith.constant 0 : i32
    %dma_start3A_113 = tpu.memref_slice %arg9[%dma_start3A_110, %dma_start3A_111, %dma_start3A_112] : memref<3x96x128xf32, #tpu.memory_space<vmem>> -> memref<1x96x128xf32, #tpu.memory_space<vmem>>
    %dma_start3A_114 = tpu.memref_squeeze %dma_start3A_113 : memref<1x96x128xf32, #tpu.memory_space<vmem>> -> memref<96x128xf32, #tpu.memory_space<vmem>>
    %dma_start3A_115 = arith.constant 96 : i32
    %dma_start3A_116 = tpu.memref_slice %arg7[%dma_start3A_115] : memref<5088xi32, #tpu.memory_space<vmem>> -> memref<96xi32, #tpu.memory_space<vmem>>
    %dma_start3A_117 = arith.constant 0 : i32
    %dma_start3A_118 = arith.constant 0 : i32
    %dma_start3A_119 = tpu.memref_slice %arg2[%dma_start3A_117, %dma_start3A_118] : memref<10000x128xf32, #tpu.memory_space<hbm>> -> memref<10000x128xf32, #tpu.memory_space<hbm>>
    tpu.enqueue_indirect_dma source(%dma_start3A_119 : memref<10000x128xf32, #tpu.memory_space<hbm>>) target(%dma_start3A_114 : memref<96x128xf32, #tpu.memory_space<vmem>>) offsets(%dma_start3A_116 : memref<96xi32, #tpu.memory_space<vmem>>) semaphore(%arg12 : memref<!tpu.dma_semaphore, #tpu.memory_space<semaphore_mem>>)
    %dma_start3A_120 = arith.constant 2 : i32
    %dma_start3A_121 = arith.constant 0 : i32
    %dma_start3A_122 = arith.constant 0 : i32
    %dma_start3A_123 = tpu.memref_slice %arg9[%dma_start3A_120, %dma_start3A_121, %dma_start3A_122] : memref<3x96x128xf32, #tpu.memory_space<vmem>> -> memref<1x96x128xf32, #tpu.memory_space<vmem>>
    %dma_start3A_124 = tpu.memref_squeeze %dma_start3A_123 : memref<1x96x128xf32, #tpu.memory_space<vmem>> -> memref<96x128xf32, #tpu.memory_space<vmem>>
    %dma_start3A_125 = arith.constant 192 : i32
    %dma_start3A_126 = tpu.memref_slice %arg7[%dma_start3A_125] : memref<5088xi32, #tpu.memory_space<vmem>> -> memref<96xi32, #tpu.memory_space<vmem>>
    %dma_start3A_127 = arith.constant 0 : i32
    %dma_start3A_128 = arith.constant 0 : i32
    %dma_start3A_129 = tpu.memref_slice %arg2[%dma_start3A_127, %dma_start3A_128] : memref<10000x128xf32, #tpu.memory_space<hbm>> -> memref<10000x128xf32, #tpu.memory_space<hbm>>
    tpu.enqueue_indirect_dma source(%dma_start3A_129 : memref<10000x128xf32, #tpu.memory_space<hbm>>) target(%dma_start3A_124 : memref<96x128xf32, #tpu.memory_space<vmem>>) offsets(%dma_start3A_126 : memref<96xi32, #tpu.memory_space<vmem>>) semaphore(%arg13 : memref<!tpu.dma_semaphore, #tpu.memory_space<semaphore_mem>>)
    %scan3A_130 = arith.constant 0 : i32
    %scan3A_131 = arith.constant 17 : i32
    %scan3A_132 = arith.addi %scan3A_130, %scan3A_131 : i32
    %scan3A_133 = arith.constant 1 : i32
    scf.for %scan3A_160 = %scan3A_130 to %scan3A_132 step %scan3A_133  : i32 {
      %mul3A_161 = arith.constant 3 : i32
      %mul3A_162 = arith.muli %scan3A_160, %mul3A_161 : i32
      %add3A_163 = arith.constant 0 : i32
      %add3A_164 = arith.addi %add3A_163, %mul3A_162 : i32
      %add3A_165 = arith.constant 0 : i32
      %add3A_166 = arith.addi %add3A_164, %add3A_165 : i32
      %mul3A_167 = arith.constant 96 : i32
      %mul3A_168 = arith.muli %add3A_166, %mul3A_167 : i32
      %dma_wait3A_169 = arith.constant 0 : i32
      %dma_wait3A_170 = arith.constant 0 : i32
      %dma_wait3A_171 = arith.constant 0 : i32
      %dma_wait3A_172 = tpu.memref_slice %arg9[%dma_wait3A_169, %dma_wait3A_170, %dma_wait3A_171] : memref<3x96x128xf32, #tpu.memory_space<vmem>> -> memref<1x96x128xf32, #tpu.memory_space<vmem>>
      %dma_wait3A_173 = tpu.memref_squeeze %dma_wait3A_172 : memref<1x96x128xf32, #tpu.memory_space<vmem>> -> memref<96x128xf32, #tpu.memory_space<vmem>>
      %dma_wait3A_174 = tpu.memref_slice %arg7[%mul3A_168] : memref<5088xi32, #tpu.memory_space<vmem>> -> memref<96xi32, #tpu.memory_space<vmem>>
      %dma_wait3A_175 = arith.constant 0 : i32
      %dma_wait3A_176 = arith.constant 0 : i32
      %dma_wait3A_177 = tpu.memref_slice %arg2[%dma_wait3A_175, %dma_wait3A_176] : memref<10000x128xf32, #tpu.memory_space<hbm>> -> memref<10000x128xf32, #tpu.memory_space<hbm>>
      tpu.wait_indirect_dma semaphore(%arg11 : memref<!tpu.dma_semaphore, #tpu.memory_space<semaphore_mem>>) src(%dma_wait3A_177 : memref<10000x128xf32, #tpu.memory_space<hbm>>) dst(%dma_wait3A_173 : memref<96x128xf32, #tpu.memory_space<vmem>>)
      %run_scoped3A_178 = arith.constant 0 : i32
      "tpu.region"() ({
        %run_scoped3A_228 = tpu.sem_alloc : memref<!tpu.dma_semaphore, #tpu.memory_space<semaphore_mem>>
        %dma_start3A_229 = arith.constant 0 : i32
        %dma_start3A_230 = arith.constant 0 : i32
        %dma_start3A_231 = tpu.memref_slice %arg9[%run_scoped3A_178, %dma_start3A_229, %dma_start3A_230] : memref<3x96x128xf32, #tpu.memory_space<vmem>> -> memref<1x96x128xf32, #tpu.memory_space<vmem>>
        %dma_start3A_232 = tpu.memref_squeeze %dma_start3A_231 : memref<1x96x128xf32, #tpu.memory_space<vmem>> -> memref<96x128xf32, #tpu.memory_space<vmem>>
        %dma_start3A_233 = arith.constant 0 : i32
        %dma_start3A_234 = tpu.memref_slice %arg8[%add3A_166, %dma_start3A_233] : memref<53x96xi32, #tpu.memory_space<vmem>> -> memref<1x96xi32, #tpu.memory_space<vmem>>
        %dma_start3A_235 = tpu.memref_squeeze %dma_start3A_234 : memref<1x96xi32, #tpu.memory_space<vmem>> -> memref<96xi32, #tpu.memory_space<vmem>>
        %dma_start3A_236 = arith.constant 0 : i32
        %dma_start3A_237 = arith.constant 0 : i32
        %dma_start3A_238 = tpu.memref_slice %arg10[%dma_start3A_236, %dma_start3A_237] : memref<10112x128xf32, #tpu.memory_space<vmem_shared>> -> memref<10112x128xf32, #tpu.memory_space<vmem_shared>>
        tpu.enqueue_indirect_dma source(%dma_start3A_232 : memref<96x128xf32, #tpu.memory_space<vmem>>) target(%dma_start3A_238 : memref<10112x128xf32, #tpu.memory_space<vmem_shared>>) offsets(%dma_start3A_235 : memref<96xi32, #tpu.memory_space<vmem>>) semaphore(%run_scoped3A_228 : memref<!tpu.dma_semaphore, #tpu.memory_space<semaphore_mem>>) {add = true}
        %dma_wait3A_239 = arith.constant 0 : i32
        %dma_wait3A_240 = arith.constant 0 : i32
        %dma_wait3A_241 = tpu.memref_slice %arg9[%run_scoped3A_178, %dma_wait3A_239, %dma_wait3A_240] : memref<3x96x128xf32, #tpu.memory_space<vmem>> -> memref<1x96x128xf32, #tpu.memory_space<vmem>>
        %dma_wait3A_242 = tpu.memref_squeeze %dma_wait3A_241 : memref<1x96x128xf32, #tpu.memory_space<vmem>> -> memref<96x128xf32, #tpu.memory_space<vmem>>
        %dma_wait3A_243 = arith.constant 0 : i32
        %dma_wait3A_244 = tpu.memref_slice %arg8[%add3A_166, %dma_wait3A_243] : memref<53x96xi32, #tpu.memory_space<vmem>> -> memref<1x96xi32, #tpu.memory_space<vmem>>
        %dma_wait3A_245 = tpu.memref_squeeze %dma_wait3A_244 : memref<1x96xi32, #tpu.memory_space<vmem>> -> memref<96xi32, #tpu.memory_space<vmem>>
        %dma_wait3A_246 = arith.constant 0 : i32
        %dma_wait3A_247 = arith.constant 0 : i32
        %dma_wait3A_248 = tpu.memref_slice %arg10[%dma_wait3A_246, %dma_wait3A_247] : memref<10112x128xf32, #tpu.memory_space<vmem_shared>> -> memref<10112x128xf32, #tpu.memory_space<vmem_shared>>
        tpu.wait_indirect_dma semaphore(%run_scoped3A_228 : memref<!tpu.dma_semaphore, #tpu.memory_space<semaphore_mem>>) src(%dma_wait3A_242 : memref<96x128xf32, #tpu.memory_space<vmem>>) dst(%dma_wait3A_248 : memref<10112x128xf32, #tpu.memory_space<vmem_shared>>)
        tpu.yield
      }) : () -> ()
      %add3A_179 = arith.constant 3 : i32
      %add3A_180 = arith.addi %add3A_166, %add3A_179 : i32
      %lt3A_181 = arith.constant 53 : i32
      %lt3A_182 = arith.cmpi slt, %add3A_180, %lt3A_181 : i32
      %convert_element_type3A_183 = arith.extui %lt3A_182 : i1 to i32
      %cond3A_184 = arith.constant 0 : i32
      %cond3A_185 = arith.cmpi ne, %convert_element_type3A_183, %cond3A_184 : i32
      scf.if %cond3A_185 {
        %add3A_228 = arith.constant 3 : i32
        %add3A_229 = arith.addi %add3A_166, %add3A_228 : i32
        %mul3A_230 = arith.constant 96 : i32
        %mul3A_231 = arith.muli %add3A_229, %mul3A_230 : i32
        %dma_start3A_232 = arith.constant 0 : i32
        %dma_start3A_233 = arith.constant 0 : i32
        %dma_start3A_234 = arith.constant 0 : i32
        %dma_start3A_235 = tpu.memref_slice %arg9[%dma_start3A_232, %dma_start3A_233, %dma_start3A_234] : memref<3x96x128xf32, #tpu.memory_space<vmem>> -> memref<1x96x128xf32, #tpu.memory_space<vmem>>
        %dma_start3A_236 = tpu.memref_squeeze %dma_start3A_235 : memref<1x96x128xf32, #tpu.memory_space<vmem>> -> memref<96x128xf32, #tpu.memory_space<vmem>>
        %dma_start3A_237 = tpu.memref_slice %arg7[%mul3A_231] : memref<5088xi32, #tpu.memory_space<vmem>> -> memref<96xi32, #tpu.memory_space<vmem>>
        %dma_start3A_238 = arith.constant 0 : i32
        %dma_start3A_239 = arith.constant 0 : i32
        %dma_start3A_240 = tpu.memref_slice %arg2[%dma_start3A_238, %dma_start3A_239] : memref<10000x128xf32, #tpu.memory_space<hbm>> -> memref<10000x128xf32, #tpu.memory_space<hbm>>
        tpu.enqueue_indirect_dma source(%dma_start3A_240 : memref<10000x128xf32, #tpu.memory_space<hbm>>) target(%dma_start3A_236 : memref<96x128xf32, #tpu.memory_space<vmem>>) offsets(%dma_start3A_237 : memref<96xi32, #tpu.memory_space<vmem>>) semaphore(%arg11 : memref<!tpu.dma_semaphore, #tpu.memory_space<semaphore_mem>>)
      } else {
      }
      %add3A_186 = arith.constant 1 : i32
      %add3A_187 = arith.addi %add3A_164, %add3A_186 : i32
      %mul3A_188 = arith.constant 96 : i32
      %mul3A_189 = arith.muli %add3A_187, %mul3A_188 : i32
      %dma_wait3A_190 = arith.constant 1 : i32
      %dma_wait3A_191 = arith.constant 0 : i32
      %dma_wait3A_192 = arith.constant 0 : i32
      %dma_wait3A_193 = tpu.memref_slice %arg9[%dma_wait3A_190, %dma_wait3A_191, %dma_wait3A_192] : memref<3x96x128xf32, #tpu.memory_space<vmem>> -> memref<1x96x128xf32, #tpu.memory_space<vmem>>
      %dma_wait3A_194 = tpu.memref_squeeze %dma_wait3A_193 : memref<1x96x128xf32, #tpu.memory_space<vmem>> -> memref<96x128xf32, #tpu.memory_space<vmem>>
      %dma_wait3A_195 = tpu.memref_slice %arg7[%mul3A_189] : memref<5088xi32, #tpu.memory_space<vmem>> -> memref<96xi32, #tpu.memory_space<vmem>>
      %dma_wait3A_196 = arith.constant 0 : i32
      %dma_wait3A_197 = arith.constant 0 : i32
      %dma_wait3A_198 = tpu.memref_slice %arg2[%dma_wait3A_196, %dma_wait3A_197] : memref<10000x128xf32, #tpu.memory_space<hbm>> -> memref<10000x128xf32, #tpu.memory_space<hbm>>
      tpu.wait_indirect_dma semaphore(%arg12 : memref<!tpu.dma_semaphore, #tpu.memory_space<semaphore_mem>>) src(%dma_wait3A_198 : memref<10000x128xf32, #tpu.memory_space<hbm>>) dst(%dma_wait3A_194 : memref<96x128xf32, #tpu.memory_space<vmem>>)
      %run_scoped3A_199 = arith.constant 1 : i32
      "tpu.region"() ({
        %run_scoped3A_228 = tpu.sem_alloc : memref<!tpu.dma_semaphore, #tpu.memory_space<semaphore_mem>>
        %dma_start3A_229 = arith.constant 0 : i32
        %dma_start3A_230 = arith.constant 0 : i32
        %dma_start3A_231 = tpu.memref_slice %arg9[%run_scoped3A_199, %dma_start3A_229, %dma_start3A_230] : memref<3x96x128xf32, #tpu.memory_space<vmem>> -> memref<1x96x128xf32, #tpu.memory_space<vmem>>
        %dma_start3A_232 = tpu.memref_squeeze %dma_start3A_231 : memref<1x96x128xf32, #tpu.memory_space<vmem>> -> memref<96x128xf32, #tpu.memory_space<vmem>>
        %dma_start3A_233 = arith.constant 0 : i32
        %dma_start3A_234 = tpu.memref_slice %arg8[%add3A_187, %dma_start3A_233] : memref<53x96xi32, #tpu.memory_space<vmem>> -> memref<1x96xi32, #tpu.memory_space<vmem>>
        %dma_start3A_235 = tpu.memref_squeeze %dma_start3A_234 : memref<1x96xi32, #tpu.memory_space<vmem>> -> memref<96xi32, #tpu.memory_space<vmem>>
        %dma_start3A_236 = arith.constant 0 : i32
        %dma_start3A_237 = arith.constant 0 : i32
        %dma_start3A_238 = tpu.memref_slice %arg10[%dma_start3A_236, %dma_start3A_237] : memref<10112x128xf32, #tpu.memory_space<vmem_shared>> -> memref<10112x128xf32, #tpu.memory_space<vmem_shared>>
        tpu.enqueue_indirect_dma source(%dma_start3A_232 : memref<96x128xf32, #tpu.memory_space<vmem>>) target(%dma_start3A_238 : memref<10112x128xf32, #tpu.memory_space<vmem_shared>>) offsets(%dma_start3A_235 : memref<96xi32, #tpu.memory_space<vmem>>) semaphore(%run_scoped3A_228 : memref<!tpu.dma_semaphore, #tpu.memory_space<semaphore_mem>>) {add = true}
        %dma_wait3A_239 = arith.constant 0 : i32
        %dma_wait3A_240 = arith.constant 0 : i32
        %dma_wait3A_241 = tpu.memref_slice %arg9[%run_scoped3A_199, %dma_wait3A_239, %dma_wait3A_240] : memref<3x96x128xf32, #tpu.memory_space<vmem>> -> memref<1x96x128xf32, #tpu.memory_space<vmem>>
        %dma_wait3A_242 = tpu.memref_squeeze %dma_wait3A_241 : memref<1x96x128xf32, #tpu.memory_space<vmem>> -> memref<96x128xf32, #tpu.memory_space<vmem>>
        %dma_wait3A_243 = arith.constant 0 : i32
        %dma_wait3A_244 = tpu.memref_slice %arg8[%add3A_187, %dma_wait3A_243] : memref<53x96xi32, #tpu.memory_space<vmem>> -> memref<1x96xi32, #tpu.memory_space<vmem>>
        %dma_wait3A_245 = tpu.memref_squeeze %dma_wait3A_244 : memref<1x96xi32, #tpu.memory_space<vmem>> -> memref<96xi32, #tpu.memory_space<vmem>>
        %dma_wait3A_246 = arith.constant 0 : i32
        %dma_wait3A_247 = arith.constant 0 : i32
        %dma_wait3A_248 = tpu.memref_slice %arg10[%dma_wait3A_246, %dma_wait3A_247] : memref<10112x128xf32, #tpu.memory_space<vmem_shared>> -> memref<10112x128xf32, #tpu.memory_space<vmem_shared>>
        tpu.wait_indirect_dma semaphore(%run_scoped3A_228 : memref<!tpu.dma_semaphore, #tpu.memory_space<semaphore_mem>>) src(%dma_wait3A_242 : memref<96x128xf32, #tpu.memory_space<vmem>>) dst(%dma_wait3A_248 : memref<10112x128xf32, #tpu.memory_space<vmem_shared>>)
        tpu.yield
      }) : () -> ()
      %add3A_200 = arith.constant 3 : i32
      %add3A_201 = arith.addi %add3A_187, %add3A_200 : i32
      %lt3A_202 = arith.constant 53 : i32
      %lt3A_203 = arith.cmpi slt, %add3A_201, %lt3A_202 : i32
      %convert_element_type3A_204 = arith.extui %lt3A_203 : i1 to i32
      %cond3A_205 = arith.constant 0 : i32
      %cond3A_206 = arith.cmpi ne, %convert_element_type3A_204, %cond3A_205 : i32
      scf.if %cond3A_206 {
        %add3A_228 = arith.constant 3 : i32
        %add3A_229 = arith.addi %add3A_187, %add3A_228 : i32
        %mul3A_230 = arith.constant 96 : i32
        %mul3A_231 = arith.muli %add3A_229, %mul3A_230 : i32
        %dma_start3A_232 = arith.constant 1 : i32
        %dma_start3A_233 = arith.constant 0 : i32
        %dma_start3A_234 = arith.constant 0 : i32
        %dma_start3A_235 = tpu.memref_slice %arg9[%dma_start3A_232, %dma_start3A_233, %dma_start3A_234] : memref<3x96x128xf32, #tpu.memory_space<vmem>> -> memref<1x96x128xf32, #tpu.memory_space<vmem>>
        %dma_start3A_236 = tpu.memref_squeeze %dma_start3A_235 : memref<1x96x128xf32, #tpu.memory_space<vmem>> -> memref<96x128xf32, #tpu.memory_space<vmem>>
        %dma_start3A_237 = tpu.memref_slice %arg7[%mul3A_231] : memref<5088xi32, #tpu.memory_space<vmem>> -> memref<96xi32, #tpu.memory_space<vmem>>
        %dma_start3A_238 = arith.constant 0 : i32
        %dma_start3A_239 = arith.constant 0 : i32
        %dma_start3A_240 = tpu.memref_slice %arg2[%dma_start3A_238, %dma_start3A_239] : memref<10000x128xf32, #tpu.memory_space<hbm>> -> memref<10000x128xf32, #tpu.memory_space<hbm>>
        tpu.enqueue_indirect_dma source(%dma_start3A_240 : memref<10000x128xf32, #tpu.memory_space<hbm>>) target(%dma_start3A_236 : memref<96x128xf32, #tpu.memory_space<vmem>>) offsets(%dma_start3A_237 : memref<96xi32, #tpu.memory_space<vmem>>) semaphore(%arg12 : memref<!tpu.dma_semaphore, #tpu.memory_space<semaphore_mem>>)
      } else {
      }
      %add3A_207 = arith.constant 2 : i32
      %add3A_208 = arith.addi %add3A_164, %add3A_207 : i32
      %mul3A_209 = arith.constant 96 : i32
      %mul3A_210 = arith.muli %add3A_208, %mul3A_209 : i32
      %dma_wait3A_211 = arith.constant 2 : i32
      %dma_wait3A_212 = arith.constant 0 : i32
      %dma_wait3A_213 = arith.constant 0 : i32
      %dma_wait3A_214 = tpu.memref_slice %arg9[%dma_wait3A_211, %dma_wait3A_212, %dma_wait3A_213] : memref<3x96x128xf32, #tpu.memory_space<vmem>> -> memref<1x96x128xf32, #tpu.memory_space<vmem>>
      %dma_wait3A_215 = tpu.memref_squeeze %dma_wait3A_214 : memref<1x96x128xf32, #tpu.memory_space<vmem>> -> memref<96x128xf32, #tpu.memory_space<vmem>>
      %dma_wait3A_216 = tpu.memref_slice %arg7[%mul3A_210] : memref<5088xi32, #tpu.memory_space<vmem>> -> memref<96xi32, #tpu.memory_space<vmem>>
      %dma_wait3A_217 = arith.constant 0 : i32
      %dma_wait3A_218 = arith.constant 0 : i32
      %dma_wait3A_219 = tpu.memref_slice %arg2[%dma_wait3A_217, %dma_wait3A_218] : memref<10000x128xf32, #tpu.memory_space<hbm>> -> memref<10000x128xf32, #tpu.memory_space<hbm>>
      tpu.wait_indirect_dma semaphore(%arg13 : memref<!tpu.dma_semaphore, #tpu.memory_space<semaphore_mem>>) src(%dma_wait3A_219 : memref<10000x128xf32, #tpu.memory_space<hbm>>) dst(%dma_wait3A_215 : memref<96x128xf32, #tpu.memory_space<vmem>>)
      %run_scoped3A_220 = arith.constant 2 : i32
      "tpu.region"() ({
        %run_scoped3A_228 = tpu.sem_alloc : memref<!tpu.dma_semaphore, #tpu.memory_space<semaphore_mem>>
        %dma_start3A_229 = arith.constant 0 : i32
        %dma_start3A_230 = arith.constant 0 : i32
        %dma_start3A_231 = tpu.memref_slice %arg9[%run_scoped3A_220, %dma_start3A_229, %dma_start3A_230] : memref<3x96x128xf32, #tpu.memory_space<vmem>> -> memref<1x96x128xf32, #tpu.memory_space<vmem>>
        %dma_start3A_232 = tpu.memref_squeeze %dma_start3A_231 : memref<1x96x128xf32, #tpu.memory_space<vmem>> -> memref<96x128xf32, #tpu.memory_space<vmem>>
        %dma_start3A_233 = arith.constant 0 : i32
        %dma_start3A_234 = tpu.memref_slice %arg8[%add3A_208, %dma_start3A_233] : memref<53x96xi32, #tpu.memory_space<vmem>> -> memref<1x96xi32, #tpu.memory_space<vmem>>
        %dma_start3A_235 = tpu.memref_squeeze %dma_start3A_234 : memref<1x96xi32, #tpu.memory_space<vmem>> -> memref<96xi32, #tpu.memory_space<vmem>>
        %dma_start3A_236 = arith.constant 0 : i32
        %dma_start3A_237 = arith.constant 0 : i32
        %dma_start3A_238 = tpu.memref_slice %arg10[%dma_start3A_236, %dma_start3A_237] : memref<10112x128xf32, #tpu.memory_space<vmem_shared>> -> memref<10112x128xf32, #tpu.memory_space<vmem_shared>>
        tpu.enqueue_indirect_dma source(%dma_start3A_232 : memref<96x128xf32, #tpu.memory_space<vmem>>) target(%dma_start3A_238 : memref<10112x128xf32, #tpu.memory_space<vmem_shared>>) offsets(%dma_start3A_235 : memref<96xi32, #tpu.memory_space<vmem>>) semaphore(%run_scoped3A_228 : memref<!tpu.dma_semaphore, #tpu.memory_space<semaphore_mem>>) {add = true}
        %dma_wait3A_239 = arith.constant 0 : i32
        %dma_wait3A_240 = arith.constant 0 : i32
        %dma_wait3A_241 = tpu.memref_slice %arg9[%run_scoped3A_220, %dma_wait3A_239, %dma_wait3A_240] : memref<3x96x128xf32, #tpu.memory_space<vmem>> -> memref<1x96x128xf32, #tpu.memory_space<vmem>>
        %dma_wait3A_242 = tpu.memref_squeeze %dma_wait3A_241 : memref<1x96x128xf32, #tpu.memory_space<vmem>> -> memref<96x128xf32, #tpu.memory_space<vmem>>
        %dma_wait3A_243 = arith.constant 0 : i32
        %dma_wait3A_244 = tpu.memref_slice %arg8[%add3A_208, %dma_wait3A_243] : memref<53x96xi32, #tpu.memory_space<vmem>> -> memref<1x96xi32, #tpu.memory_space<vmem>>
        %dma_wait3A_245 = tpu.memref_squeeze %dma_wait3A_244 : memref<1x96xi32, #tpu.memory_space<vmem>> -> memref<96xi32, #tpu.memory_space<vmem>>
        %dma_wait3A_246 = arith.constant 0 : i32
        %dma_wait3A_247 = arith.constant 0 : i32
        %dma_wait3A_248 = tpu.memref_slice %arg10[%dma_wait3A_246, %dma_wait3A_247] : memref<10112x128xf32, #tpu.memory_space<vmem_shared>> -> memref<10112x128xf32, #tpu.memory_space<vmem_shared>>
        tpu.wait_indirect_dma semaphore(%run_scoped3A_228 : memref<!tpu.dma_semaphore, #tpu.memory_space<semaphore_mem>>) src(%dma_wait3A_242 : memref<96x128xf32, #tpu.memory_space<vmem>>) dst(%dma_wait3A_248 : memref<10112x128xf32, #tpu.memory_space<vmem_shared>>)
        tpu.yield
      }) : () -> ()
      %add3A_221 = arith.constant 3 : i32
      %add3A_222 = arith.addi %add3A_208, %add3A_221 : i32
      %lt3A_223 = arith.constant 53 : i32
      %lt3A_224 = arith.cmpi slt, %add3A_222, %lt3A_223 : i32
      %convert_element_type3A_225 = arith.extui %lt3A_224 : i1 to i32
      %cond3A_226 = arith.constant 0 : i32
      %cond3A_227 = arith.cmpi ne, %convert_element_type3A_225, %cond3A_226 : i32
      scf.if %cond3A_227 {
        %add3A_228 = arith.constant 3 : i32
        %add3A_229 = arith.addi %add3A_208, %add3A_228 : i32
        %mul3A_230 = arith.constant 96 : i32
        %mul3A_231 = arith.muli %add3A_229, %mul3A_230 : i32
        %dma_start3A_232 = arith.constant 2 : i32
        %dma_start3A_233 = arith.constant 0 : i32
        %dma_start3A_234 = arith.constant 0 : i32
        %dma_start3A_235 = tpu.memref_slice %arg9[%dma_start3A_232, %dma_start3A_233, %dma_start3A_234] : memref<3x96x128xf32, #tpu.memory_space<vmem>> -> memref<1x96x128xf32, #tpu.memory_space<vmem>>
        %dma_start3A_236 = tpu.memref_squeeze %dma_start3A_235 : memref<1x96x128xf32, #tpu.memory_space<vmem>> -> memref<96x128xf32, #tpu.memory_space<vmem>>
        %dma_start3A_237 = tpu.memref_slice %arg7[%mul3A_231] : memref<5088xi32, #tpu.memory_space<vmem>> -> memref<96xi32, #tpu.memory_space<vmem>>
        %dma_start3A_238 = arith.constant 0 : i32
        %dma_start3A_239 = arith.constant 0 : i32
        %dma_start3A_240 = tpu.memref_slice %arg2[%dma_start3A_238, %dma_start3A_239] : memref<10000x128xf32, #tpu.memory_space<hbm>> -> memref<10000x128xf32, #tpu.memory_space<hbm>>
        tpu.enqueue_indirect_dma source(%dma_start3A_240 : memref<10000x128xf32, #tpu.memory_space<hbm>>) target(%dma_start3A_236 : memref<96x128xf32, #tpu.memory_space<vmem>>) offsets(%dma_start3A_237 : memref<96xi32, #tpu.memory_space<vmem>>) semaphore(%arg13 : memref<!tpu.dma_semaphore, #tpu.memory_space<semaphore_mem>>)
      } else {
      }
    }
    %scan3A_134 = arith.constant 17 : i32
    %dma_wait3A_135 = arith.constant 0 : i32
    %dma_wait3A_136 = arith.constant 0 : i32
    %dma_wait3A_137 = arith.constant 0 : i32
    %dma_wait3A_138 = tpu.memref_slice %arg9[%dma_wait3A_135, %dma_wait3A_136, %dma_wait3A_137] : memref<3x96x128xf32, #tpu.memory_space<vmem>> -> memref<1x96x128xf32, #tpu.memory_space<vmem>>
    %dma_wait3A_139 = tpu.memref_squeeze %dma_wait3A_138 : memref<1x96x128xf32, #tpu.memory_space<vmem>> -> memref<96x128xf32, #tpu.memory_space<vmem>>
    %dma_wait3A_140 = arith.constant 4896 : i32
    %dma_wait3A_141 = tpu.memref_slice %arg7[%dma_wait3A_140] : memref<5088xi32, #tpu.memory_space<vmem>> -> memref<96xi32, #tpu.memory_space<vmem>>
    %dma_wait3A_142 = arith.constant 0 : i32
    %dma_wait3A_143 = arith.constant 0 : i32
    %dma_wait3A_144 = tpu.memref_slice %arg2[%dma_wait3A_142, %dma_wait3A_143] : memref<10000x128xf32, #tpu.memory_space<hbm>> -> memref<10000x128xf32, #tpu.memory_space<hbm>>
    tpu.wait_indirect_dma semaphore(%arg11 : memref<!tpu.dma_semaphore, #tpu.memory_space<semaphore_mem>>) src(%dma_wait3A_144 : memref<10000x128xf32, #tpu.memory_space<hbm>>) dst(%dma_wait3A_139 : memref<96x128xf32, #tpu.memory_space<vmem>>)
    %run_scoped3A_145 = arith.constant 0 : i32
    %run_scoped3A_146 = arith.constant 51 : i32
    "tpu.region"() ({
      %run_scoped3A_160 = tpu.sem_alloc : memref<!tpu.dma_semaphore, #tpu.memory_space<semaphore_mem>>
      %dma_start3A_161 = arith.constant 0 : i32
      %dma_start3A_162 = arith.constant 0 : i32
      %dma_start3A_163 = tpu.memref_slice %arg9[%run_scoped3A_145, %dma_start3A_161, %dma_start3A_162] : memref<3x96x128xf32, #tpu.memory_space<vmem>> -> memref<1x96x128xf32, #tpu.memory_space<vmem>>
      %dma_start3A_164 = tpu.memref_squeeze %dma_start3A_163 : memref<1x96x128xf32, #tpu.memory_space<vmem>> -> memref<96x128xf32, #tpu.memory_space<vmem>>
      %dma_start3A_165 = arith.constant 0 : i32
      %dma_start3A_166 = tpu.memref_slice %arg8[%run_scoped3A_146, %dma_start3A_165] : memref<53x96xi32, #tpu.memory_space<vmem>> -> memref<1x96xi32, #tpu.memory_space<vmem>>
      %dma_start3A_167 = tpu.memref_squeeze %dma_start3A_166 : memref<1x96xi32, #tpu.memory_space<vmem>> -> memref<96xi32, #tpu.memory_space<vmem>>
      %dma_start3A_168 = arith.constant 0 : i32
      %dma_start3A_169 = arith.constant 0 : i32
      %dma_start3A_170 = tpu.memref_slice %arg10[%dma_start3A_168, %dma_start3A_169] : memref<10112x128xf32, #tpu.memory_space<vmem_shared>> -> memref<10112x128xf32, #tpu.memory_space<vmem_shared>>
      tpu.enqueue_indirect_dma source(%dma_start3A_164 : memref<96x128xf32, #tpu.memory_space<vmem>>) target(%dma_start3A_170 : memref<10112x128xf32, #tpu.memory_space<vmem_shared>>) offsets(%dma_start3A_167 : memref<96xi32, #tpu.memory_space<vmem>>) semaphore(%run_scoped3A_160 : memref<!tpu.dma_semaphore, #tpu.memory_space<semaphore_mem>>) {add = true}
      %dma_wait3A_171 = arith.constant 0 : i32
      %dma_wait3A_172 = arith.constant 0 : i32
      %dma_wait3A_173 = tpu.memref_slice %arg9[%run_scoped3A_145, %dma_wait3A_171, %dma_wait3A_172] : memref<3x96x128xf32, #tpu.memory_space<vmem>> -> memref<1x96x128xf32, #tpu.memory_space<vmem>>
      %dma_wait3A_174 = tpu.memref_squeeze %dma_wait3A_173 : memref<1x96x128xf32, #tpu.memory_space<vmem>> -> memref<96x128xf32, #tpu.memory_space<vmem>>
      %dma_wait3A_175 = arith.constant 0 : i32
      %dma_wait3A_176 = tpu.memref_slice %arg8[%run_scoped3A_146, %dma_wait3A_175] : memref<53x96xi32, #tpu.memory_space<vmem>> -> memref<1x96xi32, #tpu.memory_space<vmem>>
      %dma_wait3A_177 = tpu.memref_squeeze %dma_wait3A_176 : memref<1x96xi32, #tpu.memory_space<vmem>> -> memref<96xi32, #tpu.memory_space<vmem>>
      %dma_wait3A_178 = arith.constant 0 : i32
      %dma_wait3A_179 = arith.constant 0 : i32
      %dma_wait3A_180 = tpu.memref_slice %arg10[%dma_wait3A_178, %dma_wait3A_179] : memref<10112x128xf32, #tpu.memory_space<vmem_shared>> -> memref<10112x128xf32, #tpu.memory_space<vmem_shared>>
      tpu.wait_indirect_dma semaphore(%run_scoped3A_160 : memref<!tpu.dma_semaphore, #tpu.memory_space<semaphore_mem>>) src(%dma_wait3A_174 : memref<96x128xf32, #tpu.memory_space<vmem>>) dst(%dma_wait3A_180 : memref<10112x128xf32, #tpu.memory_space<vmem_shared>>)
      tpu.yield
    }) : () -> ()
    %dma_wait3A_147 = arith.constant 1 : i32
    %dma_wait3A_148 = arith.constant 0 : i32
    %dma_wait3A_149 = arith.constant 0 : i32
    %dma_wait3A_150 = tpu.memref_slice %arg9[%dma_wait3A_147, %dma_wait3A_148, %dma_wait3A_149] : memref<3x96x128xf32, #tpu.memory_space<vmem>> -> memref<1x96x128xf32, #tpu.memory_space<vmem>>
    %dma_wait3A_151 = tpu.memref_squeeze %dma_wait3A_150 : memref<1x96x128xf32, #tpu.memory_space<vmem>> -> memref<96x128xf32, #tpu.memory_space<vmem>>
    %dma_wait3A_152 = arith.constant 4992 : i32
    %dma_wait3A_153 = tpu.memref_slice %arg7[%dma_wait3A_152] : memref<5088xi32, #tpu.memory_space<vmem>> -> memref<96xi32, #tpu.memory_space<vmem>>
    %dma_wait3A_154 = arith.constant 0 : i32
    %dma_wait3A_155 = arith.constant 0 : i32
    %dma_wait3A_156 = tpu.memref_slice %arg2[%dma_wait3A_154, %dma_wait3A_155] : memref<10000x128xf32, #tpu.memory_space<hbm>> -> memref<10000x128xf32, #tpu.memory_space<hbm>>
    tpu.wait_indirect_dma semaphore(%arg12 : memref<!tpu.dma_semaphore, #tpu.memory_space<semaphore_mem>>) src(%dma_wait3A_156 : memref<10000x128xf32, #tpu.memory_space<hbm>>) dst(%dma_wait3A_151 : memref<96x128xf32, #tpu.memory_space<vmem>>)
    %run_scoped3A_157 = arith.constant 1 : i32
    %run_scoped3A_158 = arith.constant 52 : i32
    "tpu.region"() ({
      %run_scoped3A_160 = tpu.sem_alloc : memref<!tpu.dma_semaphore, #tpu.memory_space<semaphore_mem>>
      %dma_start3A_161 = arith.constant 0 : i32
      %dma_start3A_162 = arith.constant 0 : i32
      %dma_start3A_163 = tpu.memref_slice %arg9[%run_scoped3A_157, %dma_start3A_161, %dma_start3A_162] : memref<3x96x128xf32, #tpu.memory_space<vmem>> -> memref<1x96x128xf32, #tpu.memory_space<vmem>>
      %dma_start3A_164 = tpu.memref_squeeze %dma_start3A_163 : memref<1x96x128xf32, #tpu.memory_space<vmem>> -> memref<96x128xf32, #tpu.memory_space<vmem>>
      %dma_start3A_165 = arith.constant 0 : i32
      %dma_start3A_166 = tpu.memref_slice %arg8[%run_scoped3A_158, %dma_start3A_165] : memref<53x96xi32, #tpu.memory_space<vmem>> -> memref<1x96xi32, #tpu.memory_space<vmem>>
      %dma_start3A_167 = tpu.memref_squeeze %dma_start3A_166 : memref<1x96xi32, #tpu.memory_space<vmem>> -> memref<96xi32, #tpu.memory_space<vmem>>
      %dma_start3A_168 = arith.constant 0 : i32
      %dma_start3A_169 = arith.constant 0 : i32
      %dma_start3A_170 = tpu.memref_slice %arg10[%dma_start3A_168, %dma_start3A_169] : memref<10112x128xf32, #tpu.memory_space<vmem_shared>> -> memref<10112x128xf32, #tpu.memory_space<vmem_shared>>
      tpu.enqueue_indirect_dma source(%dma_start3A_164 : memref<96x128xf32, #tpu.memory_space<vmem>>) target(%dma_start3A_170 : memref<10112x128xf32, #tpu.memory_space<vmem_shared>>) offsets(%dma_start3A_167 : memref<96xi32, #tpu.memory_space<vmem>>) semaphore(%run_scoped3A_160 : memref<!tpu.dma_semaphore, #tpu.memory_space<semaphore_mem>>) {add = true}
      %dma_wait3A_171 = arith.constant 0 : i32
      %dma_wait3A_172 = arith.constant 0 : i32
      %dma_wait3A_173 = tpu.memref_slice %arg9[%run_scoped3A_157, %dma_wait3A_171, %dma_wait3A_172] : memref<3x96x128xf32, #tpu.memory_space<vmem>> -> memref<1x96x128xf32, #tpu.memory_space<vmem>>
      %dma_wait3A_174 = tpu.memref_squeeze %dma_wait3A_173 : memref<1x96x128xf32, #tpu.memory_space<vmem>> -> memref<96x128xf32, #tpu.memory_space<vmem>>
      %dma_wait3A_175 = arith.constant 0 : i32
      %dma_wait3A_176 = tpu.memref_slice %arg8[%run_scoped3A_158, %dma_wait3A_175] : memref<53x96xi32, #tpu.memory_space<vmem>> -> memref<1x96xi32, #tpu.memory_space<vmem>>
      %dma_wait3A_177 = tpu.memref_squeeze %dma_wait3A_176 : memref<1x96xi32, #tpu.memory_space<vmem>> -> memref<96xi32, #tpu.memory_space<vmem>>
      %dma_wait3A_178 = arith.constant 0 : i32
      %dma_wait3A_179 = arith.constant 0 : i32
      %dma_wait3A_180 = tpu.memref_slice %arg10[%dma_wait3A_178, %dma_wait3A_179] : memref<10112x128xf32, #tpu.memory_space<vmem_shared>> -> memref<10112x128xf32, #tpu.memory_space<vmem_shared>>
      tpu.wait_indirect_dma semaphore(%run_scoped3A_160 : memref<!tpu.dma_semaphore, #tpu.memory_space<semaphore_mem>>) src(%dma_wait3A_174 : memref<96x128xf32, #tpu.memory_space<vmem>>) dst(%dma_wait3A_180 : memref<10112x128xf32, #tpu.memory_space<vmem_shared>>)
      tpu.yield
    }) : () -> ()
    %barrier3A_159 = arith.constant 0 : index
    tpu.barrier barrier_id(%barrier3A_159)
    "tpu.region"() ({
      %run_scoped3A_160 = tpu.sem_alloc : memref<!tpu.dma_semaphore, #tpu.memory_space<semaphore_mem>>
      %dma_start3A_161 = arith.constant 0 : i32
      %dma_start3A_162 = tpu.memref_slice %arg6[%arg0, %mul3A_2, %dma_start3A_161] : memref<2x10112x128xf32, #tpu.memory_space<hbm>> -> memref<1x632x128xf32, #tpu.memory_space<hbm>>
      %dma_start3A_163 = tpu.memref_squeeze %dma_start3A_162 : memref<1x632x128xf32, #tpu.memory_space<hbm>> -> memref<632x128xf32, #tpu.memory_space<hbm>>
      %dma_start3A_164 = arith.constant 0 : i32
      %dma_start3A_165 = tpu.memref_slice %arg10[%mul3A_2, %dma_start3A_164] : memref<10112x128xf32, #tpu.memory_space<vmem_shared>> -> memref<632x128xf32, #tpu.memory_space<vmem_shared>>
      tpu.enqueue_dma source(%dma_start3A_165 : memref<632x128xf32, #tpu.memory_space<vmem_shared>>) target(%dma_start3A_163 : memref<632x128xf32, #tpu.memory_space<hbm>>) target_semaphore(%run_scoped3A_160 : memref<!tpu.dma_semaphore, #tpu.memory_space<semaphore_mem>>)
      %dma_wait3A_166 = arith.constant 0 : i32
      %dma_wait3A_167 = tpu.memref_slice %arg6[%arg0, %mul3A_2, %dma_wait3A_166] : memref<2x10112x128xf32, #tpu.memory_space<hbm>> -> memref<1x632x128xf32, #tpu.memory_space<hbm>>
      %dma_wait3A_168 = tpu.memref_squeeze %dma_wait3A_167 : memref<1x632x128xf32, #tpu.memory_space<hbm>> -> memref<632x128xf32, #tpu.memory_space<hbm>>
      %dma_wait3A_169 = arith.constant 0 : i32
      %dma_wait3A_170 = tpu.memref_slice %arg10[%mul3A_2, %dma_wait3A_169] : memref<10112x128xf32, #tpu.memory_space<vmem_shared>> -> memref<632x128xf32, #tpu.memory_space<vmem_shared>>
      tpu.wait_dma2 semaphore(%run_scoped3A_160 : memref<!tpu.dma_semaphore, #tpu.memory_space<semaphore_mem>>) src(%dma_wait3A_170 : memref<632x128xf32, #tpu.memory_space<vmem_shared>>) dst(%dma_wait3A_168 : memref<632x128xf32, #tpu.memory_space<hbm>>)
      tpu.yield
    }) : () -> ()
    return
  }
}

module attributes {stable_mosaic.version = 14 : i64} {
  func.func @_mm_first_body(%arg0: i32, %arg1: memref<5000x128xf32, #tpu.memory_space<vmem>>, %arg2: memref<1x5000x1xf32, #tpu.memory_space<vmem>>, %arg3: memref<1x5000x1xf32, #tpu.memory_space<vmem>>, %arg4: memref<128x128xf32, #tpu.memory_space<vmem>>, %arg5: memref<5000x128xf32, #tpu.memory_space<vmem>>, %arg6: memref<5000x1xf32, #tpu.memory_space<vmem>>) attributes {dimension_semantics = [#tpu.dimension_semantics<arbitrary>], iteration_bounds = array<i64: 2>, scalar_prefetch = 0 : i64, scratch_operands = 0 : i64, tpu.core_type = #tpu.core_type<tc>, window_params = [{transform_indices = @transform_0, window_bounds = array<i64: 5000, 128>}, {transform_indices = @transform_1, window_bounds = array<i64: 1, 5000, 1>}, {transform_indices = @transform_2, window_bounds = array<i64: 1, 5000, 1>}, {pipeline_mode = #tpu.pipeline_mode<synchronous>, transform_indices = @transform_3, window_bounds = array<i64: 128, 128>}, {transform_indices = @transform_4, window_bounds = array<i64: 5000, 128>}, {transform_indices = @transform_5, window_bounds = array<i64: 5000, 1>}]} {
    %get3A = arith.constant 0 : index
    %get3A_0 = arith.constant 0 : index
    %get3A_1 = arith.constant 0 : index
    %get3A_2 = vector.load %arg2[%get3A, %get3A_0, %get3A_1] : memref<1x5000x1xf32, #tpu.memory_space<vmem>>, vector<1x5000x1xf32>
    %get3A_3 = vector.shape_cast %get3A_2 : vector<1x5000x1xf32> to vector<5000x1xf32>
    %get3A_4 = arith.constant 0 : index
    %get3A_5 = arith.constant 0 : index
    %get3A_6 = arith.constant 0 : index
    %get3A_7 = vector.load %arg3[%get3A_4, %get3A_5, %get3A_6] : memref<1x5000x1xf32, #tpu.memory_space<vmem>>, vector<1x5000x1xf32>
    %get3A_8 = vector.shape_cast %get3A_7 : vector<1x5000x1xf32> to vector<5000x1xf32>
    %add3A = arith.addf %get3A_3, %get3A_8 : vector<5000x1xf32>
    %add3A_9 = arith.constant 1.000000e+00 : f32
    %add3A_10 = vector.broadcast %add3A_9 : f32 to vector<5000x1xf32>
    %add3A_11 = arith.addf %add3A, %add3A_10 : vector<5000x1xf32>
    %rsqrt3A = math.rsqrt %add3A_11 : vector<5000x1xf32>
    %swap3A = arith.constant 0 : index
    %swap3A_12 = arith.constant 0 : index
    %swap3A_13 = vector.load %arg6[%swap3A, %swap3A_12] : memref<5000x1xf32, #tpu.memory_space<vmem>>, vector<5000x1xf32>
    tpu.vector_store %arg6[%swap3A, %swap3A_12], %rsqrt3A {strides = array<i32>} : memref<5000x1xf32, #tpu.memory_space<vmem>>, vector<5000x1xf32>,
    %get3A_14 = arith.constant 0 : index
    %get3A_15 = arith.constant 0 : index
    %get3A_16 = vector.load %arg1[%get3A_14, %get3A_15] : memref<5000x128xf32, #tpu.memory_space<vmem>>, vector<5000x128xf32>
    %get3A_17 = arith.constant 0 : index
    %get3A_18 = arith.constant 0 : index
    %get3A_19 = vector.load %arg4[%get3A_17, %get3A_18] : memref<128x128xf32, #tpu.memory_space<vmem>>, vector<128x128xf32>
    %dot_general3A = arith.constant dense<0.000000e+00> : vector<5000x128xf32>
    %dot_general3A_20 = tpu.matmul %get3A_16, %get3A_19, %dot_general3A {dimension_numbers = #tpu.dot_dimension_numbers<[1], [0], [0], [1], [0, 0, 1, 1], [], []>, transpose_lhs_hint = false} : vector<5000x128xf32>, vector<128x128xf32>, vector<5000x128xf32> -> vector<5000x128xf32>
    %mul3A = vector.broadcast %rsqrt3A : vector<5000x1xf32> to vector<5000x128xf32>
    %mul3A_21 = arith.mulf %mul3A, %dot_general3A_20 : vector<5000x128xf32>
    %swap3A_22 = arith.constant 0 : index
    %swap3A_23 = arith.constant 0 : index
    %swap3A_24 = vector.load %arg5[%swap3A_22, %swap3A_23] : memref<5000x128xf32, #tpu.memory_space<vmem>>, vector<5000x128xf32>
    tpu.vector_store %arg5[%swap3A_22, %swap3A_23], %mul3A_21 {strides = array<i32>} : memref<5000x128xf32, #tpu.memory_space<vmem>>, vector<5000x128xf32>,
    return
  }
  func.func @transform_0(%arg0: i32) -> (i32, i32) {
    %c0_i32 = arith.constant 0 : i32
    %c0_i32_0 = arith.constant 0 : i32
    return %arg0, %c0_i32 : i32, i32
  }
  func.func @transform_1(%arg0: i32) -> (i32, i32, i32) {
    %c0_i32 = arith.constant 0 : i32
    %c0_i32_0 = arith.constant 0 : i32
    %c0_i32_1 = arith.constant 0 : i32
    return %c0_i32, %arg0, %c0_i32_0 : i32, i32, i32
  }
  func.func @transform_2(%arg0: i32) -> (i32, i32, i32) {
    %c1_i32 = arith.constant 1 : i32
    %c0_i32 = arith.constant 0 : i32
    %c0_i32_0 = arith.constant 0 : i32
    return %c1_i32, %arg0, %c0_i32 : i32, i32, i32
  }
  func.func @transform_3(%arg0: i32) -> (i32, i32) {
    %c0_i32 = arith.constant 0 : i32
    %c0_i32_0 = arith.constant 0 : i32
    %c0_i32_1 = arith.constant 0 : i32
    return %c0_i32, %c0_i32_0 : i32, i32
  }
  func.func @transform_4(%arg0: i32) -> (i32, i32) {
    %c0_i32 = arith.constant 0 : i32
    %c0_i32_0 = arith.constant 0 : i32
    return %arg0, %c0_i32 : i32, i32
  }
  func.func @transform_5(%arg0: i32) -> (i32, i32) {
    %c0_i32 = arith.constant 0 : i32
    %c0_i32_0 = arith.constant 0 : i32
    return %arg0, %c0_i32 : i32, i32
  }
}

module attributes {stable_mosaic.version = 14 : i64} {
  func.func @_mm_mid_body(%arg0: i32, %arg1: memref<1x5000x128xf32, #tpu.memory_space<vmem>>, %arg2: memref<1x5000x128xf32, #tpu.memory_space<vmem>>, %arg3: memref<5000x1xf32, #tpu.memory_space<vmem>>, %arg4: memref<1x128xf32, #tpu.memory_space<vmem>>, %arg5: memref<128x128xf32, #tpu.memory_space<vmem>>, %arg6: memref<5000x128xf32, #tpu.memory_space<vmem>>) attributes {dimension_semantics = [#tpu.dimension_semantics<arbitrary>], iteration_bounds = array<i64: 2>, scalar_prefetch = 0 : i64, scratch_operands = 0 : i64, tpu.core_type = #tpu.core_type<tc>, window_params = [{transform_indices = @transform_0, window_bounds = array<i64: 1, 5000, 128>}, {transform_indices = @transform_1, window_bounds = array<i64: 1, 5000, 128>}, {transform_indices = @transform_2, window_bounds = array<i64: 5000, 1>}, {pipeline_mode = #tpu.pipeline_mode<synchronous>, transform_indices = @transform_3, window_bounds = array<i64: 1, 128>}, {pipeline_mode = #tpu.pipeline_mode<synchronous>, transform_indices = @transform_4, window_bounds = array<i64: 128, 128>}, {transform_indices = @transform_5, window_bounds = array<i64: 5000, 128>}]} {
    %get3A = arith.constant 0 : index
    %get3A_0 = arith.constant 0 : index
    %get3A_1 = vector.load %arg3[%get3A, %get3A_0] : memref<5000x1xf32, #tpu.memory_space<vmem>>, vector<5000x1xf32>
    %get3A_2 = arith.constant 0 : index
    %get3A_3 = arith.constant 0 : index
    %get3A_4 = arith.constant 0 : index
    %get3A_5 = vector.load %arg1[%get3A_2, %get3A_3, %get3A_4] : memref<1x5000x128xf32, #tpu.memory_space<vmem>>, vector<1x5000x128xf32>
    %get3A_6 = vector.shape_cast %get3A_5 : vector<1x5000x128xf32> to vector<5000x128xf32>
    %get3A_7 = arith.constant 0 : index
    %get3A_8 = arith.constant 0 : index
    %get3A_9 = arith.constant 0 : index
    %get3A_10 = vector.load %arg2[%get3A_7, %get3A_8, %get3A_9] : memref<1x5000x128xf32, #tpu.memory_space<vmem>>, vector<1x5000x128xf32>
    %get3A_11 = vector.shape_cast %get3A_10 : vector<1x5000x128xf32> to vector<5000x128xf32>
    %add3A = arith.addf %get3A_6, %get3A_11 : vector<5000x128xf32>
    %mul3A = vector.broadcast %get3A_1 : vector<5000x1xf32> to vector<5000x128xf32>
    %mul3A_12 = arith.mulf %mul3A, %add3A : vector<5000x128xf32>
    %get3A_13 = arith.constant 0 : index
    %get3A_14 = arith.constant 0 : index
    %get3A_15 = vector.load %arg4[%get3A_13, %get3A_14] : memref<1x128xf32, #tpu.memory_space<vmem>>, vector<1x128xf32>
    %add3A_16 = vector.broadcast %get3A_15 : vector<1x128xf32> to vector<5000x128xf32>
    %add3A_17 = arith.addf %mul3A_12, %add3A_16 : vector<5000x128xf32>
    %max3A = arith.constant 0.000000e+00 : f32
    %max3A_18 = vector.broadcast %max3A : f32 to vector<5000x128xf32>
    %max3A_19 = arith.maximumf %add3A_17, %max3A_18 : vector<5000x128xf32>
    %get3A_20 = arith.constant 0 : index
    %get3A_21 = arith.constant 0 : index
    %get3A_22 = vector.load %arg5[%get3A_20, %get3A_21] : memref<128x128xf32, #tpu.memory_space<vmem>>, vector<128x128xf32>
    %dot_general3A = arith.constant dense<0.000000e+00> : vector<5000x128xf32>
    %dot_general3A_23 = tpu.matmul %max3A_19, %get3A_22, %dot_general3A {dimension_numbers = #tpu.dot_dimension_numbers<[1], [0], [0], [1], [0, 0, 1, 1], [], []>, transpose_lhs_hint = false} : vector<5000x128xf32>, vector<128x128xf32>, vector<5000x128xf32> -> vector<5000x128xf32>
    %mul3A_24 = vector.broadcast %get3A_1 : vector<5000x1xf32> to vector<5000x128xf32>
    %mul3A_25 = arith.mulf %mul3A_24, %dot_general3A_23 : vector<5000x128xf32>
    %swap3A = arith.constant 0 : index
    %swap3A_26 = arith.constant 0 : index
    %swap3A_27 = vector.load %arg6[%swap3A, %swap3A_26] : memref<5000x128xf32, #tpu.memory_space<vmem>>, vector<5000x128xf32>
    tpu.vector_store %arg6[%swap3A, %swap3A_26], %mul3A_25 {strides = array<i32>} : memref<5000x128xf32, #tpu.memory_space<vmem>>, vector<5000x128xf32>,
    return
  }
  func.func @transform_0(%arg0: i32) -> (i32, i32, i32) {
    %c0_i32 = arith.constant 0 : i32
    %c0_i32_0 = arith.constant 0 : i32
    %c0_i32_1 = arith.constant 0 : i32
    return %c0_i32, %arg0, %c0_i32_0 : i32, i32, i32
  }
  func.func @transform_1(%arg0: i32) -> (i32, i32, i32) {
    %c1_i32 = arith.constant 1 : i32
    %c0_i32 = arith.constant 0 : i32
    %c0_i32_0 = arith.constant 0 : i32
    return %c1_i32, %arg0, %c0_i32 : i32, i32, i32
  }
  func.func @transform_2(%arg0: i32) -> (i32, i32) {
    %c0_i32 = arith.constant 0 : i32
    %c0_i32_0 = arith.constant 0 : i32
    return %arg0, %c0_i32 : i32, i32
  }
  func.func @transform_3(%arg0: i32) -> (i32, i32) {
    %c0_i32 = arith.constant 0 : i32
    %c0_i32_0 = arith.constant 0 : i32
    %c0_i32_1 = arith.constant 0 : i32
    return %c0_i32, %c0_i32_0 : i32, i32
  }
  func.func @transform_4(%arg0: i32) -> (i32, i32) {
    %c0_i32 = arith.constant 0 : i32
    %c0_i32_0 = arith.constant 0 : i32
    %c0_i32_1 = arith.constant 0 : i32
    return %c0_i32, %c0_i32_0 : i32, i32
  }
  func.func @transform_5(%arg0: i32) -> (i32, i32) {
    %c0_i32 = arith.constant 0 : i32
    %c0_i32_0 = arith.constant 0 : i32
    return %arg0, %c0_i32 : i32, i32
  }
}

module attributes {stable_mosaic.version = 14 : i64} {
  func.func @_mm_mid_body(%arg0: i32, %arg1: memref<1x5000x128xf32, #tpu.memory_space<vmem>>, %arg2: memref<1x5000x128xf32, #tpu.memory_space<vmem>>, %arg3: memref<5000x1xf32, #tpu.memory_space<vmem>>, %arg4: memref<1x128xf32, #tpu.memory_space<vmem>>, %arg5: memref<128x128xf32, #tpu.memory_space<vmem>>, %arg6: memref<5000x128xf32, #tpu.memory_space<vmem>>) attributes {dimension_semantics = [#tpu.dimension_semantics<arbitrary>], iteration_bounds = array<i64: 2>, scalar_prefetch = 0 : i64, scratch_operands = 0 : i64, tpu.core_type = #tpu.core_type<tc>, window_params = [{transform_indices = @transform_0, window_bounds = array<i64: 1, 5000, 128>}, {transform_indices = @transform_1, window_bounds = array<i64: 1, 5000, 128>}, {transform_indices = @transform_2, window_bounds = array<i64: 5000, 1>}, {pipeline_mode = #tpu.pipeline_mode<synchronous>, transform_indices = @transform_3, window_bounds = array<i64: 1, 128>}, {pipeline_mode = #tpu.pipeline_mode<synchronous>, transform_indices = @transform_4, window_bounds = array<i64: 128, 128>}, {transform_indices = @transform_5, window_bounds = array<i64: 5000, 128>}]} {
    %get3A = arith.constant 0 : index
    %get3A_0 = arith.constant 0 : index
    %get3A_1 = vector.load %arg3[%get3A, %get3A_0] : memref<5000x1xf32, #tpu.memory_space<vmem>>, vector<5000x1xf32>
    %get3A_2 = arith.constant 0 : index
    %get3A_3 = arith.constant 0 : index
    %get3A_4 = arith.constant 0 : index
    %get3A_5 = vector.load %arg1[%get3A_2, %get3A_3, %get3A_4] : memref<1x5000x128xf32, #tpu.memory_space<vmem>>, vector<1x5000x128xf32>
    %get3A_6 = vector.shape_cast %get3A_5 : vector<1x5000x128xf32> to vector<5000x128xf32>
    %get3A_7 = arith.constant 0 : index
    %get3A_8 = arith.constant 0 : index
    %get3A_9 = arith.constant 0 : index
    %get3A_10 = vector.load %arg2[%get3A_7, %get3A_8, %get3A_9] : memref<1x5000x128xf32, #tpu.memory_space<vmem>>, vector<1x5000x128xf32>
    %get3A_11 = vector.shape_cast %get3A_10 : vector<1x5000x128xf32> to vector<5000x128xf32>
    %add3A = arith.addf %get3A_6, %get3A_11 : vector<5000x128xf32>
    %mul3A = vector.broadcast %get3A_1 : vector<5000x1xf32> to vector<5000x128xf32>
    %mul3A_12 = arith.mulf %mul3A, %add3A : vector<5000x128xf32>
    %get3A_13 = arith.constant 0 : index
    %get3A_14 = arith.constant 0 : index
    %get3A_15 = vector.load %arg4[%get3A_13, %get3A_14] : memref<1x128xf32, #tpu.memory_space<vmem>>, vector<1x128xf32>
    %add3A_16 = vector.broadcast %get3A_15 : vector<1x128xf32> to vector<5000x128xf32>
    %add3A_17 = arith.addf %mul3A_12, %add3A_16 : vector<5000x128xf32>
    %get3A_18 = arith.constant 0 : index
    %get3A_19 = arith.constant 0 : index
    %get3A_20 = vector.load %arg5[%get3A_18, %get3A_19] : memref<128x128xf32, #tpu.memory_space<vmem>>, vector<128x128xf32>
    %dot_general3A = arith.constant dense<0.000000e+00> : vector<5000x128xf32>
    %dot_general3A_21 = tpu.matmul %add3A_17, %get3A_20, %dot_general3A {dimension_numbers = #tpu.dot_dimension_numbers<[1], [0], [0], [1], [0, 0, 1, 1], [], []>, transpose_lhs_hint = false} : vector<5000x128xf32>, vector<128x128xf32>, vector<5000x128xf32> -> vector<5000x128xf32>
    %mul3A_22 = vector.broadcast %get3A_1 : vector<5000x1xf32> to vector<5000x128xf32>
    %mul3A_23 = arith.mulf %mul3A_22, %dot_general3A_21 : vector<5000x128xf32>
    %swap3A = arith.constant 0 : index
    %swap3A_24 = arith.constant 0 : index
    %swap3A_25 = vector.load %arg6[%swap3A, %swap3A_24] : memref<5000x128xf32, #tpu.memory_space<vmem>>, vector<5000x128xf32>
    tpu.vector_store %arg6[%swap3A, %swap3A_24], %mul3A_23 {strides = array<i32>} : memref<5000x128xf32, #tpu.memory_space<vmem>>, vector<5000x128xf32>,
    return
  }
  func.func @transform_0(%arg0: i32) -> (i32, i32, i32) {
    %c0_i32 = arith.constant 0 : i32
    %c0_i32_0 = arith.constant 0 : i32
    %c0_i32_1 = arith.constant 0 : i32
    return %c0_i32, %arg0, %c0_i32_0 : i32, i32, i32
  }
  func.func @transform_1(%arg0: i32) -> (i32, i32, i32) {
    %c1_i32 = arith.constant 1 : i32
    %c0_i32 = arith.constant 0 : i32
    %c0_i32_0 = arith.constant 0 : i32
    return %c1_i32, %arg0, %c0_i32 : i32, i32, i32
  }
  func.func @transform_2(%arg0: i32) -> (i32, i32) {
    %c0_i32 = arith.constant 0 : i32
    %c0_i32_0 = arith.constant 0 : i32
    return %arg0, %c0_i32 : i32, i32
  }
  func.func @transform_3(%arg0: i32) -> (i32, i32) {
    %c0_i32 = arith.constant 0 : i32
    %c0_i32_0 = arith.constant 0 : i32
    %c0_i32_1 = arith.constant 0 : i32
    return %c0_i32, %c0_i32_0 : i32, i32
  }
  func.func @transform_4(%arg0: i32) -> (i32, i32) {
    %c0_i32 = arith.constant 0 : i32
    %c0_i32_0 = arith.constant 0 : i32
    %c0_i32_1 = arith.constant 0 : i32
    return %c0_i32, %c0_i32_0 : i32, i32
  }
  func.func @transform_5(%arg0: i32) -> (i32, i32) {
    %c0_i32 = arith.constant 0 : i32
    %c0_i32_0 = arith.constant 0 : i32
    return %arg0, %c0_i32 : i32, i32
  }
}

module attributes {stable_mosaic.version = 14 : i64} {
  func.func @_mm_last_body(%arg0: i32, %arg1: memref<1x5000x128xf32, #tpu.memory_space<vmem>>, %arg2: memref<1x5000x128xf32, #tpu.memory_space<vmem>>, %arg3: memref<5000x1xf32, #tpu.memory_space<vmem>>, %arg4: memref<1x128xf32, #tpu.memory_space<vmem>>, %arg5: memref<5000x128xf32, #tpu.memory_space<vmem>>) attributes {dimension_semantics = [#tpu.dimension_semantics<arbitrary>], iteration_bounds = array<i64: 2>, scalar_prefetch = 0 : i64, scratch_operands = 0 : i64, tpu.core_type = #tpu.core_type<tc>, window_params = [{transform_indices = @transform_0, window_bounds = array<i64: 1, 5000, 128>}, {transform_indices = @transform_1, window_bounds = array<i64: 1, 5000, 128>}, {transform_indices = @transform_2, window_bounds = array<i64: 5000, 1>}, {pipeline_mode = #tpu.pipeline_mode<synchronous>, transform_indices = @transform_3, window_bounds = array<i64: 1, 128>}, {transform_indices = @transform_4, window_bounds = array<i64: 5000, 128>}]} {
    %get3A = arith.constant 0 : index
    %get3A_0 = arith.constant 0 : index
    %get3A_1 = vector.load %arg3[%get3A, %get3A_0] : memref<5000x1xf32, #tpu.memory_space<vmem>>, vector<5000x1xf32>
    %get3A_2 = arith.constant 0 : index
    %get3A_3 = arith.constant 0 : index
    %get3A_4 = arith.constant 0 : index
    %get3A_5 = vector.load %arg1[%get3A_2, %get3A_3, %get3A_4] : memref<1x5000x128xf32, #tpu.memory_space<vmem>>, vector<1x5000x128xf32>
    %get3A_6 = vector.shape_cast %get3A_5 : vector<1x5000x128xf32> to vector<5000x128xf32>
    %get3A_7 = arith.constant 0 : index
    %get3A_8 = arith.constant 0 : index
    %get3A_9 = arith.constant 0 : index
    %get3A_10 = vector.load %arg2[%get3A_7, %get3A_8, %get3A_9] : memref<1x5000x128xf32, #tpu.memory_space<vmem>>, vector<1x5000x128xf32>
    %get3A_11 = vector.shape_cast %get3A_10 : vector<1x5000x128xf32> to vector<5000x128xf32>
    %add3A = arith.addf %get3A_6, %get3A_11 : vector<5000x128xf32>
    %mul3A = vector.broadcast %get3A_1 : vector<5000x1xf32> to vector<5000x128xf32>
    %mul3A_12 = arith.mulf %mul3A, %add3A : vector<5000x128xf32>
    %get3A_13 = arith.constant 0 : index
    %get3A_14 = arith.constant 0 : index
    %get3A_15 = vector.load %arg4[%get3A_13, %get3A_14] : memref<1x128xf32, #tpu.memory_space<vmem>>, vector<1x128xf32>
    %add3A_16 = vector.broadcast %get3A_15 : vector<1x128xf32> to vector<5000x128xf32>
    %add3A_17 = arith.addf %mul3A_12, %add3A_16 : vector<5000x128xf32>
    %swap3A = arith.constant 0 : index
    %swap3A_18 = arith.constant 0 : index
    %swap3A_19 = vector.load %arg5[%swap3A, %swap3A_18] : memref<5000x128xf32, #tpu.memory_space<vmem>>, vector<5000x128xf32>
    tpu.vector_store %arg5[%swap3A, %swap3A_18], %add3A_17 {strides = array<i32>} : memref<5000x128xf32, #tpu.memory_space<vmem>>, vector<5000x128xf32>,
    return
  }
  func.func @transform_0(%arg0: i32) -> (i32, i32, i32) {
    %c0_i32 = arith.constant 0 : i32
    %c0_i32_0 = arith.constant 0 : i32
    %c0_i32_1 = arith.constant 0 : i32
    return %c0_i32, %arg0, %c0_i32_0 : i32, i32, i32
  }
  func.func @transform_1(%arg0: i32) -> (i32, i32, i32) {
    %c1_i32 = arith.constant 1 : i32
    %c0_i32 = arith.constant 0 : i32
    %c0_i32_0 = arith.constant 0 : i32
    return %c1_i32, %arg0, %c0_i32 : i32, i32, i32
  }
  func.func @transform_2(%arg0: i32) -> (i32, i32) {
    %c0_i32 = arith.constant 0 : i32
    %c0_i32_0 = arith.constant 0 : i32
    return %arg0, %c0_i32 : i32, i32
  }
  func.func @transform_3(%arg0: i32) -> (i32, i32) {
    %c0_i32 = arith.constant 0 : i32
    %c0_i32_0 = arith.constant 0 : i32
    %c0_i32_1 = arith.constant 0 : i32
    return %c0_i32, %c0_i32_0 : i32, i32
  }
  func.func @transform_4(%arg0: i32) -> (i32, i32) {
    %c0_i32 = arith.constant 0 : i32
    %c0_i32_0 = arith.constant 0 : i32
    return %arg0, %c0_i32 : i32, i32
  }
}

</mosaic_0001>

<sc_bundles>
// kernel: kernel.10.cloned.1.call-start
scs
__scs_entry_jumppad:
0x0: {  	(pc) =	sbr.rel $0x88, $3  }
0x1: {  	(tag) =	ssettag $0x0;
	lr =	simm.s32 $0x1  }
0x2: {  	[smem:$0x3F9B] =	sst lr;
	_ =	strace $0xD0000000  }
0x3: {  	_ = 	snop  }
0x4: {  	_ = 	snop  }
0x5: {  	_ = 	snop  }
0x6: {  	_ = 	snop  }
0x7: {  	_ = 	snop  }
__scs_overlays_trampoline_lowered:
0x8: {  	[smem:$0x3FAA] =	sst s0  }
0x9: {  	[smem:$0x3FAB] =	sst s1  }
0xa: {  	[smem:$0x3FAC] =	sst s2  }
0xb: {  	[smem:$0x3FAD] =	sst s3  }
0xc: {  	[smem:$0x3FAE] =	sst s4  }
0xd: {  	[smem:$0x3FAF] =	sst s5  }
0xe: {  	[smem:$0x3FB0] =	sst s6  }
0xf: {  	[smem:$0x3FB1] =	sst s7  }
0x10: {  	[smem:$0x3FB2] =	sst s8  }
0x11: {  	[smem:$0x3FB3] =	sst s9;
	s0 =	simm.s32 @!p0 $0x0  }
0x12: {  	s1 =	sld [smem:$0x3F99];
	s0 =	simm.s32 @p0 $0x1  }
0x13: {  	[smem:$0x3FB4] =	sst s0;
	s0 =	simm.s32 @!p1 $0x0  }
0x14: {  	s2 =	sld [smem:$0x3F98];
	s0 =	simm.s32 @p1 $0x1  }
0x15: {  	[smem:$0x3FB5] =	sst s0;
	s0 =	simm.s32 @!p2 $0x0  }
0x16: {  	s3 =	sld [smem:$0x3FDB];
	s0 =	simm.s32 @p2 $0x1  }
0x17: {  	s4 =	simm.s32 $0x1BF5;
	[smem:$0x3FB7] =	sst s0  }
0x18: {  	s0 =	sld [smem:$0x3F9A];
	_ =	swait.ge [sflag:s4], $0x0  }
0x19: {  	s7 =	sld [smem:$0x3F9B]  }
0x1a: {  	s8 =	sadd.s32 $0xFFFFE003, lr  }
0x1b: {  	s9 =	sadd.s32 $0xFFFFFEF7, lr;
	s5 =	simm.s32 $0xFFFFFFFF;
	p2 =	slt.u32 s8, $0xFFFFF086  }
0x1c: {  	p1 =	slt.u32 s9, $0xF7A;
	s5 =	simm.s32 @!p2 $0x0  }
0x1d: {  	s5 =	simm.s32 @p1 $0x1;
	p0 =	seq.s32 s7, s2  }
0x1e: {  	s7 =	smul.u32 @!p0 $0xF7A, s2;
	p2 =	seq.s32 @!p0 s5, $0x0  }
0x1f: {  	s9 =	smul.u32 $0xF7A, s1;
	s8 =	simm.s32 @!p0 $0x1BF5;
	p2 =	por !p2, p0  }
0x20: {  	[sflag:s8] =	ssyncset.s32 @!p0 $0xFFFFF086;
	s6 =	sadd.s32 @!p0 s3, s7;
	s7 =	simm.s32 @!p0 $0x108  }
0x21: {  	s3 =	sadd.s32 s3, s9;
	s6 =	sadd.s32 @!p0 $0x88, s6;
	s7 =	simm.s32 @p2 $0x1082  }
0x22: {  	[simem:s7], [sflag:s8] =	dma.local @!p0 [hbm:s6], $0xF7A  }
0x23: {  	s9 =	sor.u32 $0xD0000000, s2;
	s6 =	simm.s32 $0x108;
	_ =	swait.ge @!p0 [sflag:s8], $0x0  }
0x24: {  	s3 =	sadd.s32 $0x88, s3;
	s6 =	simm.s32 @!p1 $0x1082;
	[sflag:s4] =	ssyncset.s32 $0xFFFFF086  }
0x25: {  	[simem:s6], [sflag:s4] =	dma.local [hbm:s3], $0xF7A  }
0x26: {  	[smem:$0x3F9B] =	sst s1;
	(tag) =	ssettag s2;
	_ =	strace s9  }
0x27: {  	s1 =	sld [smem:$0x3FAB]  }
0x28: {  	s2 =	sld [smem:$0x3FAC]  }
0x29: {  	s4 =	sld [smem:$0x3FAE]  }
0x2a: {  	p0 =	seq.s32 s5, $0x0;
	s5 =	sld [smem:$0x3FAF]  }
0x2b: {  	s6 =	sld [smem:$0x3FB0]  }
0x2c: {  	s7 =	sld [smem:$0x3FB1]  }
0x2d: {  	s3 =	simm.s32 $0x108;
	s8 =	sld [smem:$0x3FB2]  }
0x2e: {  	s3 =	simm.s32 @!p0 $0x1082;
	s9 =	sld [smem:$0x3FB3]  }
0x2f: {  	lr =	sadd.s32 s0, s3;
	s0 =	sld [smem:$0x3FAA]  }
0x30: {  	s3 =	sld [smem:$0x3FAD]  }
0x31: {  	[smem:$0x3FB6] =	sst s10  }
0x32: {  	s10 =	sld [smem:$0x3FB4];
	_ =	sdelay $0x3  }
0x33: {  	p0 =	seq.s32 s10, $0x1;
	s10 =	sld [smem:$0x3FB6];
	_ =	sdelay $0x3  }
0x34: {  	[smem:$0x3FB6] =	sst s10  }
0x35: {  	s10 =	sld [smem:$0x3FB5];
	_ =	sdelay $0x3  }
0x36: {  	p1 =	seq.s32 s10, $0x1;
	s10 =	sld [smem:$0x3FB6];
	_ =	sdelay $0x3  }
0x37: {  	[smem:$0x3FB6] =	sst s10  }
0x38: {  	s10 =	sld [smem:$0x3FB7]  }
0x39: {  	_ = 	snop;
	(pc) =	sbr.ind lr, $3  }
0x3a: {  	_ = 	snop  }
0x3b: {  	_ = 	snop  }
0x3c: {  	p2 =	seq.s32 s10, $0x1;
	s10 =	sld [smem:$0x3FB6]  }
0x3d: {  	_ =	shalt  }
0x3e: {  	_ =	shalt  }
0x3f: {  	_ =	shalt  }
0x40: {  	_ =	shalt  }
0x41: {  	_ =	shalt  }
0x42: {  	_ =	shalt  }
0x43: {  	_ =	shalt  }
0x44: {  	_ =	shalt  }
0x45: {  	_ =	shalt  }
0x46: {  	_ =	shalt  }
0x47: {  	_ =	shalt  }
0x48: {  	_ =	shalt  }
0x49: {  	_ =	shalt  }
0x4a: {  	_ =	shalt  }
0x4b: {  	_ =	shalt  }
0x4c: {  	_ =	shalt  }
0x4d: {  	_ =	shalt  }
0x4e: {  	_ =	shalt  }
0x4f: {  	_ =	shalt  }
0x50: {  	_ =	shalt  }
0x51: {  	_ =	shalt  }
0x52: {  	_ =	shalt  }
0x53: {  	_ =	shalt  }
0x54: {  	_ =	shalt  }
0x55: {  	_ =	shalt  }
0x56: {  	_ =	shalt  }
0x57: {  	_ =	shalt  }
0x58: {  	_ =	shalt  }
0x59: {  	_ =	shalt  }
0x5a: {  	_ =	shalt  }
0x5b: {  	_ =	shalt  }
0x5c: {  	_ =	shalt  }
0x5d: {  	_ =	shalt  }
0x5e: {  	_ =	shalt  }
0x5f: {  	_ =	shalt  }
0x60: {  	_ =	shalt  }
0x61: {  	_ =	shalt  }
0x62: {  	_ =	shalt  }
0x63: {  	_ =	shalt  }
0x64: {  	_ =	shalt  }
0x65: {  	_ =	shalt  }
0x66: {  	_ =	shalt  }
0x67: {  	_ =	shalt  }
0x68: {  	_ =	shalt  }
0x69: {  	_ =	shalt  }
0x6a: {  	_ =	shalt  }
0x6b: {  	_ =	shalt  }
0x6c: {  	_ =	shalt  }
0x6d: {  	_ =	shalt  }
0x6e: {  	_ =	shalt  }
0x6f: {  	_ =	shalt  }
0x70: {  	_ =	shalt  }
0x71: {  	_ =	shalt  }
0x72: {  	_ =	shalt  }
0x73: {  	_ =	shalt  }
0x74: {  	_ =	shalt  }
0x75: {  	_ =	shalt  }
0x76: {  	_ =	shalt  }
0x77: {  	_ =	shalt  }
0x78: {  	_ =	shalt  }
0x79: {  	_ =	shalt  }
0x7a: {  	_ =	shalt  }
0x7b: {  	_ =	shalt  }
0x7c: {  	_ =	shalt  }
0x7d: {  	_ =	shalt  }
0x7e: {  	_ =	shalt  }
0x7f: {  	_ =	shalt  }
0x80: {  	_ =	shalt  }
0x81: {  	_ =	shalt  }
0x82: {  	_ =	shalt  }
0x83: {  	_ =	shalt  }
0x84: {  	_ =	shalt  }
0x85: {  	_ =	shalt  }
0x86: {  	_ =	shalt  }
0x87: {  	_ =	shalt  }
.Lfunc_end0:
.L_simem_size_0:
called_computation_lowered:
.L_overlay_start_0:
0x88: {  	s2 =	sld [smem:$0x3FD9]  }
0x89: {  	s3 =	sld [smem:$0x3FFE];
	_ =	sdelay $0x1  }
0x8a: {  	s1 =	srdreg.scid  }
0x8b: {  	s0 =	sand.u32 $0x1, s1  }
0x8c: {  	s17 =	sshll.u32 s0, $0xA;
	s2 =	sadd.s32 s3, s2  }
0x8d: {  	s2 =	sadd.s32 s2, s17  }
0x8e: {  	[smem:$0x3FC2] =	sst s2  }
0x8f: {  	_ = 	snop  }
0x90: {  	s2 =	sld [smem:$0x3FD0];
	(tm) =	ssettm $0x1  }
0x91: {  	s18 =	sld [smem:$0x3FFB];
	_ =	sdelay $0x3  }
0x92: {  	_ =	strace s18  }
0x93: {  	s3 =	sld [smem:$0x3FFC];
	_ =	sdelay $0x3  }
0x94: {  	_ =	strace s3  }
0x95: {  	s3 =	sld [smem:$0x3FFD];
	_ =	sdelay $0x3  }
0x96: {  	_ =	strace s3  }
0x97: {  	_ =	strace $0x8FFFFFFF  }
0x98: {  	s19 =	sld [smem:$0x3FDB];
	_ =	sdelay $0x1  }
0x99: {  	s4 =	simm.s32 $_scs_section_size  }
0x9a: {  	s5 =	simm.s32 $_size__tile_overlayer_lowered;
	s6 =	simm.s32 $_tile_overlayer_lowered  }
0x9b: {  	s22 =	simm.s32 $0x1BFF;
	s21 =	sshll.u32 s6, $0x1;
	s3 =	sadd.s32 s4, s19  }
0x9c: {  	s7 =	simm.s32 $0x0;
	s20 =	sshll.u32 s5, $0x1;
	s5 =	sadd.s32 s21, s3  }
0x9d: {  	[timem:s7], [sflag:s22] =	dma.local [hbm:s5], s20  }
0x9e: {  	_ =	swait.ge [sflag:s22], s20  }
0x9f: {  	s4 =	ssub.s32 $0x0, s20;
	[sflag:s22] =	ssyncset.done $0x0  }
0xa0: {  	[sflag:s22] =	ssyncadd.s32 s4;
	_ =	sdelay $0x1  }
0xa1: {  	s23 =	simm.s32 $0x1B8B  }
0xa2: {  	_ =	swait.ge [sflag:s23], $0x1  }
0xa3: {  	[sflag:s23] =	ssyncset.done $0x0  }
0xa4: {  	s25 =	simm.s32 $0x1B8E;
	s24 =	sld [smem:$0x3FFE];
	[sflag:s23] =	ssyncadd.s32 $0xFFFFFFFF  }
0xa5: {  	s26 =	simm.s32 $execute0_lowered;
	[smem:$0x3FD2] =	sst s25  }
0xa6: {  	s5 =	sshll.u32 s26, $0x1;
	_ =	strace $0x80000046;
	[dreg:$0x1] =	wrdreg $0xFFFFFFFF  }
0xa7: {  	s28 =	simm.s32 $_size_execute0_lowered;
	s3 =	sadd.s32 s3, s5;
	[dreg:$0x0] =	wrdreg $0x0  }
0xa8: {  	s5 =	sshll.u32 s28, $0x1;
	[dreg:$0x2] =	wrdreg s3  }
0xa9: {  	[dreg:$0x3] =	wrdreg s5  }
0xaa: {  	[dreg:$0x4] =	wrdreg $0xC0  }
0xab: {  	_ =	task [dreg:s7], $0x5FFFF  }
0xac: {  	[dreg:$0x1] =	wrdreg $0xFFFFFFFF  }
0xad: {  	[dreg:$0x0] =	wrdreg $0x60  }
0xae: {  	[dreg:$0x2] =	wrdreg s24  }
0xaf: {  	[dreg:$0x3] =	wrdreg s2  }
0xb0: {  	[dreg:$0x4] =	wrdreg $0x20800  }
0xb1: {  	[dreg:$0x5] =	wrdreg $0x9  }
0xb2: {  	_ =	task.clear_ibuf [dreg:s7], $0x6FFFF;
	_ =	strace $0x90000046  }
0xb3: {  	s29 =	simm.s32 $0x9;
	_ =	strace $0x80000048  }
0xb4: {  	_ =	swait.ge [sflag:s29], $0x1  }
0xb5: {  	[sflag:s29] =	ssyncadd.s32 $0xFFFFFFFF  }
0xb6: {  	_ =	strace $0x90000048  }
0xb7: {  	_ =	sfence  }
0xb8: {  	s30 =	sld [smem:$0x0];
	_ =	sdelay $0x2  }
0xb9: {  	s31 =	sshll.u32 s1, $0xD;
	s1 =	sshrl.u32 s1, $0x2  }
0xba: {  	s3 =	sand.u32 $0x4000, s31;
	s1 =	sadd.s32 s1, s30  }
0xbb: {  	s0 =	sor.u32 s3, s0;
	s1 =	sshll.u32 s1, $0x11  }
0xbc: {  	s0 =	sor.u32 s1, s0  }
0xbd: {  	s0 =	sadd.s32 $0x8F2B, s0  }
0xbe: {  	[sflag:s0] =	ssyncadd.remote.s32 $0x1  }
0xbf: {  	_ =	sfence.sel $0xFFFF  }
0xc0: {  	[dreg:$0x0] =	wrdreg $0xFFFFFFFF;
	(pc) =	sbr.abs _section_cstart, $3  }
0xc1: {  	[dreg:$0x1] =	wrdreg $0xFFFFFFFF  }
0xc2: {  	_ =	task.clear_ibuf [dreg:s7], $0x2FFFF;
	_ =	strace $0x9FFFFFFF  }
0xc3: {  	(tm) =	ssettm $0x7FFFFFFF  }
tec
execute0_lowered:
.L_overlay_start_1:
0x0: {  	(tag) =	ssettag $0x1  }
0x1: {  	s4 =	rddreg [dreg:$0x0]  }
0x2: {  	s7 =	rddreg [dreg:$0x1]  }
0x3: {  	s2 =	rddreg [dreg:$0x2];
	s3 =	srdreg.scid  }
0x4: {  	s0 =	rddreg [dreg:$0x3];
	s1 =	stileid.u32;
	s15 =	simm.s32 $0x20  }
0x5: {  	s16 =	simm.s32 $0x10;
	s17 =	simm.s32 $0x0;
	s5 =	sand.u32 $0x1, s3  }
0x6: {  	s3 =	simm.s32 $0x0;
	s6 =	sshll.u32 s1, $0x2;
	s11 =	sadd.s32 $0x2800, s4  }
0x7: {  	s30 =	sshll.u32 s1, $0x8;
	s31 =	sshll.u32 s1, $0xA;
	s13 =	sshll.u32 s1, $0x6  }
0x8: {  	s8 =	sshll.u32 s5, $0x1;
	[smem:$0x7FF] =	sst s3;
	s9 =	ssub.s32 $0x2, s5  }
0x9: {  	s4 =	sadd.s32 s31, s2;
	s12 =	sshll.u32 s5, $0x4;
	s13 =	sor.u32 $0x1C01, s13  }
0xa: {  	s6 =	sor.u32 s8, s6;
	_ =	strace $0x80000047;
	s29 =	sshrl.u32 s9, $0x1  }
0xb: {  	s7 =	sadd.s32 s7, s12;
	s12 =	simm.s32 $0x1C00;
	s10 =	smul.u32 $0x1C00, s6  }
0xc: {  	s14 =	sshrl.u32 s4, $0x3;
	s8 =	ssub.s32 s9, s29;
	s6 =	smul.u32 $0x380, s6  }
0xd: {  	s7 =	sadd.s32 s30, s7;
	s9 =	simm.s32 $0x1C80;
	s10 =	sshrl.u32 s10, $0x3  }
0xe: {  	s8 =	smax.u32 s8, $0x1;
	s5 =	sadd.s32 s11, s6;
	s10 =	sadd.s32 s11, s10  }
0xf: {  	v0 =	vimm.f32 $1.000000000e+00;
	v1 =	vimm.f32 $0.0e+00;
	s11 =	simm.s32 $0x60;
	s6 =	sadd.s32 $0x380, s10;
	s10 =	simm.s32 $0x1  }
.LBB2_1:
0x10: {  	[tilespmem:$0x1C00] =	vst v0  }
0x11: {  	[tilespmem:$0x1C10] =	vst v0  }
0x12: {  	[tilespmem:$0x1C20] =	vst v0  }
0x13: {  	[tilespmem:$0x1C30] =	vst v0  }
0x14: {  	[tilespmem:$0x1C40] =	vst v0  }
0x15: {  	[tilespmem:$0x1C50] =	vst v0  }
0x16: {  	[tilespmem:$0x1C80] =	vst v1  }
0x17: {  	[tilespmem:$0x1C90] =	vst v1  }
0x18: {  	[tilespmem:$0x1CA0] =	vst v1  }
0x19: {  	[tilespmem:$0x1CB0] =	vst v1  }
0x1a: {  	[tilespmem:$0x1CC0] =	vst v1  }
0x1b: {  	[tilespmem:$0x1CD0] =	vst v1  }
0x1c: {  	[tilespmem:$0x1CE0] =	vst v1  }
0x1d: {  	[tilespmem:$0x1CF0] =	vst v1  }
0x1e: {  	[tilespmem:$0x1D00] =	vst v1  }
0x1f: {  	[tilespmem:$0x1D10] =	vst v1  }
0x20: {  	[tilespmem:$0x1D20] =	vst v1  }
0x21: {  	[tilespmem:$0x1D30] =	vst v1  }
0x22: {  	[tilespmem:$0x1D40] =	vst v1  }
0x23: {  	[tilespmem:$0x1D50] =	vst v1  }
0x24: {  	[tilespmem:$0x1D60] =	vst v1  }
0x25: {  	[tilespmem:$0x1D70] =	vst v1  }
0x26: {  	[tilespmem:$0x1D80] =	vst v1  }
0x27: {  	[tilespmem:$0x1D90] =	vst v1  }
0x28: {  	[tilespmem:$0x1DA0] =	vst v1  }
0x29: {  	[tilespmem:$0x1DB0] =	vst v1  }
0x2a: {  	[tilespmem:$0x1DC0] =	vst v1  }
0x2b: {  	[tilespmem:$0x1DD0] =	vst v1  }
0x2c: {  	[tilespmem:$0x1DE0] =	vst v1  }
0x2d: {  	[tilespmem:$0x1DF0] =	vst v1  }
0x2e: {  	[tilespmem:$0x1E00] =	vst v1  }
0x2f: {  	[tilespmem:$0x1E10] =	vst v1  }
0x30: {  	[tilespmem:$0x1E20] =	vst v1  }
0x31: {  	[tilespmem:$0x1E30] =	vst v1  }
0x32: {  	[tilespmem:$0x1E40] =	vst v1  }
0x33: {  	[tilespmem:$0x1E50] =	vst v1  }
0x34: {  	[tilespmem:$0x1E60] =	vst v1  }
0x35: {  	[tilespmem:$0x1E70] =	vst v1  }
0x36: {  	[tilespmem:$0x1E80] =	vst v1  }
0x37: {  	[tilespmem:$0x1E90] =	vst v1  }
0x38: {  	[tilespmem:$0x1EA0] =	vst v1  }
0x39: {  	[tilespmem:$0x1EB0] =	vst v1  }
0x3a: {  	[tilespmem:$0x1EC0] =	vst v1  }
0x3b: {  	[tilespmem:$0x1ED0] =	vst v1  }
0x3c: {  	[tilespmem:$0x1EE0] =	vst v1  }
0x3d: {  	[tilespmem:$0x1EF0] =	vst v1  }
0x3e: {  	[tilespmem:$0x1F00] =	vst v1  }
0x3f: {  	[tilespmem:$0x1F10] =	vst v1  }
0x40: {  	[tilespmem:$0x1F20] =	vst v1  }
0x41: {  	[tilespmem:$0x1F30] =	vst v1  }
0x42: {  	[tilespmem:$0x1F40] =	vst v1  }
0x43: {  	[tilespmem:$0x1F50] =	vst v1  }
0x44: {  	[tilespmem:$0x1F60] =	vst v1  }
0x45: {  	[tilespmem:$0x1F70] =	vst v1  }
0x46: {  	[tilespmem:$0x1F80] =	vst v1  }
0x47: {  	[tilespmem:$0x1F90] =	vst v1  }
0x48: {  	[tilespmem:$0x1FA0] =	vst v1  }
0x49: {  	[tilespmem:$0x1FB0] =	vst v1  }
0x4a: {  	[tilespmem:$0x1FC0] =	vst v1  }
0x4b: {  	[tilespmem:$0x1FD0] =	vst v1  }
0x4c: {  	[tilespmem:$0x1FE0] =	vst v1  }
0x4d: {  	[tilespmem:$0x1FF0] =	vst v1  }
0x4e: {  	[tilespmem:$0x2000] =	vst v1  }
0x4f: {  	[tilespmem:$0x2010] =	vst v1  }
0x50: {  	[tilespmem:$0x2020] =	vst v1  }
0x51: {  	[tilespmem:$0x2030] =	vst v1  }
0x52: {  	[tilespmem:$0x2040] =	vst v1  }
0x53: {  	[tilespmem:$0x2050] =	vst v1  }
0x54: {  	[tilespmem:$0x2060] =	vst v1  }
0x55: {  	[tilespmem:$0x2070] =	vst v1  }
0x56: {  	[spmem:s4] =	stream.linear.scatter [tilespmem:s9], [sflag:$0x1], $0x400, $0x38;
	[tilespmem:$0x2480] =	vst v63  }
0x57: {  	_ =	swait.ge [sflag:s10], $0x400  }
0x58: {  	[sflag:s10] =	ssyncset.done $0x0  }
0x59: {  	[sflag:s10] =	ssyncadd.s32 $0xFFFFFC00  }
0x5a: {  	[bflag:$0x0] =	sbarrier.arrive $0xFFFF  }
0x5b: {  	[tilespmem:s3], [sflag:$0x1] =	stream.linear.gather [hbm4b:s5+s3], $0x1A80, $0x38;
	[tilespmem:$0x2480] =	vst v63  }
0x5c: {  	_ =	swait.ge [sflag:s10], $0x1A80  }
0x5d: {  	[sflag:s10] =	ssyncset.done $0x0  }
0x5e: {  	s18 =	simm.s32 $0x0;
	[sflag:s10] =	ssyncadd.s32 $0xFFFFE580  }
0x5f: {  	[spmem:s2] =	stream.indirect.scatter.add.f32 [tilespmem:s12], [sflag:$0x1], $0x1, s18, s11, $0xb8;
	[tilespmem:$0x2480] =	vst v63  }
0x60: {  	_ =	swait.ge [sflag:s10], $0x60  }
0x61: {  	s18 =	simm.s32 $0x200;
	[sflag:s10] =	ssyncset.done $0x0  }
.LBB2_2:
0x62: {  	s19 =	sshra.s32 s18, $0x2;
	[sflag:s10] =	ssyncadd.s32 $0xFFFFFFA0;
	p0 =	sne.s32 s18, $0x6800  }
0x63: {  	[spmem:s2] =	stream.indirect.scatter.add.f32 [tilespmem:s12], [sflag:$0x1], $0x1, s19, s11, $0xb8;
	[tilespmem:$0x2480] =	vst v63  }
.Ltmp0:
0x64: {  	_ = 	snop;
	(pc) =	sbr.rel @p0 .LBB2_2-.Ltmp0, $4  }
0x65: {  	_ = 	snop  }
0x66: {  	s18 =	sadd.s32 $0x200, s18  }
0x67: {  	_ =	swait.ge [sflag:s10], $0x60  }
0x68: {  	[sflag:s10] =	ssyncset.done $0x0  }
0x69: {  	[sflag:s10] =	ssyncadd.s32 $0xFFFFFFA0;
	s18 =	simm.s32 $0x0  }
0x6a: {  	[tilespmem:s18], [sflag:$0x1] =	stream.linear.gather [hbm4b:s6+s18], $0x1A80, $0x38;
	[tilespmem:$0x2480] =	vst v63  }
0x6b: {  	_ =	swait.ge [sflag:s10], $0x1A80  }
0x6c: {  	[sflag:s10] =	ssyncset.done $0x0  }
0x6d: {  	s31 =	simm.s32 $0x0;
	[sflag:s10] =	ssyncadd.s32 $0xFFFFE580  }
0x6e: {  	[spmem:s2] =	stream.indirect.scatter.add.f32 [tilespmem:s12], [sflag:$0x1], $0x1, s31, s11, $0xb8;
	[tilespmem:$0x2480] =	vst v63  }
0x6f: {  	_ =	swait.ge [sflag:s10], $0x60  }
0x70: {  	s18 =	simm.s32 $0x200;
	[sflag:s10] =	ssyncset.done $0x0  }
.LBB2_4:
0x71: {  	s19 =	sshra.s32 s18, $0x2;
	[sflag:s10] =	ssyncadd.s32 $0xFFFFFFA0;
	p0 =	sne.s32 s18, $0x6800  }
0x72: {  	[spmem:s2] =	stream.indirect.scatter.add.f32 [tilespmem:s12], [sflag:$0x1], $0x1, s19, s11, $0xb8;
	[tilespmem:$0x2480] =	vst v63  }
.Ltmp1:
0x73: {  	_ = 	snop;
	(pc) =	sbr.rel @p0 .LBB2_4-.Ltmp1, $4  }
0x74: {  	_ = 	snop  }
0x75: {  	s18 =	sadd.s32 $0x200, s18  }
0x76: {  	_ =	swait.ge [sflag:s10], $0x60  }
0x77: {  	[sflag:s10] =	ssyncset.done $0x0  }
0x78: {  	s17 =	sadd.s32 $0x1, s17  }
0x79: {  	[sflag:s10] =	ssyncadd.s32 $0xFFFFFFA0;
	p0 =	sne.s32 s17, s8  }
.Ltmp2:
0x7a: {  	[bflag:$0x0] =	sbarrier.arrive $0xFFFF;
	(pc) =	sbr.rel @p0 .LBB2_1-.Ltmp2, $4  }
0x7b: {  	[hbm:s7@s15], [sflag:s13] =	dma.strided [spmem:s14@s16], $0x80, s10, $0x10   }
0x7c: {  	_ =	swait.ge [sflag:s10], $0x80  }
0x7d: {  	[sflag:s10] =	ssyncset.done $0x0  }
0x7e: {  	[sflag:s10] =	ssyncadd.s32 $0xFFFFFF80  }
0x7f: {  	_ =	sfence.sel $0x180000  }
0x80: {  	[bflag:$0x0] =	sbarrier.arrive $0xFFFF  }
0x81: {  	p0 =	sne.s32 s1, $0x0;
	_ =	strace $0x90000047  }
0x82: {  	s0 =	sadd.s32 @!p0 $0x100000, s0;
	[bflag:$0x2] =	sbarrier.arrive $0xFFFF  }
0x83: {  	[sflag:s0] =	ssyncadd.tile.s32 @!p0 $0x1;
	_ =	shalt  }
.Lfunc_end2:
_tile_overlayer_lowered:
.L_overlay_start_2:
0x84: {  	(tag) =	ssettag $0x2  }
0x85: {  	s0 =	rddreg [dreg:$0x0];
	s2 =	stileid.u32  }
0x86: {  	s1 =	rddreg [dreg:$0x1];
	p0 =	sne.s32 s2, $0x0  }
0x87: {  	s3 =	rddreg [dreg:$0x2];
	[bflag:$0x3] =	sbarrier.arrive $0xFFFF;
	s2 =	simm.s32 @!p0 $0x1C01  }
0x88: {  	[timem:s3], [sflag:s2] =	dma.local @!p0 [hbm:s0], s1  }
0x89: {  	s0 =	simm.s32 @!p0 $0x1  }
0x8a: {  	_ =	swait.ge @!p0 [sflag:s0], s1  }
0x8b: {  	s1 =	ssub.s32 @!p0 $0x0, s1;
	[sflag:s0] =	ssyncset.done @!p0 $0x0  }
0x8c: {  	[sflag:s0] =	ssyncadd.s32 @!p0 s1  }
0x8d: {  	[bflag:$0x3] =	sbarrier.arrive $0xFFFF  }
0x8e: {  	_ =	shalt  }

// kernel: kernel.13.cloned.1.call-start
scs
__scs_entry_jumppad:
0x0: {  	(pc) =	sbr.rel $0x88, $3  }
0x1: {  	(tag) =	ssettag $0x0;
	lr =	simm.s32 $0x1  }
0x2: {  	[smem:$0x3F9B] =	sst lr;
	_ =	strace $0xD0000000  }
0x3: {  	_ = 	snop  }
0x4: {  	_ = 	snop  }
0x5: {  	_ = 	snop  }
0x6: {  	_ = 	snop  }
0x7: {  	_ = 	snop  }
__scs_overlays_trampoline_lowered:
0x8: {  	[smem:$0x3FAA] =	sst s0  }
0x9: {  	[smem:$0x3FAB] =	sst s1  }
0xa: {  	[smem:$0x3FAC] =	sst s2  }
0xb: {  	[smem:$0x3FAD] =	sst s3  }
0xc: {  	[smem:$0x3FAE] =	sst s4  }
0xd: {  	[smem:$0x3FAF] =	sst s5  }
0xe: {  	[smem:$0x3FB0] =	sst s6  }
0xf: {  	[smem:$0x3FB1] =	sst s7  }
0x10: {  	[smem:$0x3FB2] =	sst s8  }
0x11: {  	[smem:$0x3FB3] =	sst s9;
	s0 =	simm.s32 @!p0 $0x0  }
0x12: {  	s1 =	sld [smem:$0x3F99];
	s0 =	simm.s32 @p0 $0x1  }
0x13: {  	[smem:$0x3FB4] =	sst s0;
	s0 =	simm.s32 @!p1 $0x0  }
0x14: {  	s2 =	sld [smem:$0x3F98];
	s0 =	simm.s32 @p1 $0x1  }
0x15: {  	[smem:$0x3FB5] =	sst s0;
	s0 =	simm.s32 @!p2 $0x0  }
0x16: {  	s3 =	sld [smem:$0x3FDB];
	s0 =	simm.s32 @p2 $0x1  }
0x17: {  	s4 =	simm.s32 $0x1BF5;
	[smem:$0x3FB7] =	sst s0  }
0x18: {  	s0 =	sld [smem:$0x3F9A];
	_ =	swait.ge [sflag:s4], $0x0  }
0x19: {  	s7 =	sld [smem:$0x3F9B]  }
0x1a: {  	s8 =	sadd.s32 $0xFFFFE003, lr  }
0x1b: {  	s9 =	sadd.s32 $0xFFFFFEF7, lr;
	s5 =	simm.s32 $0xFFFFFFFF;
	p2 =	slt.u32 s8, $0xFFFFF086  }
0x1c: {  	p1 =	slt.u32 s9, $0xF7A;
	s5 =	simm.s32 @!p2 $0x0  }
0x1d: {  	s5 =	simm.s32 @p1 $0x1;
	p0 =	seq.s32 s7, s2  }
0x1e: {  	s7 =	smul.u32 @!p0 $0xF7A, s2;
	p2 =	seq.s32 @!p0 s5, $0x0  }
0x1f: {  	s9 =	smul.u32 $0xF7A, s1;
	s8 =	simm.s32 @!p0 $0x1BF5;
	p2 =	por !p2, p0  }
0x20: {  	[sflag:s8] =	ssyncset.s32 @!p0 $0xFFFFF086;
	s6 =	sadd.s32 @!p0 s3, s7;
	s7 =	simm.s32 @!p0 $0x108  }
0x21: {  	s3 =	sadd.s32 s3, s9;
	s6 =	sadd.s32 @!p0 $0x88, s6;
	s7 =	simm.s32 @p2 $0x1082  }
0x22: {  	[simem:s7], [sflag:s8] =	dma.local @!p0 [hbm:s6], $0xF7A  }
0x23: {  	s9 =	sor.u32 $0xD0000000, s2;
	s6 =	simm.s32 $0x108;
	_ =	swait.ge @!p0 [sflag:s8], $0x0  }
0x24: {  	s3 =	sadd.s32 $0x88, s3;
	s6 =	simm.s32 @!p1 $0x1082;
	[sflag:s4] =	ssyncset.s32 $0xFFFFF086  }
0x25: {  	[simem:s6], [sflag:s4] =	dma.local [hbm:s3], $0xF7A  }
0x26: {  	[smem:$0x3F9B] =	sst s1;
	(tag) =	ssettag s2;
	_ =	strace s9  }
0x27: {  	s1 =	sld [smem:$0x3FAB]  }
0x28: {  	s2 =	sld [smem:$0x3FAC]  }
0x29: {  	s4 =	sld [smem:$0x3FAE]  }
0x2a: {  	p0 =	seq.s32 s5, $0x0;
	s5 =	sld [smem:$0x3FAF]  }
0x2b: {  	s6 =	sld [smem:$0x3FB0]  }
0x2c: {  	s7 =	sld [smem:$0x3FB1]  }
0x2d: {  	s3 =	simm.s32 $0x108;
	s8 =	sld [smem:$0x3FB2]  }
0x2e: {  	s3 =	simm.s32 @!p0 $0x1082;
	s9 =	sld [smem:$0x3FB3]  }
0x2f: {  	lr =	sadd.s32 s0, s3;
	s0 =	sld [smem:$0x3FAA]  }
0x30: {  	s3 =	sld [smem:$0x3FAD]  }
0x31: {  	[smem:$0x3FB6] =	sst s10  }
0x32: {  	s10 =	sld [smem:$0x3FB4];
	_ =	sdelay $0x3  }
0x33: {  	p0 =	seq.s32 s10, $0x1;
	s10 =	sld [smem:$0x3FB6];
	_ =	sdelay $0x3  }
0x34: {  	[smem:$0x3FB6] =	sst s10  }
0x35: {  	s10 =	sld [smem:$0x3FB5];
	_ =	sdelay $0x3  }
0x36: {  	p1 =	seq.s32 s10, $0x1;
	s10 =	sld [smem:$0x3FB6];
	_ =	sdelay $0x3  }
0x37: {  	[smem:$0x3FB6] =	sst s10  }
0x38: {  	s10 =	sld [smem:$0x3FB7]  }
0x39: {  	_ = 	snop;
	(pc) =	sbr.ind lr, $3  }
0x3a: {  	_ = 	snop  }
0x3b: {  	_ = 	snop  }
0x3c: {  	p2 =	seq.s32 s10, $0x1;
	s10 =	sld [smem:$0x3FB6]  }
0x3d: {  	_ =	shalt  }
0x3e: {  	_ =	shalt  }
0x3f: {  	_ =	shalt  }
0x40: {  	_ =	shalt  }
0x41: {  	_ =	shalt  }
0x42: {  	_ =	shalt  }
0x43: {  	_ =	shalt  }
0x44: {  	_ =	shalt  }
0x45: {  	_ =	shalt  }
0x46: {  	_ =	shalt  }
0x47: {  	_ =	shalt  }
0x48: {  	_ =	shalt  }
0x49: {  	_ =	shalt  }
0x4a: {  	_ =	shalt  }
0x4b: {  	_ =	shalt  }
0x4c: {  	_ =	shalt  }
0x4d: {  	_ =	shalt  }
0x4e: {  	_ =	shalt  }
0x4f: {  	_ =	shalt  }
0x50: {  	_ =	shalt  }
0x51: {  	_ =	shalt  }
0x52: {  	_ =	shalt  }
0x53: {  	_ =	shalt  }
0x54: {  	_ =	shalt  }
0x55: {  	_ =	shalt  }
0x56: {  	_ =	shalt  }
0x57: {  	_ =	shalt  }
0x58: {  	_ =	shalt  }
0x59: {  	_ =	shalt  }
0x5a: {  	_ =	shalt  }
0x5b: {  	_ =	shalt  }
0x5c: {  	_ =	shalt  }
0x5d: {  	_ =	shalt  }
0x5e: {  	_ =	shalt  }
0x5f: {  	_ =	shalt  }
0x60: {  	_ =	shalt  }
0x61: {  	_ =	shalt  }
0x62: {  	_ =	shalt  }
0x63: {  	_ =	shalt  }
0x64: {  	_ =	shalt  }
0x65: {  	_ =	shalt  }
0x66: {  	_ =	shalt  }
0x67: {  	_ =	shalt  }
0x68: {  	_ =	shalt  }
0x69: {  	_ =	shalt  }
0x6a: {  	_ =	shalt  }
0x6b: {  	_ =	shalt  }
0x6c: {  	_ =	shalt  }
0x6d: {  	_ =	shalt  }
0x6e: {  	_ =	shalt  }
0x6f: {  	_ =	shalt  }
0x70: {  	_ =	shalt  }
0x71: {  	_ =	shalt  }
0x72: {  	_ =	shalt  }
0x73: {  	_ =	shalt  }
0x74: {  	_ =	shalt  }
0x75: {  	_ =	shalt  }
0x76: {  	_ =	shalt  }
0x77: {  	_ =	shalt  }
0x78: {  	_ =	shalt  }
0x79: {  	_ =	shalt  }
0x7a: {  	_ =	shalt  }
0x7b: {  	_ =	shalt  }
0x7c: {  	_ =	shalt  }
0x7d: {  	_ =	shalt  }
0x7e: {  	_ =	shalt  }
0x7f: {  	_ =	shalt  }
0x80: {  	_ =	shalt  }
0x81: {  	_ =	shalt  }
0x82: {  	_ =	shalt  }
0x83: {  	_ =	shalt  }
0x84: {  	_ =	shalt  }
0x85: {  	_ =	shalt  }
0x86: {  	_ =	shalt  }
0x87: {  	_ =	shalt  }
.Lfunc_end0:
.L_simem_size_0:
called_computation.1_lowered:
.L_overlay_start_0:
0x88: {  	s2 =	sld [smem:$0x3FD9]  }
0x89: {  	s3 =	sld [smem:$0x3FFE];
	_ =	sdelay $0x1  }
0x8a: {  	s1 =	srdreg.scid  }
0x8b: {  	s0 =	sand.u32 $0x1, s1  }
0x8c: {  	s17 =	sshll.u32 s0, $0xA;
	s2 =	sadd.s32 s3, s2  }
0x8d: {  	s2 =	sadd.s32 s2, s17  }
0x8e: {  	[smem:$0x3FC2] =	sst s2  }
0x8f: {  	_ = 	snop  }
0x90: {  	s2 =	sld [smem:$0x3FD0];
	(tm) =	ssettm $0x1  }
0x91: {  	s18 =	sld [smem:$0x3FFB];
	_ =	sdelay $0x3  }
0x92: {  	_ =	strace s18  }
0x93: {  	s3 =	sld [smem:$0x3FFC];
	_ =	sdelay $0x3  }
0x94: {  	_ =	strace s3  }
0x95: {  	s3 =	sld [smem:$0x3FFD];
	_ =	sdelay $0x3  }
0x96: {  	_ =	strace s3  }
0x97: {  	_ =	strace $0x8FFFFFFF  }
0x98: {  	s19 =	sld [smem:$0x3FDB];
	_ =	sdelay $0x1  }
0x99: {  	s4 =	simm.s32 $_scs_section_size  }
0x9a: {  	s5 =	simm.s32 $_size__tile_overlayer_lowered;
	s6 =	simm.s32 $_tile_overlayer_lowered  }
0x9b: {  	s22 =	simm.s32 $0x1BFF;
	s21 =	sshll.u32 s6, $0x1;
	s3 =	sadd.s32 s4, s19  }
0x9c: {  	s7 =	simm.s32 $0x0;
	s20 =	sshll.u32 s5, $0x1;
	s5 =	sadd.s32 s21, s3  }
0x9d: {  	[timem:s7], [sflag:s22] =	dma.local [hbm:s5], s20  }
0x9e: {  	_ =	swait.ge [sflag:s22], s20  }
0x9f: {  	s4 =	ssub.s32 $0x0, s20;
	[sflag:s22] =	ssyncset.done $0x0  }
0xa0: {  	[sflag:s22] =	ssyncadd.s32 s4;
	_ =	sdelay $0x1  }
0xa1: {  	s23 =	simm.s32 $0x1B8B  }
0xa2: {  	_ =	swait.ge [sflag:s23], $0x1  }
0xa3: {  	[sflag:s23] =	ssyncset.done $0x0  }
0xa4: {  	s25 =	simm.s32 $0x1B8E;
	s24 =	sld [smem:$0x3FFE];
	[sflag:s23] =	ssyncadd.s32 $0xFFFFFFFF  }
0xa5: {  	s26 =	simm.s32 $execute0_lowered;
	[smem:$0x3FD2] =	sst s25  }
0xa6: {  	s5 =	sshll.u32 s26, $0x1;
	_ =	strace $0x80000049;
	[dreg:$0x1] =	wrdreg $0xFFFFFFFF  }
0xa7: {  	s28 =	simm.s32 $_size_execute0_lowered;
	s3 =	sadd.s32 s3, s5;
	[dreg:$0x0] =	wrdreg $0x0  }
0xa8: {  	s5 =	sshll.u32 s28, $0x1;
	[dreg:$0x2] =	wrdreg s3  }
0xa9: {  	[dreg:$0x3] =	wrdreg s5  }
0xaa: {  	[dreg:$0x4] =	wrdreg $0xC0  }
0xab: {  	_ =	task [dreg:s7], $0x5FFFF  }
0xac: {  	[dreg:$0x1] =	wrdreg $0xFFFFFFFF  }
0xad: {  	[dreg:$0x0] =	wrdreg $0x60  }
0xae: {  	[dreg:$0x2] =	wrdreg s2  }
0xaf: {  	[dreg:$0x3] =	wrdreg s24  }
0xb0: {  	[dreg:$0x4] =	wrdreg $0xC0000  }
0xb1: {  	[dreg:$0x5] =	wrdreg $0x9  }
0xb2: {  	_ =	task.clear_ibuf [dreg:s7], $0x6FFFF;
	_ =	strace $0x90000049  }
0xb3: {  	s29 =	simm.s32 $0x9;
	_ =	strace $0x8000004B  }
0xb4: {  	_ =	swait.ge [sflag:s29], $0x1  }
0xb5: {  	[sflag:s29] =	ssyncadd.s32 $0xFFFFFFFF  }
0xb6: {  	_ =	strace $0x9000004B  }
0xb7: {  	_ =	sfence  }
0xb8: {  	s30 =	sld [smem:$0x0];
	_ =	sdelay $0x2  }
0xb9: {  	s31 =	sshll.u32 s1, $0xD;
	s1 =	sshrl.u32 s1, $0x2  }
0xba: {  	s3 =	sand.u32 $0x4000, s31;
	s1 =	sadd.s32 s1, s30  }
0xbb: {  	s0 =	sor.u32 s3, s0;
	s1 =	sshll.u32 s1, $0x11  }
0xbc: {  	s0 =	sor.u32 s1, s0  }
0xbd: {  	s0 =	sadd.s32 $0x8F2B, s0  }
0xbe: {  	[sflag:s0] =	ssyncadd.remote.s32 $0x1  }
0xbf: {  	_ =	sfence.sel $0xFFFF  }
0xc0: {  	[dreg:$0x0] =	wrdreg $0xFFFFFFFF;
	(pc) =	sbr.abs _section_cstart, $3  }
0xc1: {  	[dreg:$0x1] =	wrdreg $0xFFFFFFFF  }
0xc2: {  	_ =	task.clear_ibuf [dreg:s7], $0x2FFFF;
	_ =	strace $0x9FFFFFFF  }
0xc3: {  	(tm) =	ssettm $0x7FFFFFFF  }
tec
execute0_lowered:
.L_overlay_start_1:
0x0: {  	(tag) =	ssettag $0x1  }
0x1: {  	s0 =	rddreg [dreg:$0x0]  }
0x2: {  	s1 =	rddreg [dreg:$0x1];
	s2 =	srdreg.scid  }
0x3: {  	s3 =	rddreg [dreg:$0x2];
	s18 =	stileid.u32  }
0x4: {  	s4 =	simm.s32 $0x0;
	s28 =	simm.s32 $0x9000;
	s29 =	simm.s32 $0x1  }
0x5: {  	s30 =	simm.s32 $0x2;
	s31 =	simm.s32 $0x3;
	s2 =	sand.u32 $0x1, s2  }
0x6: {  	s6 =	smul.u32 $0x13C00, s18;
	[smem:$0x7FF] =	sst s4;
	s13 =	sadd.s32 $0x1A800, s1  }
0x7: {  	s26 =	sadd.s32 $0x10800, s1;
	s8 =	sadd.s32 $0x2800, s1;
	s15 =	smul.u32 $0x4F000, s18  }
0x8: {  	p4 =	sne.s32 s18, $0xF;
	p0 =	seq.s32 s18, $0xF;
	s9 =	smul.u32 $0x2780, s18  }
0x9: {  	s17 =	sadd.s32 $0x128400, s3;
	s16 =	sshll.u32 s18, $0x2;
	s19 =	sshrl.u32 s18, $0x1  }
0xa: {  	s25 =	sshll.u32 s18, $0x6;
	s5 =	smul.u32 $0x13C000, s2;
	_ =	strace $0x8000004A  }
0xb: {  	s7 =	ssub.s32 $0x2, s2;
	p2 =	seq.s32 s2, $0x0;
	p3 =	seq.s32 s2, $0x1  }
0xc: {  	s2 =	sshll.u32 s2, $0x1;
	[dreg:$0x4] =	wrdreg s13;
	s14 =	sshrl.u32 s7, $0x1  }
0xd: {  	p1 =	por !p2, !p4;
	p2 =	por !p2, !p0;
	s10 =	sadd.s32 s0, s9  }
0xe: {  	p4 =	por !p4, !p3;
	s2 =	sor.u32 s2, s16;
	s9 =	sadd.s32 s13, s9  }
0xf: {  	s16 =	simm.s32 $0x4;
	s5 =	sadd.s32 s6, s5;
	p1 =	por !p1, !p1  }
0x10: {  	p2 =	por !p2, !p2;
	[dreg:$0x5] =	wrdreg s10;
	p4 =	por !p4, !p4  }
0x11: {  	s10 =	smul.u32 $0xA000, s19;
	s11 =	sshll.u32 s2, $0x7;
	s12 =	sor.u32 $0x1, s2  }
0x12: {  	[dreg:$0x6] =	wrdreg s9;
	s2 =	smul.u32 $0x380, s2;
	s6 =	simm.s32 $0x2C80  }
0x13: {  	s19 =	simm.s32 $0x1380;
	s5 =	sshrl.u32 s5, $0x3;
	s20 =	sand.u32 $0x300, s11  }
0x14: {  	s21 =	sshll.u32 s12, $0x7;
	s22 =	smul.u32 $0x380, s12;
	s1 =	sadd.s32 s5, s1  }
0x15: {  	s5 =	ssub.s32 s7, s14;
	s7 =	sshrl.u32 s15, $0x2;
	s9 =	sor.u32 s10, s20  }
0x16: {  	s11 =	sand.u32 $0x380, s21;
	s2 =	sadd.s32 s8, s2;
	s14 =	sor.u32 $0x1C04, s25  }
0x17: {  	s20 =	simm.s32 $0x80;
	s21 =	simm.s32 $0x400;
	s25 =	simm.s32 $0x6000  }
0x18: {  	s7 =	sadd.s32 s7, s3;
	s9 =	sshrl.u32 s9, $0x3;
	s10 =	sor.u32 s10, s11  }
0x19: {  	[dreg:$0x8] =	wrdreg s2;
	s24 =	sadd.s32 s8, s22;
	s12 =	sadd.s32 $0x41A00, s1  }
0x1a: {  	s13 =	smax.u32 s5, $0x1;
	s1 =	sshll.u32 @p4 s18, $0x6;
	s22 =	simm.s32 $0x1400  }
0x1b: {  	s5 =	simm.s32 $0x2D00;
	s9 =	sadd.s32 s26, s9;
	[dreg:$0xa] =	wrdreg s24  }
0x1c: {  	s23 =	sshrl.u32 s10, $0x3;
	s1 =	sor.u32 @p4 $0x1C04, s1;
	[dreg:$0x7] =	wrdreg s9  }
0x1d: {  	s15 =	sshrl.u32 s7, $0x3;
	s2 =	sadd.s32 s26, s23;
	[dreg:$0xb] =	wrdreg s1  }
0x1e: {  	s24 =	simm.s32 $0x3000;
	s1 =	sshrl.u32 @p4 s7, $0x3;
	[dreg:$0x9] =	wrdreg s2  }
0x1f: {  	s26 =	sshrl.u32 s17, $0x3;
	s23 =	simm.s32 $0x60;
	[dreg:$0xc] =	wrdreg s1  }
0x20: {  	s7 =	simm.s32 $0x2D80;
	s17 =	simm.s32 $0x2E00;
	[dreg:$0xd] =	wrdreg s26  }
0x21: {  	s26 =	simm.s32 $0xC0;
	s1 =	simm.s32 $0x2C00;
	s2 =	simm.s32 $0x1320  }
.LBB2_1:
.Ltmp0:
0x22: {  	(pc) =	sbr.rel @!p1 .LBB2_3-.Ltmp0, $1  }
0x23: {  	_ =	sdelay $0x3  }
.Ltmp1:
0x24: {  	s8 =	rddreg [dreg:$0x5];
	(pc) =	sbr.rel .LBB2_4-.Ltmp1, $4  }
0x25: {  	[spmem:s15], [sflag:s14] =	dma.local [hbm:s8], $0x2780  }
0x26: {  	_ =	swait.ge [sflag:s16], $0x2780  }
0x27: {  	[sflag:s16] =	ssyncset.done $0x0  }
0x28: {  	p5 =	por $0x0, $0x0;
	[sflag:s16] =	ssyncadd.s32 $0xFFFFD880  }
.LBB2_3:
.Ltmp2:
0x29: {  	(pc) =	sbr.rel @p2 .LBB2_5-.Ltmp2, $2  }
0x2a: {  	_ =	sdelay $0x2  }
0x2b: {  	s9 =	simm.s32 $0xF;
	p5 =	por p0, p0;
	s8 =	smov.u32 s0  }
.LBB2_4:
0x2c: {  	s8 =	rddreg [dreg:$0x6]  }
0x2d: {  	s9 =	rddreg [dreg:$0xb]  }
0x2e: {  	s10 =	rddreg [dreg:$0xc];
	p6 =	por @p4 $0x1, $0x1  }
0x2f: {  	[spmem:s10], [sflag:s9] =	dma.local @p4 [hbm:s8], $0x2780  }
0x30: {  	p6 =	por @!p4 p3, p3  }
0x31: {  	p5 =	por !p6, !p5  }
0x32: {  	p5 =	por !p5, !p5  }
.Ltmp3:
0x33: {  	_ = 	snop;
	(pc) =	sbr.rel @!p5 .LBB2_6-.Ltmp3, $4  }
0x34: {  	s8 =	simm.s32 @p4 $0x4  }
0x35: {  	_ =	swait.ge @p4 [sflag:s8], $0x2780  }
0x36: {  	[sflag:s8] =	ssyncset.done @p4 $0x0  }
0x37: {  	s9 =	stileid.u32;
	[sflag:s8] =	ssyncadd.s32 @p4 $0xFFFFD880;
	s8 =	rddreg [dreg:$0x4]  }
.LBB2_5:
0x38: {  	s9 =	sshll.u32 s9, $0x6  }
0x39: {  	s8 =	sadd.s32 $0x25080, s8;
	s10 =	rddreg [dreg:$0xd];
	s9 =	sor.u32 $0x1C04, s9  }
0x3a: {  	[spmem:s10], [sflag:s9] =	dma.local [hbm:s8], $0x2080  }
0x3b: {  	_ =	swait.ge [sflag:s16], $0x2080  }
0x3c: {  	[sflag:s16] =	ssyncset.done $0x0  }
0x3d: {  	[sflag:s16] =	ssyncadd.s32 $0xFFFFDF80  }
.LBB2_6:
0x3e: {  	[bflag:$0x0] =	sbarrier.arrive $0xFFFF  }
0x3f: {  	s8 =	simm.s32 $0x0;
	s9 =	rddreg [dreg:$0x7]  }
0x40: {  	[tilespmem:s8], [sflag:$0x4] =	stream.strided.gather [hbm4b:s9+s20], $0x1400, s21, s20, $0x38;
	[tilespmem:$0x1FC00] =	vst v63  }
0x41: {  	_ =	swait.ge [sflag:s16], $0x1400  }
0x42: {  	[sflag:s16] =	ssyncset.done $0x0  }
0x43: {  	s11 =	rddreg [dreg:$0x8];
	[sflag:s16] =	ssyncadd.s32 $0xFFFFEC00  }
0x44: {  	[tilespmem:s22], [sflag:$0x4] =	stream.linear.gather [hbm4b:s11+s8], $0x1A80, $0x38;
	[tilespmem:$0x1FC00] =	vst v63  }
0x45: {  	_ =	swait.ge [sflag:s16], $0x1A80  }
0x46: {  	[sflag:s16] =	ssyncset.done $0x0  }
0x47: {  	[sflag:s16] =	ssyncadd.s32 $0xFFFFE580  }
0x48: {  	[tilespmem:s24], [sflag:$0x1] =	stream.indirect.gather [hbm4b:s0+s23], $0x80, s8, s23, $0xb8;
	[tilespmem:$0x1FC00] =	vst v63  }
0x49: {  	_ = 	snop  }
0x4a: {  	[tilespmem:s25], [sflag:$0x2] =	stream.indirect.gather [hbm4b:s0+s23], $0x80, s23, s23, $0xb8;
	[tilespmem:$0x1FC00] =	vst v63  }
0x4b: {  	_ = 	snop  }
0x4c: {  	[tilespmem:s28], [sflag:$0x3] =	stream.indirect.gather [hbm4b:s0+s23], $0x80, s26, s23, $0xb8;
	[tilespmem:$0x1FC00] =	vst v63  }
0x4d: {  	_ =	swait.ge [sflag:s29], $0x3000  }
0x4e: {  	[sflag:s29] =	ssyncset.done $0x0  }
0x4f: {  	s18 =	simm.s32 $0x1400;
	[sflag:s29] =	ssyncadd.s32 $0xFFFFD000  }
0x50: {  	[spmem:s3] =	stream.indirect.scatter.add.f32 [tilespmem:s24], [sflag:$0x4], $0x80, s18, s23, $0xb8;
	[tilespmem:$0x1FC00] =	vst v63  }
0x51: {  	_ =	swait.ge [sflag:s16], $0x3000  }
0x52: {  	[sflag:s16] =	ssyncset.done $0x0  }
0x53: {  	s9 =	simm.s32 $0x120;
	[sflag:s16] =	ssyncadd.s32 $0xFFFFD000  }
0x54: {  	[tilespmem:s24], [sflag:$0x1] =	stream.indirect.gather [hbm4b:s0+s23], $0x80, s9, s23, $0xb8;
	[tilespmem:$0x1FC00] =	vst v63  }
0x55: {  	_ =	swait.ge [sflag:s30], $0x3000  }
0x56: {  	[sflag:s30] =	ssyncset.done $0x0  }
0x57: {  	s10 =	simm.s32 $0x1480;
	[sflag:s30] =	ssyncadd.s32 $0xFFFFD000  }
0x58: {  	[spmem:s3] =	stream.indirect.scatter.add.f32 [tilespmem:s25], [sflag:$0x4], $0x80, s10, s23, $0xb8;
	[tilespmem:$0x1FC00] =	vst v63  }
0x59: {  	_ =	swait.ge [sflag:s16], $0x3000  }
0x5a: {  	[sflag:s16] =	ssyncset.done $0x0  }
0x5b: {  	s11 =	simm.s32 $0x180;
	[sflag:s16] =	ssyncadd.s32 $0xFFFFD000  }
0x5c: {  	[tilespmem:s25], [sflag:$0x2] =	stream.indirect.gather [hbm4b:s0+s23], $0x80, s11, s23, $0xb8;
	[tilespmem:$0x1FC00] =	vst v63  }
0x5d: {  	_ =	swait.ge [sflag:s31], $0x3000  }
0x5e: {  	[sflag:s31] =	ssyncset.done $0x0  }
0x5f: {  	s18 =	simm.s32 $0x1500;
	[sflag:s31] =	ssyncadd.s32 $0xFFFFD000  }
0x60: {  	[spmem:s3] =	stream.indirect.scatter.add.f32 [tilespmem:s28], [sflag:$0x4], $0x80, s18, s23, $0xb8;
	[tilespmem:$0x1FC00] =	vst v63  }
0x61: {  	_ =	swait.ge [sflag:s16], $0x3000  }
0x62: {  	s8 =	simm.s32 $0x600;
	[sflag:s16] =	ssyncset.done $0x0  }
0x63: {  	s9 =	simm.s32 $0x300;
	s18 =	simm.s32 $0x1E0;
	[sflag:s16] =	ssyncadd.s32 $0xFFFFD000  }
.LBB2_7:
0x64: {  	[tilespmem:s28], [sflag:$0x3] =	stream.indirect.gather [hbm4b:s0+s23], $0x80, s18, s23, $0xb8;
	[tilespmem:$0x1FC00] =	vst v63  }
0x65: {  	s10 =	smov.u32 s8;
	s18 =	smov.u32 s9  }
0x66: {  	p5 =	sne.s32 s8, $0x5A00;
	s8 =	sadd.s32 $0x600, s8;
	_ =	swait.ge [sflag:s29], $0x3000  }
0x67: {  	s10 =	sshra.s32 s10, $0x2;
	[sflag:s29] =	ssyncset.done $0x0  }
0x68: {  	s11 =	sadd.s32 $0x1400, s10;
	[sflag:s29] =	ssyncadd.s32 $0xFFFFD000  }
0x69: {  	[spmem:s3] =	stream.indirect.scatter.add.f32 [tilespmem:s24], [sflag:$0x4], $0x80, s11, s23, $0xb8;
	[tilespmem:$0x1FC00] =	vst v63  }
0x6a: {  	_ =	swait.ge [sflag:s16], $0x3000  }
0x6b: {  	[sflag:s16] =	ssyncset.done $0x0  }
0x6c: {  	s11 =	sadd.s32 $0xFFFFFF40, s9;
	[sflag:s16] =	ssyncadd.s32 $0xFFFFD000  }
0x6d: {  	[tilespmem:s24], [sflag:$0x1] =	stream.indirect.gather [hbm4b:s0+s23], $0x80, s11, s23, $0xb8;
	[tilespmem:$0x1FC00] =	vst v63  }
0x6e: {  	_ =	swait.ge [sflag:s30], $0x3000  }
0x6f: {  	[sflag:s30] =	ssyncset.done $0x0  }
0x70: {  	s11 =	sadd.s32 $0x1480, s10;
	[sflag:s30] =	ssyncadd.s32 $0xFFFFD000  }
0x71: {  	[spmem:s3] =	stream.indirect.scatter.add.f32 [tilespmem:s25], [sflag:$0x4], $0x80, s11, s23, $0xb8;
	[tilespmem:$0x1FC00] =	vst v63  }
0x72: {  	_ =	swait.ge [sflag:s16], $0x3000  }
0x73: {  	[sflag:s16] =	ssyncset.done $0x0  }
0x74: {  	s11 =	sadd.s32 $0xFFFFFFA0, s9;
	[sflag:s16] =	ssyncadd.s32 $0xFFFFD000  }
0x75: {  	[tilespmem:s25], [sflag:$0x2] =	stream.indirect.gather [hbm4b:s0+s23], $0x80, s11, s23, $0xb8;
	[tilespmem:$0x1FC00] =	vst v63  }
0x76: {  	_ =	swait.ge [sflag:s31], $0x3000  }
0x77: {  	[sflag:s31] =	ssyncset.done $0x0  }
.Ltmp4:
0x78: {  	s10 =	sadd.s32 $0x1500, s10;
	[sflag:s31] =	ssyncadd.s32 $0xFFFFD000;
	(pc) =	sbr.rel @p5 .LBB2_7-.Ltmp4, $4  }
0x79: {  	[spmem:s3] =	stream.indirect.scatter.add.f32 [tilespmem:s28], [sflag:$0x4], $0x80, s10, s23, $0xb8;
	[tilespmem:$0x1FC00] =	vst v63  }
0x7a: {  	_ =	swait.ge [sflag:s16], $0x3000  }
0x7b: {  	[sflag:s16] =	ssyncset.done $0x0  }
0x7c: {  	s9 =	sadd.s32 $0x120, s9;
	[sflag:s16] =	ssyncadd.s32 $0xFFFFD000  }
0x7d: {  	[tilespmem:s28], [sflag:$0x3] =	stream.indirect.gather [hbm4b:s0+s23], $0x80, s18, s23, $0xb8;
	[tilespmem:$0x1FC00] =	vst v63  }
0x7e: {  	_ =	swait.ge [sflag:s29], $0x3000  }
0x7f: {  	[sflag:s29] =	ssyncset.done $0x0  }
0x80: {  	[sflag:s29] =	ssyncadd.s32 $0xFFFFD000  }
0x81: {  	[spmem:s3] =	stream.indirect.scatter.add.f32 [tilespmem:s24], [sflag:$0x4], $0x80, s1, s23, $0xb8;
	[tilespmem:$0x1FC00] =	vst v63  }
0x82: {  	_ =	swait.ge [sflag:s16], $0x3000  }
0x83: {  	[sflag:s16] =	ssyncset.done $0x0  }
0x84: {  	[sflag:s16] =	ssyncadd.s32 $0xFFFFD000  }
0x85: {  	[tilespmem:s24], [sflag:$0x1] =	stream.indirect.gather [hbm4b:s0+s23], $0x80, s2, s23, $0xb8;
	[tilespmem:$0x1FC00] =	vst v63  }
0x86: {  	_ =	swait.ge [sflag:s30], $0x3000  }
0x87: {  	[sflag:s30] =	ssyncset.done $0x0  }
0x88: {  	[sflag:s30] =	ssyncadd.s32 $0xFFFFD000  }
0x89: {  	[spmem:s3] =	stream.indirect.scatter.add.f32 [tilespmem:s25], [sflag:$0x4], $0x80, s6, s23, $0xb8;
	[tilespmem:$0x1FC00] =	vst v63  }
0x8a: {  	_ =	swait.ge [sflag:s16], $0x3000  }
0x8b: {  	[sflag:s16] =	ssyncset.done $0x0  }
0x8c: {  	[sflag:s16] =	ssyncadd.s32 $0xFFFFD000  }
0x8d: {  	[tilespmem:s25], [sflag:$0x2] =	stream.indirect.gather [hbm4b:s0+s23], $0x80, s19, s23, $0xb8;
	[tilespmem:$0x1FC00] =	vst v63  }
0x8e: {  	_ =	swait.ge [sflag:s31], $0x3000  }
0x8f: {  	[sflag:s31] =	ssyncset.done $0x0  }
0x90: {  	[sflag:s31] =	ssyncadd.s32 $0xFFFFD000  }
0x91: {  	[spmem:s3] =	stream.indirect.scatter.add.f32 [tilespmem:s28], [sflag:$0x4], $0x80, s5, s23, $0xb8;
	[tilespmem:$0x1FC00] =	vst v63  }
0x92: {  	_ =	swait.ge [sflag:s16], $0x3000  }
0x93: {  	[sflag:s16] =	ssyncset.done $0x0  }
0x94: {  	[sflag:s16] =	ssyncadd.s32 $0xFFFFD000  }
0x95: {  	_ =	swait.ge [sflag:s29], $0x3000  }
0x96: {  	[sflag:s29] =	ssyncset.done $0x0  }
0x97: {  	[sflag:s29] =	ssyncadd.s32 $0xFFFFD000  }
0x98: {  	[spmem:s3] =	stream.indirect.scatter.add.f32 [tilespmem:s24], [sflag:$0x4], $0x80, s7, s23, $0xb8;
	[tilespmem:$0x1FC00] =	vst v63  }
0x99: {  	_ =	swait.ge [sflag:s16], $0x3000  }
0x9a: {  	[sflag:s16] =	ssyncset.done $0x0  }
0x9b: {  	[sflag:s16] =	ssyncadd.s32 $0xFFFFD000  }
0x9c: {  	_ =	swait.ge [sflag:s30], $0x3000  }
0x9d: {  	[sflag:s30] =	ssyncset.done $0x0  }
0x9e: {  	[sflag:s30] =	ssyncadd.s32 $0xFFFFD000  }
0x9f: {  	[spmem:s3] =	stream.indirect.scatter.add.f32 [tilespmem:s25], [sflag:$0x4], $0x80, s17, s23, $0xb8;
	[tilespmem:$0x1FC00] =	vst v63  }
0xa0: {  	_ =	swait.ge [sflag:s16], $0x3000  }
0xa1: {  	[sflag:s16] =	ssyncset.done $0x0  }
0xa2: {  	s8 =	simm.s32 $0x0;
	s9 =	rddreg [dreg:$0x9];
	[sflag:s16] =	ssyncadd.s32 $0xFFFFD000  }
0xa3: {  	[tilespmem:s8], [sflag:$0x4] =	stream.strided.gather [hbm4b:s9+s20], $0x1400, s21, s20, $0x38;
	[tilespmem:$0x1FC00] =	vst v63  }
0xa4: {  	_ =	swait.ge [sflag:s16], $0x1400  }
0xa5: {  	[sflag:s16] =	ssyncset.done $0x0  }
0xa6: {  	s11 =	rddreg [dreg:$0xa];
	[sflag:s16] =	ssyncadd.s32 $0xFFFFEC00  }
0xa7: {  	[tilespmem:s22], [sflag:$0x4] =	stream.linear.gather [hbm4b:s11+s8], $0x1A80, $0x38;
	[tilespmem:$0x1FC00] =	vst v63  }
0xa8: {  	_ =	swait.ge [sflag:s16], $0x1A80  }
0xa9: {  	[sflag:s16] =	ssyncset.done $0x0  }
0xaa: {  	[sflag:s16] =	ssyncadd.s32 $0xFFFFE580  }
0xab: {  	[tilespmem:s24], [sflag:$0x1] =	stream.indirect.gather [hbm4b:s0+s23], $0x80, s8, s23, $0xb8;
	[tilespmem:$0x1FC00] =	vst v63  }
0xac: {  	_ = 	snop  }
0xad: {  	[tilespmem:s25], [sflag:$0x2] =	stream.indirect.gather [hbm4b:s0+s23], $0x80, s23, s23, $0xb8;
	[tilespmem:$0x1FC00] =	vst v63  }
0xae: {  	_ = 	snop  }
0xaf: {  	[tilespmem:s28], [sflag:$0x3] =	stream.indirect.gather [hbm4b:s0+s23], $0x80, s26, s23, $0xb8;
	[tilespmem:$0x1FC00] =	vst v63  }
0xb0: {  	_ =	swait.ge [sflag:s29], $0x3000  }
0xb1: {  	[sflag:s29] =	ssyncset.done $0x0  }
0xb2: {  	s18 =	simm.s32 $0x1400;
	[sflag:s29] =	ssyncadd.s32 $0xFFFFD000  }
0xb3: {  	[spmem:s3] =	stream.indirect.scatter.add.f32 [tilespmem:s24], [sflag:$0x4], $0x80, s18, s23, $0xb8;
	[tilespmem:$0x1FC00] =	vst v63  }
0xb4: {  	_ =	swait.ge [sflag:s16], $0x3000  }
0xb5: {  	[sflag:s16] =	ssyncset.done $0x0  }
0xb6: {  	s9 =	simm.s32 $0x120;
	[sflag:s16] =	ssyncadd.s32 $0xFFFFD000  }
0xb7: {  	[tilespmem:s24], [sflag:$0x1] =	stream.indirect.gather [hbm4b:s0+s23], $0x80, s9, s23, $0xb8;
	[tilespmem:$0x1FC00] =	vst v63  }
0xb8: {  	_ =	swait.ge [sflag:s30], $0x3000  }
0xb9: {  	[sflag:s30] =	ssyncset.done $0x0  }
0xba: {  	s10 =	simm.s32 $0x1480;
	[sflag:s30] =	ssyncadd.s32 $0xFFFFD000  }
0xbb: {  	[spmem:s3] =	stream.indirect.scatter.add.f32 [tilespmem:s25], [sflag:$0x4], $0x80, s10, s23, $0xb8;
	[tilespmem:$0x1FC00] =	vst v63  }
0xbc: {  	_ =	swait.ge [sflag:s16], $0x3000  }
0xbd: {  	[sflag:s16] =	ssyncset.done $0x0  }
0xbe: {  	s11 =	simm.s32 $0x180;
	[sflag:s16] =	ssyncadd.s32 $0xFFFFD000  }
0xbf: {  	[tilespmem:s25], [sflag:$0x2] =	stream.indirect.gather [hbm4b:s0+s23], $0x80, s11, s23, $0xb8;
	[tilespmem:$0x1FC00] =	vst v63  }
0xc0: {  	_ =	swait.ge [sflag:s31], $0x3000  }
0xc1: {  	[sflag:s31] =	ssyncset.done $0x0  }
0xc2: {  	s18 =	simm.s32 $0x1500;
	[sflag:s31] =	ssyncadd.s32 $0xFFFFD000  }
0xc3: {  	[spmem:s3] =	stream.indirect.scatter.add.f32 [tilespmem:s28], [sflag:$0x4], $0x80, s18, s23, $0xb8;
	[tilespmem:$0x1FC00] =	vst v63  }
0xc4: {  	_ =	swait.ge [sflag:s16], $0x3000  }
0xc5: {  	s8 =	simm.s32 $0x600;
	[sflag:s16] =	ssyncset.done $0x0  }
0xc6: {  	s9 =	simm.s32 $0x300;
	s18 =	simm.s32 $0x1E0;
	[sflag:s16] =	ssyncadd.s32 $0xFFFFD000  }
.LBB2_9:
0xc7: {  	[tilespmem:s28], [sflag:$0x3] =	stream.indirect.gather [hbm4b:s0+s23], $0x80, s18, s23, $0xb8;
	[tilespmem:$0x1FC00] =	vst v63  }
0xc8: {  	s10 =	smov.u32 s8;
	s18 =	smov.u32 s9  }
0xc9: {  	p5 =	sne.s32 s8, $0x5A00;
	s8 =	sadd.s32 $0x600, s8;
	_ =	swait.ge [sflag:s29], $0x3000  }
0xca: {  	s10 =	sshra.s32 s10, $0x2;
	[sflag:s29] =	ssyncset.done $0x0  }
0xcb: {  	s11 =	sadd.s32 $0x1400, s10;
	[sflag:s29] =	ssyncadd.s32 $0xFFFFD000  }
0xcc: {  	[spmem:s3] =	stream.indirect.scatter.add.f32 [tilespmem:s24], [sflag:$0x4], $0x80, s11, s23, $0xb8;
	[tilespmem:$0x1FC00] =	vst v63  }
0xcd: {  	_ =	swait.ge [sflag:s16], $0x3000  }
0xce: {  	[sflag:s16] =	ssyncset.done $0x0  }
0xcf: {  	s11 =	sadd.s32 $0xFFFFFF40, s9;
	[sflag:s16] =	ssyncadd.s32 $0xFFFFD000  }
0xd0: {  	[tilespmem:s24], [sflag:$0x1] =	stream.indirect.gather [hbm4b:s0+s23], $0x80, s11, s23, $0xb8;
	[tilespmem:$0x1FC00] =	vst v63  }
0xd1: {  	_ =	swait.ge [sflag:s30], $0x3000  }
0xd2: {  	[sflag:s30] =	ssyncset.done $0x0  }
0xd3: {  	s11 =	sadd.s32 $0x1480, s10;
	[sflag:s30] =	ssyncadd.s32 $0xFFFFD000  }
0xd4: {  	[spmem:s3] =	stream.indirect.scatter.add.f32 [tilespmem:s25], [sflag:$0x4], $0x80, s11, s23, $0xb8;
	[tilespmem:$0x1FC00] =	vst v63  }
0xd5: {  	_ =	swait.ge [sflag:s16], $0x3000  }
0xd6: {  	[sflag:s16] =	ssyncset.done $0x0  }
0xd7: {  	s11 =	sadd.s32 $0xFFFFFFA0, s9;
	[sflag:s16] =	ssyncadd.s32 $0xFFFFD000  }
0xd8: {  	[tilespmem:s25], [sflag:$0x2] =	stream.indirect.gather [hbm4b:s0+s23], $0x80, s11, s23, $0xb8;
	[tilespmem:$0x1FC00] =	vst v63  }
0xd9: {  	_ =	swait.ge [sflag:s31], $0x3000  }
0xda: {  	[sflag:s31] =	ssyncset.done $0x0  }
.Ltmp5:
0xdb: {  	s10 =	sadd.s32 $0x1500, s10;
	[sflag:s31] =	ssyncadd.s32 $0xFFFFD000;
	(pc) =	sbr.rel @p5 .LBB2_9-.Ltmp5, $4  }
0xdc: {  	[spmem:s3] =	stream.indirect.scatter.add.f32 [tilespmem:s28], [sflag:$0x4], $0x80, s10, s23, $0xb8;
	[tilespmem:$0x1FC00] =	vst v63  }
0xdd: {  	_ =	swait.ge [sflag:s16], $0x3000  }
0xde: {  	[sflag:s16] =	ssyncset.done $0x0  }
0xdf: {  	s9 =	sadd.s32 $0x120, s9;
	[sflag:s16] =	ssyncadd.s32 $0xFFFFD000  }
0xe0: {  	[tilespmem:s28], [sflag:$0x3] =	stream.indirect.gather [hbm4b:s0+s23], $0x80, s18, s23, $0xb8;
	[tilespmem:$0x1FC00] =	vst v63  }
0xe1: {  	_ =	swait.ge [sflag:s29], $0x3000  }
0xe2: {  	[sflag:s29] =	ssyncset.done $0x0  }
0xe3: {  	[sflag:s29] =	ssyncadd.s32 $0xFFFFD000  }
0xe4: {  	[spmem:s3] =	stream.indirect.scatter.add.f32 [tilespmem:s24], [sflag:$0x4], $0x80, s1, s23, $0xb8;
	[tilespmem:$0x1FC00] =	vst v63  }
0xe5: {  	_ =	swait.ge [sflag:s16], $0x3000  }
0xe6: {  	[sflag:s16] =	ssyncset.done $0x0  }
0xe7: {  	[sflag:s16] =	ssyncadd.s32 $0xFFFFD000  }
0xe8: {  	[tilespmem:s24], [sflag:$0x1] =	stream.indirect.gather [hbm4b:s0+s23], $0x80, s2, s23, $0xb8;
	[tilespmem:$0x1FC00] =	vst v63  }
0xe9: {  	_ =	swait.ge [sflag:s30], $0x3000  }
0xea: {  	[sflag:s30] =	ssyncset.done $0x0  }
0xeb: {  	[sflag:s30] =	ssyncadd.s32 $0xFFFFD000  }
0xec: {  	[spmem:s3] =	stream.indirect.scatter.add.f32 [tilespmem:s25], [sflag:$0x4], $0x80, s6, s23, $0xb8;
	[tilespmem:$0x1FC00] =	vst v63  }
0xed: {  	_ =	swait.ge [sflag:s16], $0x3000  }
0xee: {  	[sflag:s16] =	ssyncset.done $0x0  }
0xef: {  	[sflag:s16] =	ssyncadd.s32 $0xFFFFD000  }
0xf0: {  	[tilespmem:s25], [sflag:$0x2] =	stream.indirect.gather [hbm4b:s0+s23], $0x80, s19, s23, $0xb8;
	[tilespmem:$0x1FC00] =	vst v63  }
0xf1: {  	_ =	swait.ge [sflag:s31], $0x3000  }
0xf2: {  	[sflag:s31] =	ssyncset.done $0x0  }
0xf3: {  	[sflag:s31] =	ssyncadd.s32 $0xFFFFD000  }
0xf4: {  	[spmem:s3] =	stream.indirect.scatter.add.f32 [tilespmem:s28], [sflag:$0x4], $0x80, s5, s23, $0xb8;
	[tilespmem:$0x1FC00] =	vst v63  }
0xf5: {  	_ =	swait.ge [sflag:s16], $0x3000  }
0xf6: {  	[sflag:s16] =	ssyncset.done $0x0  }
0xf7: {  	[sflag:s16] =	ssyncadd.s32 $0xFFFFD000  }
0xf8: {  	_ =	swait.ge [sflag:s29], $0x3000  }
0xf9: {  	[sflag:s29] =	ssyncset.done $0x0  }
0xfa: {  	[sflag:s29] =	ssyncadd.s32 $0xFFFFD000  }
0xfb: {  	[spmem:s3] =	stream.indirect.scatter.add.f32 [tilespmem:s24], [sflag:$0x4], $0x80, s7, s23, $0xb8;
	[tilespmem:$0x1FC00] =	vst v63  }
0xfc: {  	_ =	swait.ge [sflag:s16], $0x3000  }
0xfd: {  	[sflag:s16] =	ssyncset.done $0x0  }
0xfe: {  	[sflag:s16] =	ssyncadd.s32 $0xFFFFD000  }
0xff: {  	_ =	swait.ge [sflag:s30], $0x3000  }
0x100: {  	[sflag:s30] =	ssyncset.done $0x0  }
0x101: {  	[sflag:s30] =	ssyncadd.s32 $0xFFFFD000  }
0x102: {  	[spmem:s3] =	stream.indirect.scatter.add.f32 [tilespmem:s25], [sflag:$0x4], $0x80, s17, s23, $0xb8;
	[tilespmem:$0x1FC00] =	vst v63  }
0x103: {  	_ =	swait.ge [sflag:s16], $0x3000  }
0x104: {  	s4 =	sadd.s32 $0x1, s4;
	[sflag:s16] =	ssyncset.done $0x0  }
0x105: {  	p5 =	sne.s32 s4, s13;
	[sflag:s16] =	ssyncadd.s32 $0xFFFFD000  }
.Ltmp6:
0x106: {  	[bflag:$0x0] =	sbarrier.arrive $0xFFFF;
	(pc) =	sbr.rel @p5 .LBB2_1-.Ltmp6, $4  }
0x107: {  	[hbm:s12], [sflag:s14] =	dma.local [spmem:s15], $0x2780  }
0x108: {  	_ =	swait.ge [sflag:s16], $0x2780  }
0x109: {  	[sflag:s16] =	ssyncset.done $0x0  }
0x10a: {  	[sflag:s16] =	ssyncadd.s32 $0xFFFFD880  }
0x10b: {  	_ =	sfence.sel $0x180000  }
0x10c: {  	[bflag:$0x0] =	sbarrier.arrive $0xFFFF  }
0x10d: {  	_ =	strace $0x9000004A  }
0x10e: {  	s0 =	stileid.u32;
	[bflag:$0x2] =	sbarrier.arrive $0xFFFF  }
0x10f: {  	p0 =	sne.s32 s0, $0x0;
	s0 =	rddreg [dreg:$0x3]  }
0x110: {  	s0 =	sadd.s32 @!p0 $0x100000, s0  }
0x111: {  	[sflag:s0] =	ssyncadd.tile.s32 @!p0 $0x1;
	_ =	shalt  }
.Lfunc_end2:
_tile_overlayer_lowered:
.L_overlay_start_2:
0x112: {  	(tag) =	ssettag $0x2  }
0x113: {  	s0 =	rddreg [dreg:$0x0];
	s2 =	stileid.u32  }
0x114: {  	s1 =	rddreg [dreg:$0x1];
	p0 =	sne.s32 s2, $0x0  }
0x115: {  	s3 =	rddreg [dreg:$0x2];
	[bflag:$0x3] =	sbarrier.arrive $0xFFFF;
	s2 =	simm.s32 @!p0 $0x1C04  }
0x116: {  	[timem:s3], [sflag:s2] =	dma.local @!p0 [hbm:s0], s1  }
0x117: {  	s0 =	simm.s32 @!p0 $0x4  }
0x118: {  	_ =	swait.ge @!p0 [sflag:s0], s1  }
0x119: {  	s1 =	ssub.s32 @!p0 $0x0, s1;
	[sflag:s0] =	ssyncset.done @!p0 $0x0  }
0x11a: {  	[sflag:s0] =	ssyncadd.s32 @!p0 s1  }
0x11b: {  	[bflag:$0x3] =	sbarrier.arrive $0xFFFF  }
0x11c: {  	_ =	shalt  }

// kernel: kernel.16.cloned.1.call-start
scs
__scs_entry_jumppad:
0x0: {  	(pc) =	sbr.rel $0x88, $3  }
0x1: {  	(tag) =	ssettag $0x0;
	lr =	simm.s32 $0x1  }
0x2: {  	[smem:$0x3F9B] =	sst lr;
	_ =	strace $0xD0000000  }
0x3: {  	_ = 	snop  }
0x4: {  	_ = 	snop  }
0x5: {  	_ = 	snop  }
0x6: {  	_ = 	snop  }
0x7: {  	_ = 	snop  }
__scs_overlays_trampoline_lowered:
0x8: {  	[smem:$0x3FAA] =	sst s0  }
0x9: {  	[smem:$0x3FAB] =	sst s1  }
0xa: {  	[smem:$0x3FAC] =	sst s2  }
0xb: {  	[smem:$0x3FAD] =	sst s3  }
0xc: {  	[smem:$0x3FAE] =	sst s4  }
0xd: {  	[smem:$0x3FAF] =	sst s5  }
0xe: {  	[smem:$0x3FB0] =	sst s6  }
0xf: {  	[smem:$0x3FB1] =	sst s7  }
0x10: {  	[smem:$0x3FB2] =	sst s8  }
0x11: {  	[smem:$0x3FB3] =	sst s9;
	s0 =	simm.s32 @!p0 $0x0  }
0x12: {  	s1 =	sld [smem:$0x3F99];
	s0 =	simm.s32 @p0 $0x1  }
0x13: {  	[smem:$0x3FB4] =	sst s0;
	s0 =	simm.s32 @!p1 $0x0  }
0x14: {  	s2 =	sld [smem:$0x3F98];
	s0 =	simm.s32 @p1 $0x1  }
0x15: {  	[smem:$0x3FB5] =	sst s0;
	s0 =	simm.s32 @!p2 $0x0  }
0x16: {  	s3 =	sld [smem:$0x3FDB];
	s0 =	simm.s32 @p2 $0x1  }
0x17: {  	s4 =	simm.s32 $0x1BF5;
	[smem:$0x3FB7] =	sst s0  }
0x18: {  	s0 =	sld [smem:$0x3F9A];
	_ =	swait.ge [sflag:s4], $0x0  }
0x19: {  	s7 =	sld [smem:$0x3F9B]  }
0x1a: {  	s8 =	sadd.s32 $0xFFFFE003, lr  }
0x1b: {  	s9 =	sadd.s32 $0xFFFFFEF7, lr;
	s5 =	simm.s32 $0xFFFFFFFF;
	p2 =	slt.u32 s8, $0xFFFFF086  }
0x1c: {  	p1 =	slt.u32 s9, $0xF7A;
	s5 =	simm.s32 @!p2 $0x0  }
0x1d: {  	s5 =	simm.s32 @p1 $0x1;
	p0 =	seq.s32 s7, s2  }
0x1e: {  	s7 =	smul.u32 @!p0 $0xF7A, s2;
	p2 =	seq.s32 @!p0 s5, $0x0  }
0x1f: {  	s9 =	smul.u32 $0xF7A, s1;
	s8 =	simm.s32 @!p0 $0x1BF5;
	p2 =	por !p2, p0  }
0x20: {  	[sflag:s8] =	ssyncset.s32 @!p0 $0xFFFFF086;
	s6 =	sadd.s32 @!p0 s3, s7;
	s7 =	simm.s32 @!p0 $0x108  }
0x21: {  	s3 =	sadd.s32 s3, s9;
	s6 =	sadd.s32 @!p0 $0x88, s6;
	s7 =	simm.s32 @p2 $0x1082  }
0x22: {  	[simem:s7], [sflag:s8] =	dma.local @!p0 [hbm:s6], $0xF7A  }
0x23: {  	s9 =	sor.u32 $0xD0000000, s2;
	s6 =	simm.s32 $0x108;
	_ =	swait.ge @!p0 [sflag:s8], $0x0  }
0x24: {  	s3 =	sadd.s32 $0x88, s3;
	s6 =	simm.s32 @!p1 $0x1082;
	[sflag:s4] =	ssyncset.s32 $0xFFFFF086  }
0x25: {  	[simem:s6], [sflag:s4] =	dma.local [hbm:s3], $0xF7A  }
0x26: {  	[smem:$0x3F9B] =	sst s1;
	(tag) =	ssettag s2;
	_ =	strace s9  }
0x27: {  	s1 =	sld [smem:$0x3FAB]  }
0x28: {  	s2 =	sld [smem:$0x3FAC]  }
0x29: {  	s4 =	sld [smem:$0x3FAE]  }
0x2a: {  	p0 =	seq.s32 s5, $0x0;
	s5 =	sld [smem:$0x3FAF]  }
0x2b: {  	s6 =	sld [smem:$0x3FB0]  }
0x2c: {  	s7 =	sld [smem:$0x3FB1]  }
0x2d: {  	s3 =	simm.s32 $0x108;
	s8 =	sld [smem:$0x3FB2]  }
0x2e: {  	s3 =	simm.s32 @!p0 $0x1082;
	s9 =	sld [smem:$0x3FB3]  }
0x2f: {  	lr =	sadd.s32 s0, s3;
	s0 =	sld [smem:$0x3FAA]  }
0x30: {  	s3 =	sld [smem:$0x3FAD]  }
0x31: {  	[smem:$0x3FB6] =	sst s10  }
0x32: {  	s10 =	sld [smem:$0x3FB4];
	_ =	sdelay $0x3  }
0x33: {  	p0 =	seq.s32 s10, $0x1;
	s10 =	sld [smem:$0x3FB6];
	_ =	sdelay $0x3  }
0x34: {  	[smem:$0x3FB6] =	sst s10  }
0x35: {  	s10 =	sld [smem:$0x3FB5];
	_ =	sdelay $0x3  }
0x36: {  	p1 =	seq.s32 s10, $0x1;
	s10 =	sld [smem:$0x3FB6];
	_ =	sdelay $0x3  }
0x37: {  	[smem:$0x3FB6] =	sst s10  }
0x38: {  	s10 =	sld [smem:$0x3FB7]  }
0x39: {  	_ = 	snop;
	(pc) =	sbr.ind lr, $3  }
0x3a: {  	_ = 	snop  }
0x3b: {  	_ = 	snop  }
0x3c: {  	p2 =	seq.s32 s10, $0x1;
	s10 =	sld [smem:$0x3FB6]  }
0x3d: {  	_ =	shalt  }
0x3e: {  	_ =	shalt  }
0x3f: {  	_ =	shalt  }
0x40: {  	_ =	shalt  }
0x41: {  	_ =	shalt  }
0x42: {  	_ =	shalt  }
0x43: {  	_ =	shalt  }
0x44: {  	_ =	shalt  }
0x45: {  	_ =	shalt  }
0x46: {  	_ =	shalt  }
0x47: {  	_ =	shalt  }
0x48: {  	_ =	shalt  }
0x49: {  	_ =	shalt  }
0x4a: {  	_ =	shalt  }
0x4b: {  	_ =	shalt  }
0x4c: {  	_ =	shalt  }
0x4d: {  	_ =	shalt  }
0x4e: {  	_ =	shalt  }
0x4f: {  	_ =	shalt  }
0x50: {  	_ =	shalt  }
0x51: {  	_ =	shalt  }
0x52: {  	_ =	shalt  }
0x53: {  	_ =	shalt  }
0x54: {  	_ =	shalt  }
0x55: {  	_ =	shalt  }
0x56: {  	_ =	shalt  }
0x57: {  	_ =	shalt  }
0x58: {  	_ =	shalt  }
0x59: {  	_ =	shalt  }
0x5a: {  	_ =	shalt  }
0x5b: {  	_ =	shalt  }
0x5c: {  	_ =	shalt  }
0x5d: {  	_ =	shalt  }
0x5e: {  	_ =	shalt  }
0x5f: {  	_ =	shalt  }
0x60: {  	_ =	shalt  }
0x61: {  	_ =	shalt  }
0x62: {  	_ =	shalt  }
0x63: {  	_ =	shalt  }
0x64: {  	_ =	shalt  }
0x65: {  	_ =	shalt  }
0x66: {  	_ =	shalt  }
0x67: {  	_ =	shalt  }
0x68: {  	_ =	shalt  }
0x69: {  	_ =	shalt  }
0x6a: {  	_ =	shalt  }
0x6b: {  	_ =	shalt  }
0x6c: {  	_ =	shalt  }
0x6d: {  	_ =	shalt  }
0x6e: {  	_ =	shalt  }
0x6f: {  	_ =	shalt  }
0x70: {  	_ =	shalt  }
0x71: {  	_ =	shalt  }
0x72: {  	_ =	shalt  }
0x73: {  	_ =	shalt  }
0x74: {  	_ =	shalt  }
0x75: {  	_ =	shalt  }
0x76: {  	_ =	shalt  }
0x77: {  	_ =	shalt  }
0x78: {  	_ =	shalt  }
0x79: {  	_ =	shalt  }
0x7a: {  	_ =	shalt  }
0x7b: {  	_ =	shalt  }
0x7c: {  	_ =	shalt  }
0x7d: {  	_ =	shalt  }
0x7e: {  	_ =	shalt  }
0x7f: {  	_ =	shalt  }
0x80: {  	_ =	shalt  }
0x81: {  	_ =	shalt  }
0x82: {  	_ =	shalt  }
0x83: {  	_ =	shalt  }
0x84: {  	_ =	shalt  }
0x85: {  	_ =	shalt  }
0x86: {  	_ =	shalt  }
0x87: {  	_ =	shalt  }
.Lfunc_end0:
.L_simem_size_0:
called_computation.2_lowered:
.L_overlay_start_0:
0x88: {  	s2 =	sld [smem:$0x3FD9]  }
0x89: {  	s3 =	sld [smem:$0x3FFE];
	_ =	sdelay $0x1  }
0x8a: {  	s1 =	srdreg.scid  }
0x8b: {  	s0 =	sand.u32 $0x1, s1  }
0x8c: {  	s17 =	sshll.u32 s0, $0xA;
	s2 =	sadd.s32 s3, s2  }
0x8d: {  	s2 =	sadd.s32 s2, s17  }
0x8e: {  	[smem:$0x3FC2] =	sst s2  }
0x8f: {  	_ = 	snop  }
0x90: {  	s2 =	sld [smem:$0x3FD0];
	(tm) =	ssettm $0x1  }
0x91: {  	s18 =	sld [smem:$0x3FFB];
	_ =	sdelay $0x3  }
0x92: {  	_ =	strace s18  }
0x93: {  	s3 =	sld [smem:$0x3FFC];
	_ =	sdelay $0x3  }
0x94: {  	_ =	strace s3  }
0x95: {  	s3 =	sld [smem:$0x3FFD];
	_ =	sdelay $0x3  }
0x96: {  	_ =	strace s3  }
0x97: {  	_ =	strace $0x8FFFFFFF  }
0x98: {  	s19 =	sld [smem:$0x3FDB];
	_ =	sdelay $0x1  }
0x99: {  	s4 =	simm.s32 $_scs_section_size  }
0x9a: {  	s5 =	simm.s32 $_size__tile_overlayer_lowered;
	s6 =	simm.s32 $_tile_overlayer_lowered  }
0x9b: {  	s22 =	simm.s32 $0x1BFF;
	s21 =	sshll.u32 s6, $0x1;
	s3 =	sadd.s32 s4, s19  }
0x9c: {  	s7 =	simm.s32 $0x0;
	s20 =	sshll.u32 s5, $0x1;
	s5 =	sadd.s32 s21, s3  }
0x9d: {  	[timem:s7], [sflag:s22] =	dma.local [hbm:s5], s20  }
0x9e: {  	_ =	swait.ge [sflag:s22], s20  }
0x9f: {  	s4 =	ssub.s32 $0x0, s20;
	[sflag:s22] =	ssyncset.done $0x0  }
0xa0: {  	[sflag:s22] =	ssyncadd.s32 s4;
	_ =	sdelay $0x1  }
0xa1: {  	s23 =	simm.s32 $0x1B8B  }
0xa2: {  	_ =	swait.ge [sflag:s23], $0x1  }
0xa3: {  	[sflag:s23] =	ssyncset.done $0x0  }
0xa4: {  	s25 =	simm.s32 $0x1B8E;
	s24 =	sld [smem:$0x3FFE];
	[sflag:s23] =	ssyncadd.s32 $0xFFFFFFFF  }
0xa5: {  	s26 =	simm.s32 $execute0_lowered;
	[smem:$0x3FD2] =	sst s25  }
0xa6: {  	s5 =	sshll.u32 s26, $0x1;
	_ =	strace $0x8000004C;
	[dreg:$0x1] =	wrdreg $0xFFFFFFFF  }
0xa7: {  	s28 =	simm.s32 $_size_execute0_lowered;
	s3 =	sadd.s32 s3, s5;
	[dreg:$0x0] =	wrdreg $0x0  }
0xa8: {  	s5 =	sshll.u32 s28, $0x1;
	[dreg:$0x2] =	wrdreg s3  }
0xa9: {  	[dreg:$0x3] =	wrdreg s5  }
0xaa: {  	[dreg:$0x4] =	wrdreg $0xC0  }
0xab: {  	_ =	task [dreg:s7], $0x5FFFF  }
0xac: {  	[dreg:$0x1] =	wrdreg $0xFFFFFFFF  }
0xad: {  	[dreg:$0x0] =	wrdreg $0x60  }
0xae: {  	[dreg:$0x2] =	wrdreg s2  }
0xaf: {  	[dreg:$0x3] =	wrdreg s24  }
0xb0: {  	[dreg:$0x4] =	wrdreg $0xC0000  }
0xb1: {  	[dreg:$0x5] =	wrdreg $0x9  }
0xb2: {  	_ =	task.clear_ibuf [dreg:s7], $0x6FFFF;
	_ =	strace $0x9000004C  }
0xb3: {  	s29 =	simm.s32 $0x9;
	_ =	strace $0x8000004E  }
0xb4: {  	_ =	swait.ge [sflag:s29], $0x1  }
0xb5: {  	[sflag:s29] =	ssyncadd.s32 $0xFFFFFFFF  }
0xb6: {  	_ =	strace $0x9000004E  }
0xb7: {  	_ =	sfence  }
0xb8: {  	s30 =	sld [smem:$0x0];
	_ =	sdelay $0x2  }
0xb9: {  	s31 =	sshll.u32 s1, $0xD;
	s1 =	sshrl.u32 s1, $0x2  }
0xba: {  	s3 =	sand.u32 $0x4000, s31;
	s1 =	sadd.s32 s1, s30  }
0xbb: {  	s0 =	sor.u32 s3, s0;
	s1 =	sshll.u32 s1, $0x11  }
0xbc: {  	s0 =	sor.u32 s1, s0  }
0xbd: {  	s0 =	sadd.s32 $0x8F2B, s0  }
0xbe: {  	[sflag:s0] =	ssyncadd.remote.s32 $0x1  }
0xbf: {  	_ =	sfence.sel $0xFFFF  }
0xc0: {  	[dreg:$0x0] =	wrdreg $0xFFFFFFFF;
	(pc) =	sbr.abs _section_cstart, $3  }
0xc1: {  	[dreg:$0x1] =	wrdreg $0xFFFFFFFF  }
0xc2: {  	_ =	task.clear_ibuf [dreg:s7], $0x2FFFF;
	_ =	strace $0x9FFFFFFF  }
0xc3: {  	(tm) =	ssettm $0x7FFFFFFF  }
tec
execute0_lowered:
.L_overlay_start_1:
0x0: {  	(tag) =	ssettag $0x1  }
0x1: {  	s0 =	rddreg [dreg:$0x0]  }
0x2: {  	s1 =	rddreg [dreg:$0x1];
	s2 =	srdreg.scid  }
0x3: {  	s3 =	rddreg [dreg:$0x2];
	s18 =	stileid.u32  }
0x4: {  	s4 =	simm.s32 $0x0;
	s28 =	simm.s32 $0x9000;
	s29 =	simm.s32 $0x1  }
0x5: {  	s30 =	simm.s32 $0x2;
	s31 =	simm.s32 $0x3;
	s2 =	sand.u32 $0x1, s2  }
0x6: {  	s6 =	smul.u32 $0x13C00, s18;
	[smem:$0x7FF] =	sst s4;
	s13 =	sadd.s32 $0x1A800, s1  }
0x7: {  	s26 =	sadd.s32 $0x10800, s1;
	s8 =	sadd.s32 $0x2800, s1;
	s15 =	smul.u32 $0x4F000, s18  }
0x8: {  	p4 =	sne.s32 s18, $0xF;
	p0 =	seq.s32 s18, $0xF;
	s9 =	smul.u32 $0x2780, s18  }
0x9: {  	s17 =	sadd.s32 $0x128400, s3;
	s16 =	sshll.u32 s18, $0x2;
	s19 =	sshrl.u32 s18, $0x1  }
0xa: {  	s25 =	sshll.u32 s18, $0x6;
	s5 =	smul.u32 $0x13C000, s2;
	_ =	strace $0x8000004D  }
0xb: {  	s7 =	ssub.s32 $0x2, s2;
	p2 =	seq.s32 s2, $0x0;
	p3 =	seq.s32 s2, $0x1  }
0xc: {  	s2 =	sshll.u32 s2, $0x1;
	[dreg:$0x4] =	wrdreg s13;
	s14 =	sshrl.u32 s7, $0x1  }
0xd: {  	p1 =	por !p2, !p4;
	p2 =	por !p2, !p0;
	s10 =	sadd.s32 s0, s9  }
0xe: {  	p4 =	por !p4, !p3;
	s2 =	sor.u32 s2, s16;
	s9 =	sadd.s32 s13, s9  }
0xf: {  	s16 =	simm.s32 $0x4;
	s5 =	sadd.s32 s6, s5;
	p1 =	por !p1, !p1  }
0x10: {  	p2 =	por !p2, !p2;
	[dreg:$0x5] =	wrdreg s10;
	p4 =	por !p4, !p4  }
0x11: {  	s10 =	smul.u32 $0xA000, s19;
	s11 =	sshll.u32 s2, $0x7;
	s12 =	sor.u32 $0x1, s2  }
0x12: {  	[dreg:$0x6] =	wrdreg s9;
	s2 =	smul.u32 $0x380, s2;
	s6 =	simm.s32 $0x2C80  }
0x13: {  	s19 =	simm.s32 $0x1380;
	s5 =	sshrl.u32 s5, $0x3;
	s20 =	sand.u32 $0x300, s11  }
0x14: {  	s21 =	sshll.u32 s12, $0x7;
	s22 =	smul.u32 $0x380, s12;
	s1 =	sadd.s32 s5, s1  }
0x15: {  	s5 =	ssub.s32 s7, s14;
	s7 =	sshrl.u32 s15, $0x2;
	s9 =	sor.u32 s10, s20  }
0x16: {  	s11 =	sand.u32 $0x380, s21;
	s2 =	sadd.s32 s8, s2;
	s14 =	sor.u32 $0x1C04, s25  }
0x17: {  	s20 =	simm.s32 $0x80;
	s21 =	simm.s32 $0x400;
	s25 =	simm.s32 $0x6000  }
0x18: {  	s7 =	sadd.s32 s7, s3;
	s9 =	sshrl.u32 s9, $0x3;
	s10 =	sor.u32 s10, s11  }
0x19: {  	[dreg:$0x8] =	wrdreg s2;
	s24 =	sadd.s32 s8, s22;
	s12 =	sadd.s32 $0x41A00, s1  }
0x1a: {  	s13 =	smax.u32 s5, $0x1;
	s1 =	sshll.u32 @p4 s18, $0x6;
	s22 =	simm.s32 $0x1400  }
0x1b: {  	s5 =	simm.s32 $0x2D00;
	s9 =	sadd.s32 s26, s9;
	[dreg:$0xa] =	wrdreg s24  }
0x1c: {  	s23 =	sshrl.u32 s10, $0x3;
	s1 =	sor.u32 @p4 $0x1C04, s1;
	[dreg:$0x7] =	wrdreg s9  }
0x1d: {  	s15 =	sshrl.u32 s7, $0x3;
	s2 =	sadd.s32 s26, s23;
	[dreg:$0xb] =	wrdreg s1  }
0x1e: {  	s24 =	simm.s32 $0x3000;
	s1 =	sshrl.u32 @p4 s7, $0x3;
	[dreg:$0x9] =	wrdreg s2  }
0x1f: {  	s26 =	sshrl.u32 s17, $0x3;
	s23 =	simm.s32 $0x60;
	[dreg:$0xc] =	wrdreg s1  }
0x20: {  	s7 =	simm.s32 $0x2D80;
	s17 =	simm.s32 $0x2E00;
	[dreg:$0xd] =	wrdreg s26  }
0x21: {  	s26 =	simm.s32 $0xC0;
	s1 =	simm.s32 $0x2C00;
	s2 =	simm.s32 $0x1320  }
.LBB2_1:
.Ltmp0:
0x22: {  	(pc) =	sbr.rel @!p1 .LBB2_3-.Ltmp0, $1  }
0x23: {  	_ =	sdelay $0x3  }
.Ltmp1:
0x24: {  	s8 =	rddreg [dreg:$0x5];
	(pc) =	sbr.rel .LBB2_4-.Ltmp1, $4  }
0x25: {  	[spmem:s15], [sflag:s14] =	dma.local [hbm:s8], $0x2780  }
0x26: {  	_ =	swait.ge [sflag:s16], $0x2780  }
0x27: {  	[sflag:s16] =	ssyncset.done $0x0  }
0x28: {  	p5 =	por $0x0, $0x0;
	[sflag:s16] =	ssyncadd.s32 $0xFFFFD880  }
.LBB2_3:
.Ltmp2:
0x29: {  	(pc) =	sbr.rel @p2 .LBB2_5-.Ltmp2, $2  }
0x2a: {  	_ =	sdelay $0x2  }
0x2b: {  	s9 =	simm.s32 $0xF;
	p5 =	por p0, p0;
	s8 =	smov.u32 s0  }
.LBB2_4:
0x2c: {  	s8 =	rddreg [dreg:$0x6]  }
0x2d: {  	s9 =	rddreg [dreg:$0xb]  }
0x2e: {  	s10 =	rddreg [dreg:$0xc];
	p6 =	por @p4 $0x1, $0x1  }
0x2f: {  	[spmem:s10], [sflag:s9] =	dma.local @p4 [hbm:s8], $0x2780  }
0x30: {  	p6 =	por @!p4 p3, p3  }
0x31: {  	p5 =	por !p6, !p5  }
0x32: {  	p5 =	por !p5, !p5  }
.Ltmp3:
0x33: {  	_ = 	snop;
	(pc) =	sbr.rel @!p5 .LBB2_6-.Ltmp3, $4  }
0x34: {  	s8 =	simm.s32 @p4 $0x4  }
0x35: {  	_ =	swait.ge @p4 [sflag:s8], $0x2780  }
0x36: {  	[sflag:s8] =	ssyncset.done @p4 $0x0  }
0x37: {  	s9 =	stileid.u32;
	[sflag:s8] =	ssyncadd.s32 @p4 $0xFFFFD880;
	s8 =	rddreg [dreg:$0x4]  }
.LBB2_5:
0x38: {  	s9 =	sshll.u32 s9, $0x6  }
0x39: {  	s8 =	sadd.s32 $0x25080, s8;
	s10 =	rddreg [dreg:$0xd];
	s9 =	sor.u32 $0x1C04, s9  }
0x3a: {  	[spmem:s10], [sflag:s9] =	dma.local [hbm:s8], $0x2080  }
0x3b: {  	_ =	swait.ge [sflag:s16], $0x2080  }
0x3c: {  	[sflag:s16] =	ssyncset.done $0x0  }
0x3d: {  	[sflag:s16] =	ssyncadd.s32 $0xFFFFDF80  }
.LBB2_6:
0x3e: {  	[bflag:$0x0] =	sbarrier.arrive $0xFFFF  }
0x3f: {  	s8 =	simm.s32 $0x0;
	s9 =	rddreg [dreg:$0x7]  }
0x40: {  	[tilespmem:s8], [sflag:$0x4] =	stream.strided.gather [hbm4b:s9+s20], $0x1400, s21, s20, $0x38;
	[tilespmem:$0x1FC00] =	vst v63  }
0x41: {  	_ =	swait.ge [sflag:s16], $0x1400  }
0x42: {  	[sflag:s16] =	ssyncset.done $0x0  }
0x43: {  	s11 =	rddreg [dreg:$0x8];
	[sflag:s16] =	ssyncadd.s32 $0xFFFFEC00  }
0x44: {  	[tilespmem:s22], [sflag:$0x4] =	stream.linear.gather [hbm4b:s11+s8], $0x1A80, $0x38;
	[tilespmem:$0x1FC00] =	vst v63  }
0x45: {  	_ =	swait.ge [sflag:s16], $0x1A80  }
0x46: {  	[sflag:s16] =	ssyncset.done $0x0  }
0x47: {  	[sflag:s16] =	ssyncadd.s32 $0xFFFFE580  }
0x48: {  	[tilespmem:s24], [sflag:$0x1] =	stream.indirect.gather [hbm4b:s0+s23], $0x80, s8, s23, $0xb8;
	[tilespmem:$0x1FC00] =	vst v63  }
0x49: {  	_ = 	snop  }
0x4a: {  	[tilespmem:s25], [sflag:$0x2] =	stream.indirect.gather [hbm4b:s0+s23], $0x80, s23, s23, $0xb8;
	[tilespmem:$0x1FC00] =	vst v63  }
0x4b: {  	_ = 	snop  }
0x4c: {  	[tilespmem:s28], [sflag:$0x3] =	stream.indirect.gather [hbm4b:s0+s23], $0x80, s26, s23, $0xb8;
	[tilespmem:$0x1FC00] =	vst v63  }
0x4d: {  	_ =	swait.ge [sflag:s29], $0x3000  }
0x4e: {  	[sflag:s29] =	ssyncset.done $0x0  }
0x4f: {  	s18 =	simm.s32 $0x1400;
	[sflag:s29] =	ssyncadd.s32 $0xFFFFD000  }
0x50: {  	[spmem:s3] =	stream.indirect.scatter.add.f32 [tilespmem:s24], [sflag:$0x4], $0x80, s18, s23, $0xb8;
	[tilespmem:$0x1FC00] =	vst v63  }
0x51: {  	_ =	swait.ge [sflag:s16], $0x3000  }
0x52: {  	[sflag:s16] =	ssyncset.done $0x0  }
0x53: {  	s9 =	simm.s32 $0x120;
	[sflag:s16] =	ssyncadd.s32 $0xFFFFD000  }
0x54: {  	[tilespmem:s24], [sflag:$0x1] =	stream.indirect.gather [hbm4b:s0+s23], $0x80, s9, s23, $0xb8;
	[tilespmem:$0x1FC00] =	vst v63  }
0x55: {  	_ =	swait.ge [sflag:s30], $0x3000  }
0x56: {  	[sflag:s30] =	ssyncset.done $0x0  }
0x57: {  	s10 =	simm.s32 $0x1480;
	[sflag:s30] =	ssyncadd.s32 $0xFFFFD000  }
0x58: {  	[spmem:s3] =	stream.indirect.scatter.add.f32 [tilespmem:s25], [sflag:$0x4], $0x80, s10, s23, $0xb8;
	[tilespmem:$0x1FC00] =	vst v63  }
0x59: {  	_ =	swait.ge [sflag:s16], $0x3000  }
0x5a: {  	[sflag:s16] =	ssyncset.done $0x0  }
0x5b: {  	s11 =	simm.s32 $0x180;
	[sflag:s16] =	ssyncadd.s32 $0xFFFFD000  }
0x5c: {  	[tilespmem:s25], [sflag:$0x2] =	stream.indirect.gather [hbm4b:s0+s23], $0x80, s11, s23, $0xb8;
	[tilespmem:$0x1FC00] =	vst v63  }
0x5d: {  	_ =	swait.ge [sflag:s31], $0x3000  }
0x5e: {  	[sflag:s31] =	ssyncset.done $0x0  }
0x5f: {  	s18 =	simm.s32 $0x1500;
	[sflag:s31] =	ssyncadd.s32 $0xFFFFD000  }
0x60: {  	[spmem:s3] =	stream.indirect.scatter.add.f32 [tilespmem:s28], [sflag:$0x4], $0x80, s18, s23, $0xb8;
	[tilespmem:$0x1FC00] =	vst v63  }
0x61: {  	_ =	swait.ge [sflag:s16], $0x3000  }
0x62: {  	s8 =	simm.s32 $0x600;
	[sflag:s16] =	ssyncset.done $0x0  }
0x63: {  	s9 =	simm.s32 $0x300;
	s18 =	simm.s32 $0x1E0;
	[sflag:s16] =	ssyncadd.s32 $0xFFFFD000  }
.LBB2_7:
0x64: {  	[tilespmem:s28], [sflag:$0x3] =	stream.indirect.gather [hbm4b:s0+s23], $0x80, s18, s23, $0xb8;
	[tilespmem:$0x1FC00] =	vst v63  }
0x65: {  	s10 =	smov.u32 s8;
	s18 =	smov.u32 s9  }
0x66: {  	p5 =	sne.s32 s8, $0x5A00;
	s8 =	sadd.s32 $0x600, s8;
	_ =	swait.ge [sflag:s29], $0x3000  }
0x67: {  	s10 =	sshra.s32 s10, $0x2;
	[sflag:s29] =	ssyncset.done $0x0  }
0x68: {  	s11 =	sadd.s32 $0x1400, s10;
	[sflag:s29] =	ssyncadd.s32 $0xFFFFD000  }
0x69: {  	[spmem:s3] =	stream.indirect.scatter.add.f32 [tilespmem:s24], [sflag:$0x4], $0x80, s11, s23, $0xb8;
	[tilespmem:$0x1FC00] =	vst v63  }
0x6a: {  	_ =	swait.ge [sflag:s16], $0x3000  }
0x6b: {  	[sflag:s16] =	ssyncset.done $0x0  }
0x6c: {  	s11 =	sadd.s32 $0xFFFFFF40, s9;
	[sflag:s16] =	ssyncadd.s32 $0xFFFFD000  }
0x6d: {  	[tilespmem:s24], [sflag:$0x1] =	stream.indirect.gather [hbm4b:s0+s23], $0x80, s11, s23, $0xb8;
	[tilespmem:$0x1FC00] =	vst v63  }
0x6e: {  	_ =	swait.ge [sflag:s30], $0x3000  }
0x6f: {  	[sflag:s30] =	ssyncset.done $0x0  }
0x70: {  	s11 =	sadd.s32 $0x1480, s10;
	[sflag:s30] =	ssyncadd.s32 $0xFFFFD000  }
0x71: {  	[spmem:s3] =	stream.indirect.scatter.add.f32 [tilespmem:s25], [sflag:$0x4], $0x80, s11, s23, $0xb8;
	[tilespmem:$0x1FC00] =	vst v63  }
0x72: {  	_ =	swait.ge [sflag:s16], $0x3000  }
0x73: {  	[sflag:s16] =	ssyncset.done $0x0  }
0x74: {  	s11 =	sadd.s32 $0xFFFFFFA0, s9;
	[sflag:s16] =	ssyncadd.s32 $0xFFFFD000  }
0x75: {  	[tilespmem:s25], [sflag:$0x2] =	stream.indirect.gather [hbm4b:s0+s23], $0x80, s11, s23, $0xb8;
	[tilespmem:$0x1FC00] =	vst v63  }
0x76: {  	_ =	swait.ge [sflag:s31], $0x3000  }
0x77: {  	[sflag:s31] =	ssyncset.done $0x0  }
.Ltmp4:
0x78: {  	s10 =	sadd.s32 $0x1500, s10;
	[sflag:s31] =	ssyncadd.s32 $0xFFFFD000;
	(pc) =	sbr.rel @p5 .LBB2_7-.Ltmp4, $4  }
0x79: {  	[spmem:s3] =	stream.indirect.scatter.add.f32 [tilespmem:s28], [sflag:$0x4], $0x80, s10, s23, $0xb8;
	[tilespmem:$0x1FC00] =	vst v63  }
0x7a: {  	_ =	swait.ge [sflag:s16], $0x3000  }
0x7b: {  	[sflag:s16] =	ssyncset.done $0x0  }
0x7c: {  	s9 =	sadd.s32 $0x120, s9;
	[sflag:s16] =	ssyncadd.s32 $0xFFFFD000  }
0x7d: {  	[tilespmem:s28], [sflag:$0x3] =	stream.indirect.gather [hbm4b:s0+s23], $0x80, s18, s23, $0xb8;
	[tilespmem:$0x1FC00] =	vst v63  }
0x7e: {  	_ =	swait.ge [sflag:s29], $0x3000  }
0x7f: {  	[sflag:s29] =	ssyncset.done $0x0  }
0x80: {  	[sflag:s29] =	ssyncadd.s32 $0xFFFFD000  }
0x81: {  	[spmem:s3] =	stream.indirect.scatter.add.f32 [tilespmem:s24], [sflag:$0x4], $0x80, s1, s23, $0xb8;
	[tilespmem:$0x1FC00] =	vst v63  }
0x82: {  	_ =	swait.ge [sflag:s16], $0x3000  }
0x83: {  	[sflag:s16] =	ssyncset.done $0x0  }
0x84: {  	[sflag:s16] =	ssyncadd.s32 $0xFFFFD000  }
0x85: {  	[tilespmem:s24], [sflag:$0x1] =	stream.indirect.gather [hbm4b:s0+s23], $0x80, s2, s23, $0xb8;
	[tilespmem:$0x1FC00] =	vst v63  }
0x86: {  	_ =	swait.ge [sflag:s30], $0x3000  }
0x87: {  	[sflag:s30] =	ssyncset.done $0x0  }
0x88: {  	[sflag:s30] =	ssyncadd.s32 $0xFFFFD000  }
0x89: {  	[spmem:s3] =	stream.indirect.scatter.add.f32 [tilespmem:s25], [sflag:$0x4], $0x80, s6, s23, $0xb8;
	[tilespmem:$0x1FC00] =	vst v63  }
0x8a: {  	_ =	swait.ge [sflag:s16], $0x3000  }
0x8b: {  	[sflag:s16] =	ssyncset.done $0x0  }
0x8c: {  	[sflag:s16] =	ssyncadd.s32 $0xFFFFD000  }
0x8d: {  	[tilespmem:s25], [sflag:$0x2] =	stream.indirect.gather [hbm4b:s0+s23], $0x80, s19, s23, $0xb8;
	[tilespmem:$0x1FC00] =	vst v63  }
0x8e: {  	_ =	swait.ge [sflag:s31], $0x3000  }
0x8f: {  	[sflag:s31] =	ssyncset.done $0x0  }
0x90: {  	[sflag:s31] =	ssyncadd.s32 $0xFFFFD000  }
0x91: {  	[spmem:s3] =	stream.indirect.scatter.add.f32 [tilespmem:s28], [sflag:$0x4], $0x80, s5, s23, $0xb8;
	[tilespmem:$0x1FC00] =	vst v63  }
0x92: {  	_ =	swait.ge [sflag:s16], $0x3000  }
0x93: {  	[sflag:s16] =	ssyncset.done $0x0  }
0x94: {  	[sflag:s16] =	ssyncadd.s32 $0xFFFFD000  }
0x95: {  	_ =	swait.ge [sflag:s29], $0x3000  }
0x96: {  	[sflag:s29] =	ssyncset.done $0x0  }
0x97: {  	[sflag:s29] =	ssyncadd.s32 $0xFFFFD000  }
0x98: {  	[spmem:s3] =	stream.indirect.scatter.add.f32 [tilespmem:s24], [sflag:$0x4], $0x80, s7, s23, $0xb8;
	[tilespmem:$0x1FC00] =	vst v63  }
0x99: {  	_ =	swait.ge [sflag:s16], $0x3000  }
0x9a: {  	[sflag:s16] =	ssyncset.done $0x0  }
0x9b: {  	[sflag:s16] =	ssyncadd.s32 $0xFFFFD000  }
0x9c: {  	_ =	swait.ge [sflag:s30], $0x3000  }
0x9d: {  	[sflag:s30] =	ssyncset.done $0x0  }
0x9e: {  	[sflag:s30] =	ssyncadd.s32 $0xFFFFD000  }
0x9f: {  	[spmem:s3] =	stream.indirect.scatter.add.f32 [tilespmem:s25], [sflag:$0x4], $0x80, s17, s23, $0xb8;
	[tilespmem:$0x1FC00] =	vst v63  }
0xa0: {  	_ =	swait.ge [sflag:s16], $0x3000  }
0xa1: {  	[sflag:s16] =	ssyncset.done $0x0  }
0xa2: {  	s8 =	simm.s32 $0x0;
	s9 =	rddreg [dreg:$0x9];
	[sflag:s16] =	ssyncadd.s32 $0xFFFFD000  }
0xa3: {  	[tilespmem:s8], [sflag:$0x4] =	stream.strided.gather [hbm4b:s9+s20], $0x1400, s21, s20, $0x38;
	[tilespmem:$0x1FC00] =	vst v63  }
0xa4: {  	_ =	swait.ge [sflag:s16], $0x1400  }
0xa5: {  	[sflag:s16] =	ssyncset.done $0x0  }
0xa6: {  	s11 =	rddreg [dreg:$0xa];
	[sflag:s16] =	ssyncadd.s32 $0xFFFFEC00  }
0xa7: {  	[tilespmem:s22], [sflag:$0x4] =	stream.linear.gather [hbm4b:s11+s8], $0x1A80, $0x38;
	[tilespmem:$0x1FC00] =	vst v63  }
0xa8: {  	_ =	swait.ge [sflag:s16], $0x1A80  }
0xa9: {  	[sflag:s16] =	ssyncset.done $0x0  }
0xaa: {  	[sflag:s16] =	ssyncadd.s32 $0xFFFFE580  }
0xab: {  	[tilespmem:s24], [sflag:$0x1] =	stream.indirect.gather [hbm4b:s0+s23], $0x80, s8, s23, $0xb8;
	[tilespmem:$0x1FC00] =	vst v63  }
0xac: {  	_ = 	snop  }
0xad: {  	[tilespmem:s25], [sflag:$0x2] =	stream.indirect.gather [hbm4b:s0+s23], $0x80, s23, s23, $0xb8;
	[tilespmem:$0x1FC00] =	vst v63  }
0xae: {  	_ = 	snop  }
0xaf: {  	[tilespmem:s28], [sflag:$0x3] =	stream.indirect.gather [hbm4b:s0+s23], $0x80, s26, s23, $0xb8;
	[tilespmem:$0x1FC00] =	vst v63  }
0xb0: {  	_ =	swait.ge [sflag:s29], $0x3000  }
0xb1: {  	[sflag:s29] =	ssyncset.done $0x0  }
0xb2: {  	s18 =	simm.s32 $0x1400;
	[sflag:s29] =	ssyncadd.s32 $0xFFFFD000  }
0xb3: {  	[spmem:s3] =	stream.indirect.scatter.add.f32 [tilespmem:s24], [sflag:$0x4], $0x80, s18, s23, $0xb8;
	[tilespmem:$0x1FC00] =	vst v63  }
0xb4: {  	_ =	swait.ge [sflag:s16], $0x3000  }
0xb5: {  	[sflag:s16] =	ssyncset.done $0x0  }
0xb6: {  	s9 =	simm.s32 $0x120;
	[sflag:s16] =	ssyncadd.s32 $0xFFFFD000  }
0xb7: {  	[tilespmem:s24], [sflag:$0x1] =	stream.indirect.gather [hbm4b:s0+s23], $0x80, s9, s23, $0xb8;
	[tilespmem:$0x1FC00] =	vst v63  }
0xb8: {  	_ =	swait.ge [sflag:s30], $0x3000  }
0xb9: {  	[sflag:s30] =	ssyncset.done $0x0  }
0xba: {  	s10 =	simm.s32 $0x1480;
	[sflag:s30] =	ssyncadd.s32 $0xFFFFD000  }
0xbb: {  	[spmem:s3] =	stream.indirect.scatter.add.f32 [tilespmem:s25], [sflag:$0x4], $0x80, s10, s23, $0xb8;
	[tilespmem:$0x1FC00] =	vst v63  }
0xbc: {  	_ =	swait.ge [sflag:s16], $0x3000  }
0xbd: {  	[sflag:s16] =	ssyncset.done $0x0  }
0xbe: {  	s11 =	simm.s32 $0x180;
	[sflag:s16] =	ssyncadd.s32 $0xFFFFD000  }
0xbf: {  	[tilespmem:s25], [sflag:$0x2] =	stream.indirect.gather [hbm4b:s0+s23], $0x80, s11, s23, $0xb8;
	[tilespmem:$0x1FC00] =	vst v63  }
0xc0: {  	_ =	swait.ge [sflag:s31], $0x3000  }
0xc1: {  	[sflag:s31] =	ssyncset.done $0x0  }
0xc2: {  	s18 =	simm.s32 $0x1500;
	[sflag:s31] =	ssyncadd.s32 $0xFFFFD000  }
0xc3: {  	[spmem:s3] =	stream.indirect.scatter.add.f32 [tilespmem:s28], [sflag:$0x4], $0x80, s18, s23, $0xb8;
	[tilespmem:$0x1FC00] =	vst v63  }
0xc4: {  	_ =	swait.ge [sflag:s16], $0x3000  }
0xc5: {  	s8 =	simm.s32 $0x600;
	[sflag:s16] =	ssyncset.done $0x0  }
0xc6: {  	s9 =	simm.s32 $0x300;
	s18 =	simm.s32 $0x1E0;
	[sflag:s16] =	ssyncadd.s32 $0xFFFFD000  }
.LBB2_9:
0xc7: {  	[tilespmem:s28], [sflag:$0x3] =	stream.indirect.gather [hbm4b:s0+s23], $0x80, s18, s23, $0xb8;
	[tilespmem:$0x1FC00] =	vst v63  }
0xc8: {  	s10 =	smov.u32 s8;
	s18 =	smov.u32 s9  }
0xc9: {  	p5 =	sne.s32 s8, $0x5A00;
	s8 =	sadd.s32 $0x600, s8;
	_ =	swait.ge [sflag:s29], $0x3000  }
0xca: {  	s10 =	sshra.s32 s10, $0x2;
	[sflag:s29] =	ssyncset.done $0x0  }
0xcb: {  	s11 =	sadd.s32 $0x1400, s10;
	[sflag:s29] =	ssyncadd.s32 $0xFFFFD000  }
0xcc: {  	[spmem:s3] =	stream.indirect.scatter.add.f32 [tilespmem:s24], [sflag:$0x4], $0x80, s11, s23, $0xb8;
	[tilespmem:$0x1FC00] =	vst v63  }
0xcd: {  	_ =	swait.ge [sflag:s16], $0x3000  }
0xce: {  	[sflag:s16] =	ssyncset.done $0x0  }
0xcf: {  	s11 =	sadd.s32 $0xFFFFFF40, s9;
	[sflag:s16] =	ssyncadd.s32 $0xFFFFD000  }
0xd0: {  	[tilespmem:s24], [sflag:$0x1] =	stream.indirect.gather [hbm4b:s0+s23], $0x80, s11, s23, $0xb8;
	[tilespmem:$0x1FC00] =	vst v63  }
0xd1: {  	_ =	swait.ge [sflag:s30], $0x3000  }
0xd2: {  	[sflag:s30] =	ssyncset.done $0x0  }
0xd3: {  	s11 =	sadd.s32 $0x1480, s10;
	[sflag:s30] =	ssyncadd.s32 $0xFFFFD000  }
0xd4: {  	[spmem:s3] =	stream.indirect.scatter.add.f32 [tilespmem:s25], [sflag:$0x4], $0x80, s11, s23, $0xb8;
	[tilespmem:$0x1FC00] =	vst v63  }
0xd5: {  	_ =	swait.ge [sflag:s16], $0x3000  }
0xd6: {  	[sflag:s16] =	ssyncset.done $0x0  }
0xd7: {  	s11 =	sadd.s32 $0xFFFFFFA0, s9;
	[sflag:s16] =	ssyncadd.s32 $0xFFFFD000  }
0xd8: {  	[tilespmem:s25], [sflag:$0x2] =	stream.indirect.gather [hbm4b:s0+s23], $0x80, s11, s23, $0xb8;
	[tilespmem:$0x1FC00] =	vst v63  }
0xd9: {  	_ =	swait.ge [sflag:s31], $0x3000  }
0xda: {  	[sflag:s31] =	ssyncset.done $0x0  }
.Ltmp5:
0xdb: {  	s10 =	sadd.s32 $0x1500, s10;
	[sflag:s31] =	ssyncadd.s32 $0xFFFFD000;
	(pc) =	sbr.rel @p5 .LBB2_9-.Ltmp5, $4  }
0xdc: {  	[spmem:s3] =	stream.indirect.scatter.add.f32 [tilespmem:s28], [sflag:$0x4], $0x80, s10, s23, $0xb8;
	[tilespmem:$0x1FC00] =	vst v63  }
0xdd: {  	_ =	swait.ge [sflag:s16], $0x3000  }
0xde: {  	[sflag:s16] =	ssyncset.done $0x0  }
0xdf: {  	s9 =	sadd.s32 $0x120, s9;
	[sflag:s16] =	ssyncadd.s32 $0xFFFFD000  }
0xe0: {  	[tilespmem:s28], [sflag:$0x3] =	stream.indirect.gather [hbm4b:s0+s23], $0x80, s18, s23, $0xb8;
	[tilespmem:$0x1FC00] =	vst v63  }
0xe1: {  	_ =	swait.ge [sflag:s29], $0x3000  }
0xe2: {  	[sflag:s29] =	ssyncset.done $0x0  }
0xe3: {  	[sflag:s29] =	ssyncadd.s32 $0xFFFFD000  }
0xe4: {  	[spmem:s3] =	stream.indirect.scatter.add.f32 [tilespmem:s24], [sflag:$0x4], $0x80, s1, s23, $0xb8;
	[tilespmem:$0x1FC00] =	vst v63  }
0xe5: {  	_ =	swait.ge [sflag:s16], $0x3000  }
0xe6: {  	[sflag:s16] =	ssyncset.done $0x0  }
0xe7: {  	[sflag:s16] =	ssyncadd.s32 $0xFFFFD000  }
0xe8: {  	[tilespmem:s24], [sflag:$0x1] =	stream.indirect.gather [hbm4b:s0+s23], $0x80, s2, s23, $0xb8;
	[tilespmem:$0x1FC00] =	vst v63  }
0xe9: {  	_ =	swait.ge [sflag:s30], $0x3000  }
0xea: {  	[sflag:s30] =	ssyncset.done $0x0  }
0xeb: {  	[sflag:s30] =	ssyncadd.s32 $0xFFFFD000  }
0xec: {  	[spmem:s3] =	stream.indirect.scatter.add.f32 [tilespmem:s25], [sflag:$0x4], $0x80, s6, s23, $0xb8;
	[tilespmem:$0x1FC00] =	vst v63  }
0xed: {  	_ =	swait.ge [sflag:s16], $0x3000  }
0xee: {  	[sflag:s16] =	ssyncset.done $0x0  }
0xef: {  	[sflag:s16] =	ssyncadd.s32 $0xFFFFD000  }
0xf0: {  	[tilespmem:s25], [sflag:$0x2] =	stream.indirect.gather [hbm4b:s0+s23], $0x80, s19, s23, $0xb8;
	[tilespmem:$0x1FC00] =	vst v63  }
0xf1: {  	_ =	swait.ge [sflag:s31], $0x3000  }
0xf2: {  	[sflag:s31] =	ssyncset.done $0x0  }
0xf3: {  	[sflag:s31] =	ssyncadd.s32 $0xFFFFD000  }
0xf4: {  	[spmem:s3] =	stream.indirect.scatter.add.f32 [tilespmem:s28], [sflag:$0x4], $0x80, s5, s23, $0xb8;
	[tilespmem:$0x1FC00] =	vst v63  }
0xf5: {  	_ =	swait.ge [sflag:s16], $0x3000  }
0xf6: {  	[sflag:s16] =	ssyncset.done $0x0  }
0xf7: {  	[sflag:s16] =	ssyncadd.s32 $0xFFFFD000  }
0xf8: {  	_ =	swait.ge [sflag:s29], $0x3000  }
0xf9: {  	[sflag:s29] =	ssyncset.done $0x0  }
0xfa: {  	[sflag:s29] =	ssyncadd.s32 $0xFFFFD000  }
0xfb: {  	[spmem:s3] =	stream.indirect.scatter.add.f32 [tilespmem:s24], [sflag:$0x4], $0x80, s7, s23, $0xb8;
	[tilespmem:$0x1FC00] =	vst v63  }
0xfc: {  	_ =	swait.ge [sflag:s16], $0x3000  }
0xfd: {  	[sflag:s16] =	ssyncset.done $0x0  }
0xfe: {  	[sflag:s16] =	ssyncadd.s32 $0xFFFFD000  }
0xff: {  	_ =	swait.ge [sflag:s30], $0x3000  }
0x100: {  	[sflag:s30] =	ssyncset.done $0x0  }
0x101: {  	[sflag:s30] =	ssyncadd.s32 $0xFFFFD000  }
0x102: {  	[spmem:s3] =	stream.indirect.scatter.add.f32 [tilespmem:s25], [sflag:$0x4], $0x80, s17, s23, $0xb8;
	[tilespmem:$0x1FC00] =	vst v63  }
0x103: {  	_ =	swait.ge [sflag:s16], $0x3000  }
0x104: {  	s4 =	sadd.s32 $0x1, s4;
	[sflag:s16] =	ssyncset.done $0x0  }
0x105: {  	p5 =	sne.s32 s4, s13;
	[sflag:s16] =	ssyncadd.s32 $0xFFFFD000  }
.Ltmp6:
0x106: {  	[bflag:$0x0] =	sbarrier.arrive $0xFFFF;
	(pc) =	sbr.rel @p5 .LBB2_1-.Ltmp6, $4  }
0x107: {  	[hbm:s12], [sflag:s14] =	dma.local [spmem:s15], $0x2780  }
0x108: {  	_ =	swait.ge [sflag:s16], $0x2780  }
0x109: {  	[sflag:s16] =	ssyncset.done $0x0  }
0x10a: {  	[sflag:s16] =	ssyncadd.s32 $0xFFFFD880  }
0x10b: {  	_ =	sfence.sel $0x180000  }
0x10c: {  	[bflag:$0x0] =	sbarrier.arrive $0xFFFF  }
0x10d: {  	_ =	strace $0x9000004D  }
0x10e: {  	s0 =	stileid.u32;
	[bflag:$0x2] =	sbarrier.arrive $0xFFFF  }
0x10f: {  	p0 =	sne.s32 s0, $0x0;
	s0 =	rddreg [dreg:$0x3]  }
0x110: {  	s0 =	sadd.s32 @!p0 $0x100000, s0  }
0x111: {  	[sflag:s0] =	ssyncadd.tile.s32 @!p0 $0x1;
	_ =	shalt  }
.Lfunc_end2:
_tile_overlayer_lowered:
.L_overlay_start_2:
0x112: {  	(tag) =	ssettag $0x2  }
0x113: {  	s0 =	rddreg [dreg:$0x0];
	s2 =	stileid.u32  }
0x114: {  	s1 =	rddreg [dreg:$0x1];
	p0 =	sne.s32 s2, $0x0  }
0x115: {  	s3 =	rddreg [dreg:$0x2];
	[bflag:$0x3] =	sbarrier.arrive $0xFFFF;
	s2 =	simm.s32 @!p0 $0x1C04  }
0x116: {  	[timem:s3], [sflag:s2] =	dma.local @!p0 [hbm:s0], s1  }
0x117: {  	s0 =	simm.s32 @!p0 $0x4  }
0x118: {  	_ =	swait.ge @!p0 [sflag:s0], s1  }
0x119: {  	s1 =	ssub.s32 @!p0 $0x0, s1;
	[sflag:s0] =	ssyncset.done @!p0 $0x0  }
0x11a: {  	[sflag:s0] =	ssyncadd.s32 @!p0 s1  }
0x11b: {  	[bflag:$0x3] =	sbarrier.arrive $0xFFFF  }
0x11c: {  	_ =	shalt  }

// kernel: kernel.19.cloned.1.call-start
scs
__scs_entry_jumppad:
0x0: {  	(pc) =	sbr.rel $0x88, $3  }
0x1: {  	(tag) =	ssettag $0x0;
	lr =	simm.s32 $0x1  }
0x2: {  	[smem:$0x3F9B] =	sst lr;
	_ =	strace $0xD0000000  }
0x3: {  	_ = 	snop  }
0x4: {  	_ = 	snop  }
0x5: {  	_ = 	snop  }
0x6: {  	_ = 	snop  }
0x7: {  	_ = 	snop  }
__scs_overlays_trampoline_lowered:
0x8: {  	[smem:$0x3FAA] =	sst s0  }
0x9: {  	[smem:$0x3FAB] =	sst s1  }
0xa: {  	[smem:$0x3FAC] =	sst s2  }
0xb: {  	[smem:$0x3FAD] =	sst s3  }
0xc: {  	[smem:$0x3FAE] =	sst s4  }
0xd: {  	[smem:$0x3FAF] =	sst s5  }
0xe: {  	[smem:$0x3FB0] =	sst s6  }
0xf: {  	[smem:$0x3FB1] =	sst s7  }
0x10: {  	[smem:$0x3FB2] =	sst s8  }
0x11: {  	[smem:$0x3FB3] =	sst s9;
	s0 =	simm.s32 @!p0 $0x0  }
0x12: {  	s1 =	sld [smem:$0x3F99];
	s0 =	simm.s32 @p0 $0x1  }
0x13: {  	[smem:$0x3FB4] =	sst s0;
	s0 =	simm.s32 @!p1 $0x0  }
0x14: {  	s2 =	sld [smem:$0x3F98];
	s0 =	simm.s32 @p1 $0x1  }
0x15: {  	[smem:$0x3FB5] =	sst s0;
	s0 =	simm.s32 @!p2 $0x0  }
0x16: {  	s3 =	sld [smem:$0x3FDB];
	s0 =	simm.s32 @p2 $0x1  }
0x17: {  	s4 =	simm.s32 $0x1BF5;
	[smem:$0x3FB7] =	sst s0  }
0x18: {  	s0 =	sld [smem:$0x3F9A];
	_ =	swait.ge [sflag:s4], $0x0  }
0x19: {  	s7 =	sld [smem:$0x3F9B]  }
0x1a: {  	s8 =	sadd.s32 $0xFFFFE003, lr  }
0x1b: {  	s9 =	sadd.s32 $0xFFFFFEF7, lr;
	s5 =	simm.s32 $0xFFFFFFFF;
	p2 =	slt.u32 s8, $0xFFFFF086  }
0x1c: {  	p1 =	slt.u32 s9, $0xF7A;
	s5 =	simm.s32 @!p2 $0x0  }
0x1d: {  	s5 =	simm.s32 @p1 $0x1;
	p0 =	seq.s32 s7, s2  }
0x1e: {  	s7 =	smul.u32 @!p0 $0xF7A, s2;
	p2 =	seq.s32 @!p0 s5, $0x0  }
0x1f: {  	s9 =	smul.u32 $0xF7A, s1;
	s8 =	simm.s32 @!p0 $0x1BF5;
	p2 =	por !p2, p0  }
0x20: {  	[sflag:s8] =	ssyncset.s32 @!p0 $0xFFFFF086;
	s6 =	sadd.s32 @!p0 s3, s7;
	s7 =	simm.s32 @!p0 $0x108  }
0x21: {  	s3 =	sadd.s32 s3, s9;
	s6 =	sadd.s32 @!p0 $0x88, s6;
	s7 =	simm.s32 @p2 $0x1082  }
0x22: {  	[simem:s7], [sflag:s8] =	dma.local @!p0 [hbm:s6], $0xF7A  }
0x23: {  	s9 =	sor.u32 $0xD0000000, s2;
	s6 =	simm.s32 $0x108;
	_ =	swait.ge @!p0 [sflag:s8], $0x0  }
0x24: {  	s3 =	sadd.s32 $0x88, s3;
	s6 =	simm.s32 @!p1 $0x1082;
	[sflag:s4] =	ssyncset.s32 $0xFFFFF086  }
0x25: {  	[simem:s6], [sflag:s4] =	dma.local [hbm:s3], $0xF7A  }
0x26: {  	[smem:$0x3F9B] =	sst s1;
	(tag) =	ssettag s2;
	_ =	strace s9  }
0x27: {  	s1 =	sld [smem:$0x3FAB]  }
0x28: {  	s2 =	sld [smem:$0x3FAC]  }
0x29: {  	s4 =	sld [smem:$0x3FAE]  }
0x2a: {  	p0 =	seq.s32 s5, $0x0;
	s5 =	sld [smem:$0x3FAF]  }
0x2b: {  	s6 =	sld [smem:$0x3FB0]  }
0x2c: {  	s7 =	sld [smem:$0x3FB1]  }
0x2d: {  	s3 =	simm.s32 $0x108;
	s8 =	sld [smem:$0x3FB2]  }
0x2e: {  	s3 =	simm.s32 @!p0 $0x1082;
	s9 =	sld [smem:$0x3FB3]  }
0x2f: {  	lr =	sadd.s32 s0, s3;
	s0 =	sld [smem:$0x3FAA]  }
0x30: {  	s3 =	sld [smem:$0x3FAD]  }
0x31: {  	[smem:$0x3FB6] =	sst s10  }
0x32: {  	s10 =	sld [smem:$0x3FB4];
	_ =	sdelay $0x3  }
0x33: {  	p0 =	seq.s32 s10, $0x1;
	s10 =	sld [smem:$0x3FB6];
	_ =	sdelay $0x3  }
0x34: {  	[smem:$0x3FB6] =	sst s10  }
0x35: {  	s10 =	sld [smem:$0x3FB5];
	_ =	sdelay $0x3  }
0x36: {  	p1 =	seq.s32 s10, $0x1;
	s10 =	sld [smem:$0x3FB6];
	_ =	sdelay $0x3  }
0x37: {  	[smem:$0x3FB6] =	sst s10  }
0x38: {  	s10 =	sld [smem:$0x3FB7]  }
0x39: {  	_ = 	snop;
	(pc) =	sbr.ind lr, $3  }
0x3a: {  	_ = 	snop  }
0x3b: {  	_ = 	snop  }
0x3c: {  	p2 =	seq.s32 s10, $0x1;
	s10 =	sld [smem:$0x3FB6]  }
0x3d: {  	_ =	shalt  }
0x3e: {  	_ =	shalt  }
0x3f: {  	_ =	shalt  }
0x40: {  	_ =	shalt  }
0x41: {  	_ =	shalt  }
0x42: {  	_ =	shalt  }
0x43: {  	_ =	shalt  }
0x44: {  	_ =	shalt  }
0x45: {  	_ =	shalt  }
0x46: {  	_ =	shalt  }
0x47: {  	_ =	shalt  }
0x48: {  	_ =	shalt  }
0x49: {  	_ =	shalt  }
0x4a: {  	_ =	shalt  }
0x4b: {  	_ =	shalt  }
0x4c: {  	_ =	shalt  }
0x4d: {  	_ =	shalt  }
0x4e: {  	_ =	shalt  }
0x4f: {  	_ =	shalt  }
0x50: {  	_ =	shalt  }
0x51: {  	_ =	shalt  }
0x52: {  	_ =	shalt  }
0x53: {  	_ =	shalt  }
0x54: {  	_ =	shalt  }
0x55: {  	_ =	shalt  }
0x56: {  	_ =	shalt  }
0x57: {  	_ =	shalt  }
0x58: {  	_ =	shalt  }
0x59: {  	_ =	shalt  }
0x5a: {  	_ =	shalt  }
0x5b: {  	_ =	shalt  }
0x5c: {  	_ =	shalt  }
0x5d: {  	_ =	shalt  }
0x5e: {  	_ =	shalt  }
0x5f: {  	_ =	shalt  }
0x60: {  	_ =	shalt  }
0x61: {  	_ =	shalt  }
0x62: {  	_ =	shalt  }
0x63: {  	_ =	shalt  }
0x64: {  	_ =	shalt  }
0x65: {  	_ =	shalt  }
0x66: {  	_ =	shalt  }
0x67: {  	_ =	shalt  }
0x68: {  	_ =	shalt  }
0x69: {  	_ =	shalt  }
0x6a: {  	_ =	shalt  }
0x6b: {  	_ =	shalt  }
0x6c: {  	_ =	shalt  }
0x6d: {  	_ =	shalt  }
0x6e: {  	_ =	shalt  }
0x6f: {  	_ =	shalt  }
0x70: {  	_ =	shalt  }
0x71: {  	_ =	shalt  }
0x72: {  	_ =	shalt  }
0x73: {  	_ =	shalt  }
0x74: {  	_ =	shalt  }
0x75: {  	_ =	shalt  }
0x76: {  	_ =	shalt  }
0x77: {  	_ =	shalt  }
0x78: {  	_ =	shalt  }
0x79: {  	_ =	shalt  }
0x7a: {  	_ =	shalt  }
0x7b: {  	_ =	shalt  }
0x7c: {  	_ =	shalt  }
0x7d: {  	_ =	shalt  }
0x7e: {  	_ =	shalt  }
0x7f: {  	_ =	shalt  }
0x80: {  	_ =	shalt  }
0x81: {  	_ =	shalt  }
0x82: {  	_ =	shalt  }
0x83: {  	_ =	shalt  }
0x84: {  	_ =	shalt  }
0x85: {  	_ =	shalt  }
0x86: {  	_ =	shalt  }
0x87: {  	_ =	shalt  }
.Lfunc_end0:
.L_simem_size_0:
called_computation.3_lowered:
.L_overlay_start_0:
0x88: {  	s2 =	sld [smem:$0x3FD9]  }
0x89: {  	s3 =	sld [smem:$0x3FFE];
	_ =	sdelay $0x1  }
0x8a: {  	s1 =	srdreg.scid  }
0x8b: {  	s0 =	sand.u32 $0x1, s1  }
0x8c: {  	s17 =	sshll.u32 s0, $0xA;
	s2 =	sadd.s32 s3, s2  }
0x8d: {  	s2 =	sadd.s32 s2, s17  }
0x8e: {  	[smem:$0x3FC2] =	sst s2  }
0x8f: {  	_ = 	snop  }
0x90: {  	s2 =	sld [smem:$0x3FD0];
	(tm) =	ssettm $0x1  }
0x91: {  	s18 =	sld [smem:$0x3FFB];
	_ =	sdelay $0x3  }
0x92: {  	_ =	strace s18  }
0x93: {  	s3 =	sld [smem:$0x3FFC];
	_ =	sdelay $0x3  }
0x94: {  	_ =	strace s3  }
0x95: {  	s3 =	sld [smem:$0x3FFD];
	_ =	sdelay $0x3  }
0x96: {  	_ =	strace s3  }
0x97: {  	_ =	strace $0x8FFFFFFF  }
0x98: {  	s19 =	sld [smem:$0x3FDB];
	_ =	sdelay $0x1  }
0x99: {  	s4 =	simm.s32 $_scs_section_size  }
0x9a: {  	s5 =	simm.s32 $_size__tile_overlayer_lowered;
	s6 =	simm.s32 $_tile_overlayer_lowered  }
0x9b: {  	s22 =	simm.s32 $0x1BFF;
	s21 =	sshll.u32 s6, $0x1;
	s3 =	sadd.s32 s4, s19  }
0x9c: {  	s7 =	simm.s32 $0x0;
	s20 =	sshll.u32 s5, $0x1;
	s5 =	sadd.s32 s21, s3  }
0x9d: {  	[timem:s7], [sflag:s22] =	dma.local [hbm:s5], s20  }
0x9e: {  	_ =	swait.ge [sflag:s22], s20  }
0x9f: {  	s4 =	ssub.s32 $0x0, s20;
	[sflag:s22] =	ssyncset.done $0x0  }
0xa0: {  	[sflag:s22] =	ssyncadd.s32 s4;
	_ =	sdelay $0x1  }
0xa1: {  	s23 =	simm.s32 $0x1B8B  }
0xa2: {  	_ =	swait.ge [sflag:s23], $0x1  }
0xa3: {  	[sflag:s23] =	ssyncset.done $0x0  }
0xa4: {  	s25 =	simm.s32 $0x1B8E;
	s24 =	sld [smem:$0x3FFE];
	[sflag:s23] =	ssyncadd.s32 $0xFFFFFFFF  }
0xa5: {  	s26 =	simm.s32 $execute0_lowered;
	[smem:$0x3FD2] =	sst s25  }
0xa6: {  	s5 =	sshll.u32 s26, $0x1;
	_ =	strace $0x8000004F;
	[dreg:$0x1] =	wrdreg $0xFFFFFFFF  }
0xa7: {  	s28 =	simm.s32 $_size_execute0_lowered;
	s3 =	sadd.s32 s3, s5;
	[dreg:$0x0] =	wrdreg $0x0  }
0xa8: {  	s5 =	sshll.u32 s28, $0x1;
	[dreg:$0x2] =	wrdreg s3  }
0xa9: {  	[dreg:$0x3] =	wrdreg s5  }
0xaa: {  	[dreg:$0x4] =	wrdreg $0xC0  }
0xab: {  	_ =	task [dreg:s7], $0x5FFFF  }
0xac: {  	[dreg:$0x1] =	wrdreg $0xFFFFFFFF  }
0xad: {  	[dreg:$0x0] =	wrdreg $0x60  }
0xae: {  	[dreg:$0x2] =	wrdreg s2  }
0xaf: {  	[dreg:$0x3] =	wrdreg s24  }
0xb0: {  	[dreg:$0x4] =	wrdreg $0xC0000  }
0xb1: {  	[dreg:$0x5] =	wrdreg $0x9  }
0xb2: {  	_ =	task.clear_ibuf [dreg:s7], $0x6FFFF;
	_ =	strace $0x9000004F  }
0xb3: {  	s29 =	simm.s32 $0x9;
	_ =	strace $0x80000051  }
0xb4: {  	_ =	swait.ge [sflag:s29], $0x1  }
0xb5: {  	[sflag:s29] =	ssyncadd.s32 $0xFFFFFFFF  }
0xb6: {  	_ =	strace $0x90000051  }
0xb7: {  	_ =	sfence  }
0xb8: {  	s30 =	sld [smem:$0x0];
	_ =	sdelay $0x2  }
0xb9: {  	s31 =	sshll.u32 s1, $0xD;
	s1 =	sshrl.u32 s1, $0x2  }
0xba: {  	s3 =	sand.u32 $0x4000, s31;
	s1 =	sadd.s32 s1, s30  }
0xbb: {  	s0 =	sor.u32 s3, s0;
	s1 =	sshll.u32 s1, $0x11  }
0xbc: {  	s0 =	sor.u32 s1, s0  }
0xbd: {  	s0 =	sadd.s32 $0x8F2B, s0  }
0xbe: {  	[sflag:s0] =	ssyncadd.remote.s32 $0x1  }
0xbf: {  	_ =	sfence.sel $0xFFFF  }
0xc0: {  	[dreg:$0x0] =	wrdreg $0xFFFFFFFF;
	(pc) =	sbr.abs _section_cstart, $3  }
0xc1: {  	[dreg:$0x1] =	wrdreg $0xFFFFFFFF  }
0xc2: {  	_ =	task.clear_ibuf [dreg:s7], $0x2FFFF;
	_ =	strace $0x9FFFFFFF  }
0xc3: {  	(tm) =	ssettm $0x7FFFFFFF  }
tec
execute0_lowered:
.L_overlay_start_1:
0x0: {  	(tag) =	ssettag $0x1  }
0x1: {  	s0 =	rddreg [dreg:$0x0]  }
0x2: {  	s1 =	rddreg [dreg:$0x1];
	s2 =	srdreg.scid  }
0x3: {  	s3 =	rddreg [dreg:$0x2];
	s18 =	stileid.u32  }
0x4: {  	s4 =	simm.s32 $0x0;
	s28 =	simm.s32 $0x9000;
	s29 =	simm.s32 $0x1  }
0x5: {  	s30 =	simm.s32 $0x2;
	s31 =	simm.s32 $0x3;
	s2 =	sand.u32 $0x1, s2  }
0x6: {  	s6 =	smul.u32 $0x13C00, s18;
	[smem:$0x7FF] =	sst s4;
	s13 =	sadd.s32 $0x1A800, s1  }
0x7: {  	s26 =	sadd.s32 $0x10800, s1;
	s8 =	sadd.s32 $0x2800, s1;
	s15 =	smul.u32 $0x4F000, s18  }
0x8: {  	p4 =	sne.s32 s18, $0xF;
	p0 =	seq.s32 s18, $0xF;
	s9 =	smul.u32 $0x2780, s18  }
0x9: {  	s17 =	sadd.s32 $0x128400, s3;
	s16 =	sshll.u32 s18, $0x2;
	s19 =	sshrl.u32 s18, $0x1  }
0xa: {  	s25 =	sshll.u32 s18, $0x6;
	s5 =	smul.u32 $0x13C000, s2;
	_ =	strace $0x80000050  }
0xb: {  	s7 =	ssub.s32 $0x2, s2;
	p2 =	seq.s32 s2, $0x0;
	p3 =	seq.s32 s2, $0x1  }
0xc: {  	s2 =	sshll.u32 s2, $0x1;
	[dreg:$0x4] =	wrdreg s13;
	s14 =	sshrl.u32 s7, $0x1  }
0xd: {  	p1 =	por !p2, !p4;
	p2 =	por !p2, !p0;
	s10 =	sadd.s32 s0, s9  }
0xe: {  	p4 =	por !p4, !p3;
	s2 =	sor.u32 s2, s16;
	s9 =	sadd.s32 s13, s9  }
0xf: {  	s16 =	simm.s32 $0x4;
	s5 =	sadd.s32 s6, s5;
	p1 =	por !p1, !p1  }
0x10: {  	p2 =	por !p2, !p2;
	[dreg:$0x5] =	wrdreg s10;
	p4 =	por !p4, !p4  }
0x11: {  	s10 =	smul.u32 $0xA000, s19;
	s11 =	sshll.u32 s2, $0x7;
	s12 =	sor.u32 $0x1, s2  }
0x12: {  	[dreg:$0x6] =	wrdreg s9;
	s2 =	smul.u32 $0x380, s2;
	s6 =	simm.s32 $0x2C80  }
0x13: {  	s19 =	simm.s32 $0x1380;
	s5 =	sshrl.u32 s5, $0x3;
	s20 =	sand.u32 $0x300, s11  }
0x14: {  	s21 =	sshll.u32 s12, $0x7;
	s22 =	smul.u32 $0x380, s12;
	s1 =	sadd.s32 s5, s1  }
0x15: {  	s5 =	ssub.s32 s7, s14;
	s7 =	sshrl.u32 s15, $0x2;
	s9 =	sor.u32 s10, s20  }
0x16: {  	s11 =	sand.u32 $0x380, s21;
	s2 =	sadd.s32 s8, s2;
	s14 =	sor.u32 $0x1C04, s25  }
0x17: {  	s20 =	simm.s32 $0x80;
	s21 =	simm.s32 $0x400;
	s25 =	simm.s32 $0x6000  }
0x18: {  	s7 =	sadd.s32 s7, s3;
	s9 =	sshrl.u32 s9, $0x3;
	s10 =	sor.u32 s10, s11  }
0x19: {  	[dreg:$0x8] =	wrdreg s2;
	s24 =	sadd.s32 s8, s22;
	s12 =	sadd.s32 $0x41A00, s1  }
0x1a: {  	s13 =	smax.u32 s5, $0x1;
	s1 =	sshll.u32 @p4 s18, $0x6;
	s22 =	simm.s32 $0x1400  }
0x1b: {  	s5 =	simm.s32 $0x2D00;
	s9 =	sadd.s32 s26, s9;
	[dreg:$0xa] =	wrdreg s24  }
0x1c: {  	s23 =	sshrl.u32 s10, $0x3;
	s1 =	sor.u32 @p4 $0x1C04, s1;
	[dreg:$0x7] =	wrdreg s9  }
0x1d: {  	s15 =	sshrl.u32 s7, $0x3;
	s2 =	sadd.s32 s26, s23;
	[dreg:$0xb] =	wrdreg s1  }
0x1e: {  	s24 =	simm.s32 $0x3000;
	s1 =	sshrl.u32 @p4 s7, $0x3;
	[dreg:$0x9] =	wrdreg s2  }
0x1f: {  	s26 =	sshrl.u32 s17, $0x3;
	s23 =	simm.s32 $0x60;
	[dreg:$0xc] =	wrdreg s1  }
0x20: {  	s7 =	simm.s32 $0x2D80;
	s17 =	simm.s32 $0x2E00;
	[dreg:$0xd] =	wrdreg s26  }
0x21: {  	s26 =	simm.s32 $0xC0;
	s1 =	simm.s32 $0x2C00;
	s2 =	simm.s32 $0x1320  }
.LBB2_1:
.Ltmp0:
0x22: {  	(pc) =	sbr.rel @!p1 .LBB2_3-.Ltmp0, $1  }
0x23: {  	_ =	sdelay $0x3  }
.Ltmp1:
0x24: {  	s8 =	rddreg [dreg:$0x5];
	(pc) =	sbr.rel .LBB2_4-.Ltmp1, $4  }
0x25: {  	[spmem:s15], [sflag:s14] =	dma.local [hbm:s8], $0x2780  }
0x26: {  	_ =	swait.ge [sflag:s16], $0x2780  }
0x27: {  	[sflag:s16] =	ssyncset.done $0x0  }
0x28: {  	p5 =	por $0x0, $0x0;
	[sflag:s16] =	ssyncadd.s32 $0xFFFFD880  }
.LBB2_3:
.Ltmp2:
0x29: {  	(pc) =	sbr.rel @p2 .LBB2_5-.Ltmp2, $2  }
0x2a: {  	_ =	sdelay $0x2  }
0x2b: {  	s9 =	simm.s32 $0xF;
	p5 =	por p0, p0;
	s8 =	smov.u32 s0  }
.LBB2_4:
0x2c: {  	s8 =	rddreg [dreg:$0x6]  }
0x2d: {  	s9 =	rddreg [dreg:$0xb]  }
0x2e: {  	s10 =	rddreg [dreg:$0xc];
	p6 =	por @p4 $0x1, $0x1  }
0x2f: {  	[spmem:s10], [sflag:s9] =	dma.local @p4 [hbm:s8], $0x2780  }
0x30: {  	p6 =	por @!p4 p3, p3  }
0x31: {  	p5 =	por !p6, !p5  }
0x32: {  	p5 =	por !p5, !p5  }
.Ltmp3:
0x33: {  	_ = 	snop;
	(pc) =	sbr.rel @!p5 .LBB2_6-.Ltmp3, $4  }
0x34: {  	s8 =	simm.s32 @p4 $0x4  }
0x35: {  	_ =	swait.ge @p4 [sflag:s8], $0x2780  }
0x36: {  	[sflag:s8] =	ssyncset.done @p4 $0x0  }
0x37: {  	s9 =	stileid.u32;
	[sflag:s8] =	ssyncadd.s32 @p4 $0xFFFFD880;
	s8 =	rddreg [dreg:$0x4]  }
.LBB2_5:
0x38: {  	s9 =	sshll.u32 s9, $0x6  }
0x39: {  	s8 =	sadd.s32 $0x25080, s8;
	s10 =	rddreg [dreg:$0xd];
	s9 =	sor.u32 $0x1C04, s9  }
0x3a: {  	[spmem:s10], [sflag:s9] =	dma.local [hbm:s8], $0x2080  }
0x3b: {  	_ =	swait.ge [sflag:s16], $0x2080  }
0x3c: {  	[sflag:s16] =	ssyncset.done $0x0  }
0x3d: {  	[sflag:s16] =	ssyncadd.s32 $0xFFFFDF80  }
.LBB2_6:
0x3e: {  	[bflag:$0x0] =	sbarrier.arrive $0xFFFF  }
0x3f: {  	s8 =	simm.s32 $0x0;
	s9 =	rddreg [dreg:$0x7]  }
0x40: {  	[tilespmem:s8], [sflag:$0x4] =	stream.strided.gather [hbm4b:s9+s20], $0x1400, s21, s20, $0x38;
	[tilespmem:$0x1FC00] =	vst v63  }
0x41: {  	_ =	swait.ge [sflag:s16], $0x1400  }
0x42: {  	[sflag:s16] =	ssyncset.done $0x0  }
0x43: {  	s11 =	rddreg [dreg:$0x8];
	[sflag:s16] =	ssyncadd.s32 $0xFFFFEC00  }
0x44: {  	[tilespmem:s22], [sflag:$0x4] =	stream.linear.gather [hbm4b:s11+s8], $0x1A80, $0x38;
	[tilespmem:$0x1FC00] =	vst v63  }
0x45: {  	_ =	swait.ge [sflag:s16], $0x1A80  }
0x46: {  	[sflag:s16] =	ssyncset.done $0x0  }
0x47: {  	[sflag:s16] =	ssyncadd.s32 $0xFFFFE580  }
0x48: {  	[tilespmem:s24], [sflag:$0x1] =	stream.indirect.gather [hbm4b:s0+s23], $0x80, s8, s23, $0xb8;
	[tilespmem:$0x1FC00] =	vst v63  }
0x49: {  	_ = 	snop  }
0x4a: {  	[tilespmem:s25], [sflag:$0x2] =	stream.indirect.gather [hbm4b:s0+s23], $0x80, s23, s23, $0xb8;
	[tilespmem:$0x1FC00] =	vst v63  }
0x4b: {  	_ = 	snop  }
0x4c: {  	[tilespmem:s28], [sflag:$0x3] =	stream.indirect.gather [hbm4b:s0+s23], $0x80, s26, s23, $0xb8;
	[tilespmem:$0x1FC00] =	vst v63  }
0x4d: {  	_ =	swait.ge [sflag:s29], $0x3000  }
0x4e: {  	[sflag:s29] =	ssyncset.done $0x0  }
0x4f: {  	s18 =	simm.s32 $0x1400;
	[sflag:s29] =	ssyncadd.s32 $0xFFFFD000  }
0x50: {  	[spmem:s3] =	stream.indirect.scatter.add.f32 [tilespmem:s24], [sflag:$0x4], $0x80, s18, s23, $0xb8;
	[tilespmem:$0x1FC00] =	vst v63  }
0x51: {  	_ =	swait.ge [sflag:s16], $0x3000  }
0x52: {  	[sflag:s16] =	ssyncset.done $0x0  }
0x53: {  	s9 =	simm.s32 $0x120;
	[sflag:s16] =	ssyncadd.s32 $0xFFFFD000  }
0x54: {  	[tilespmem:s24], [sflag:$0x1] =	stream.indirect.gather [hbm4b:s0+s23], $0x80, s9, s23, $0xb8;
	[tilespmem:$0x1FC00] =	vst v63  }
0x55: {  	_ =	swait.ge [sflag:s30], $0x3000  }
0x56: {  	[sflag:s30] =	ssyncset.done $0x0  }
0x57: {  	s10 =	simm.s32 $0x1480;
	[sflag:s30] =	ssyncadd.s32 $0xFFFFD000  }
0x58: {  	[spmem:s3] =	stream.indirect.scatter.add.f32 [tilespmem:s25], [sflag:$0x4], $0x80, s10, s23, $0xb8;
	[tilespmem:$0x1FC00] =	vst v63  }
0x59: {  	_ =	swait.ge [sflag:s16], $0x3000  }
0x5a: {  	[sflag:s16] =	ssyncset.done $0x0  }
0x5b: {  	s11 =	simm.s32 $0x180;
	[sflag:s16] =	ssyncadd.s32 $0xFFFFD000  }
0x5c: {  	[tilespmem:s25], [sflag:$0x2] =	stream.indirect.gather [hbm4b:s0+s23], $0x80, s11, s23, $0xb8;
	[tilespmem:$0x1FC00] =	vst v63  }
0x5d: {  	_ =	swait.ge [sflag:s31], $0x3000  }
0x5e: {  	[sflag:s31] =	ssyncset.done $0x0  }
0x5f: {  	s18 =	simm.s32 $0x1500;
	[sflag:s31] =	ssyncadd.s32 $0xFFFFD000  }
0x60: {  	[spmem:s3] =	stream.indirect.scatter.add.f32 [tilespmem:s28], [sflag:$0x4], $0x80, s18, s23, $0xb8;
	[tilespmem:$0x1FC00] =	vst v63  }
0x61: {  	_ =	swait.ge [sflag:s16], $0x3000  }
0x62: {  	s8 =	simm.s32 $0x600;
	[sflag:s16] =	ssyncset.done $0x0  }
0x63: {  	s9 =	simm.s32 $0x300;
	s18 =	simm.s32 $0x1E0;
	[sflag:s16] =	ssyncadd.s32 $0xFFFFD000  }
.LBB2_7:
0x64: {  	[tilespmem:s28], [sflag:$0x3] =	stream.indirect.gather [hbm4b:s0+s23], $0x80, s18, s23, $0xb8;
	[tilespmem:$0x1FC00] =	vst v63  }
0x65: {  	s10 =	smov.u32 s8;
	s18 =	smov.u32 s9  }
0x66: {  	p5 =	sne.s32 s8, $0x5A00;
	s8 =	sadd.s32 $0x600, s8;
	_ =	swait.ge [sflag:s29], $0x3000  }
0x67: {  	s10 =	sshra.s32 s10, $0x2;
	[sflag:s29] =	ssyncset.done $0x0  }
0x68: {  	s11 =	sadd.s32 $0x1400, s10;
	[sflag:s29] =	ssyncadd.s32 $0xFFFFD000  }
0x69: {  	[spmem:s3] =	stream.indirect.scatter.add.f32 [tilespmem:s24], [sflag:$0x4], $0x80, s11, s23, $0xb8;
	[tilespmem:$0x1FC00] =	vst v63  }
0x6a: {  	_ =	swait.ge [sflag:s16], $0x3000  }
0x6b: {  	[sflag:s16] =	ssyncset.done $0x0  }
0x6c: {  	s11 =	sadd.s32 $0xFFFFFF40, s9;
	[sflag:s16] =	ssyncadd.s32 $0xFFFFD000  }
0x6d: {  	[tilespmem:s24], [sflag:$0x1] =	stream.indirect.gather [hbm4b:s0+s23], $0x80, s11, s23, $0xb8;
	[tilespmem:$0x1FC00] =	vst v63  }
0x6e: {  	_ =	swait.ge [sflag:s30], $0x3000  }
0x6f: {  	[sflag:s30] =	ssyncset.done $0x0  }
0x70: {  	s11 =	sadd.s32 $0x1480, s10;
	[sflag:s30] =	ssyncadd.s32 $0xFFFFD000  }
0x71: {  	[spmem:s3] =	stream.indirect.scatter.add.f32 [tilespmem:s25], [sflag:$0x4], $0x80, s11, s23, $0xb8;
	[tilespmem:$0x1FC00] =	vst v63  }
0x72: {  	_ =	swait.ge [sflag:s16], $0x3000  }
0x73: {  	[sflag:s16] =	ssyncset.done $0x0  }
0x74: {  	s11 =	sadd.s32 $0xFFFFFFA0, s9;
	[sflag:s16] =	ssyncadd.s32 $0xFFFFD000  }
0x75: {  	[tilespmem:s25], [sflag:$0x2] =	stream.indirect.gather [hbm4b:s0+s23], $0x80, s11, s23, $0xb8;
	[tilespmem:$0x1FC00] =	vst v63  }
0x76: {  	_ =	swait.ge [sflag:s31], $0x3000  }
0x77: {  	[sflag:s31] =	ssyncset.done $0x0  }
.Ltmp4:
0x78: {  	s10 =	sadd.s32 $0x1500, s10;
	[sflag:s31] =	ssyncadd.s32 $0xFFFFD000;
	(pc) =	sbr.rel @p5 .LBB2_7-.Ltmp4, $4  }
0x79: {  	[spmem:s3] =	stream.indirect.scatter.add.f32 [tilespmem:s28], [sflag:$0x4], $0x80, s10, s23, $0xb8;
	[tilespmem:$0x1FC00] =	vst v63  }
0x7a: {  	_ =	swait.ge [sflag:s16], $0x3000  }
0x7b: {  	[sflag:s16] =	ssyncset.done $0x0  }
0x7c: {  	s9 =	sadd.s32 $0x120, s9;
	[sflag:s16] =	ssyncadd.s32 $0xFFFFD000  }
0x7d: {  	[tilespmem:s28], [sflag:$0x3] =	stream.indirect.gather [hbm4b:s0+s23], $0x80, s18, s23, $0xb8;
	[tilespmem:$0x1FC00] =	vst v63  }
0x7e: {  	_ =	swait.ge [sflag:s29], $0x3000  }
0x7f: {  	[sflag:s29] =	ssyncset.done $0x0  }
0x80: {  	[sflag:s29] =	ssyncadd.s32 $0xFFFFD000  }
0x81: {  	[spmem:s3] =	stream.indirect.scatter.add.f32 [tilespmem:s24], [sflag:$0x4], $0x80, s1, s23, $0xb8;
	[tilespmem:$0x1FC00] =	vst v63  }
0x82: {  	_ =	swait.ge [sflag:s16], $0x3000  }
0x83: {  	[sflag:s16] =	ssyncset.done $0x0  }
0x84: {  	[sflag:s16] =	ssyncadd.s32 $0xFFFFD000  }
0x85: {  	[tilespmem:s24], [sflag:$0x1] =	stream.indirect.gather [hbm4b:s0+s23], $0x80, s2, s23, $0xb8;
	[tilespmem:$0x1FC00] =	vst v63  }
0x86: {  	_ =	swait.ge [sflag:s30], $0x3000  }
0x87: {  	[sflag:s30] =	ssyncset.done $0x0  }
0x88: {  	[sflag:s30] =	ssyncadd.s32 $0xFFFFD000  }
0x89: {  	[spmem:s3] =	stream.indirect.scatter.add.f32 [tilespmem:s25], [sflag:$0x4], $0x80, s6, s23, $0xb8;
	[tilespmem:$0x1FC00] =	vst v63  }
0x8a: {  	_ =	swait.ge [sflag:s16], $0x3000  }
0x8b: {  	[sflag:s16] =	ssyncset.done $0x0  }
0x8c: {  	[sflag:s16] =	ssyncadd.s32 $0xFFFFD000  }
0x8d: {  	[tilespmem:s25], [sflag:$0x2] =	stream.indirect.gather [hbm4b:s0+s23], $0x80, s19, s23, $0xb8;
	[tilespmem:$0x1FC00] =	vst v63  }
0x8e: {  	_ =	swait.ge [sflag:s31], $0x3000  }
0x8f: {  	[sflag:s31] =	ssyncset.done $0x0  }
0x90: {  	[sflag:s31] =	ssyncadd.s32 $0xFFFFD000  }
0x91: {  	[spmem:s3] =	stream.indirect.scatter.add.f32 [tilespmem:s28], [sflag:$0x4], $0x80, s5, s23, $0xb8;
	[tilespmem:$0x1FC00] =	vst v63  }
0x92: {  	_ =	swait.ge [sflag:s16], $0x3000  }
0x93: {  	[sflag:s16] =	ssyncset.done $0x0  }
0x94: {  	[sflag:s16] =	ssyncadd.s32 $0xFFFFD000  }
0x95: {  	_ =	swait.ge [sflag:s29], $0x3000  }
0x96: {  	[sflag:s29] =	ssyncset.done $0x0  }
0x97: {  	[sflag:s29] =	ssyncadd.s32 $0xFFFFD000  }
0x98: {  	[spmem:s3] =	stream.indirect.scatter.add.f32 [tilespmem:s24], [sflag:$0x4], $0x80, s7, s23, $0xb8;
	[tilespmem:$0x1FC00] =	vst v63  }
0x99: {  	_ =	swait.ge [sflag:s16], $0x3000  }
0x9a: {  	[sflag:s16] =	ssyncset.done $0x0  }
0x9b: {  	[sflag:s16] =	ssyncadd.s32 $0xFFFFD000  }
0x9c: {  	_ =	swait.ge [sflag:s30], $0x3000  }
0x9d: {  	[sflag:s30] =	ssyncset.done $0x0  }
0x9e: {  	[sflag:s30] =	ssyncadd.s32 $0xFFFFD000  }
0x9f: {  	[spmem:s3] =	stream.indirect.scatter.add.f32 [tilespmem:s25], [sflag:$0x4], $0x80, s17, s23, $0xb8;
	[tilespmem:$0x1FC00] =	vst v63  }
0xa0: {  	_ =	swait.ge [sflag:s16], $0x3000  }
0xa1: {  	[sflag:s16] =	ssyncset.done $0x0  }
0xa2: {  	s8 =	simm.s32 $0x0;
	s9 =	rddreg [dreg:$0x9];
	[sflag:s16] =	ssyncadd.s32 $0xFFFFD000  }
0xa3: {  	[tilespmem:s8], [sflag:$0x4] =	stream.strided.gather [hbm4b:s9+s20], $0x1400, s21, s20, $0x38;
	[tilespmem:$0x1FC00] =	vst v63  }
0xa4: {  	_ =	swait.ge [sflag:s16], $0x1400  }
0xa5: {  	[sflag:s16] =	ssyncset.done $0x0  }
0xa6: {  	s11 =	rddreg [dreg:$0xa];
	[sflag:s16] =	ssyncadd.s32 $0xFFFFEC00  }
0xa7: {  	[tilespmem:s22], [sflag:$0x4] =	stream.linear.gather [hbm4b:s11+s8], $0x1A80, $0x38;
	[tilespmem:$0x1FC00] =	vst v63  }
0xa8: {  	_ =	swait.ge [sflag:s16], $0x1A80  }
0xa9: {  	[sflag:s16] =	ssyncset.done $0x0  }
0xaa: {  	[sflag:s16] =	ssyncadd.s32 $0xFFFFE580  }
0xab: {  	[tilespmem:s24], [sflag:$0x1] =	stream.indirect.gather [hbm4b:s0+s23], $0x80, s8, s23, $0xb8;
	[tilespmem:$0x1FC00] =	vst v63  }
0xac: {  	_ = 	snop  }
0xad: {  	[tilespmem:s25], [sflag:$0x2] =	stream.indirect.gather [hbm4b:s0+s23], $0x80, s23, s23, $0xb8;
	[tilespmem:$0x1FC00] =	vst v63  }
0xae: {  	_ = 	snop  }
0xaf: {  	[tilespmem:s28], [sflag:$0x3] =	stream.indirect.gather [hbm4b:s0+s23], $0x80, s26, s23, $0xb8;
	[tilespmem:$0x1FC00] =	vst v63  }
0xb0: {  	_ =	swait.ge [sflag:s29], $0x3000  }
0xb1: {  	[sflag:s29] =	ssyncset.done $0x0  }
0xb2: {  	s18 =	simm.s32 $0x1400;
	[sflag:s29] =	ssyncadd.s32 $0xFFFFD000  }
0xb3: {  	[spmem:s3] =	stream.indirect.scatter.add.f32 [tilespmem:s24], [sflag:$0x4], $0x80, s18, s23, $0xb8;
	[tilespmem:$0x1FC00] =	vst v63  }
0xb4: {  	_ =	swait.ge [sflag:s16], $0x3000  }
0xb5: {  	[sflag:s16] =	ssyncset.done $0x0  }
0xb6: {  	s9 =	simm.s32 $0x120;
	[sflag:s16] =	ssyncadd.s32 $0xFFFFD000  }
0xb7: {  	[tilespmem:s24], [sflag:$0x1] =	stream.indirect.gather [hbm4b:s0+s23], $0x80, s9, s23, $0xb8;
	[tilespmem:$0x1FC00] =	vst v63  }
0xb8: {  	_ =	swait.ge [sflag:s30], $0x3000  }
0xb9: {  	[sflag:s30] =	ssyncset.done $0x0  }
0xba: {  	s10 =	simm.s32 $0x1480;
	[sflag:s30] =	ssyncadd.s32 $0xFFFFD000  }
0xbb: {  	[spmem:s3] =	stream.indirect.scatter.add.f32 [tilespmem:s25], [sflag:$0x4], $0x80, s10, s23, $0xb8;
	[tilespmem:$0x1FC00] =	vst v63  }
0xbc: {  	_ =	swait.ge [sflag:s16], $0x3000  }
0xbd: {  	[sflag:s16] =	ssyncset.done $0x0  }
0xbe: {  	s11 =	simm.s32 $0x180;
	[sflag:s16] =	ssyncadd.s32 $0xFFFFD000  }
0xbf: {  	[tilespmem:s25], [sflag:$0x2] =	stream.indirect.gather [hbm4b:s0+s23], $0x80, s11, s23, $0xb8;
	[tilespmem:$0x1FC00] =	vst v63  }
0xc0: {  	_ =	swait.ge [sflag:s31], $0x3000  }
0xc1: {  	[sflag:s31] =	ssyncset.done $0x0  }
0xc2: {  	s18 =	simm.s32 $0x1500;
	[sflag:s31] =	ssyncadd.s32 $0xFFFFD000  }
0xc3: {  	[spmem:s3] =	stream.indirect.scatter.add.f32 [tilespmem:s28], [sflag:$0x4], $0x80, s18, s23, $0xb8;
	[tilespmem:$0x1FC00] =	vst v63  }
0xc4: {  	_ =	swait.ge [sflag:s16], $0x3000  }
0xc5: {  	s8 =	simm.s32 $0x600;
	[sflag:s16] =	ssyncset.done $0x0  }
0xc6: {  	s9 =	simm.s32 $0x300;
	s18 =	simm.s32 $0x1E0;
	[sflag:s16] =	ssyncadd.s32 $0xFFFFD000  }
.LBB2_9:
0xc7: {  	[tilespmem:s28], [sflag:$0x3] =	stream.indirect.gather [hbm4b:s0+s23], $0x80, s18, s23, $0xb8;
	[tilespmem:$0x1FC00] =	vst v63  }
0xc8: {  	s10 =	smov.u32 s8;
	s18 =	smov.u32 s9  }
0xc9: {  	p5 =	sne.s32 s8, $0x5A00;
	s8 =	sadd.s32 $0x600, s8;
	_ =	swait.ge [sflag:s29], $0x3000  }
0xca: {  	s10 =	sshra.s32 s10, $0x2;
	[sflag:s29] =	ssyncset.done $0x0  }
0xcb: {  	s11 =	sadd.s32 $0x1400, s10;
	[sflag:s29] =	ssyncadd.s32 $0xFFFFD000  }
0xcc: {  	[spmem:s3] =	stream.indirect.scatter.add.f32 [tilespmem:s24], [sflag:$0x4], $0x80, s11, s23, $0xb8;
	[tilespmem:$0x1FC00] =	vst v63  }
0xcd: {  	_ =	swait.ge [sflag:s16], $0x3000  }
0xce: {  	[sflag:s16] =	ssyncset.done $0x0  }
0xcf: {  	s11 =	sadd.s32 $0xFFFFFF40, s9;
	[sflag:s16] =	ssyncadd.s32 $0xFFFFD000  }
0xd0: {  	[tilespmem:s24], [sflag:$0x1] =	stream.indirect.gather [hbm4b:s0+s23], $0x80, s11, s23, $0xb8;
	[tilespmem:$0x1FC00] =	vst v63  }
0xd1: {  	_ =	swait.ge [sflag:s30], $0x3000  }
0xd2: {  	[sflag:s30] =	ssyncset.done $0x0  }
0xd3: {  	s11 =	sadd.s32 $0x1480, s10;
	[sflag:s30] =	ssyncadd.s32 $0xFFFFD000  }
0xd4: {  	[spmem:s3] =	stream.indirect.scatter.add.f32 [tilespmem:s25], [sflag:$0x4], $0x80, s11, s23, $0xb8;
	[tilespmem:$0x1FC00] =	vst v63  }
0xd5: {  	_ =	swait.ge [sflag:s16], $0x3000  }
0xd6: {  	[sflag:s16] =	ssyncset.done $0x0  }
0xd7: {  	s11 =	sadd.s32 $0xFFFFFFA0, s9;
	[sflag:s16] =	ssyncadd.s32 $0xFFFFD000  }
0xd8: {  	[tilespmem:s25], [sflag:$0x2] =	stream.indirect.gather [hbm4b:s0+s23], $0x80, s11, s23, $0xb8;
	[tilespmem:$0x1FC00] =	vst v63  }
0xd9: {  	_ =	swait.ge [sflag:s31], $0x3000  }
0xda: {  	[sflag:s31] =	ssyncset.done $0x0  }
.Ltmp5:
0xdb: {  	s10 =	sadd.s32 $0x1500, s10;
	[sflag:s31] =	ssyncadd.s32 $0xFFFFD000;
	(pc) =	sbr.rel @p5 .LBB2_9-.Ltmp5, $4  }
0xdc: {  	[spmem:s3] =	stream.indirect.scatter.add.f32 [tilespmem:s28], [sflag:$0x4], $0x80, s10, s23, $0xb8;
	[tilespmem:$0x1FC00] =	vst v63  }
0xdd: {  	_ =	swait.ge [sflag:s16], $0x3000  }
0xde: {  	[sflag:s16] =	ssyncset.done $0x0  }
0xdf: {  	s9 =	sadd.s32 $0x120, s9;
	[sflag:s16] =	ssyncadd.s32 $0xFFFFD000  }
0xe0: {  	[tilespmem:s28], [sflag:$0x3] =	stream.indirect.gather [hbm4b:s0+s23], $0x80, s18, s23, $0xb8;
	[tilespmem:$0x1FC00] =	vst v63  }
0xe1: {  	_ =	swait.ge [sflag:s29], $0x3000  }
0xe2: {  	[sflag:s29] =	ssyncset.done $0x0  }
0xe3: {  	[sflag:s29] =	ssyncadd.s32 $0xFFFFD000  }
0xe4: {  	[spmem:s3] =	stream.indirect.scatter.add.f32 [tilespmem:s24], [sflag:$0x4], $0x80, s1, s23, $0xb8;
	[tilespmem:$0x1FC00] =	vst v63  }
0xe5: {  	_ =	swait.ge [sflag:s16], $0x3000  }
0xe6: {  	[sflag:s16] =	ssyncset.done $0x0  }
0xe7: {  	[sflag:s16] =	ssyncadd.s32 $0xFFFFD000  }
0xe8: {  	[tilespmem:s24], [sflag:$0x1] =	stream.indirect.gather [hbm4b:s0+s23], $0x80, s2, s23, $0xb8;
	[tilespmem:$0x1FC00] =	vst v63  }
0xe9: {  	_ =	swait.ge [sflag:s30], $0x3000  }
0xea: {  	[sflag:s30] =	ssyncset.done $0x0  }
0xeb: {  	[sflag:s30] =	ssyncadd.s32 $0xFFFFD000  }
0xec: {  	[spmem:s3] =	stream.indirect.scatter.add.f32 [tilespmem:s25], [sflag:$0x4], $0x80, s6, s23, $0xb8;
	[tilespmem:$0x1FC00] =	vst v63  }
0xed: {  	_ =	swait.ge [sflag:s16], $0x3000  }
0xee: {  	[sflag:s16] =	ssyncset.done $0x0  }
0xef: {  	[sflag:s16] =	ssyncadd.s32 $0xFFFFD000  }
0xf0: {  	[tilespmem:s25], [sflag:$0x2] =	stream.indirect.gather [hbm4b:s0+s23], $0x80, s19, s23, $0xb8;
	[tilespmem:$0x1FC00] =	vst v63  }
0xf1: {  	_ =	swait.ge [sflag:s31], $0x3000  }
0xf2: {  	[sflag:s31] =	ssyncset.done $0x0  }
0xf3: {  	[sflag:s31] =	ssyncadd.s32 $0xFFFFD000  }
0xf4: {  	[spmem:s3] =	stream.indirect.scatter.add.f32 [tilespmem:s28], [sflag:$0x4], $0x80, s5, s23, $0xb8;
	[tilespmem:$0x1FC00] =	vst v63  }
0xf5: {  	_ =	swait.ge [sflag:s16], $0x3000  }
0xf6: {  	[sflag:s16] =	ssyncset.done $0x0  }
0xf7: {  	[sflag:s16] =	ssyncadd.s32 $0xFFFFD000  }
0xf8: {  	_ =	swait.ge [sflag:s29], $0x3000  }
0xf9: {  	[sflag:s29] =	ssyncset.done $0x0  }
0xfa: {  	[sflag:s29] =	ssyncadd.s32 $0xFFFFD000  }
0xfb: {  	[spmem:s3] =	stream.indirect.scatter.add.f32 [tilespmem:s24], [sflag:$0x4], $0x80, s7, s23, $0xb8;
	[tilespmem:$0x1FC00] =	vst v63  }
0xfc: {  	_ =	swait.ge [sflag:s16], $0x3000  }
0xfd: {  	[sflag:s16] =	ssyncset.done $0x0  }
0xfe: {  	[sflag:s16] =	ssyncadd.s32 $0xFFFFD000  }
0xff: {  	_ =	swait.ge [sflag:s30], $0x3000  }
0x100: {  	[sflag:s30] =	ssyncset.done $0x0  }
0x101: {  	[sflag:s30] =	ssyncadd.s32 $0xFFFFD000  }
0x102: {  	[spmem:s3] =	stream.indirect.scatter.add.f32 [tilespmem:s25], [sflag:$0x4], $0x80, s17, s23, $0xb8;
	[tilespmem:$0x1FC00] =	vst v63  }
0x103: {  	_ =	swait.ge [sflag:s16], $0x3000  }
0x104: {  	s4 =	sadd.s32 $0x1, s4;
	[sflag:s16] =	ssyncset.done $0x0  }
0x105: {  	p5 =	sne.s32 s4, s13;
	[sflag:s16] =	ssyncadd.s32 $0xFFFFD000  }
.Ltmp6:
0x106: {  	[bflag:$0x0] =	sbarrier.arrive $0xFFFF;
	(pc) =	sbr.rel @p5 .LBB2_1-.Ltmp6, $4  }
0x107: {  	[hbm:s12], [sflag:s14] =	dma.local [spmem:s15], $0x2780  }
0x108: {  	_ =	swait.ge [sflag:s16], $0x2780  }
0x109: {  	[sflag:s16] =	ssyncset.done $0x0  }
0x10a: {  	[sflag:s16] =	ssyncadd.s32 $0xFFFFD880  }
0x10b: {  	_ =	sfence.sel $0x180000  }
0x10c: {  	[bflag:$0x0] =	sbarrier.arrive $0xFFFF  }
0x10d: {  	_ =	strace $0x90000050  }
0x10e: {  	s0 =	stileid.u32;
	[bflag:$0x2] =	sbarrier.arrive $0xFFFF  }
0x10f: {  	p0 =	sne.s32 s0, $0x0;
	s0 =	rddreg [dreg:$0x3]  }
0x110: {  	s0 =	sadd.s32 @!p0 $0x100000, s0  }
0x111: {  	[sflag:s0] =	ssyncadd.tile.s32 @!p0 $0x1;
	_ =	shalt  }
.Lfunc_end2:
_tile_overlayer_lowered:
.L_overlay_start_2:
0x112: {  	(tag) =	ssettag $0x2  }
0x113: {  	s0 =	rddreg [dreg:$0x0];
	s2 =	stileid.u32  }
0x114: {  	s1 =	rddreg [dreg:$0x1];
	p0 =	sne.s32 s2, $0x0  }
0x115: {  	s3 =	rddreg [dreg:$0x2];
	[bflag:$0x3] =	sbarrier.arrive $0xFFFF;
	s2 =	simm.s32 @!p0 $0x1C04  }
0x116: {  	[timem:s3], [sflag:s2] =	dma.local @!p0 [hbm:s0], s1  }
0x117: {  	s0 =	simm.s32 @!p0 $0x4  }
0x118: {  	_ =	swait.ge @!p0 [sflag:s0], s1  }
0x119: {  	s1 =	ssub.s32 @!p0 $0x0, s1;
	[sflag:s0] =	ssyncset.done @!p0 $0x0  }
0x11a: {  	[sflag:s0] =	ssyncadd.s32 @!p0 s1  }
0x11b: {  	[bflag:$0x3] =	sbarrier.arrive $0xFFFF  }
0x11c: {  	_ =	shalt  }

</sc_bundles>
